<compile_context>
chip_gen: v7x
topology: tpu7x:2x2x1
jax: 0.10.2.dev20260603
libtpu: 0.0.44.dev20260713+nightly
codegen_flags: <defaults>
</compile_context>

<pallas_src>
import jax
import jax.numpy as jnp
from jax import lax
from jax.experimental import pallas as pl
from jax.experimental.pallas import tpu as pltpu
from jax.experimental.pallas import tpu_sc as plsc

B, S, D = 16384, 50, 32
NSPLIT = 4
BH = B // NSPLIT
NUM_WORKERS = 32
BPW = BH // NUM_WORKERS
G = 8
NGROUP = BPW // G
NSLOT = 2


def _gather_body(ids_hbm, table_hbm, out_hbm, idx_v, rows_v, sem_g, sem_s):
    wid = lax.axis_index("s") * 2 + lax.axis_index("c")
    base = wid * BPW

    pltpu.sync_copy(ids_hbm.at[pl.ds(base * S, BPW * S)], idx_v)

    def group_pair(gg, carry):
        for h in range(NSLOT):
            g = NSLOT * gg + h

            @pl.when(gg >= 1)
            def _wait_prev(h=h):
                for k in range(G):
                    pltpu.make_async_copy(
                        rows_v[h].at[pl.ds(k * S, S), :],
                        out_hbm.at[base], sem_s[h]).wait()

            gather = pltpu.async_copy(
                table_hbm.at[idx_v.at[pl.ds(g * G * S, G * S)]],
                rows_v[h], sem_g[h])
            gather.wait()
            for k in range(G):
                pltpu.async_copy(
                    rows_v[h].at[pl.ds(k * S, S), :],
                    out_hbm.at[base + g * G + k], sem_s[h])
        return carry

    lax.fori_loop(0, NGROUP // NSLOT, group_pair, 0)
    for h in range(NSLOT):
        for k in range(G):
            pltpu.make_async_copy(
                rows_v[h].at[pl.ds(k * S, S), :],
                out_hbm.at[base], sem_s[h]).wait()


@jax.jit
def _run(ids_flat, weight):
    mesh = plsc.VectorSubcoreMesh(core_axis_name="c", subcore_axis_name="s")
    f = pl.kernel(
        _gather_body,
        out_type=jax.ShapeDtypeStruct((BH, S, D), jnp.float32),
        mesh=mesh,
        scratch_types=[
            pltpu.VMEM((BPW * S,), jnp.int32),
            [pltpu.VMEM((G * S, D), jnp.float32) for _ in range(NSLOT)],
            [pltpu.SemaphoreType.DMA for _ in range(NSLOT)],
            [pltpu.SemaphoreType.DMA for _ in range(NSLOT)],
        ],
        compiler_params=pltpu.CompilerParams(use_tc_tiling_on_sc=False),
    )
    halves = [f(lax.dynamic_slice_in_dim(ids_flat, i * BH * S, BH * S), weight)
              for i in range(NSPLIT)]
    return jnp.concatenate(halves, axis=0)


def kernel(severity_ids, weight):
    ids_flat = severity_ids.reshape(-1).astype(jnp.int32)
    return _run(ids_flat, weight)

# --- scband reference (transcript-rebuilt; emitter-appended) ---
"""Pipeline reference for scband-severity-embedding-21105469293195 (READ-ONLY COPY).

The authoritative reference and input builder live on the scoring server;
editing this copy changes nothing except your own understanding.
"""

import jax, jax.numpy as jnp
import numpy as np

NUM_CLASSES = 1000000
EMBED_DIM = 32

def setup_inputs(seed: int = 0) -> dict:
    key = jax.random.key(seed)
    k_idx, k_w = jax.random.split(key)
    severity_ids = jax.random.randint(k_idx, (16384, 50), 0, NUM_CLASSES, dtype=jnp.int64 if jax.config.jax_enable_x64 else jnp.int32)
    weight = jax.random.normal(k_w, (NUM_CLASSES, EMBED_DIM), dtype=jnp.float32) * 0.02
    return {"severity_ids": severity_ids, "weight": weight}

def reference(severity_ids, weight):
    # nn.Embedding lookup: table[idx]
    return jnp.take(weight, severity_ids, axis=0)

if __name__ == "__main__":
    import jax
    _d = setup_inputs()
    print(jax.jit(kernel)(*tuple(_d.values())))

</pallas_src>

<mosaic_0001>
#map = affine_map<(d0, d1) -> (0)>
#map1 = affine_map<(d0, d1) -> (0, 0)>
#map2 = affine_map<(d0, d1) -> (0, 0, 0)>
module attributes {stable_mosaic.version = 14 : i64} {
  func.func @_gather_body(%arg0: i32, %arg1: i32, %arg2: memref<204800xi32, #tpu.memory_space<hbm>>, %arg3: memref<1000000x32xf32, #tpu.memory_space<hbm>>, %arg4: memref<4096x50x32xf32, #tpu.memory_space<hbm>>, %arg5: memref<6400xi32, #tpu.memory_space<vmem>>, %arg6: memref<400x32xf32, #tpu.memory_space<vmem>>, %arg7: memref<400x32xf32, #tpu.memory_space<vmem>>, %arg8: memref<!tpu.dma_semaphore, #tpu.memory_space<semaphore_mem>>, %arg9: memref<!tpu.dma_semaphore, #tpu.memory_space<semaphore_mem>>, %arg10: memref<!tpu.dma_semaphore, #tpu.memory_space<semaphore_mem>>, %arg11: memref<!tpu.dma_semaphore, #tpu.memory_space<semaphore_mem>>) attributes {dimension_semantics = [#tpu.dimension_semantics<core_parallel>, #tpu.dimension_semantics<subcore_parallel>], iteration_bounds = array<i64: 2, 16>, scalar_prefetch = 0 : i64, scratch_operands = 7 : i64, tpu.core_type = #tpu.core_type<sc_vector_subcore>, window_params = [{transform_indices = #map}, {transform_indices = #map1}, {transform_indices = #map2}]} {
    %mul3A = arith.constant 2 : i32
    %mul3A_0 = arith.muli %arg1, %mul3A : i32
    %add3A = arith.addi %mul3A_0, %arg0 : i32
    %mul3A_1 = arith.constant 128 : i32
    %mul3A_2 = arith.muli %add3A, %mul3A_1 : i32
    %mul3A_3 = arith.constant 50 : i32
    %mul3A_4 = arith.muli %mul3A_2, %mul3A_3 : i32
    "tpu.region"() ({
      %run_scoped3A = tpu.sem_alloc : memref<!tpu.dma_semaphore, #tpu.memory_space<semaphore_mem>>
      %dma_start3A = tpu.memref_slice %arg2[%mul3A_4] : memref<204800xi32, #tpu.memory_space<hbm>> -> memref<6400xi32, #tpu.memory_space<hbm>>
      %dma_start3A_233 = tpu.memref_slice %arg2[%mul3A_4] : memref<204800xi32, #tpu.memory_space<hbm>> -> memref<6400xi32, #tpu.memory_space<hbm>>
      tpu.enqueue_dma source(%dma_start3A_233 : memref<6400xi32, #tpu.memory_space<hbm>>) target(%arg5 : memref<6400xi32, #tpu.memory_space<vmem>>) target_semaphore(%run_scoped3A : memref<!tpu.dma_semaphore, #tpu.memory_space<semaphore_mem>>)
      %dma_wait3A_234 = tpu.memref_slice %arg2[%mul3A_4] : memref<204800xi32, #tpu.memory_space<hbm>> -> memref<6400xi32, #tpu.memory_space<hbm>>
      %dma_wait3A_235 = tpu.memref_slice %arg2[%mul3A_4] : memref<204800xi32, #tpu.memory_space<hbm>> -> memref<6400xi32, #tpu.memory_space<hbm>>
      tpu.wait_dma2 semaphore(%run_scoped3A : memref<!tpu.dma_semaphore, #tpu.memory_space<semaphore_mem>>) src(%dma_wait3A_235 : memref<6400xi32, #tpu.memory_space<hbm>>) dst(%arg5 : memref<6400xi32, #tpu.memory_space<vmem>>)
      tpu.yield
    }) : () -> ()
    %scan3A = arith.constant 0 : i32
    %scan3A_5 = arith.constant 0 : i32
    %scan3A_6 = arith.constant 8 : i32
    %scan3A_7 = arith.addi %scan3A_5, %scan3A_6 : i32
    %scan3A_8 = arith.constant 1 : i32
    scf.for %scan3A_233 = %scan3A_5 to %scan3A_7 step %scan3A_8  : i32 {
      %mul3A_234 = arith.constant 2 : i32
      %mul3A_235 = arith.muli %mul3A_234, %scan3A_233 : i32
      %add3A_236 = arith.constant 0 : i32
      %add3A_237 = arith.addi %mul3A_235, %add3A_236 : i32
      %ge3A = arith.constant 1 : i32
      %ge3A_238 = arith.cmpi sge, %scan3A_233, %ge3A : i32
      %convert_element_type3A = arith.extui %ge3A_238 : i1 to i32
      %cond3A = arith.constant 0 : i32
      %cond3A_239 = arith.cmpi ne, %convert_element_type3A, %cond3A : i32
      scf.if %cond3A_239 {
        %dma_wait3A_576 = arith.constant 0 : i32
        %dma_wait3A_577 = arith.constant 0 : i32
        %dma_wait3A_578 = tpu.memref_slice %arg6[%dma_wait3A_576, %dma_wait3A_577] : memref<400x32xf32, #tpu.memory_space<vmem>> -> memref<50x32xf32, #tpu.memory_space<vmem>>
        %dma_wait3A_579 = arith.constant 0 : i32
        %dma_wait3A_580 = arith.constant 0 : i32
        %dma_wait3A_581 = tpu.memref_slice %arg4[%mul3A_2, %dma_wait3A_579, %dma_wait3A_580] : memref<4096x50x32xf32, #tpu.memory_space<hbm>> -> memref<1x50x32xf32, #tpu.memory_space<hbm>>
        %dma_wait3A_582 = tpu.memref_squeeze %dma_wait3A_581 : memref<1x50x32xf32, #tpu.memory_space<hbm>> -> memref<50x32xf32, #tpu.memory_space<hbm>>
        %dma_wait3A_583 = arith.constant 0 : i32
        %dma_wait3A_584 = arith.constant 0 : i32
        %dma_wait3A_585 = tpu.memref_slice %arg4[%mul3A_2, %dma_wait3A_583, %dma_wait3A_584] : memref<4096x50x32xf32, #tpu.memory_space<hbm>> -> memref<1x50x32xf32, #tpu.memory_space<hbm>>
        %dma_wait3A_586 = tpu.memref_squeeze %dma_wait3A_585 : memref<1x50x32xf32, #tpu.memory_space<hbm>> -> memref<50x32xf32, #tpu.memory_space<hbm>>
        %dma_wait3A_587 = arith.constant 0 : i32
        %dma_wait3A_588 = arith.constant 0 : i32
        %dma_wait3A_589 = tpu.memref_slice %arg6[%dma_wait3A_587, %dma_wait3A_588] : memref<400x32xf32, #tpu.memory_space<vmem>> -> memref<50x32xf32, #tpu.memory_space<vmem>>
        tpu.wait_dma2 semaphore(%arg10 : memref<!tpu.dma_semaphore, #tpu.memory_space<semaphore_mem>>) src(%dma_wait3A_589 : memref<50x32xf32, #tpu.memory_space<vmem>>) dst(%dma_wait3A_586 : memref<50x32xf32, #tpu.memory_space<hbm>>)
        %dma_wait3A_590 = arith.constant 50 : i32
        %dma_wait3A_591 = arith.constant 0 : i32
        %dma_wait3A_592 = tpu.memref_slice %arg6[%dma_wait3A_590, %dma_wait3A_591] : memref<400x32xf32, #tpu.memory_space<vmem>> -> memref<50x32xf32, #tpu.memory_space<vmem>>
        %dma_wait3A_593 = arith.constant 0 : i32
        %dma_wait3A_594 = arith.constant 0 : i32
        %dma_wait3A_595 = tpu.memref_slice %arg4[%mul3A_2, %dma_wait3A_593, %dma_wait3A_594] : memref<4096x50x32xf32, #tpu.memory_space<hbm>> -> memref<1x50x32xf32, #tpu.memory_space<hbm>>
        %dma_wait3A_596 = tpu.memref_squeeze %dma_wait3A_595 : memref<1x50x32xf32, #tpu.memory_space<hbm>> -> memref<50x32xf32, #tpu.memory_space<hbm>>
        %dma_wait3A_597 = arith.constant 0 : i32
        %dma_wait3A_598 = arith.constant 0 : i32
        %dma_wait3A_599 = tpu.memref_slice %arg4[%mul3A_2, %dma_wait3A_597, %dma_wait3A_598] : memref<4096x50x32xf32, #tpu.memory_space<hbm>> -> memref<1x50x32xf32, #tpu.memory_space<hbm>>
        %dma_wait3A_600 = tpu.memref_squeeze %dma_wait3A_599 : memref<1x50x32xf32, #tpu.memory_space<hbm>> -> memref<50x32xf32, #tpu.memory_space<hbm>>
        %dma_wait3A_601 = arith.constant 50 : i32
        %dma_wait3A_602 = arith.constant 0 : i32
        %dma_wait3A_603 = tpu.memref_slice %arg6[%dma_wait3A_601, %dma_wait3A_602] : memref<400x32xf32, #tpu.memory_space<vmem>> -> memref<50x32xf32, #tpu.memory_space<vmem>>
        tpu.wait_dma2 semaphore(%arg10 : memref<!tpu.dma_semaphore, #tpu.memory_space<semaphore_mem>>) src(%dma_wait3A_603 : memref<50x32xf32, #tpu.memory_space<vmem>>) dst(%dma_wait3A_600 : memref<50x32xf32, #tpu.memory_space<hbm>>)
        %dma_wait3A_604 = arith.constant 100 : i32
        %dma_wait3A_605 = arith.constant 0 : i32
        %dma_wait3A_606 = tpu.memref_slice %arg6[%dma_wait3A_604, %dma_wait3A_605] : memref<400x32xf32, #tpu.memory_space<vmem>> -> memref<50x32xf32, #tpu.memory_space<vmem>>
        %dma_wait3A_607 = arith.constant 0 : i32
        %dma_wait3A_608 = arith.constant 0 : i32
        %dma_wait3A_609 = tpu.memref_slice %arg4[%mul3A_2, %dma_wait3A_607, %dma_wait3A_608] : memref<4096x50x32xf32, #tpu.memory_space<hbm>> -> memref<1x50x32xf32, #tpu.memory_space<hbm>>
        %dma_wait3A_610 = tpu.memref_squeeze %dma_wait3A_609 : memref<1x50x32xf32, #tpu.memory_space<hbm>> -> memref<50x32xf32, #tpu.memory_space<hbm>>
        %dma_wait3A_611 = arith.constant 0 : i32
        %dma_wait3A_612 = arith.constant 0 : i32
        %dma_wait3A_613 = tpu.memref_slice %arg4[%mul3A_2, %dma_wait3A_611, %dma_wait3A_612] : memref<4096x50x32xf32, #tpu.memory_space<hbm>> -> memref<1x50x32xf32, #tpu.memory_space<hbm>>
        %dma_wait3A_614 = tpu.memref_squeeze %dma_wait3A_613 : memref<1x50x32xf32, #tpu.memory_space<hbm>> -> memref<50x32xf32, #tpu.memory_space<hbm>>
        %dma_wait3A_615 = arith.constant 100 : i32
        %dma_wait3A_616 = arith.constant 0 : i32
        %dma_wait3A_617 = tpu.memref_slice %arg6[%dma_wait3A_615, %dma_wait3A_616] : memref<400x32xf32, #tpu.memory_space<vmem>> -> memref<50x32xf32, #tpu.memory_space<vmem>>
        tpu.wait_dma2 semaphore(%arg10 : memref<!tpu.dma_semaphore, #tpu.memory_space<semaphore_mem>>) src(%dma_wait3A_617 : memref<50x32xf32, #tpu.memory_space<vmem>>) dst(%dma_wait3A_614 : memref<50x32xf32, #tpu.memory_space<hbm>>)
        %dma_wait3A_618 = arith.constant 150 : i32
        %dma_wait3A_619 = arith.constant 0 : i32
        %dma_wait3A_620 = tpu.memref_slice %arg6[%dma_wait3A_618, %dma_wait3A_619] : memref<400x32xf32, #tpu.memory_space<vmem>> -> memref<50x32xf32, #tpu.memory_space<vmem>>
        %dma_wait3A_621 = arith.constant 0 : i32
        %dma_wait3A_622 = arith.constant 0 : i32
        %dma_wait3A_623 = tpu.memref_slice %arg4[%mul3A_2, %dma_wait3A_621, %dma_wait3A_622] : memref<4096x50x32xf32, #tpu.memory_space<hbm>> -> memref<1x50x32xf32, #tpu.memory_space<hbm>>
        %dma_wait3A_624 = tpu.memref_squeeze %dma_wait3A_623 : memref<1x50x32xf32, #tpu.memory_space<hbm>> -> memref<50x32xf32, #tpu.memory_space<hbm>>
        %dma_wait3A_625 = arith.constant 0 : i32
        %dma_wait3A_626 = arith.constant 0 : i32
        %dma_wait3A_627 = tpu.memref_slice %arg4[%mul3A_2, %dma_wait3A_625, %dma_wait3A_626] : memref<4096x50x32xf32, #tpu.memory_space<hbm>> -> memref<1x50x32xf32, #tpu.memory_space<hbm>>
        %dma_wait3A_628 = tpu.memref_squeeze %dma_wait3A_627 : memref<1x50x32xf32, #tpu.memory_space<hbm>> -> memref<50x32xf32, #tpu.memory_space<hbm>>
        %dma_wait3A_629 = arith.constant 150 : i32
        %dma_wait3A_630 = arith.constant 0 : i32
        %dma_wait3A_631 = tpu.memref_slice %arg6[%dma_wait3A_629, %dma_wait3A_630] : memref<400x32xf32, #tpu.memory_space<vmem>> -> memref<50x32xf32, #tpu.memory_space<vmem>>
        tpu.wait_dma2 semaphore(%arg10 : memref<!tpu.dma_semaphore, #tpu.memory_space<semaphore_mem>>) src(%dma_wait3A_631 : memref<50x32xf32, #tpu.memory_space<vmem>>) dst(%dma_wait3A_628 : memref<50x32xf32, #tpu.memory_space<hbm>>)
        %dma_wait3A_632 = arith.constant 200 : i32
        %dma_wait3A_633 = arith.constant 0 : i32
        %dma_wait3A_634 = tpu.memref_slice %arg6[%dma_wait3A_632, %dma_wait3A_633] : memref<400x32xf32, #tpu.memory_space<vmem>> -> memref<50x32xf32, #tpu.memory_space<vmem>>
        %dma_wait3A_635 = arith.constant 0 : i32
        %dma_wait3A_636 = arith.constant 0 : i32
        %dma_wait3A_637 = tpu.memref_slice %arg4[%mul3A_2, %dma_wait3A_635, %dma_wait3A_636] : memref<4096x50x32xf32, #tpu.memory_space<hbm>> -> memref<1x50x32xf32, #tpu.memory_space<hbm>>
        %dma_wait3A_638 = tpu.memref_squeeze %dma_wait3A_637 : memref<1x50x32xf32, #tpu.memory_space<hbm>> -> memref<50x32xf32, #tpu.memory_space<hbm>>
        %dma_wait3A_639 = arith.constant 0 : i32
        %dma_wait3A_640 = arith.constant 0 : i32
        %dma_wait3A_641 = tpu.memref_slice %arg4[%mul3A_2, %dma_wait3A_639, %dma_wait3A_640] : memref<4096x50x32xf32, #tpu.memory_space<hbm>> -> memref<1x50x32xf32, #tpu.memory_space<hbm>>
        %dma_wait3A_642 = tpu.memref_squeeze %dma_wait3A_641 : memref<1x50x32xf32, #tpu.memory_space<hbm>> -> memref<50x32xf32, #tpu.memory_space<hbm>>
        %dma_wait3A_643 = arith.constant 200 : i32
        %dma_wait3A_644 = arith.constant 0 : i32
        %dma_wait3A_645 = tpu.memref_slice %arg6[%dma_wait3A_643, %dma_wait3A_644] : memref<400x32xf32, #tpu.memory_space<vmem>> -> memref<50x32xf32, #tpu.memory_space<vmem>>
        tpu.wait_dma2 semaphore(%arg10 : memref<!tpu.dma_semaphore, #tpu.memory_space<semaphore_mem>>) src(%dma_wait3A_645 : memref<50x32xf32, #tpu.memory_space<vmem>>) dst(%dma_wait3A_642 : memref<50x32xf32, #tpu.memory_space<hbm>>)
        %dma_wait3A_646 = arith.constant 250 : i32
        %dma_wait3A_647 = arith.constant 0 : i32
        %dma_wait3A_648 = tpu.memref_slice %arg6[%dma_wait3A_646, %dma_wait3A_647] : memref<400x32xf32, #tpu.memory_space<vmem>> -> memref<50x32xf32, #tpu.memory_space<vmem>>
        %dma_wait3A_649 = arith.constant 0 : i32
        %dma_wait3A_650 = arith.constant 0 : i32
        %dma_wait3A_651 = tpu.memref_slice %arg4[%mul3A_2, %dma_wait3A_649, %dma_wait3A_650] : memref<4096x50x32xf32, #tpu.memory_space<hbm>> -> memref<1x50x32xf32, #tpu.memory_space<hbm>>
        %dma_wait3A_652 = tpu.memref_squeeze %dma_wait3A_651 : memref<1x50x32xf32, #tpu.memory_space<hbm>> -> memref<50x32xf32, #tpu.memory_space<hbm>>
        %dma_wait3A_653 = arith.constant 0 : i32
        %dma_wait3A_654 = arith.constant 0 : i32
        %dma_wait3A_655 = tpu.memref_slice %arg4[%mul3A_2, %dma_wait3A_653, %dma_wait3A_654] : memref<4096x50x32xf32, #tpu.memory_space<hbm>> -> memref<1x50x32xf32, #tpu.memory_space<hbm>>
        %dma_wait3A_656 = tpu.memref_squeeze %dma_wait3A_655 : memref<1x50x32xf32, #tpu.memory_space<hbm>> -> memref<50x32xf32, #tpu.memory_space<hbm>>
        %dma_wait3A_657 = arith.constant 250 : i32
        %dma_wait3A_658 = arith.constant 0 : i32
        %dma_wait3A_659 = tpu.memref_slice %arg6[%dma_wait3A_657, %dma_wait3A_658] : memref<400x32xf32, #tpu.memory_space<vmem>> -> memref<50x32xf32, #tpu.memory_space<vmem>>
        tpu.wait_dma2 semaphore(%arg10 : memref<!tpu.dma_semaphore, #tpu.memory_space<semaphore_mem>>) src(%dma_wait3A_659 : memref<50x32xf32, #tpu.memory_space<vmem>>) dst(%dma_wait3A_656 : memref<50x32xf32, #tpu.memory_space<hbm>>)
        %dma_wait3A_660 = arith.constant 300 : i32
        %dma_wait3A_661 = arith.constant 0 : i32
        %dma_wait3A_662 = tpu.memref_slice %arg6[%dma_wait3A_660, %dma_wait3A_661] : memref<400x32xf32, #tpu.memory_space<vmem>> -> memref<50x32xf32, #tpu.memory_space<vmem>>
        %dma_wait3A_663 = arith.constant 0 : i32
        %dma_wait3A_664 = arith.constant 0 : i32
        %dma_wait3A_665 = tpu.memref_slice %arg4[%mul3A_2, %dma_wait3A_663, %dma_wait3A_664] : memref<4096x50x32xf32, #tpu.memory_space<hbm>> -> memref<1x50x32xf32, #tpu.memory_space<hbm>>
        %dma_wait3A_666 = tpu.memref_squeeze %dma_wait3A_665 : memref<1x50x32xf32, #tpu.memory_space<hbm>> -> memref<50x32xf32, #tpu.memory_space<hbm>>
        %dma_wait3A_667 = arith.constant 0 : i32
        %dma_wait3A_668 = arith.constant 0 : i32
        %dma_wait3A_669 = tpu.memref_slice %arg4[%mul3A_2, %dma_wait3A_667, %dma_wait3A_668] : memref<4096x50x32xf32, #tpu.memory_space<hbm>> -> memref<1x50x32xf32, #tpu.memory_space<hbm>>
        %dma_wait3A_670 = tpu.memref_squeeze %dma_wait3A_669 : memref<1x50x32xf32, #tpu.memory_space<hbm>> -> memref<50x32xf32, #tpu.memory_space<hbm>>
        %dma_wait3A_671 = arith.constant 300 : i32
        %dma_wait3A_672 = arith.constant 0 : i32
        %dma_wait3A_673 = tpu.memref_slice %arg6[%dma_wait3A_671, %dma_wait3A_672] : memref<400x32xf32, #tpu.memory_space<vmem>> -> memref<50x32xf32, #tpu.memory_space<vmem>>
        tpu.wait_dma2 semaphore(%arg10 : memref<!tpu.dma_semaphore, #tpu.memory_space<semaphore_mem>>) src(%dma_wait3A_673 : memref<50x32xf32, #tpu.memory_space<vmem>>) dst(%dma_wait3A_670 : memref<50x32xf32, #tpu.memory_space<hbm>>)
        %dma_wait3A_674 = arith.constant 350 : i32
        %dma_wait3A_675 = arith.constant 0 : i32
        %dma_wait3A_676 = tpu.memref_slice %arg6[%dma_wait3A_674, %dma_wait3A_675] : memref<400x32xf32, #tpu.memory_space<vmem>> -> memref<50x32xf32, #tpu.memory_space<vmem>>
        %dma_wait3A_677 = arith.constant 0 : i32
        %dma_wait3A_678 = arith.constant 0 : i32
        %dma_wait3A_679 = tpu.memref_slice %arg4[%mul3A_2, %dma_wait3A_677, %dma_wait3A_678] : memref<4096x50x32xf32, #tpu.memory_space<hbm>> -> memref<1x50x32xf32, #tpu.memory_space<hbm>>
        %dma_wait3A_680 = tpu.memref_squeeze %dma_wait3A_679 : memref<1x50x32xf32, #tpu.memory_space<hbm>> -> memref<50x32xf32, #tpu.memory_space<hbm>>
        %dma_wait3A_681 = arith.constant 0 : i32
        %dma_wait3A_682 = arith.constant 0 : i32
        %dma_wait3A_683 = tpu.memref_slice %arg4[%mul3A_2, %dma_wait3A_681, %dma_wait3A_682] : memref<4096x50x32xf32, #tpu.memory_space<hbm>> -> memref<1x50x32xf32, #tpu.memory_space<hbm>>
        %dma_wait3A_684 = tpu.memref_squeeze %dma_wait3A_683 : memref<1x50x32xf32, #tpu.memory_space<hbm>> -> memref<50x32xf32, #tpu.memory_space<hbm>>
        %dma_wait3A_685 = arith.constant 350 : i32
        %dma_wait3A_686 = arith.constant 0 : i32
        %dma_wait3A_687 = tpu.memref_slice %arg6[%dma_wait3A_685, %dma_wait3A_686] : memref<400x32xf32, #tpu.memory_space<vmem>> -> memref<50x32xf32, #tpu.memory_space<vmem>>
        tpu.wait_dma2 semaphore(%arg10 : memref<!tpu.dma_semaphore, #tpu.memory_space<semaphore_mem>>) src(%dma_wait3A_687 : memref<50x32xf32, #tpu.memory_space<vmem>>) dst(%dma_wait3A_684 : memref<50x32xf32, #tpu.memory_space<hbm>>)
      } else {
      }
      %mul3A_240 = arith.constant 8 : i32
      %mul3A_241 = arith.muli %add3A_237, %mul3A_240 : i32
      %mul3A_242 = arith.constant 50 : i32
      %mul3A_243 = arith.muli %mul3A_241, %mul3A_242 : i32
      %dma_start3A = tpu.memref_slice %arg5[%mul3A_243] : memref<6400xi32, #tpu.memory_space<vmem>> -> memref<400xi32, #tpu.memory_space<vmem>>
      %dma_start3A_244 = arith.constant 0 : i32
      %dma_start3A_245 = arith.constant 0 : i32
      %dma_start3A_246 = tpu.memref_slice %arg3[%dma_start3A_244, %dma_start3A_245] : memref<1000000x32xf32, #tpu.memory_space<hbm>> -> memref<1000000x32xf32, #tpu.memory_space<hbm>>
      tpu.enqueue_indirect_dma source(%dma_start3A_246 : memref<1000000x32xf32, #tpu.memory_space<hbm>>) target(%arg6 : memref<400x32xf32, #tpu.memory_space<vmem>>) offsets(%dma_start3A : memref<400xi32, #tpu.memory_space<vmem>>) semaphore(%arg8 : memref<!tpu.dma_semaphore, #tpu.memory_space<semaphore_mem>>)
      %dma_wait3A_247 = tpu.memref_slice %arg5[%mul3A_243] : memref<6400xi32, #tpu.memory_space<vmem>> -> memref<400xi32, #tpu.memory_space<vmem>>
      %dma_wait3A_248 = arith.constant 0 : i32
      %dma_wait3A_249 = arith.constant 0 : i32
      %dma_wait3A_250 = tpu.memref_slice %arg3[%dma_wait3A_248, %dma_wait3A_249] : memref<1000000x32xf32, #tpu.memory_space<hbm>> -> memref<1000000x32xf32, #tpu.memory_space<hbm>>
      tpu.wait_indirect_dma semaphore(%arg8 : memref<!tpu.dma_semaphore, #tpu.memory_space<semaphore_mem>>) src(%dma_wait3A_250 : memref<1000000x32xf32, #tpu.memory_space<hbm>>) dst(%arg6 : memref<400x32xf32, #tpu.memory_space<vmem>>)
      %mul3A_251 = arith.constant 8 : i32
      %mul3A_252 = arith.muli %add3A_237, %mul3A_251 : i32
      %add3A_253 = arith.addi %mul3A_2, %mul3A_252 : i32
      %add3A_254 = arith.constant 0 : i32
      %add3A_255 = arith.addi %add3A_253, %add3A_254 : i32
      %dma_start3A_256 = arith.constant 0 : i32
      %dma_start3A_257 = arith.constant 0 : i32
      %dma_start3A_258 = tpu.memref_slice %arg6[%dma_start3A_256, %dma_start3A_257] : memref<400x32xf32, #tpu.memory_space<vmem>> -> memref<50x32xf32, #tpu.memory_space<vmem>>
      %dma_start3A_259 = arith.constant 0 : i32
      %dma_start3A_260 = arith.constant 0 : i32
      %dma_start3A_261 = tpu.memref_slice %arg4[%add3A_255, %dma_start3A_259, %dma_start3A_260] : memref<4096x50x32xf32, #tpu.memory_space<hbm>> -> memref<1x50x32xf32, #tpu.memory_space<hbm>>
      %dma_start3A_262 = tpu.memref_squeeze %dma_start3A_261 : memref<1x50x32xf32, #tpu.memory_space<hbm>> -> memref<50x32xf32, #tpu.memory_space<hbm>>
      %dma_start3A_263 = arith.constant 0 : i32
      %dma_start3A_264 = arith.constant 0 : i32
      %dma_start3A_265 = tpu.memref_slice %arg4[%add3A_255, %dma_start3A_263, %dma_start3A_264] : memref<4096x50x32xf32, #tpu.memory_space<hbm>> -> memref<1x50x32xf32, #tpu.memory_space<hbm>>
      %dma_start3A_266 = tpu.memref_squeeze %dma_start3A_265 : memref<1x50x32xf32, #tpu.memory_space<hbm>> -> memref<50x32xf32, #tpu.memory_space<hbm>>
      %dma_start3A_267 = arith.constant 0 : i32
      %dma_start3A_268 = arith.constant 0 : i32
      %dma_start3A_269 = tpu.memref_slice %arg6[%dma_start3A_267, %dma_start3A_268] : memref<400x32xf32, #tpu.memory_space<vmem>> -> memref<50x32xf32, #tpu.memory_space<vmem>>
      tpu.enqueue_dma source(%dma_start3A_269 : memref<50x32xf32, #tpu.memory_space<vmem>>) target(%dma_start3A_266 : memref<50x32xf32, #tpu.memory_space<hbm>>) target_semaphore(%arg10 : memref<!tpu.dma_semaphore, #tpu.memory_space<semaphore_mem>>)
      %mul3A_270 = arith.constant 8 : i32
      %mul3A_271 = arith.muli %add3A_237, %mul3A_270 : i32
      %add3A_272 = arith.addi %mul3A_2, %mul3A_271 : i32
      %add3A_273 = arith.constant 1 : i32
      %add3A_274 = arith.addi %add3A_272, %add3A_273 : i32
      %dma_start3A_275 = arith.constant 50 : i32
      %dma_start3A_276 = arith.constant 0 : i32
      %dma_start3A_277 = tpu.memref_slice %arg6[%dma_start3A_275, %dma_start3A_276] : memref<400x32xf32, #tpu.memory_space<vmem>> -> memref<50x32xf32, #tpu.memory_space<vmem>>
      %dma_start3A_278 = arith.constant 0 : i32
      %dma_start3A_279 = arith.constant 0 : i32
      %dma_start3A_280 = tpu.memref_slice %arg4[%add3A_274, %dma_start3A_278, %dma_start3A_279] : memref<4096x50x32xf32, #tpu.memory_space<hbm>> -> memref<1x50x32xf32, #tpu.memory_space<hbm>>
      %dma_start3A_281 = tpu.memref_squeeze %dma_start3A_280 : memref<1x50x32xf32, #tpu.memory_space<hbm>> -> memref<50x32xf32, #tpu.memory_space<hbm>>
      %dma_start3A_282 = arith.constant 0 : i32
      %dma_start3A_283 = arith.constant 0 : i32
      %dma_start3A_284 = tpu.memref_slice %arg4[%add3A_274, %dma_start3A_282, %dma_start3A_283] : memref<4096x50x32xf32, #tpu.memory_space<hbm>> -> memref<1x50x32xf32, #tpu.memory_space<hbm>>
      %dma_start3A_285 = tpu.memref_squeeze %dma_start3A_284 : memref<1x50x32xf32, #tpu.memory_space<hbm>> -> memref<50x32xf32, #tpu.memory_space<hbm>>
      %dma_start3A_286 = arith.constant 50 : i32
      %dma_start3A_287 = arith.constant 0 : i32
      %dma_start3A_288 = tpu.memref_slice %arg6[%dma_start3A_286, %dma_start3A_287] : memref<400x32xf32, #tpu.memory_space<vmem>> -> memref<50x32xf32, #tpu.memory_space<vmem>>
      tpu.enqueue_dma source(%dma_start3A_288 : memref<50x32xf32, #tpu.memory_space<vmem>>) target(%dma_start3A_285 : memref<50x32xf32, #tpu.memory_space<hbm>>) target_semaphore(%arg10 : memref<!tpu.dma_semaphore, #tpu.memory_space<semaphore_mem>>)
      %mul3A_289 = arith.constant 8 : i32
      %mul3A_290 = arith.muli %add3A_237, %mul3A_289 : i32
      %add3A_291 = arith.addi %mul3A_2, %mul3A_290 : i32
      %add3A_292 = arith.constant 2 : i32
      %add3A_293 = arith.addi %add3A_291, %add3A_292 : i32
      %dma_start3A_294 = arith.constant 100 : i32
      %dma_start3A_295 = arith.constant 0 : i32
      %dma_start3A_296 = tpu.memref_slice %arg6[%dma_start3A_294, %dma_start3A_295] : memref<400x32xf32, #tpu.memory_space<vmem>> -> memref<50x32xf32, #tpu.memory_space<vmem>>
      %dma_start3A_297 = arith.constant 0 : i32
      %dma_start3A_298 = arith.constant 0 : i32
      %dma_start3A_299 = tpu.memref_slice %arg4[%add3A_293, %dma_start3A_297, %dma_start3A_298] : memref<4096x50x32xf32, #tpu.memory_space<hbm>> -> memref<1x50x32xf32, #tpu.memory_space<hbm>>
      %dma_start3A_300 = tpu.memref_squeeze %dma_start3A_299 : memref<1x50x32xf32, #tpu.memory_space<hbm>> -> memref<50x32xf32, #tpu.memory_space<hbm>>
      %dma_start3A_301 = arith.constant 0 : i32
      %dma_start3A_302 = arith.constant 0 : i32
      %dma_start3A_303 = tpu.memref_slice %arg4[%add3A_293, %dma_start3A_301, %dma_start3A_302] : memref<4096x50x32xf32, #tpu.memory_space<hbm>> -> memref<1x50x32xf32, #tpu.memory_space<hbm>>
      %dma_start3A_304 = tpu.memref_squeeze %dma_start3A_303 : memref<1x50x32xf32, #tpu.memory_space<hbm>> -> memref<50x32xf32, #tpu.memory_space<hbm>>
      %dma_start3A_305 = arith.constant 100 : i32
      %dma_start3A_306 = arith.constant 0 : i32
      %dma_start3A_307 = tpu.memref_slice %arg6[%dma_start3A_305, %dma_start3A_306] : memref<400x32xf32, #tpu.memory_space<vmem>> -> memref<50x32xf32, #tpu.memory_space<vmem>>
      tpu.enqueue_dma source(%dma_start3A_307 : memref<50x32xf32, #tpu.memory_space<vmem>>) target(%dma_start3A_304 : memref<50x32xf32, #tpu.memory_space<hbm>>) target_semaphore(%arg10 : memref<!tpu.dma_semaphore, #tpu.memory_space<semaphore_mem>>)
      %mul3A_308 = arith.constant 8 : i32
      %mul3A_309 = arith.muli %add3A_237, %mul3A_308 : i32
      %add3A_310 = arith.addi %mul3A_2, %mul3A_309 : i32
      %add3A_311 = arith.constant 3 : i32
      %add3A_312 = arith.addi %add3A_310, %add3A_311 : i32
      %dma_start3A_313 = arith.constant 150 : i32
      %dma_start3A_314 = arith.constant 0 : i32
      %dma_start3A_315 = tpu.memref_slice %arg6[%dma_start3A_313, %dma_start3A_314] : memref<400x32xf32, #tpu.memory_space<vmem>> -> memref<50x32xf32, #tpu.memory_space<vmem>>
      %dma_start3A_316 = arith.constant 0 : i32
      %dma_start3A_317 = arith.constant 0 : i32
      %dma_start3A_318 = tpu.memref_slice %arg4[%add3A_312, %dma_start3A_316, %dma_start3A_317] : memref<4096x50x32xf32, #tpu.memory_space<hbm>> -> memref<1x50x32xf32, #tpu.memory_space<hbm>>
      %dma_start3A_319 = tpu.memref_squeeze %dma_start3A_318 : memref<1x50x32xf32, #tpu.memory_space<hbm>> -> memref<50x32xf32, #tpu.memory_space<hbm>>
      %dma_start3A_320 = arith.constant 0 : i32
      %dma_start3A_321 = arith.constant 0 : i32
      %dma_start3A_322 = tpu.memref_slice %arg4[%add3A_312, %dma_start3A_320, %dma_start3A_321] : memref<4096x50x32xf32, #tpu.memory_space<hbm>> -> memref<1x50x32xf32, #tpu.memory_space<hbm>>
      %dma_start3A_323 = tpu.memref_squeeze %dma_start3A_322 : memref<1x50x32xf32, #tpu.memory_space<hbm>> -> memref<50x32xf32, #tpu.memory_space<hbm>>
      %dma_start3A_324 = arith.constant 150 : i32
      %dma_start3A_325 = arith.constant 0 : i32
      %dma_start3A_326 = tpu.memref_slice %arg6[%dma_start3A_324, %dma_start3A_325] : memref<400x32xf32, #tpu.memory_space<vmem>> -> memref<50x32xf32, #tpu.memory_space<vmem>>
      tpu.enqueue_dma source(%dma_start3A_326 : memref<50x32xf32, #tpu.memory_space<vmem>>) target(%dma_start3A_323 : memref<50x32xf32, #tpu.memory_space<hbm>>) target_semaphore(%arg10 : memref<!tpu.dma_semaphore, #tpu.memory_space<semaphore_mem>>)
      %mul3A_327 = arith.constant 8 : i32
      %mul3A_328 = arith.muli %add3A_237, %mul3A_327 : i32
      %add3A_329 = arith.addi %mul3A_2, %mul3A_328 : i32
      %add3A_330 = arith.constant 4 : i32
      %add3A_331 = arith.addi %add3A_329, %add3A_330 : i32
      %dma_start3A_332 = arith.constant 200 : i32
      %dma_start3A_333 = arith.constant 0 : i32
      %dma_start3A_334 = tpu.memref_slice %arg6[%dma_start3A_332, %dma_start3A_333] : memref<400x32xf32, #tpu.memory_space<vmem>> -> memref<50x32xf32, #tpu.memory_space<vmem>>
      %dma_start3A_335 = arith.constant 0 : i32
      %dma_start3A_336 = arith.constant 0 : i32
      %dma_start3A_337 = tpu.memref_slice %arg4[%add3A_331, %dma_start3A_335, %dma_start3A_336] : memref<4096x50x32xf32, #tpu.memory_space<hbm>> -> memref<1x50x32xf32, #tpu.memory_space<hbm>>
      %dma_start3A_338 = tpu.memref_squeeze %dma_start3A_337 : memref<1x50x32xf32, #tpu.memory_space<hbm>> -> memref<50x32xf32, #tpu.memory_space<hbm>>
      %dma_start3A_339 = arith.constant 0 : i32
      %dma_start3A_340 = arith.constant 0 : i32
      %dma_start3A_341 = tpu.memref_slice %arg4[%add3A_331, %dma_start3A_339, %dma_start3A_340] : memref<4096x50x32xf32, #tpu.memory_space<hbm>> -> memref<1x50x32xf32, #tpu.memory_space<hbm>>
      %dma_start3A_342 = tpu.memref_squeeze %dma_start3A_341 : memref<1x50x32xf32, #tpu.memory_space<hbm>> -> memref<50x32xf32, #tpu.memory_space<hbm>>
      %dma_start3A_343 = arith.constant 200 : i32
      %dma_start3A_344 = arith.constant 0 : i32
      %dma_start3A_345 = tpu.memref_slice %arg6[%dma_start3A_343, %dma_start3A_344] : memref<400x32xf32, #tpu.memory_space<vmem>> -> memref<50x32xf32, #tpu.memory_space<vmem>>
      tpu.enqueue_dma source(%dma_start3A_345 : memref<50x32xf32, #tpu.memory_space<vmem>>) target(%dma_start3A_342 : memref<50x32xf32, #tpu.memory_space<hbm>>) target_semaphore(%arg10 : memref<!tpu.dma_semaphore, #tpu.memory_space<semaphore_mem>>)
      %mul3A_346 = arith.constant 8 : i32
      %mul3A_347 = arith.muli %add3A_237, %mul3A_346 : i32
      %add3A_348 = arith.addi %mul3A_2, %mul3A_347 : i32
      %add3A_349 = arith.constant 5 : i32
      %add3A_350 = arith.addi %add3A_348, %add3A_349 : i32
      %dma_start3A_351 = arith.constant 250 : i32
      %dma_start3A_352 = arith.constant 0 : i32
      %dma_start3A_353 = tpu.memref_slice %arg6[%dma_start3A_351, %dma_start3A_352] : memref<400x32xf32, #tpu.memory_space<vmem>> -> memref<50x32xf32, #tpu.memory_space<vmem>>
      %dma_start3A_354 = arith.constant 0 : i32
      %dma_start3A_355 = arith.constant 0 : i32
      %dma_start3A_356 = tpu.memref_slice %arg4[%add3A_350, %dma_start3A_354, %dma_start3A_355] : memref<4096x50x32xf32, #tpu.memory_space<hbm>> -> memref<1x50x32xf32, #tpu.memory_space<hbm>>
      %dma_start3A_357 = tpu.memref_squeeze %dma_start3A_356 : memref<1x50x32xf32, #tpu.memory_space<hbm>> -> memref<50x32xf32, #tpu.memory_space<hbm>>
      %dma_start3A_358 = arith.constant 0 : i32
      %dma_start3A_359 = arith.constant 0 : i32
      %dma_start3A_360 = tpu.memref_slice %arg4[%add3A_350, %dma_start3A_358, %dma_start3A_359] : memref<4096x50x32xf32, #tpu.memory_space<hbm>> -> memref<1x50x32xf32, #tpu.memory_space<hbm>>
      %dma_start3A_361 = tpu.memref_squeeze %dma_start3A_360 : memref<1x50x32xf32, #tpu.memory_space<hbm>> -> memref<50x32xf32, #tpu.memory_space<hbm>>
      %dma_start3A_362 = arith.constant 250 : i32
      %dma_start3A_363 = arith.constant 0 : i32
      %dma_start3A_364 = tpu.memref_slice %arg6[%dma_start3A_362, %dma_start3A_363] : memref<400x32xf32, #tpu.memory_space<vmem>> -> memref<50x32xf32, #tpu.memory_space<vmem>>
      tpu.enqueue_dma source(%dma_start3A_364 : memref<50x32xf32, #tpu.memory_space<vmem>>) target(%dma_start3A_361 : memref<50x32xf32, #tpu.memory_space<hbm>>) target_semaphore(%arg10 : memref<!tpu.dma_semaphore, #tpu.memory_space<semaphore_mem>>)
      %mul3A_365 = arith.constant 8 : i32
      %mul3A_366 = arith.muli %add3A_237, %mul3A_365 : i32
      %add3A_367 = arith.addi %mul3A_2, %mul3A_366 : i32
      %add3A_368 = arith.constant 6 : i32
      %add3A_369 = arith.addi %add3A_367, %add3A_368 : i32
      %dma_start3A_370 = arith.constant 300 : i32
      %dma_start3A_371 = arith.constant 0 : i32
      %dma_start3A_372 = tpu.memref_slice %arg6[%dma_start3A_370, %dma_start3A_371] : memref<400x32xf32, #tpu.memory_space<vmem>> -> memref<50x32xf32, #tpu.memory_space<vmem>>
      %dma_start3A_373 = arith.constant 0 : i32
      %dma_start3A_374 = arith.constant 0 : i32
      %dma_start3A_375 = tpu.memref_slice %arg4[%add3A_369, %dma_start3A_373, %dma_start3A_374] : memref<4096x50x32xf32, #tpu.memory_space<hbm>> -> memref<1x50x32xf32, #tpu.memory_space<hbm>>
      %dma_start3A_376 = tpu.memref_squeeze %dma_start3A_375 : memref<1x50x32xf32, #tpu.memory_space<hbm>> -> memref<50x32xf32, #tpu.memory_space<hbm>>
      %dma_start3A_377 = arith.constant 0 : i32
      %dma_start3A_378 = arith.constant 0 : i32
      %dma_start3A_379 = tpu.memref_slice %arg4[%add3A_369, %dma_start3A_377, %dma_start3A_378] : memref<4096x50x32xf32, #tpu.memory_space<hbm>> -> memref<1x50x32xf32, #tpu.memory_space<hbm>>
      %dma_start3A_380 = tpu.memref_squeeze %dma_start3A_379 : memref<1x50x32xf32, #tpu.memory_space<hbm>> -> memref<50x32xf32, #tpu.memory_space<hbm>>
      %dma_start3A_381 = arith.constant 300 : i32
      %dma_start3A_382 = arith.constant 0 : i32
      %dma_start3A_383 = tpu.memref_slice %arg6[%dma_start3A_381, %dma_start3A_382] : memref<400x32xf32, #tpu.memory_space<vmem>> -> memref<50x32xf32, #tpu.memory_space<vmem>>
      tpu.enqueue_dma source(%dma_start3A_383 : memref<50x32xf32, #tpu.memory_space<vmem>>) target(%dma_start3A_380 : memref<50x32xf32, #tpu.memory_space<hbm>>) target_semaphore(%arg10 : memref<!tpu.dma_semaphore, #tpu.memory_space<semaphore_mem>>)
      %mul3A_384 = arith.constant 8 : i32
      %mul3A_385 = arith.muli %add3A_237, %mul3A_384 : i32
      %add3A_386 = arith.addi %mul3A_2, %mul3A_385 : i32
      %add3A_387 = arith.constant 7 : i32
      %add3A_388 = arith.addi %add3A_386, %add3A_387 : i32
      %dma_start3A_389 = arith.constant 350 : i32
      %dma_start3A_390 = arith.constant 0 : i32
      %dma_start3A_391 = tpu.memref_slice %arg6[%dma_start3A_389, %dma_start3A_390] : memref<400x32xf32, #tpu.memory_space<vmem>> -> memref<50x32xf32, #tpu.memory_space<vmem>>
      %dma_start3A_392 = arith.constant 0 : i32
      %dma_start3A_393 = arith.constant 0 : i32
      %dma_start3A_394 = tpu.memref_slice %arg4[%add3A_388, %dma_start3A_392, %dma_start3A_393] : memref<4096x50x32xf32, #tpu.memory_space<hbm>> -> memref<1x50x32xf32, #tpu.memory_space<hbm>>
      %dma_start3A_395 = tpu.memref_squeeze %dma_start3A_394 : memref<1x50x32xf32, #tpu.memory_space<hbm>> -> memref<50x32xf32, #tpu.memory_space<hbm>>
      %dma_start3A_396 = arith.constant 0 : i32
      %dma_start3A_397 = arith.constant 0 : i32
      %dma_start3A_398 = tpu.memref_slice %arg4[%add3A_388, %dma_start3A_396, %dma_start3A_397] : memref<4096x50x32xf32, #tpu.memory_space<hbm>> -> memref<1x50x32xf32, #tpu.memory_space<hbm>>
      %dma_start3A_399 = tpu.memref_squeeze %dma_start3A_398 : memref<1x50x32xf32, #tpu.memory_space<hbm>> -> memref<50x32xf32, #tpu.memory_space<hbm>>
      %dma_start3A_400 = arith.constant 350 : i32
      %dma_start3A_401 = arith.constant 0 : i32
      %dma_start3A_402 = tpu.memref_slice %arg6[%dma_start3A_400, %dma_start3A_401] : memref<400x32xf32, #tpu.memory_space<vmem>> -> memref<50x32xf32, #tpu.memory_space<vmem>>
      tpu.enqueue_dma source(%dma_start3A_402 : memref<50x32xf32, #tpu.memory_space<vmem>>) target(%dma_start3A_399 : memref<50x32xf32, #tpu.memory_space<hbm>>) target_semaphore(%arg10 : memref<!tpu.dma_semaphore, #tpu.memory_space<semaphore_mem>>)
      %mul3A_403 = arith.constant 2 : i32
      %mul3A_404 = arith.muli %mul3A_403, %scan3A_233 : i32
      %add3A_405 = arith.constant 1 : i32
      %add3A_406 = arith.addi %mul3A_404, %add3A_405 : i32
      %ge3A_407 = arith.constant 1 : i32
      %ge3A_408 = arith.cmpi sge, %scan3A_233, %ge3A_407 : i32
      %convert_element_type3A_409 = arith.extui %ge3A_408 : i1 to i32
      %cond3A_410 = arith.constant 0 : i32
      %cond3A_411 = arith.cmpi ne, %convert_element_type3A_409, %cond3A_410 : i32
      scf.if %cond3A_411 {
        %dma_wait3A_576 = arith.constant 0 : i32
        %dma_wait3A_577 = arith.constant 0 : i32
        %dma_wait3A_578 = tpu.memref_slice %arg7[%dma_wait3A_576, %dma_wait3A_577] : memref<400x32xf32, #tpu.memory_space<vmem>> -> memref<50x32xf32, #tpu.memory_space<vmem>>
        %dma_wait3A_579 = arith.constant 0 : i32
        %dma_wait3A_580 = arith.constant 0 : i32
        %dma_wait3A_581 = tpu.memref_slice %arg4[%mul3A_2, %dma_wait3A_579, %dma_wait3A_580] : memref<4096x50x32xf32, #tpu.memory_space<hbm>> -> memref<1x50x32xf32, #tpu.memory_space<hbm>>
        %dma_wait3A_582 = tpu.memref_squeeze %dma_wait3A_581 : memref<1x50x32xf32, #tpu.memory_space<hbm>> -> memref<50x32xf32, #tpu.memory_space<hbm>>
        %dma_wait3A_583 = arith.constant 0 : i32
        %dma_wait3A_584 = arith.constant 0 : i32
        %dma_wait3A_585 = tpu.memref_slice %arg4[%mul3A_2, %dma_wait3A_583, %dma_wait3A_584] : memref<4096x50x32xf32, #tpu.memory_space<hbm>> -> memref<1x50x32xf32, #tpu.memory_space<hbm>>
        %dma_wait3A_586 = tpu.memref_squeeze %dma_wait3A_585 : memref<1x50x32xf32, #tpu.memory_space<hbm>> -> memref<50x32xf32, #tpu.memory_space<hbm>>
        %dma_wait3A_587 = arith.constant 0 : i32
        %dma_wait3A_588 = arith.constant 0 : i32
        %dma_wait3A_589 = tpu.memref_slice %arg7[%dma_wait3A_587, %dma_wait3A_588] : memref<400x32xf32, #tpu.memory_space<vmem>> -> memref<50x32xf32, #tpu.memory_space<vmem>>
        tpu.wait_dma2 semaphore(%arg11 : memref<!tpu.dma_semaphore, #tpu.memory_space<semaphore_mem>>) src(%dma_wait3A_589 : memref<50x32xf32, #tpu.memory_space<vmem>>) dst(%dma_wait3A_586 : memref<50x32xf32, #tpu.memory_space<hbm>>)
        %dma_wait3A_590 = arith.constant 50 : i32
        %dma_wait3A_591 = arith.constant 0 : i32
        %dma_wait3A_592 = tpu.memref_slice %arg7[%dma_wait3A_590, %dma_wait3A_591] : memref<400x32xf32, #tpu.memory_space<vmem>> -> memref<50x32xf32, #tpu.memory_space<vmem>>
        %dma_wait3A_593 = arith.constant 0 : i32
        %dma_wait3A_594 = arith.constant 0 : i32
        %dma_wait3A_595 = tpu.memref_slice %arg4[%mul3A_2, %dma_wait3A_593, %dma_wait3A_594] : memref<4096x50x32xf32, #tpu.memory_space<hbm>> -> memref<1x50x32xf32, #tpu.memory_space<hbm>>
        %dma_wait3A_596 = tpu.memref_squeeze %dma_wait3A_595 : memref<1x50x32xf32, #tpu.memory_space<hbm>> -> memref<50x32xf32, #tpu.memory_space<hbm>>
        %dma_wait3A_597 = arith.constant 0 : i32
        %dma_wait3A_598 = arith.constant 0 : i32
        %dma_wait3A_599 = tpu.memref_slice %arg4[%mul3A_2, %dma_wait3A_597, %dma_wait3A_598] : memref<4096x50x32xf32, #tpu.memory_space<hbm>> -> memref<1x50x32xf32, #tpu.memory_space<hbm>>
        %dma_wait3A_600 = tpu.memref_squeeze %dma_wait3A_599 : memref<1x50x32xf32, #tpu.memory_space<hbm>> -> memref<50x32xf32, #tpu.memory_space<hbm>>
        %dma_wait3A_601 = arith.constant 50 : i32
        %dma_wait3A_602 = arith.constant 0 : i32
        %dma_wait3A_603 = tpu.memref_slice %arg7[%dma_wait3A_601, %dma_wait3A_602] : memref<400x32xf32, #tpu.memory_space<vmem>> -> memref<50x32xf32, #tpu.memory_space<vmem>>
        tpu.wait_dma2 semaphore(%arg11 : memref<!tpu.dma_semaphore, #tpu.memory_space<semaphore_mem>>) src(%dma_wait3A_603 : memref<50x32xf32, #tpu.memory_space<vmem>>) dst(%dma_wait3A_600 : memref<50x32xf32, #tpu.memory_space<hbm>>)
        %dma_wait3A_604 = arith.constant 100 : i32
        %dma_wait3A_605 = arith.constant 0 : i32
        %dma_wait3A_606 = tpu.memref_slice %arg7[%dma_wait3A_604, %dma_wait3A_605] : memref<400x32xf32, #tpu.memory_space<vmem>> -> memref<50x32xf32, #tpu.memory_space<vmem>>
        %dma_wait3A_607 = arith.constant 0 : i32
        %dma_wait3A_608 = arith.constant 0 : i32
        %dma_wait3A_609 = tpu.memref_slice %arg4[%mul3A_2, %dma_wait3A_607, %dma_wait3A_608] : memref<4096x50x32xf32, #tpu.memory_space<hbm>> -> memref<1x50x32xf32, #tpu.memory_space<hbm>>
        %dma_wait3A_610 = tpu.memref_squeeze %dma_wait3A_609 : memref<1x50x32xf32, #tpu.memory_space<hbm>> -> memref<50x32xf32, #tpu.memory_space<hbm>>
        %dma_wait3A_611 = arith.constant 0 : i32
        %dma_wait3A_612 = arith.constant 0 : i32
        %dma_wait3A_613 = tpu.memref_slice %arg4[%mul3A_2, %dma_wait3A_611, %dma_wait3A_612] : memref<4096x50x32xf32, #tpu.memory_space<hbm>> -> memref<1x50x32xf32, #tpu.memory_space<hbm>>
        %dma_wait3A_614 = tpu.memref_squeeze %dma_wait3A_613 : memref<1x50x32xf32, #tpu.memory_space<hbm>> -> memref<50x32xf32, #tpu.memory_space<hbm>>
        %dma_wait3A_615 = arith.constant 100 : i32
        %dma_wait3A_616 = arith.constant 0 : i32
        %dma_wait3A_617 = tpu.memref_slice %arg7[%dma_wait3A_615, %dma_wait3A_616] : memref<400x32xf32, #tpu.memory_space<vmem>> -> memref<50x32xf32, #tpu.memory_space<vmem>>
        tpu.wait_dma2 semaphore(%arg11 : memref<!tpu.dma_semaphore, #tpu.memory_space<semaphore_mem>>) src(%dma_wait3A_617 : memref<50x32xf32, #tpu.memory_space<vmem>>) dst(%dma_wait3A_614 : memref<50x32xf32, #tpu.memory_space<hbm>>)
        %dma_wait3A_618 = arith.constant 150 : i32
        %dma_wait3A_619 = arith.constant 0 : i32
        %dma_wait3A_620 = tpu.memref_slice %arg7[%dma_wait3A_618, %dma_wait3A_619] : memref<400x32xf32, #tpu.memory_space<vmem>> -> memref<50x32xf32, #tpu.memory_space<vmem>>
        %dma_wait3A_621 = arith.constant 0 : i32
        %dma_wait3A_622 = arith.constant 0 : i32
        %dma_wait3A_623 = tpu.memref_slice %arg4[%mul3A_2, %dma_wait3A_621, %dma_wait3A_622] : memref<4096x50x32xf32, #tpu.memory_space<hbm>> -> memref<1x50x32xf32, #tpu.memory_space<hbm>>
        %dma_wait3A_624 = tpu.memref_squeeze %dma_wait3A_623 : memref<1x50x32xf32, #tpu.memory_space<hbm>> -> memref<50x32xf32, #tpu.memory_space<hbm>>
        %dma_wait3A_625 = arith.constant 0 : i32
        %dma_wait3A_626 = arith.constant 0 : i32
        %dma_wait3A_627 = tpu.memref_slice %arg4[%mul3A_2, %dma_wait3A_625, %dma_wait3A_626] : memref<4096x50x32xf32, #tpu.memory_space<hbm>> -> memref<1x50x32xf32, #tpu.memory_space<hbm>>
        %dma_wait3A_628 = tpu.memref_squeeze %dma_wait3A_627 : memref<1x50x32xf32, #tpu.memory_space<hbm>> -> memref<50x32xf32, #tpu.memory_space<hbm>>
        %dma_wait3A_629 = arith.constant 150 : i32
        %dma_wait3A_630 = arith.constant 0 : i32
        %dma_wait3A_631 = tpu.memref_slice %arg7[%dma_wait3A_629, %dma_wait3A_630] : memref<400x32xf32, #tpu.memory_space<vmem>> -> memref<50x32xf32, #tpu.memory_space<vmem>>
        tpu.wait_dma2 semaphore(%arg11 : memref<!tpu.dma_semaphore, #tpu.memory_space<semaphore_mem>>) src(%dma_wait3A_631 : memref<50x32xf32, #tpu.memory_space<vmem>>) dst(%dma_wait3A_628 : memref<50x32xf32, #tpu.memory_space<hbm>>)
        %dma_wait3A_632 = arith.constant 200 : i32
        %dma_wait3A_633 = arith.constant 0 : i32
        %dma_wait3A_634 = tpu.memref_slice %arg7[%dma_wait3A_632, %dma_wait3A_633] : memref<400x32xf32, #tpu.memory_space<vmem>> -> memref<50x32xf32, #tpu.memory_space<vmem>>
        %dma_wait3A_635 = arith.constant 0 : i32
        %dma_wait3A_636 = arith.constant 0 : i32
        %dma_wait3A_637 = tpu.memref_slice %arg4[%mul3A_2, %dma_wait3A_635, %dma_wait3A_636] : memref<4096x50x32xf32, #tpu.memory_space<hbm>> -> memref<1x50x32xf32, #tpu.memory_space<hbm>>
        %dma_wait3A_638 = tpu.memref_squeeze %dma_wait3A_637 : memref<1x50x32xf32, #tpu.memory_space<hbm>> -> memref<50x32xf32, #tpu.memory_space<hbm>>
        %dma_wait3A_639 = arith.constant 0 : i32
        %dma_wait3A_640 = arith.constant 0 : i32
        %dma_wait3A_641 = tpu.memref_slice %arg4[%mul3A_2, %dma_wait3A_639, %dma_wait3A_640] : memref<4096x50x32xf32, #tpu.memory_space<hbm>> -> memref<1x50x32xf32, #tpu.memory_space<hbm>>
        %dma_wait3A_642 = tpu.memref_squeeze %dma_wait3A_641 : memref<1x50x32xf32, #tpu.memory_space<hbm>> -> memref<50x32xf32, #tpu.memory_space<hbm>>
        %dma_wait3A_643 = arith.constant 200 : i32
        %dma_wait3A_644 = arith.constant 0 : i32
        %dma_wait3A_645 = tpu.memref_slice %arg7[%dma_wait3A_643, %dma_wait3A_644] : memref<400x32xf32, #tpu.memory_space<vmem>> -> memref<50x32xf32, #tpu.memory_space<vmem>>
        tpu.wait_dma2 semaphore(%arg11 : memref<!tpu.dma_semaphore, #tpu.memory_space<semaphore_mem>>) src(%dma_wait3A_645 : memref<50x32xf32, #tpu.memory_space<vmem>>) dst(%dma_wait3A_642 : memref<50x32xf32, #tpu.memory_space<hbm>>)
        %dma_wait3A_646 = arith.constant 250 : i32
        %dma_wait3A_647 = arith.constant 0 : i32
        %dma_wait3A_648 = tpu.memref_slice %arg7[%dma_wait3A_646, %dma_wait3A_647] : memref<400x32xf32, #tpu.memory_space<vmem>> -> memref<50x32xf32, #tpu.memory_space<vmem>>
        %dma_wait3A_649 = arith.constant 0 : i32
        %dma_wait3A_650 = arith.constant 0 : i32
        %dma_wait3A_651 = tpu.memref_slice %arg4[%mul3A_2, %dma_wait3A_649, %dma_wait3A_650] : memref<4096x50x32xf32, #tpu.memory_space<hbm>> -> memref<1x50x32xf32, #tpu.memory_space<hbm>>
        %dma_wait3A_652 = tpu.memref_squeeze %dma_wait3A_651 : memref<1x50x32xf32, #tpu.memory_space<hbm>> -> memref<50x32xf32, #tpu.memory_space<hbm>>
        %dma_wait3A_653 = arith.constant 0 : i32
        %dma_wait3A_654 = arith.constant 0 : i32
        %dma_wait3A_655 = tpu.memref_slice %arg4[%mul3A_2, %dma_wait3A_653, %dma_wait3A_654] : memref<4096x50x32xf32, #tpu.memory_space<hbm>> -> memref<1x50x32xf32, #tpu.memory_space<hbm>>
        %dma_wait3A_656 = tpu.memref_squeeze %dma_wait3A_655 : memref<1x50x32xf32, #tpu.memory_space<hbm>> -> memref<50x32xf32, #tpu.memory_space<hbm>>
        %dma_wait3A_657 = arith.constant 250 : i32
        %dma_wait3A_658 = arith.constant 0 : i32
        %dma_wait3A_659 = tpu.memref_slice %arg7[%dma_wait3A_657, %dma_wait3A_658] : memref<400x32xf32, #tpu.memory_space<vmem>> -> memref<50x32xf32, #tpu.memory_space<vmem>>
        tpu.wait_dma2 semaphore(%arg11 : memref<!tpu.dma_semaphore, #tpu.memory_space<semaphore_mem>>) src(%dma_wait3A_659 : memref<50x32xf32, #tpu.memory_space<vmem>>) dst(%dma_wait3A_656 : memref<50x32xf32, #tpu.memory_space<hbm>>)
        %dma_wait3A_660 = arith.constant 300 : i32
        %dma_wait3A_661 = arith.constant 0 : i32
        %dma_wait3A_662 = tpu.memref_slice %arg7[%dma_wait3A_660, %dma_wait3A_661] : memref<400x32xf32, #tpu.memory_space<vmem>> -> memref<50x32xf32, #tpu.memory_space<vmem>>
        %dma_wait3A_663 = arith.constant 0 : i32
        %dma_wait3A_664 = arith.constant 0 : i32
        %dma_wait3A_665 = tpu.memref_slice %arg4[%mul3A_2, %dma_wait3A_663, %dma_wait3A_664] : memref<4096x50x32xf32, #tpu.memory_space<hbm>> -> memref<1x50x32xf32, #tpu.memory_space<hbm>>
        %dma_wait3A_666 = tpu.memref_squeeze %dma_wait3A_665 : memref<1x50x32xf32, #tpu.memory_space<hbm>> -> memref<50x32xf32, #tpu.memory_space<hbm>>
        %dma_wait3A_667 = arith.constant 0 : i32
        %dma_wait3A_668 = arith.constant 0 : i32
        %dma_wait3A_669 = tpu.memref_slice %arg4[%mul3A_2, %dma_wait3A_667, %dma_wait3A_668] : memref<4096x50x32xf32, #tpu.memory_space<hbm>> -> memref<1x50x32xf32, #tpu.memory_space<hbm>>
        %dma_wait3A_670 = tpu.memref_squeeze %dma_wait3A_669 : memref<1x50x32xf32, #tpu.memory_space<hbm>> -> memref<50x32xf32, #tpu.memory_space<hbm>>
        %dma_wait3A_671 = arith.constant 300 : i32
        %dma_wait3A_672 = arith.constant 0 : i32
        %dma_wait3A_673 = tpu.memref_slice %arg7[%dma_wait3A_671, %dma_wait3A_672] : memref<400x32xf32, #tpu.memory_space<vmem>> -> memref<50x32xf32, #tpu.memory_space<vmem>>
        tpu.wait_dma2 semaphore(%arg11 : memref<!tpu.dma_semaphore, #tpu.memory_space<semaphore_mem>>) src(%dma_wait3A_673 : memref<50x32xf32, #tpu.memory_space<vmem>>) dst(%dma_wait3A_670 : memref<50x32xf32, #tpu.memory_space<hbm>>)
        %dma_wait3A_674 = arith.constant 350 : i32
        %dma_wait3A_675 = arith.constant 0 : i32
        %dma_wait3A_676 = tpu.memref_slice %arg7[%dma_wait3A_674, %dma_wait3A_675] : memref<400x32xf32, #tpu.memory_space<vmem>> -> memref<50x32xf32, #tpu.memory_space<vmem>>
        %dma_wait3A_677 = arith.constant 0 : i32
        %dma_wait3A_678 = arith.constant 0 : i32
        %dma_wait3A_679 = tpu.memref_slice %arg4[%mul3A_2, %dma_wait3A_677, %dma_wait3A_678] : memref<4096x50x32xf32, #tpu.memory_space<hbm>> -> memref<1x50x32xf32, #tpu.memory_space<hbm>>
        %dma_wait3A_680 = tpu.memref_squeeze %dma_wait3A_679 : memref<1x50x32xf32, #tpu.memory_space<hbm>> -> memref<50x32xf32, #tpu.memory_space<hbm>>
        %dma_wait3A_681 = arith.constant 0 : i32
        %dma_wait3A_682 = arith.constant 0 : i32
        %dma_wait3A_683 = tpu.memref_slice %arg4[%mul3A_2, %dma_wait3A_681, %dma_wait3A_682] : memref<4096x50x32xf32, #tpu.memory_space<hbm>> -> memref<1x50x32xf32, #tpu.memory_space<hbm>>
        %dma_wait3A_684 = tpu.memref_squeeze %dma_wait3A_683 : memref<1x50x32xf32, #tpu.memory_space<hbm>> -> memref<50x32xf32, #tpu.memory_space<hbm>>
        %dma_wait3A_685 = arith.constant 350 : i32
        %dma_wait3A_686 = arith.constant 0 : i32
        %dma_wait3A_687 = tpu.memref_slice %arg7[%dma_wait3A_685, %dma_wait3A_686] : memref<400x32xf32, #tpu.memory_space<vmem>> -> memref<50x32xf32, #tpu.memory_space<vmem>>
        tpu.wait_dma2 semaphore(%arg11 : memref<!tpu.dma_semaphore, #tpu.memory_space<semaphore_mem>>) src(%dma_wait3A_687 : memref<50x32xf32, #tpu.memory_space<vmem>>) dst(%dma_wait3A_684 : memref<50x32xf32, #tpu.memory_space<hbm>>)
      } else {
      }
      %mul3A_412 = arith.constant 8 : i32
      %mul3A_413 = arith.muli %add3A_406, %mul3A_412 : i32
      %mul3A_414 = arith.constant 50 : i32
      %mul3A_415 = arith.muli %mul3A_413, %mul3A_414 : i32
      %dma_start3A_416 = tpu.memref_slice %arg5[%mul3A_415] : memref<6400xi32, #tpu.memory_space<vmem>> -> memref<400xi32, #tpu.memory_space<vmem>>
      %dma_start3A_417 = arith.constant 0 : i32
      %dma_start3A_418 = arith.constant 0 : i32
      %dma_start3A_419 = tpu.memref_slice %arg3[%dma_start3A_417, %dma_start3A_418] : memref<1000000x32xf32, #tpu.memory_space<hbm>> -> memref<1000000x32xf32, #tpu.memory_space<hbm>>
      tpu.enqueue_indirect_dma source(%dma_start3A_419 : memref<1000000x32xf32, #tpu.memory_space<hbm>>) target(%arg7 : memref<400x32xf32, #tpu.memory_space<vmem>>) offsets(%dma_start3A_416 : memref<400xi32, #tpu.memory_space<vmem>>) semaphore(%arg9 : memref<!tpu.dma_semaphore, #tpu.memory_space<semaphore_mem>>)
      %dma_wait3A_420 = tpu.memref_slice %arg5[%mul3A_415] : memref<6400xi32, #tpu.memory_space<vmem>> -> memref<400xi32, #tpu.memory_space<vmem>>
      %dma_wait3A_421 = arith.constant 0 : i32
      %dma_wait3A_422 = arith.constant 0 : i32
      %dma_wait3A_423 = tpu.memref_slice %arg3[%dma_wait3A_421, %dma_wait3A_422] : memref<1000000x32xf32, #tpu.memory_space<hbm>> -> memref<1000000x32xf32, #tpu.memory_space<hbm>>
      tpu.wait_indirect_dma semaphore(%arg9 : memref<!tpu.dma_semaphore, #tpu.memory_space<semaphore_mem>>) src(%dma_wait3A_423 : memref<1000000x32xf32, #tpu.memory_space<hbm>>) dst(%arg7 : memref<400x32xf32, #tpu.memory_space<vmem>>)
      %mul3A_424 = arith.constant 8 : i32
      %mul3A_425 = arith.muli %add3A_406, %mul3A_424 : i32
      %add3A_426 = arith.addi %mul3A_2, %mul3A_425 : i32
      %add3A_427 = arith.constant 0 : i32
      %add3A_428 = arith.addi %add3A_426, %add3A_427 : i32
      %dma_start3A_429 = arith.constant 0 : i32
      %dma_start3A_430 = arith.constant 0 : i32
      %dma_start3A_431 = tpu.memref_slice %arg7[%dma_start3A_429, %dma_start3A_430] : memref<400x32xf32, #tpu.memory_space<vmem>> -> memref<50x32xf32, #tpu.memory_space<vmem>>
      %dma_start3A_432 = arith.constant 0 : i32
      %dma_start3A_433 = arith.constant 0 : i32
      %dma_start3A_434 = tpu.memref_slice %arg4[%add3A_428, %dma_start3A_432, %dma_start3A_433] : memref<4096x50x32xf32, #tpu.memory_space<hbm>> -> memref<1x50x32xf32, #tpu.memory_space<hbm>>
      %dma_start3A_435 = tpu.memref_squeeze %dma_start3A_434 : memref<1x50x32xf32, #tpu.memory_space<hbm>> -> memref<50x32xf32, #tpu.memory_space<hbm>>
      %dma_start3A_436 = arith.constant 0 : i32
      %dma_start3A_437 = arith.constant 0 : i32
      %dma_start3A_438 = tpu.memref_slice %arg4[%add3A_428, %dma_start3A_436, %dma_start3A_437] : memref<4096x50x32xf32, #tpu.memory_space<hbm>> -> memref<1x50x32xf32, #tpu.memory_space<hbm>>
      %dma_start3A_439 = tpu.memref_squeeze %dma_start3A_438 : memref<1x50x32xf32, #tpu.memory_space<hbm>> -> memref<50x32xf32, #tpu.memory_space<hbm>>
      %dma_start3A_440 = arith.constant 0 : i32
      %dma_start3A_441 = arith.constant 0 : i32
      %dma_start3A_442 = tpu.memref_slice %arg7[%dma_start3A_440, %dma_start3A_441] : memref<400x32xf32, #tpu.memory_space<vmem>> -> memref<50x32xf32, #tpu.memory_space<vmem>>
      tpu.enqueue_dma source(%dma_start3A_442 : memref<50x32xf32, #tpu.memory_space<vmem>>) target(%dma_start3A_439 : memref<50x32xf32, #tpu.memory_space<hbm>>) target_semaphore(%arg11 : memref<!tpu.dma_semaphore, #tpu.memory_space<semaphore_mem>>)
      %mul3A_443 = arith.constant 8 : i32
      %mul3A_444 = arith.muli %add3A_406, %mul3A_443 : i32
      %add3A_445 = arith.addi %mul3A_2, %mul3A_444 : i32
      %add3A_446 = arith.constant 1 : i32
      %add3A_447 = arith.addi %add3A_445, %add3A_446 : i32
      %dma_start3A_448 = arith.constant 50 : i32
      %dma_start3A_449 = arith.constant 0 : i32
      %dma_start3A_450 = tpu.memref_slice %arg7[%dma_start3A_448, %dma_start3A_449] : memref<400x32xf32, #tpu.memory_space<vmem>> -> memref<50x32xf32, #tpu.memory_space<vmem>>
      %dma_start3A_451 = arith.constant 0 : i32
      %dma_start3A_452 = arith.constant 0 : i32
      %dma_start3A_453 = tpu.memref_slice %arg4[%add3A_447, %dma_start3A_451, %dma_start3A_452] : memref<4096x50x32xf32, #tpu.memory_space<hbm>> -> memref<1x50x32xf32, #tpu.memory_space<hbm>>
      %dma_start3A_454 = tpu.memref_squeeze %dma_start3A_453 : memref<1x50x32xf32, #tpu.memory_space<hbm>> -> memref<50x32xf32, #tpu.memory_space<hbm>>
      %dma_start3A_455 = arith.constant 0 : i32
      %dma_start3A_456 = arith.constant 0 : i32
      %dma_start3A_457 = tpu.memref_slice %arg4[%add3A_447, %dma_start3A_455, %dma_start3A_456] : memref<4096x50x32xf32, #tpu.memory_space<hbm>> -> memref<1x50x32xf32, #tpu.memory_space<hbm>>
      %dma_start3A_458 = tpu.memref_squeeze %dma_start3A_457 : memref<1x50x32xf32, #tpu.memory_space<hbm>> -> memref<50x32xf32, #tpu.memory_space<hbm>>
      %dma_start3A_459 = arith.constant 50 : i32
      %dma_start3A_460 = arith.constant 0 : i32
      %dma_start3A_461 = tpu.memref_slice %arg7[%dma_start3A_459, %dma_start3A_460] : memref<400x32xf32, #tpu.memory_space<vmem>> -> memref<50x32xf32, #tpu.memory_space<vmem>>
      tpu.enqueue_dma source(%dma_start3A_461 : memref<50x32xf32, #tpu.memory_space<vmem>>) target(%dma_start3A_458 : memref<50x32xf32, #tpu.memory_space<hbm>>) target_semaphore(%arg11 : memref<!tpu.dma_semaphore, #tpu.memory_space<semaphore_mem>>)
      %mul3A_462 = arith.constant 8 : i32
      %mul3A_463 = arith.muli %add3A_406, %mul3A_462 : i32
      %add3A_464 = arith.addi %mul3A_2, %mul3A_463 : i32
      %add3A_465 = arith.constant 2 : i32
      %add3A_466 = arith.addi %add3A_464, %add3A_465 : i32
      %dma_start3A_467 = arith.constant 100 : i32
      %dma_start3A_468 = arith.constant 0 : i32
      %dma_start3A_469 = tpu.memref_slice %arg7[%dma_start3A_467, %dma_start3A_468] : memref<400x32xf32, #tpu.memory_space<vmem>> -> memref<50x32xf32, #tpu.memory_space<vmem>>
      %dma_start3A_470 = arith.constant 0 : i32
      %dma_start3A_471 = arith.constant 0 : i32
      %dma_start3A_472 = tpu.memref_slice %arg4[%add3A_466, %dma_start3A_470, %dma_start3A_471] : memref<4096x50x32xf32, #tpu.memory_space<hbm>> -> memref<1x50x32xf32, #tpu.memory_space<hbm>>
      %dma_start3A_473 = tpu.memref_squeeze %dma_start3A_472 : memref<1x50x32xf32, #tpu.memory_space<hbm>> -> memref<50x32xf32, #tpu.memory_space<hbm>>
      %dma_start3A_474 = arith.constant 0 : i32
      %dma_start3A_475 = arith.constant 0 : i32
      %dma_start3A_476 = tpu.memref_slice %arg4[%add3A_466, %dma_start3A_474, %dma_start3A_475] : memref<4096x50x32xf32, #tpu.memory_space<hbm>> -> memref<1x50x32xf32, #tpu.memory_space<hbm>>
      %dma_start3A_477 = tpu.memref_squeeze %dma_start3A_476 : memref<1x50x32xf32, #tpu.memory_space<hbm>> -> memref<50x32xf32, #tpu.memory_space<hbm>>
      %dma_start3A_478 = arith.constant 100 : i32
      %dma_start3A_479 = arith.constant 0 : i32
      %dma_start3A_480 = tpu.memref_slice %arg7[%dma_start3A_478, %dma_start3A_479] : memref<400x32xf32, #tpu.memory_space<vmem>> -> memref<50x32xf32, #tpu.memory_space<vmem>>
      tpu.enqueue_dma source(%dma_start3A_480 : memref<50x32xf32, #tpu.memory_space<vmem>>) target(%dma_start3A_477 : memref<50x32xf32, #tpu.memory_space<hbm>>) target_semaphore(%arg11 : memref<!tpu.dma_semaphore, #tpu.memory_space<semaphore_mem>>)
      %mul3A_481 = arith.constant 8 : i32
      %mul3A_482 = arith.muli %add3A_406, %mul3A_481 : i32
      %add3A_483 = arith.addi %mul3A_2, %mul3A_482 : i32
      %add3A_484 = arith.constant 3 : i32
      %add3A_485 = arith.addi %add3A_483, %add3A_484 : i32
      %dma_start3A_486 = arith.constant 150 : i32
      %dma_start3A_487 = arith.constant 0 : i32
      %dma_start3A_488 = tpu.memref_slice %arg7[%dma_start3A_486, %dma_start3A_487] : memref<400x32xf32, #tpu.memory_space<vmem>> -> memref<50x32xf32, #tpu.memory_space<vmem>>
      %dma_start3A_489 = arith.constant 0 : i32
      %dma_start3A_490 = arith.constant 0 : i32
      %dma_start3A_491 = tpu.memref_slice %arg4[%add3A_485, %dma_start3A_489, %dma_start3A_490] : memref<4096x50x32xf32, #tpu.memory_space<hbm>> -> memref<1x50x32xf32, #tpu.memory_space<hbm>>
      %dma_start3A_492 = tpu.memref_squeeze %dma_start3A_491 : memref<1x50x32xf32, #tpu.memory_space<hbm>> -> memref<50x32xf32, #tpu.memory_space<hbm>>
      %dma_start3A_493 = arith.constant 0 : i32
      %dma_start3A_494 = arith.constant 0 : i32
      %dma_start3A_495 = tpu.memref_slice %arg4[%add3A_485, %dma_start3A_493, %dma_start3A_494] : memref<4096x50x32xf32, #tpu.memory_space<hbm>> -> memref<1x50x32xf32, #tpu.memory_space<hbm>>
      %dma_start3A_496 = tpu.memref_squeeze %dma_start3A_495 : memref<1x50x32xf32, #tpu.memory_space<hbm>> -> memref<50x32xf32, #tpu.memory_space<hbm>>
      %dma_start3A_497 = arith.constant 150 : i32
      %dma_start3A_498 = arith.constant 0 : i32
      %dma_start3A_499 = tpu.memref_slice %arg7[%dma_start3A_497, %dma_start3A_498] : memref<400x32xf32, #tpu.memory_space<vmem>> -> memref<50x32xf32, #tpu.memory_space<vmem>>
      tpu.enqueue_dma source(%dma_start3A_499 : memref<50x32xf32, #tpu.memory_space<vmem>>) target(%dma_start3A_496 : memref<50x32xf32, #tpu.memory_space<hbm>>) target_semaphore(%arg11 : memref<!tpu.dma_semaphore, #tpu.memory_space<semaphore_mem>>)
      %mul3A_500 = arith.constant 8 : i32
      %mul3A_501 = arith.muli %add3A_406, %mul3A_500 : i32
      %add3A_502 = arith.addi %mul3A_2, %mul3A_501 : i32
      %add3A_503 = arith.constant 4 : i32
      %add3A_504 = arith.addi %add3A_502, %add3A_503 : i32
      %dma_start3A_505 = arith.constant 200 : i32
      %dma_start3A_506 = arith.constant 0 : i32
      %dma_start3A_507 = tpu.memref_slice %arg7[%dma_start3A_505, %dma_start3A_506] : memref<400x32xf32, #tpu.memory_space<vmem>> -> memref<50x32xf32, #tpu.memory_space<vmem>>
      %dma_start3A_508 = arith.constant 0 : i32
      %dma_start3A_509 = arith.constant 0 : i32
      %dma_start3A_510 = tpu.memref_slice %arg4[%add3A_504, %dma_start3A_508, %dma_start3A_509] : memref<4096x50x32xf32, #tpu.memory_space<hbm>> -> memref<1x50x32xf32, #tpu.memory_space<hbm>>
      %dma_start3A_511 = tpu.memref_squeeze %dma_start3A_510 : memref<1x50x32xf32, #tpu.memory_space<hbm>> -> memref<50x32xf32, #tpu.memory_space<hbm>>
      %dma_start3A_512 = arith.constant 0 : i32
      %dma_start3A_513 = arith.constant 0 : i32
      %dma_start3A_514 = tpu.memref_slice %arg4[%add3A_504, %dma_start3A_512, %dma_start3A_513] : memref<4096x50x32xf32, #tpu.memory_space<hbm>> -> memref<1x50x32xf32, #tpu.memory_space<hbm>>
      %dma_start3A_515 = tpu.memref_squeeze %dma_start3A_514 : memref<1x50x32xf32, #tpu.memory_space<hbm>> -> memref<50x32xf32, #tpu.memory_space<hbm>>
      %dma_start3A_516 = arith.constant 200 : i32
      %dma_start3A_517 = arith.constant 0 : i32
      %dma_start3A_518 = tpu.memref_slice %arg7[%dma_start3A_516, %dma_start3A_517] : memref<400x32xf32, #tpu.memory_space<vmem>> -> memref<50x32xf32, #tpu.memory_space<vmem>>
      tpu.enqueue_dma source(%dma_start3A_518 : memref<50x32xf32, #tpu.memory_space<vmem>>) target(%dma_start3A_515 : memref<50x32xf32, #tpu.memory_space<hbm>>) target_semaphore(%arg11 : memref<!tpu.dma_semaphore, #tpu.memory_space<semaphore_mem>>)
      %mul3A_519 = arith.constant 8 : i32
      %mul3A_520 = arith.muli %add3A_406, %mul3A_519 : i32
      %add3A_521 = arith.addi %mul3A_2, %mul3A_520 : i32
      %add3A_522 = arith.constant 5 : i32
      %add3A_523 = arith.addi %add3A_521, %add3A_522 : i32
      %dma_start3A_524 = arith.constant 250 : i32
      %dma_start3A_525 = arith.constant 0 : i32
      %dma_start3A_526 = tpu.memref_slice %arg7[%dma_start3A_524, %dma_start3A_525] : memref<400x32xf32, #tpu.memory_space<vmem>> -> memref<50x32xf32, #tpu.memory_space<vmem>>
      %dma_start3A_527 = arith.constant 0 : i32
      %dma_start3A_528 = arith.constant 0 : i32
      %dma_start3A_529 = tpu.memref_slice %arg4[%add3A_523, %dma_start3A_527, %dma_start3A_528] : memref<4096x50x32xf32, #tpu.memory_space<hbm>> -> memref<1x50x32xf32, #tpu.memory_space<hbm>>
      %dma_start3A_530 = tpu.memref_squeeze %dma_start3A_529 : memref<1x50x32xf32, #tpu.memory_space<hbm>> -> memref<50x32xf32, #tpu.memory_space<hbm>>
      %dma_start3A_531 = arith.constant 0 : i32
      %dma_start3A_532 = arith.constant 0 : i32
      %dma_start3A_533 = tpu.memref_slice %arg4[%add3A_523, %dma_start3A_531, %dma_start3A_532] : memref<4096x50x32xf32, #tpu.memory_space<hbm>> -> memref<1x50x32xf32, #tpu.memory_space<hbm>>
      %dma_start3A_534 = tpu.memref_squeeze %dma_start3A_533 : memref<1x50x32xf32, #tpu.memory_space<hbm>> -> memref<50x32xf32, #tpu.memory_space<hbm>>
      %dma_start3A_535 = arith.constant 250 : i32
      %dma_start3A_536 = arith.constant 0 : i32
      %dma_start3A_537 = tpu.memref_slice %arg7[%dma_start3A_535, %dma_start3A_536] : memref<400x32xf32, #tpu.memory_space<vmem>> -> memref<50x32xf32, #tpu.memory_space<vmem>>
      tpu.enqueue_dma source(%dma_start3A_537 : memref<50x32xf32, #tpu.memory_space<vmem>>) target(%dma_start3A_534 : memref<50x32xf32, #tpu.memory_space<hbm>>) target_semaphore(%arg11 : memref<!tpu.dma_semaphore, #tpu.memory_space<semaphore_mem>>)
      %mul3A_538 = arith.constant 8 : i32
      %mul3A_539 = arith.muli %add3A_406, %mul3A_538 : i32
      %add3A_540 = arith.addi %mul3A_2, %mul3A_539 : i32
      %add3A_541 = arith.constant 6 : i32
      %add3A_542 = arith.addi %add3A_540, %add3A_541 : i32
      %dma_start3A_543 = arith.constant 300 : i32
      %dma_start3A_544 = arith.constant 0 : i32
      %dma_start3A_545 = tpu.memref_slice %arg7[%dma_start3A_543, %dma_start3A_544] : memref<400x32xf32, #tpu.memory_space<vmem>> -> memref<50x32xf32, #tpu.memory_space<vmem>>
      %dma_start3A_546 = arith.constant 0 : i32
      %dma_start3A_547 = arith.constant 0 : i32
      %dma_start3A_548 = tpu.memref_slice %arg4[%add3A_542, %dma_start3A_546, %dma_start3A_547] : memref<4096x50x32xf32, #tpu.memory_space<hbm>> -> memref<1x50x32xf32, #tpu.memory_space<hbm>>
      %dma_start3A_549 = tpu.memref_squeeze %dma_start3A_548 : memref<1x50x32xf32, #tpu.memory_space<hbm>> -> memref<50x32xf32, #tpu.memory_space<hbm>>
      %dma_start3A_550 = arith.constant 0 : i32
      %dma_start3A_551 = arith.constant 0 : i32
      %dma_start3A_552 = tpu.memref_slice %arg4[%add3A_542, %dma_start3A_550, %dma_start3A_551] : memref<4096x50x32xf32, #tpu.memory_space<hbm>> -> memref<1x50x32xf32, #tpu.memory_space<hbm>>
      %dma_start3A_553 = tpu.memref_squeeze %dma_start3A_552 : memref<1x50x32xf32, #tpu.memory_space<hbm>> -> memref<50x32xf32, #tpu.memory_space<hbm>>
      %dma_start3A_554 = arith.constant 300 : i32
      %dma_start3A_555 = arith.constant 0 : i32
      %dma_start3A_556 = tpu.memref_slice %arg7[%dma_start3A_554, %dma_start3A_555] : memref<400x32xf32, #tpu.memory_space<vmem>> -> memref<50x32xf32, #tpu.memory_space<vmem>>
      tpu.enqueue_dma source(%dma_start3A_556 : memref<50x32xf32, #tpu.memory_space<vmem>>) target(%dma_start3A_553 : memref<50x32xf32, #tpu.memory_space<hbm>>) target_semaphore(%arg11 : memref<!tpu.dma_semaphore, #tpu.memory_space<semaphore_mem>>)
      %mul3A_557 = arith.constant 8 : i32
      %mul3A_558 = arith.muli %add3A_406, %mul3A_557 : i32
      %add3A_559 = arith.addi %mul3A_2, %mul3A_558 : i32
      %add3A_560 = arith.constant 7 : i32
      %add3A_561 = arith.addi %add3A_559, %add3A_560 : i32
      %dma_start3A_562 = arith.constant 350 : i32
      %dma_start3A_563 = arith.constant 0 : i32
      %dma_start3A_564 = tpu.memref_slice %arg7[%dma_start3A_562, %dma_start3A_563] : memref<400x32xf32, #tpu.memory_space<vmem>> -> memref<50x32xf32, #tpu.memory_space<vmem>>
      %dma_start3A_565 = arith.constant 0 : i32
      %dma_start3A_566 = arith.constant 0 : i32
      %dma_start3A_567 = tpu.memref_slice %arg4[%add3A_561, %dma_start3A_565, %dma_start3A_566] : memref<4096x50x32xf32, #tpu.memory_space<hbm>> -> memref<1x50x32xf32, #tpu.memory_space<hbm>>
      %dma_start3A_568 = tpu.memref_squeeze %dma_start3A_567 : memref<1x50x32xf32, #tpu.memory_space<hbm>> -> memref<50x32xf32, #tpu.memory_space<hbm>>
      %dma_start3A_569 = arith.constant 0 : i32
      %dma_start3A_570 = arith.constant 0 : i32
      %dma_start3A_571 = tpu.memref_slice %arg4[%add3A_561, %dma_start3A_569, %dma_start3A_570] : memref<4096x50x32xf32, #tpu.memory_space<hbm>> -> memref<1x50x32xf32, #tpu.memory_space<hbm>>
      %dma_start3A_572 = tpu.memref_squeeze %dma_start3A_571 : memref<1x50x32xf32, #tpu.memory_space<hbm>> -> memref<50x32xf32, #tpu.memory_space<hbm>>
      %dma_start3A_573 = arith.constant 350 : i32
      %dma_start3A_574 = arith.constant 0 : i32
      %dma_start3A_575 = tpu.memref_slice %arg7[%dma_start3A_573, %dma_start3A_574] : memref<400x32xf32, #tpu.memory_space<vmem>> -> memref<50x32xf32, #tpu.memory_space<vmem>>
      tpu.enqueue_dma source(%dma_start3A_575 : memref<50x32xf32, #tpu.memory_space<vmem>>) target(%dma_start3A_572 : memref<50x32xf32, #tpu.memory_space<hbm>>) target_semaphore(%arg11 : memref<!tpu.dma_semaphore, #tpu.memory_space<semaphore_mem>>)
    }
    %scan3A_9 = arith.constant 8 : i32
    %dma_wait3A = arith.constant 0 : i32
    %dma_wait3A_10 = arith.constant 0 : i32
    %dma_wait3A_11 = tpu.memref_slice %arg6[%dma_wait3A, %dma_wait3A_10] : memref<400x32xf32, #tpu.memory_space<vmem>> -> memref<50x32xf32, #tpu.memory_space<vmem>>
    %dma_wait3A_12 = arith.constant 0 : i32
    %dma_wait3A_13 = arith.constant 0 : i32
    %dma_wait3A_14 = tpu.memref_slice %arg4[%mul3A_2, %dma_wait3A_12, %dma_wait3A_13] : memref<4096x50x32xf32, #tpu.memory_space<hbm>> -> memref<1x50x32xf32, #tpu.memory_space<hbm>>
    %dma_wait3A_15 = tpu.memref_squeeze %dma_wait3A_14 : memref<1x50x32xf32, #tpu.memory_space<hbm>> -> memref<50x32xf32, #tpu.memory_space<hbm>>
    %dma_wait3A_16 = arith.constant 0 : i32
    %dma_wait3A_17 = arith.constant 0 : i32
    %dma_wait3A_18 = tpu.memref_slice %arg4[%mul3A_2, %dma_wait3A_16, %dma_wait3A_17] : memref<4096x50x32xf32, #tpu.memory_space<hbm>> -> memref<1x50x32xf32, #tpu.memory_space<hbm>>
    %dma_wait3A_19 = tpu.memref_squeeze %dma_wait3A_18 : memref<1x50x32xf32, #tpu.memory_space<hbm>> -> memref<50x32xf32, #tpu.memory_space<hbm>>
    %dma_wait3A_20 = arith.constant 0 : i32
    %dma_wait3A_21 = arith.constant 0 : i32
    %dma_wait3A_22 = tpu.memref_slice %arg6[%dma_wait3A_20, %dma_wait3A_21] : memref<400x32xf32, #tpu.memory_space<vmem>> -> memref<50x32xf32, #tpu.memory_space<vmem>>
    tpu.wait_dma2 semaphore(%arg10 : memref<!tpu.dma_semaphore, #tpu.memory_space<semaphore_mem>>) src(%dma_wait3A_22 : memref<50x32xf32, #tpu.memory_space<vmem>>) dst(%dma_wait3A_19 : memref<50x32xf32, #tpu.memory_space<hbm>>)
    %dma_wait3A_23 = arith.constant 50 : i32
    %dma_wait3A_24 = arith.constant 0 : i32
    %dma_wait3A_25 = tpu.memref_slice %arg6[%dma_wait3A_23, %dma_wait3A_24] : memref<400x32xf32, #tpu.memory_space<vmem>> -> memref<50x32xf32, #tpu.memory_space<vmem>>
    %dma_wait3A_26 = arith.constant 0 : i32
    %dma_wait3A_27 = arith.constant 0 : i32
    %dma_wait3A_28 = tpu.memref_slice %arg4[%mul3A_2, %dma_wait3A_26, %dma_wait3A_27] : memref<4096x50x32xf32, #tpu.memory_space<hbm>> -> memref<1x50x32xf32, #tpu.memory_space<hbm>>
    %dma_wait3A_29 = tpu.memref_squeeze %dma_wait3A_28 : memref<1x50x32xf32, #tpu.memory_space<hbm>> -> memref<50x32xf32, #tpu.memory_space<hbm>>
    %dma_wait3A_30 = arith.constant 0 : i32
    %dma_wait3A_31 = arith.constant 0 : i32
    %dma_wait3A_32 = tpu.memref_slice %arg4[%mul3A_2, %dma_wait3A_30, %dma_wait3A_31] : memref<4096x50x32xf32, #tpu.memory_space<hbm>> -> memref<1x50x32xf32, #tpu.memory_space<hbm>>
    %dma_wait3A_33 = tpu.memref_squeeze %dma_wait3A_32 : memref<1x50x32xf32, #tpu.memory_space<hbm>> -> memref<50x32xf32, #tpu.memory_space<hbm>>
    %dma_wait3A_34 = arith.constant 50 : i32
    %dma_wait3A_35 = arith.constant 0 : i32
    %dma_wait3A_36 = tpu.memref_slice %arg6[%dma_wait3A_34, %dma_wait3A_35] : memref<400x32xf32, #tpu.memory_space<vmem>> -> memref<50x32xf32, #tpu.memory_space<vmem>>
    tpu.wait_dma2 semaphore(%arg10 : memref<!tpu.dma_semaphore, #tpu.memory_space<semaphore_mem>>) src(%dma_wait3A_36 : memref<50x32xf32, #tpu.memory_space<vmem>>) dst(%dma_wait3A_33 : memref<50x32xf32, #tpu.memory_space<hbm>>)
    %dma_wait3A_37 = arith.constant 100 : i32
    %dma_wait3A_38 = arith.constant 0 : i32
    %dma_wait3A_39 = tpu.memref_slice %arg6[%dma_wait3A_37, %dma_wait3A_38] : memref<400x32xf32, #tpu.memory_space<vmem>> -> memref<50x32xf32, #tpu.memory_space<vmem>>
    %dma_wait3A_40 = arith.constant 0 : i32
    %dma_wait3A_41 = arith.constant 0 : i32
    %dma_wait3A_42 = tpu.memref_slice %arg4[%mul3A_2, %dma_wait3A_40, %dma_wait3A_41] : memref<4096x50x32xf32, #tpu.memory_space<hbm>> -> memref<1x50x32xf32, #tpu.memory_space<hbm>>
    %dma_wait3A_43 = tpu.memref_squeeze %dma_wait3A_42 : memref<1x50x32xf32, #tpu.memory_space<hbm>> -> memref<50x32xf32, #tpu.memory_space<hbm>>
    %dma_wait3A_44 = arith.constant 0 : i32
    %dma_wait3A_45 = arith.constant 0 : i32
    %dma_wait3A_46 = tpu.memref_slice %arg4[%mul3A_2, %dma_wait3A_44, %dma_wait3A_45] : memref<4096x50x32xf32, #tpu.memory_space<hbm>> -> memref<1x50x32xf32, #tpu.memory_space<hbm>>
    %dma_wait3A_47 = tpu.memref_squeeze %dma_wait3A_46 : memref<1x50x32xf32, #tpu.memory_space<hbm>> -> memref<50x32xf32, #tpu.memory_space<hbm>>
    %dma_wait3A_48 = arith.constant 100 : i32
    %dma_wait3A_49 = arith.constant 0 : i32
    %dma_wait3A_50 = tpu.memref_slice %arg6[%dma_wait3A_48, %dma_wait3A_49] : memref<400x32xf32, #tpu.memory_space<vmem>> -> memref<50x32xf32, #tpu.memory_space<vmem>>
    tpu.wait_dma2 semaphore(%arg10 : memref<!tpu.dma_semaphore, #tpu.memory_space<semaphore_mem>>) src(%dma_wait3A_50 : memref<50x32xf32, #tpu.memory_space<vmem>>) dst(%dma_wait3A_47 : memref<50x32xf32, #tpu.memory_space<hbm>>)
    %dma_wait3A_51 = arith.constant 150 : i32
    %dma_wait3A_52 = arith.constant 0 : i32
    %dma_wait3A_53 = tpu.memref_slice %arg6[%dma_wait3A_51, %dma_wait3A_52] : memref<400x32xf32, #tpu.memory_space<vmem>> -> memref<50x32xf32, #tpu.memory_space<vmem>>
    %dma_wait3A_54 = arith.constant 0 : i32
    %dma_wait3A_55 = arith.constant 0 : i32
    %dma_wait3A_56 = tpu.memref_slice %arg4[%mul3A_2, %dma_wait3A_54, %dma_wait3A_55] : memref<4096x50x32xf32, #tpu.memory_space<hbm>> -> memref<1x50x32xf32, #tpu.memory_space<hbm>>
    %dma_wait3A_57 = tpu.memref_squeeze %dma_wait3A_56 : memref<1x50x32xf32, #tpu.memory_space<hbm>> -> memref<50x32xf32, #tpu.memory_space<hbm>>
    %dma_wait3A_58 = arith.constant 0 : i32
    %dma_wait3A_59 = arith.constant 0 : i32
    %dma_wait3A_60 = tpu.memref_slice %arg4[%mul3A_2, %dma_wait3A_58, %dma_wait3A_59] : memref<4096x50x32xf32, #tpu.memory_space<hbm>> -> memref<1x50x32xf32, #tpu.memory_space<hbm>>
    %dma_wait3A_61 = tpu.memref_squeeze %dma_wait3A_60 : memref<1x50x32xf32, #tpu.memory_space<hbm>> -> memref<50x32xf32, #tpu.memory_space<hbm>>
    %dma_wait3A_62 = arith.constant 150 : i32
    %dma_wait3A_63 = arith.constant 0 : i32
    %dma_wait3A_64 = tpu.memref_slice %arg6[%dma_wait3A_62, %dma_wait3A_63] : memref<400x32xf32, #tpu.memory_space<vmem>> -> memref<50x32xf32, #tpu.memory_space<vmem>>
    tpu.wait_dma2 semaphore(%arg10 : memref<!tpu.dma_semaphore, #tpu.memory_space<semaphore_mem>>) src(%dma_wait3A_64 : memref<50x32xf32, #tpu.memory_space<vmem>>) dst(%dma_wait3A_61 : memref<50x32xf32, #tpu.memory_space<hbm>>)
    %dma_wait3A_65 = arith.constant 200 : i32
    %dma_wait3A_66 = arith.constant 0 : i32
    %dma_wait3A_67 = tpu.memref_slice %arg6[%dma_wait3A_65, %dma_wait3A_66] : memref<400x32xf32, #tpu.memory_space<vmem>> -> memref<50x32xf32, #tpu.memory_space<vmem>>
    %dma_wait3A_68 = arith.constant 0 : i32
    %dma_wait3A_69 = arith.constant 0 : i32
    %dma_wait3A_70 = tpu.memref_slice %arg4[%mul3A_2, %dma_wait3A_68, %dma_wait3A_69] : memref<4096x50x32xf32, #tpu.memory_space<hbm>> -> memref<1x50x32xf32, #tpu.memory_space<hbm>>
    %dma_wait3A_71 = tpu.memref_squeeze %dma_wait3A_70 : memref<1x50x32xf32, #tpu.memory_space<hbm>> -> memref<50x32xf32, #tpu.memory_space<hbm>>
    %dma_wait3A_72 = arith.constant 0 : i32
    %dma_wait3A_73 = arith.constant 0 : i32
    %dma_wait3A_74 = tpu.memref_slice %arg4[%mul3A_2, %dma_wait3A_72, %dma_wait3A_73] : memref<4096x50x32xf32, #tpu.memory_space<hbm>> -> memref<1x50x32xf32, #tpu.memory_space<hbm>>
    %dma_wait3A_75 = tpu.memref_squeeze %dma_wait3A_74 : memref<1x50x32xf32, #tpu.memory_space<hbm>> -> memref<50x32xf32, #tpu.memory_space<hbm>>
    %dma_wait3A_76 = arith.constant 200 : i32
    %dma_wait3A_77 = arith.constant 0 : i32
    %dma_wait3A_78 = tpu.memref_slice %arg6[%dma_wait3A_76, %dma_wait3A_77] : memref<400x32xf32, #tpu.memory_space<vmem>> -> memref<50x32xf32, #tpu.memory_space<vmem>>
    tpu.wait_dma2 semaphore(%arg10 : memref<!tpu.dma_semaphore, #tpu.memory_space<semaphore_mem>>) src(%dma_wait3A_78 : memref<50x32xf32, #tpu.memory_space<vmem>>) dst(%dma_wait3A_75 : memref<50x32xf32, #tpu.memory_space<hbm>>)
    %dma_wait3A_79 = arith.constant 250 : i32
    %dma_wait3A_80 = arith.constant 0 : i32
    %dma_wait3A_81 = tpu.memref_slice %arg6[%dma_wait3A_79, %dma_wait3A_80] : memref<400x32xf32, #tpu.memory_space<vmem>> -> memref<50x32xf32, #tpu.memory_space<vmem>>
    %dma_wait3A_82 = arith.constant 0 : i32
    %dma_wait3A_83 = arith.constant 0 : i32
    %dma_wait3A_84 = tpu.memref_slice %arg4[%mul3A_2, %dma_wait3A_82, %dma_wait3A_83] : memref<4096x50x32xf32, #tpu.memory_space<hbm>> -> memref<1x50x32xf32, #tpu.memory_space<hbm>>
    %dma_wait3A_85 = tpu.memref_squeeze %dma_wait3A_84 : memref<1x50x32xf32, #tpu.memory_space<hbm>> -> memref<50x32xf32, #tpu.memory_space<hbm>>
    %dma_wait3A_86 = arith.constant 0 : i32
    %dma_wait3A_87 = arith.constant 0 : i32
    %dma_wait3A_88 = tpu.memref_slice %arg4[%mul3A_2, %dma_wait3A_86, %dma_wait3A_87] : memref<4096x50x32xf32, #tpu.memory_space<hbm>> -> memref<1x50x32xf32, #tpu.memory_space<hbm>>
    %dma_wait3A_89 = tpu.memref_squeeze %dma_wait3A_88 : memref<1x50x32xf32, #tpu.memory_space<hbm>> -> memref<50x32xf32, #tpu.memory_space<hbm>>
    %dma_wait3A_90 = arith.constant 250 : i32
    %dma_wait3A_91 = arith.constant 0 : i32
    %dma_wait3A_92 = tpu.memref_slice %arg6[%dma_wait3A_90, %dma_wait3A_91] : memref<400x32xf32, #tpu.memory_space<vmem>> -> memref<50x32xf32, #tpu.memory_space<vmem>>
    tpu.wait_dma2 semaphore(%arg10 : memref<!tpu.dma_semaphore, #tpu.memory_space<semaphore_mem>>) src(%dma_wait3A_92 : memref<50x32xf32, #tpu.memory_space<vmem>>) dst(%dma_wait3A_89 : memref<50x32xf32, #tpu.memory_space<hbm>>)
    %dma_wait3A_93 = arith.constant 300 : i32
    %dma_wait3A_94 = arith.constant 0 : i32
    %dma_wait3A_95 = tpu.memref_slice %arg6[%dma_wait3A_93, %dma_wait3A_94] : memref<400x32xf32, #tpu.memory_space<vmem>> -> memref<50x32xf32, #tpu.memory_space<vmem>>
    %dma_wait3A_96 = arith.constant 0 : i32
    %dma_wait3A_97 = arith.constant 0 : i32
    %dma_wait3A_98 = tpu.memref_slice %arg4[%mul3A_2, %dma_wait3A_96, %dma_wait3A_97] : memref<4096x50x32xf32, #tpu.memory_space<hbm>> -> memref<1x50x32xf32, #tpu.memory_space<hbm>>
    %dma_wait3A_99 = tpu.memref_squeeze %dma_wait3A_98 : memref<1x50x32xf32, #tpu.memory_space<hbm>> -> memref<50x32xf32, #tpu.memory_space<hbm>>
    %dma_wait3A_100 = arith.constant 0 : i32
    %dma_wait3A_101 = arith.constant 0 : i32
    %dma_wait3A_102 = tpu.memref_slice %arg4[%mul3A_2, %dma_wait3A_100, %dma_wait3A_101] : memref<4096x50x32xf32, #tpu.memory_space<hbm>> -> memref<1x50x32xf32, #tpu.memory_space<hbm>>
    %dma_wait3A_103 = tpu.memref_squeeze %dma_wait3A_102 : memref<1x50x32xf32, #tpu.memory_space<hbm>> -> memref<50x32xf32, #tpu.memory_space<hbm>>
    %dma_wait3A_104 = arith.constant 300 : i32
    %dma_wait3A_105 = arith.constant 0 : i32
    %dma_wait3A_106 = tpu.memref_slice %arg6[%dma_wait3A_104, %dma_wait3A_105] : memref<400x32xf32, #tpu.memory_space<vmem>> -> memref<50x32xf32, #tpu.memory_space<vmem>>
    tpu.wait_dma2 semaphore(%arg10 : memref<!tpu.dma_semaphore, #tpu.memory_space<semaphore_mem>>) src(%dma_wait3A_106 : memref<50x32xf32, #tpu.memory_space<vmem>>) dst(%dma_wait3A_103 : memref<50x32xf32, #tpu.memory_space<hbm>>)
    %dma_wait3A_107 = arith.constant 350 : i32
    %dma_wait3A_108 = arith.constant 0 : i32
    %dma_wait3A_109 = tpu.memref_slice %arg6[%dma_wait3A_107, %dma_wait3A_108] : memref<400x32xf32, #tpu.memory_space<vmem>> -> memref<50x32xf32, #tpu.memory_space<vmem>>
    %dma_wait3A_110 = arith.constant 0 : i32
    %dma_wait3A_111 = arith.constant 0 : i32
    %dma_wait3A_112 = tpu.memref_slice %arg4[%mul3A_2, %dma_wait3A_110, %dma_wait3A_111] : memref<4096x50x32xf32, #tpu.memory_space<hbm>> -> memref<1x50x32xf32, #tpu.memory_space<hbm>>
    %dma_wait3A_113 = tpu.memref_squeeze %dma_wait3A_112 : memref<1x50x32xf32, #tpu.memory_space<hbm>> -> memref<50x32xf32, #tpu.memory_space<hbm>>
    %dma_wait3A_114 = arith.constant 0 : i32
    %dma_wait3A_115 = arith.constant 0 : i32
    %dma_wait3A_116 = tpu.memref_slice %arg4[%mul3A_2, %dma_wait3A_114, %dma_wait3A_115] : memref<4096x50x32xf32, #tpu.memory_space<hbm>> -> memref<1x50x32xf32, #tpu.memory_space<hbm>>
    %dma_wait3A_117 = tpu.memref_squeeze %dma_wait3A_116 : memref<1x50x32xf32, #tpu.memory_space<hbm>> -> memref<50x32xf32, #tpu.memory_space<hbm>>
    %dma_wait3A_118 = arith.constant 350 : i32
    %dma_wait3A_119 = arith.constant 0 : i32
    %dma_wait3A_120 = tpu.memref_slice %arg6[%dma_wait3A_118, %dma_wait3A_119] : memref<400x32xf32, #tpu.memory_space<vmem>> -> memref<50x32xf32, #tpu.memory_space<vmem>>
    tpu.wait_dma2 semaphore(%arg10 : memref<!tpu.dma_semaphore, #tpu.memory_space<semaphore_mem>>) src(%dma_wait3A_120 : memref<50x32xf32, #tpu.memory_space<vmem>>) dst(%dma_wait3A_117 : memref<50x32xf32, #tpu.memory_space<hbm>>)
    %dma_wait3A_121 = arith.constant 0 : i32
    %dma_wait3A_122 = arith.constant 0 : i32
    %dma_wait3A_123 = tpu.memref_slice %arg7[%dma_wait3A_121, %dma_wait3A_122] : memref<400x32xf32, #tpu.memory_space<vmem>> -> memref<50x32xf32, #tpu.memory_space<vmem>>
    %dma_wait3A_124 = arith.constant 0 : i32
    %dma_wait3A_125 = arith.constant 0 : i32
    %dma_wait3A_126 = tpu.memref_slice %arg4[%mul3A_2, %dma_wait3A_124, %dma_wait3A_125] : memref<4096x50x32xf32, #tpu.memory_space<hbm>> -> memref<1x50x32xf32, #tpu.memory_space<hbm>>
    %dma_wait3A_127 = tpu.memref_squeeze %dma_wait3A_126 : memref<1x50x32xf32, #tpu.memory_space<hbm>> -> memref<50x32xf32, #tpu.memory_space<hbm>>
    %dma_wait3A_128 = arith.constant 0 : i32
    %dma_wait3A_129 = arith.constant 0 : i32
    %dma_wait3A_130 = tpu.memref_slice %arg4[%mul3A_2, %dma_wait3A_128, %dma_wait3A_129] : memref<4096x50x32xf32, #tpu.memory_space<hbm>> -> memref<1x50x32xf32, #tpu.memory_space<hbm>>
    %dma_wait3A_131 = tpu.memref_squeeze %dma_wait3A_130 : memref<1x50x32xf32, #tpu.memory_space<hbm>> -> memref<50x32xf32, #tpu.memory_space<hbm>>
    %dma_wait3A_132 = arith.constant 0 : i32
    %dma_wait3A_133 = arith.constant 0 : i32
    %dma_wait3A_134 = tpu.memref_slice %arg7[%dma_wait3A_132, %dma_wait3A_133] : memref<400x32xf32, #tpu.memory_space<vmem>> -> memref<50x32xf32, #tpu.memory_space<vmem>>
    tpu.wait_dma2 semaphore(%arg11 : memref<!tpu.dma_semaphore, #tpu.memory_space<semaphore_mem>>) src(%dma_wait3A_134 : memref<50x32xf32, #tpu.memory_space<vmem>>) dst(%dma_wait3A_131 : memref<50x32xf32, #tpu.memory_space<hbm>>)
    %dma_wait3A_135 = arith.constant 50 : i32
    %dma_wait3A_136 = arith.constant 0 : i32
    %dma_wait3A_137 = tpu.memref_slice %arg7[%dma_wait3A_135, %dma_wait3A_136] : memref<400x32xf32, #tpu.memory_space<vmem>> -> memref<50x32xf32, #tpu.memory_space<vmem>>
    %dma_wait3A_138 = arith.constant 0 : i32
    %dma_wait3A_139 = arith.constant 0 : i32
    %dma_wait3A_140 = tpu.memref_slice %arg4[%mul3A_2, %dma_wait3A_138, %dma_wait3A_139] : memref<4096x50x32xf32, #tpu.memory_space<hbm>> -> memref<1x50x32xf32, #tpu.memory_space<hbm>>
    %dma_wait3A_141 = tpu.memref_squeeze %dma_wait3A_140 : memref<1x50x32xf32, #tpu.memory_space<hbm>> -> memref<50x32xf32, #tpu.memory_space<hbm>>
    %dma_wait3A_142 = arith.constant 0 : i32
    %dma_wait3A_143 = arith.constant 0 : i32
    %dma_wait3A_144 = tpu.memref_slice %arg4[%mul3A_2, %dma_wait3A_142, %dma_wait3A_143] : memref<4096x50x32xf32, #tpu.memory_space<hbm>> -> memref<1x50x32xf32, #tpu.memory_space<hbm>>
    %dma_wait3A_145 = tpu.memref_squeeze %dma_wait3A_144 : memref<1x50x32xf32, #tpu.memory_space<hbm>> -> memref<50x32xf32, #tpu.memory_space<hbm>>
    %dma_wait3A_146 = arith.constant 50 : i32
    %dma_wait3A_147 = arith.constant 0 : i32
    %dma_wait3A_148 = tpu.memref_slice %arg7[%dma_wait3A_146, %dma_wait3A_147] : memref<400x32xf32, #tpu.memory_space<vmem>> -> memref<50x32xf32, #tpu.memory_space<vmem>>
    tpu.wait_dma2 semaphore(%arg11 : memref<!tpu.dma_semaphore, #tpu.memory_space<semaphore_mem>>) src(%dma_wait3A_148 : memref<50x32xf32, #tpu.memory_space<vmem>>) dst(%dma_wait3A_145 : memref<50x32xf32, #tpu.memory_space<hbm>>)
    %dma_wait3A_149 = arith.constant 100 : i32
    %dma_wait3A_150 = arith.constant 0 : i32
    %dma_wait3A_151 = tpu.memref_slice %arg7[%dma_wait3A_149, %dma_wait3A_150] : memref<400x32xf32, #tpu.memory_space<vmem>> -> memref<50x32xf32, #tpu.memory_space<vmem>>
    %dma_wait3A_152 = arith.constant 0 : i32
    %dma_wait3A_153 = arith.constant 0 : i32
    %dma_wait3A_154 = tpu.memref_slice %arg4[%mul3A_2, %dma_wait3A_152, %dma_wait3A_153] : memref<4096x50x32xf32, #tpu.memory_space<hbm>> -> memref<1x50x32xf32, #tpu.memory_space<hbm>>
    %dma_wait3A_155 = tpu.memref_squeeze %dma_wait3A_154 : memref<1x50x32xf32, #tpu.memory_space<hbm>> -> memref<50x32xf32, #tpu.memory_space<hbm>>
    %dma_wait3A_156 = arith.constant 0 : i32
    %dma_wait3A_157 = arith.constant 0 : i32
    %dma_wait3A_158 = tpu.memref_slice %arg4[%mul3A_2, %dma_wait3A_156, %dma_wait3A_157] : memref<4096x50x32xf32, #tpu.memory_space<hbm>> -> memref<1x50x32xf32, #tpu.memory_space<hbm>>
    %dma_wait3A_159 = tpu.memref_squeeze %dma_wait3A_158 : memref<1x50x32xf32, #tpu.memory_space<hbm>> -> memref<50x32xf32, #tpu.memory_space<hbm>>
    %dma_wait3A_160 = arith.constant 100 : i32
    %dma_wait3A_161 = arith.constant 0 : i32
    %dma_wait3A_162 = tpu.memref_slice %arg7[%dma_wait3A_160, %dma_wait3A_161] : memref<400x32xf32, #tpu.memory_space<vmem>> -> memref<50x32xf32, #tpu.memory_space<vmem>>
    tpu.wait_dma2 semaphore(%arg11 : memref<!tpu.dma_semaphore, #tpu.memory_space<semaphore_mem>>) src(%dma_wait3A_162 : memref<50x32xf32, #tpu.memory_space<vmem>>) dst(%dma_wait3A_159 : memref<50x32xf32, #tpu.memory_space<hbm>>)
    %dma_wait3A_163 = arith.constant 150 : i32
    %dma_wait3A_164 = arith.constant 0 : i32
    %dma_wait3A_165 = tpu.memref_slice %arg7[%dma_wait3A_163, %dma_wait3A_164] : memref<400x32xf32, #tpu.memory_space<vmem>> -> memref<50x32xf32, #tpu.memory_space<vmem>>
    %dma_wait3A_166 = arith.constant 0 : i32
    %dma_wait3A_167 = arith.constant 0 : i32
    %dma_wait3A_168 = tpu.memref_slice %arg4[%mul3A_2, %dma_wait3A_166, %dma_wait3A_167] : memref<4096x50x32xf32, #tpu.memory_space<hbm>> -> memref<1x50x32xf32, #tpu.memory_space<hbm>>
    %dma_wait3A_169 = tpu.memref_squeeze %dma_wait3A_168 : memref<1x50x32xf32, #tpu.memory_space<hbm>> -> memref<50x32xf32, #tpu.memory_space<hbm>>
    %dma_wait3A_170 = arith.constant 0 : i32
    %dma_wait3A_171 = arith.constant 0 : i32
    %dma_wait3A_172 = tpu.memref_slice %arg4[%mul3A_2, %dma_wait3A_170, %dma_wait3A_171] : memref<4096x50x32xf32, #tpu.memory_space<hbm>> -> memref<1x50x32xf32, #tpu.memory_space<hbm>>
    %dma_wait3A_173 = tpu.memref_squeeze %dma_wait3A_172 : memref<1x50x32xf32, #tpu.memory_space<hbm>> -> memref<50x32xf32, #tpu.memory_space<hbm>>
    %dma_wait3A_174 = arith.constant 150 : i32
    %dma_wait3A_175 = arith.constant 0 : i32
    %dma_wait3A_176 = tpu.memref_slice %arg7[%dma_wait3A_174, %dma_wait3A_175] : memref<400x32xf32, #tpu.memory_space<vmem>> -> memref<50x32xf32, #tpu.memory_space<vmem>>
    tpu.wait_dma2 semaphore(%arg11 : memref<!tpu.dma_semaphore, #tpu.memory_space<semaphore_mem>>) src(%dma_wait3A_176 : memref<50x32xf32, #tpu.memory_space<vmem>>) dst(%dma_wait3A_173 : memref<50x32xf32, #tpu.memory_space<hbm>>)
    %dma_wait3A_177 = arith.constant 200 : i32
    %dma_wait3A_178 = arith.constant 0 : i32
    %dma_wait3A_179 = tpu.memref_slice %arg7[%dma_wait3A_177, %dma_wait3A_178] : memref<400x32xf32, #tpu.memory_space<vmem>> -> memref<50x32xf32, #tpu.memory_space<vmem>>
    %dma_wait3A_180 = arith.constant 0 : i32
    %dma_wait3A_181 = arith.constant 0 : i32
    %dma_wait3A_182 = tpu.memref_slice %arg4[%mul3A_2, %dma_wait3A_180, %dma_wait3A_181] : memref<4096x50x32xf32, #tpu.memory_space<hbm>> -> memref<1x50x32xf32, #tpu.memory_space<hbm>>
    %dma_wait3A_183 = tpu.memref_squeeze %dma_wait3A_182 : memref<1x50x32xf32, #tpu.memory_space<hbm>> -> memref<50x32xf32, #tpu.memory_space<hbm>>
    %dma_wait3A_184 = arith.constant 0 : i32
    %dma_wait3A_185 = arith.constant 0 : i32
    %dma_wait3A_186 = tpu.memref_slice %arg4[%mul3A_2, %dma_wait3A_184, %dma_wait3A_185] : memref<4096x50x32xf32, #tpu.memory_space<hbm>> -> memref<1x50x32xf32, #tpu.memory_space<hbm>>
    %dma_wait3A_187 = tpu.memref_squeeze %dma_wait3A_186 : memref<1x50x32xf32, #tpu.memory_space<hbm>> -> memref<50x32xf32, #tpu.memory_space<hbm>>
    %dma_wait3A_188 = arith.constant 200 : i32
    %dma_wait3A_189 = arith.constant 0 : i32
    %dma_wait3A_190 = tpu.memref_slice %arg7[%dma_wait3A_188, %dma_wait3A_189] : memref<400x32xf32, #tpu.memory_space<vmem>> -> memref<50x32xf32, #tpu.memory_space<vmem>>
    tpu.wait_dma2 semaphore(%arg11 : memref<!tpu.dma_semaphore, #tpu.memory_space<semaphore_mem>>) src(%dma_wait3A_190 : memref<50x32xf32, #tpu.memory_space<vmem>>) dst(%dma_wait3A_187 : memref<50x32xf32, #tpu.memory_space<hbm>>)
    %dma_wait3A_191 = arith.constant 250 : i32
    %dma_wait3A_192 = arith.constant 0 : i32
    %dma_wait3A_193 = tpu.memref_slice %arg7[%dma_wait3A_191, %dma_wait3A_192] : memref<400x32xf32, #tpu.memory_space<vmem>> -> memref<50x32xf32, #tpu.memory_space<vmem>>
    %dma_wait3A_194 = arith.constant 0 : i32
    %dma_wait3A_195 = arith.constant 0 : i32
    %dma_wait3A_196 = tpu.memref_slice %arg4[%mul3A_2, %dma_wait3A_194, %dma_wait3A_195] : memref<4096x50x32xf32, #tpu.memory_space<hbm>> -> memref<1x50x32xf32, #tpu.memory_space<hbm>>
    %dma_wait3A_197 = tpu.memref_squeeze %dma_wait3A_196 : memref<1x50x32xf32, #tpu.memory_space<hbm>> -> memref<50x32xf32, #tpu.memory_space<hbm>>
    %dma_wait3A_198 = arith.constant 0 : i32
    %dma_wait3A_199 = arith.constant 0 : i32
    %dma_wait3A_200 = tpu.memref_slice %arg4[%mul3A_2, %dma_wait3A_198, %dma_wait3A_199] : memref<4096x50x32xf32, #tpu.memory_space<hbm>> -> memref<1x50x32xf32, #tpu.memory_space<hbm>>
    %dma_wait3A_201 = tpu.memref_squeeze %dma_wait3A_200 : memref<1x50x32xf32, #tpu.memory_space<hbm>> -> memref<50x32xf32, #tpu.memory_space<hbm>>
    %dma_wait3A_202 = arith.constant 250 : i32
    %dma_wait3A_203 = arith.constant 0 : i32
    %dma_wait3A_204 = tpu.memref_slice %arg7[%dma_wait3A_202, %dma_wait3A_203] : memref<400x32xf32, #tpu.memory_space<vmem>> -> memref<50x32xf32, #tpu.memory_space<vmem>>
    tpu.wait_dma2 semaphore(%arg11 : memref<!tpu.dma_semaphore, #tpu.memory_space<semaphore_mem>>) src(%dma_wait3A_204 : memref<50x32xf32, #tpu.memory_space<vmem>>) dst(%dma_wait3A_201 : memref<50x32xf32, #tpu.memory_space<hbm>>)
    %dma_wait3A_205 = arith.constant 300 : i32
    %dma_wait3A_206 = arith.constant 0 : i32
    %dma_wait3A_207 = tpu.memref_slice %arg7[%dma_wait3A_205, %dma_wait3A_206] : memref<400x32xf32, #tpu.memory_space<vmem>> -> memref<50x32xf32, #tpu.memory_space<vmem>>
    %dma_wait3A_208 = arith.constant 0 : i32
    %dma_wait3A_209 = arith.constant 0 : i32
    %dma_wait3A_210 = tpu.memref_slice %arg4[%mul3A_2, %dma_wait3A_208, %dma_wait3A_209] : memref<4096x50x32xf32, #tpu.memory_space<hbm>> -> memref<1x50x32xf32, #tpu.memory_space<hbm>>
    %dma_wait3A_211 = tpu.memref_squeeze %dma_wait3A_210 : memref<1x50x32xf32, #tpu.memory_space<hbm>> -> memref<50x32xf32, #tpu.memory_space<hbm>>
    %dma_wait3A_212 = arith.constant 0 : i32
    %dma_wait3A_213 = arith.constant 0 : i32
    %dma_wait3A_214 = tpu.memref_slice %arg4[%mul3A_2, %dma_wait3A_212, %dma_wait3A_213] : memref<4096x50x32xf32, #tpu.memory_space<hbm>> -> memref<1x50x32xf32, #tpu.memory_space<hbm>>
    %dma_wait3A_215 = tpu.memref_squeeze %dma_wait3A_214 : memref<1x50x32xf32, #tpu.memory_space<hbm>> -> memref<50x32xf32, #tpu.memory_space<hbm>>
    %dma_wait3A_216 = arith.constant 300 : i32
    %dma_wait3A_217 = arith.constant 0 : i32
    %dma_wait3A_218 = tpu.memref_slice %arg7[%dma_wait3A_216, %dma_wait3A_217] : memref<400x32xf32, #tpu.memory_space<vmem>> -> memref<50x32xf32, #tpu.memory_space<vmem>>
    tpu.wait_dma2 semaphore(%arg11 : memref<!tpu.dma_semaphore, #tpu.memory_space<semaphore_mem>>) src(%dma_wait3A_218 : memref<50x32xf32, #tpu.memory_space<vmem>>) dst(%dma_wait3A_215 : memref<50x32xf32, #tpu.memory_space<hbm>>)
    %dma_wait3A_219 = arith.constant 350 : i32
    %dma_wait3A_220 = arith.constant 0 : i32
    %dma_wait3A_221 = tpu.memref_slice %arg7[%dma_wait3A_219, %dma_wait3A_220] : memref<400x32xf32, #tpu.memory_space<vmem>> -> memref<50x32xf32, #tpu.memory_space<vmem>>
    %dma_wait3A_222 = arith.constant 0 : i32
    %dma_wait3A_223 = arith.constant 0 : i32
    %dma_wait3A_224 = tpu.memref_slice %arg4[%mul3A_2, %dma_wait3A_222, %dma_wait3A_223] : memref<4096x50x32xf32, #tpu.memory_space<hbm>> -> memref<1x50x32xf32, #tpu.memory_space<hbm>>
    %dma_wait3A_225 = tpu.memref_squeeze %dma_wait3A_224 : memref<1x50x32xf32, #tpu.memory_space<hbm>> -> memref<50x32xf32, #tpu.memory_space<hbm>>
    %dma_wait3A_226 = arith.constant 0 : i32
    %dma_wait3A_227 = arith.constant 0 : i32
    %dma_wait3A_228 = tpu.memref_slice %arg4[%mul3A_2, %dma_wait3A_226, %dma_wait3A_227] : memref<4096x50x32xf32, #tpu.memory_space<hbm>> -> memref<1x50x32xf32, #tpu.memory_space<hbm>>
    %dma_wait3A_229 = tpu.memref_squeeze %dma_wait3A_228 : memref<1x50x32xf32, #tpu.memory_space<hbm>> -> memref<50x32xf32, #tpu.memory_space<hbm>>
    %dma_wait3A_230 = arith.constant 350 : i32
    %dma_wait3A_231 = arith.constant 0 : i32
    %dma_wait3A_232 = tpu.memref_slice %arg7[%dma_wait3A_230, %dma_wait3A_231] : memref<400x32xf32, #tpu.memory_space<vmem>> -> memref<50x32xf32, #tpu.memory_space<vmem>>
    tpu.wait_dma2 semaphore(%arg11 : memref<!tpu.dma_semaphore, #tpu.memory_space<semaphore_mem>>) src(%dma_wait3A_232 : memref<50x32xf32, #tpu.memory_space<vmem>>) dst(%dma_wait3A_229 : memref<50x32xf32, #tpu.memory_space<hbm>>)
    return
  }
}

#map = affine_map<(d0, d1) -> (0)>
#map1 = affine_map<(d0, d1) -> (0, 0)>
#map2 = affine_map<(d0, d1) -> (0, 0, 0)>
module attributes {stable_mosaic.version = 14 : i64} {
  func.func @_gather_body(%arg0: i32, %arg1: i32, %arg2: memref<204800xi32, #tpu.memory_space<hbm>>, %arg3: memref<1000000x32xf32, #tpu.memory_space<hbm>>, %arg4: memref<4096x50x32xf32, #tpu.memory_space<hbm>>, %arg5: memref<6400xi32, #tpu.memory_space<vmem>>, %arg6: memref<400x32xf32, #tpu.memory_space<vmem>>, %arg7: memref<400x32xf32, #tpu.memory_space<vmem>>, %arg8: memref<!tpu.dma_semaphore, #tpu.memory_space<semaphore_mem>>, %arg9: memref<!tpu.dma_semaphore, #tpu.memory_space<semaphore_mem>>, %arg10: memref<!tpu.dma_semaphore, #tpu.memory_space<semaphore_mem>>, %arg11: memref<!tpu.dma_semaphore, #tpu.memory_space<semaphore_mem>>) attributes {dimension_semantics = [#tpu.dimension_semantics<core_parallel>, #tpu.dimension_semantics<subcore_parallel>], iteration_bounds = array<i64: 2, 16>, scalar_prefetch = 0 : i64, scratch_operands = 7 : i64, tpu.core_type = #tpu.core_type<sc_vector_subcore>, window_params = [{transform_indices = #map}, {transform_indices = #map1}, {transform_indices = #map2}]} {
    %mul3A = arith.constant 2 : i32
    %mul3A_0 = arith.muli %arg1, %mul3A : i32
    %add3A = arith.addi %mul3A_0, %arg0 : i32
    %mul3A_1 = arith.constant 128 : i32
    %mul3A_2 = arith.muli %add3A, %mul3A_1 : i32
    %mul3A_3 = arith.constant 50 : i32
    %mul3A_4 = arith.muli %mul3A_2, %mul3A_3 : i32
    "tpu.region"() ({
      %run_scoped3A = tpu.sem_alloc : memref<!tpu.dma_semaphore, #tpu.memory_space<semaphore_mem>>
      %dma_start3A = tpu.memref_slice %arg2[%mul3A_4] : memref<204800xi32, #tpu.memory_space<hbm>> -> memref<6400xi32, #tpu.memory_space<hbm>>
      %dma_start3A_233 = tpu.memref_slice %arg2[%mul3A_4] : memref<204800xi32, #tpu.memory_space<hbm>> -> memref<6400xi32, #tpu.memory_space<hbm>>
      tpu.enqueue_dma source(%dma_start3A_233 : memref<6400xi32, #tpu.memory_space<hbm>>) target(%arg5 : memref<6400xi32, #tpu.memory_space<vmem>>) target_semaphore(%run_scoped3A : memref<!tpu.dma_semaphore, #tpu.memory_space<semaphore_mem>>)
      %dma_wait3A_234 = tpu.memref_slice %arg2[%mul3A_4] : memref<204800xi32, #tpu.memory_space<hbm>> -> memref<6400xi32, #tpu.memory_space<hbm>>
      %dma_wait3A_235 = tpu.memref_slice %arg2[%mul3A_4] : memref<204800xi32, #tpu.memory_space<hbm>> -> memref<6400xi32, #tpu.memory_space<hbm>>
      tpu.wait_dma2 semaphore(%run_scoped3A : memref<!tpu.dma_semaphore, #tpu.memory_space<semaphore_mem>>) src(%dma_wait3A_235 : memref<6400xi32, #tpu.memory_space<hbm>>) dst(%arg5 : memref<6400xi32, #tpu.memory_space<vmem>>)
      tpu.yield
    }) : () -> ()
    %scan3A = arith.constant 0 : i32
    %scan3A_5 = arith.constant 0 : i32
    %scan3A_6 = arith.constant 8 : i32
    %scan3A_7 = arith.addi %scan3A_5, %scan3A_6 : i32
    %scan3A_8 = arith.constant 1 : i32
    scf.for %scan3A_233 = %scan3A_5 to %scan3A_7 step %scan3A_8  : i32 {
      %mul3A_234 = arith.constant 2 : i32
      %mul3A_235 = arith.muli %mul3A_234, %scan3A_233 : i32
      %add3A_236 = arith.constant 0 : i32
      %add3A_237 = arith.addi %mul3A_235, %add3A_236 : i32
      %ge3A = arith.constant 1 : i32
      %ge3A_238 = arith.cmpi sge, %scan3A_233, %ge3A : i32
      %convert_element_type3A = arith.extui %ge3A_238 : i1 to i32
      %cond3A = arith.constant 0 : i32
      %cond3A_239 = arith.cmpi ne, %convert_element_type3A, %cond3A : i32
      scf.if %cond3A_239 {
        %dma_wait3A_576 = arith.constant 0 : i32
        %dma_wait3A_577 = arith.constant 0 : i32
        %dma_wait3A_578 = tpu.memref_slice %arg6[%dma_wait3A_576, %dma_wait3A_577] : memref<400x32xf32, #tpu.memory_space<vmem>> -> memref<50x32xf32, #tpu.memory_space<vmem>>
        %dma_wait3A_579 = arith.constant 0 : i32
        %dma_wait3A_580 = arith.constant 0 : i32
        %dma_wait3A_581 = tpu.memref_slice %arg4[%mul3A_2, %dma_wait3A_579, %dma_wait3A_580] : memref<4096x50x32xf32, #tpu.memory_space<hbm>> -> memref<1x50x32xf32, #tpu.memory_space<hbm>>
        %dma_wait3A_582 = tpu.memref_squeeze %dma_wait3A_581 : memref<1x50x32xf32, #tpu.memory_space<hbm>> -> memref<50x32xf32, #tpu.memory_space<hbm>>
        %dma_wait3A_583 = arith.constant 0 : i32
        %dma_wait3A_584 = arith.constant 0 : i32
        %dma_wait3A_585 = tpu.memref_slice %arg4[%mul3A_2, %dma_wait3A_583, %dma_wait3A_584] : memref<4096x50x32xf32, #tpu.memory_space<hbm>> -> memref<1x50x32xf32, #tpu.memory_space<hbm>>
        %dma_wait3A_586 = tpu.memref_squeeze %dma_wait3A_585 : memref<1x50x32xf32, #tpu.memory_space<hbm>> -> memref<50x32xf32, #tpu.memory_space<hbm>>
        %dma_wait3A_587 = arith.constant 0 : i32
        %dma_wait3A_588 = arith.constant 0 : i32
        %dma_wait3A_589 = tpu.memref_slice %arg6[%dma_wait3A_587, %dma_wait3A_588] : memref<400x32xf32, #tpu.memory_space<vmem>> -> memref<50x32xf32, #tpu.memory_space<vmem>>
        tpu.wait_dma2 semaphore(%arg10 : memref<!tpu.dma_semaphore, #tpu.memory_space<semaphore_mem>>) src(%dma_wait3A_589 : memref<50x32xf32, #tpu.memory_space<vmem>>) dst(%dma_wait3A_586 : memref<50x32xf32, #tpu.memory_space<hbm>>)
        %dma_wait3A_590 = arith.constant 50 : i32
        %dma_wait3A_591 = arith.constant 0 : i32
        %dma_wait3A_592 = tpu.memref_slice %arg6[%dma_wait3A_590, %dma_wait3A_591] : memref<400x32xf32, #tpu.memory_space<vmem>> -> memref<50x32xf32, #tpu.memory_space<vmem>>
        %dma_wait3A_593 = arith.constant 0 : i32
        %dma_wait3A_594 = arith.constant 0 : i32
        %dma_wait3A_595 = tpu.memref_slice %arg4[%mul3A_2, %dma_wait3A_593, %dma_wait3A_594] : memref<4096x50x32xf32, #tpu.memory_space<hbm>> -> memref<1x50x32xf32, #tpu.memory_space<hbm>>
        %dma_wait3A_596 = tpu.memref_squeeze %dma_wait3A_595 : memref<1x50x32xf32, #tpu.memory_space<hbm>> -> memref<50x32xf32, #tpu.memory_space<hbm>>
        %dma_wait3A_597 = arith.constant 0 : i32
        %dma_wait3A_598 = arith.constant 0 : i32
        %dma_wait3A_599 = tpu.memref_slice %arg4[%mul3A_2, %dma_wait3A_597, %dma_wait3A_598] : memref<4096x50x32xf32, #tpu.memory_space<hbm>> -> memref<1x50x32xf32, #tpu.memory_space<hbm>>
        %dma_wait3A_600 = tpu.memref_squeeze %dma_wait3A_599 : memref<1x50x32xf32, #tpu.memory_space<hbm>> -> memref<50x32xf32, #tpu.memory_space<hbm>>
        %dma_wait3A_601 = arith.constant 50 : i32
        %dma_wait3A_602 = arith.constant 0 : i32
        %dma_wait3A_603 = tpu.memref_slice %arg6[%dma_wait3A_601, %dma_wait3A_602] : memref<400x32xf32, #tpu.memory_space<vmem>> -> memref<50x32xf32, #tpu.memory_space<vmem>>
        tpu.wait_dma2 semaphore(%arg10 : memref<!tpu.dma_semaphore, #tpu.memory_space<semaphore_mem>>) src(%dma_wait3A_603 : memref<50x32xf32, #tpu.memory_space<vmem>>) dst(%dma_wait3A_600 : memref<50x32xf32, #tpu.memory_space<hbm>>)
        %dma_wait3A_604 = arith.constant 100 : i32
        %dma_wait3A_605 = arith.constant 0 : i32
        %dma_wait3A_606 = tpu.memref_slice %arg6[%dma_wait3A_604, %dma_wait3A_605] : memref<400x32xf32, #tpu.memory_space<vmem>> -> memref<50x32xf32, #tpu.memory_space<vmem>>
        %dma_wait3A_607 = arith.constant 0 : i32
        %dma_wait3A_608 = arith.constant 0 : i32
        %dma_wait3A_609 = tpu.memref_slice %arg4[%mul3A_2, %dma_wait3A_607, %dma_wait3A_608] : memref<4096x50x32xf32, #tpu.memory_space<hbm>> -> memref<1x50x32xf32, #tpu.memory_space<hbm>>
        %dma_wait3A_610 = tpu.memref_squeeze %dma_wait3A_609 : memref<1x50x32xf32, #tpu.memory_space<hbm>> -> memref<50x32xf32, #tpu.memory_space<hbm>>
        %dma_wait3A_611 = arith.constant 0 : i32
        %dma_wait3A_612 = arith.constant 0 : i32
        %dma_wait3A_613 = tpu.memref_slice %arg4[%mul3A_2, %dma_wait3A_611, %dma_wait3A_612] : memref<4096x50x32xf32, #tpu.memory_space<hbm>> -> memref<1x50x32xf32, #tpu.memory_space<hbm>>
        %dma_wait3A_614 = tpu.memref_squeeze %dma_wait3A_613 : memref<1x50x32xf32, #tpu.memory_space<hbm>> -> memref<50x32xf32, #tpu.memory_space<hbm>>
        %dma_wait3A_615 = arith.constant 100 : i32
        %dma_wait3A_616 = arith.constant 0 : i32
        %dma_wait3A_617 = tpu.memref_slice %arg6[%dma_wait3A_615, %dma_wait3A_616] : memref<400x32xf32, #tpu.memory_space<vmem>> -> memref<50x32xf32, #tpu.memory_space<vmem>>
        tpu.wait_dma2 semaphore(%arg10 : memref<!tpu.dma_semaphore, #tpu.memory_space<semaphore_mem>>) src(%dma_wait3A_617 : memref<50x32xf32, #tpu.memory_space<vmem>>) dst(%dma_wait3A_614 : memref<50x32xf32, #tpu.memory_space<hbm>>)
        %dma_wait3A_618 = arith.constant 150 : i32
        %dma_wait3A_619 = arith.constant 0 : i32
        %dma_wait3A_620 = tpu.memref_slice %arg6[%dma_wait3A_618, %dma_wait3A_619] : memref<400x32xf32, #tpu.memory_space<vmem>> -> memref<50x32xf32, #tpu.memory_space<vmem>>
        %dma_wait3A_621 = arith.constant 0 : i32
        %dma_wait3A_622 = arith.constant 0 : i32
        %dma_wait3A_623 = tpu.memref_slice %arg4[%mul3A_2, %dma_wait3A_621, %dma_wait3A_622] : memref<4096x50x32xf32, #tpu.memory_space<hbm>> -> memref<1x50x32xf32, #tpu.memory_space<hbm>>
        %dma_wait3A_624 = tpu.memref_squeeze %dma_wait3A_623 : memref<1x50x32xf32, #tpu.memory_space<hbm>> -> memref<50x32xf32, #tpu.memory_space<hbm>>
        %dma_wait3A_625 = arith.constant 0 : i32
        %dma_wait3A_626 = arith.constant 0 : i32
        %dma_wait3A_627 = tpu.memref_slice %arg4[%mul3A_2, %dma_wait3A_625, %dma_wait3A_626] : memref<4096x50x32xf32, #tpu.memory_space<hbm>> -> memref<1x50x32xf32, #tpu.memory_space<hbm>>
        %dma_wait3A_628 = tpu.memref_squeeze %dma_wait3A_627 : memref<1x50x32xf32, #tpu.memory_space<hbm>> -> memref<50x32xf32, #tpu.memory_space<hbm>>
        %dma_wait3A_629 = arith.constant 150 : i32
        %dma_wait3A_630 = arith.constant 0 : i32
        %dma_wait3A_631 = tpu.memref_slice %arg6[%dma_wait3A_629, %dma_wait3A_630] : memref<400x32xf32, #tpu.memory_space<vmem>> -> memref<50x32xf32, #tpu.memory_space<vmem>>
        tpu.wait_dma2 semaphore(%arg10 : memref<!tpu.dma_semaphore, #tpu.memory_space<semaphore_mem>>) src(%dma_wait3A_631 : memref<50x32xf32, #tpu.memory_space<vmem>>) dst(%dma_wait3A_628 : memref<50x32xf32, #tpu.memory_space<hbm>>)
        %dma_wait3A_632 = arith.constant 200 : i32
        %dma_wait3A_633 = arith.constant 0 : i32
        %dma_wait3A_634 = tpu.memref_slice %arg6[%dma_wait3A_632, %dma_wait3A_633] : memref<400x32xf32, #tpu.memory_space<vmem>> -> memref<50x32xf32, #tpu.memory_space<vmem>>
        %dma_wait3A_635 = arith.constant 0 : i32
        %dma_wait3A_636 = arith.constant 0 : i32
        %dma_wait3A_637 = tpu.memref_slice %arg4[%mul3A_2, %dma_wait3A_635, %dma_wait3A_636] : memref<4096x50x32xf32, #tpu.memory_space<hbm>> -> memref<1x50x32xf32, #tpu.memory_space<hbm>>
        %dma_wait3A_638 = tpu.memref_squeeze %dma_wait3A_637 : memref<1x50x32xf32, #tpu.memory_space<hbm>> -> memref<50x32xf32, #tpu.memory_space<hbm>>
        %dma_wait3A_639 = arith.constant 0 : i32
        %dma_wait3A_640 = arith.constant 0 : i32
        %dma_wait3A_641 = tpu.memref_slice %arg4[%mul3A_2, %dma_wait3A_639, %dma_wait3A_640] : memref<4096x50x32xf32, #tpu.memory_space<hbm>> -> memref<1x50x32xf32, #tpu.memory_space<hbm>>
        %dma_wait3A_642 = tpu.memref_squeeze %dma_wait3A_641 : memref<1x50x32xf32, #tpu.memory_space<hbm>> -> memref<50x32xf32, #tpu.memory_space<hbm>>
        %dma_wait3A_643 = arith.constant 200 : i32
        %dma_wait3A_644 = arith.constant 0 : i32
        %dma_wait3A_645 = tpu.memref_slice %arg6[%dma_wait3A_643, %dma_wait3A_644] : memref<400x32xf32, #tpu.memory_space<vmem>> -> memref<50x32xf32, #tpu.memory_space<vmem>>
        tpu.wait_dma2 semaphore(%arg10 : memref<!tpu.dma_semaphore, #tpu.memory_space<semaphore_mem>>) src(%dma_wait3A_645 : memref<50x32xf32, #tpu.memory_space<vmem>>) dst(%dma_wait3A_642 : memref<50x32xf32, #tpu.memory_space<hbm>>)
        %dma_wait3A_646 = arith.constant 250 : i32
        %dma_wait3A_647 = arith.constant 0 : i32
        %dma_wait3A_648 = tpu.memref_slice %arg6[%dma_wait3A_646, %dma_wait3A_647] : memref<400x32xf32, #tpu.memory_space<vmem>> -> memref<50x32xf32, #tpu.memory_space<vmem>>
        %dma_wait3A_649 = arith.constant 0 : i32
        %dma_wait3A_650 = arith.constant 0 : i32
        %dma_wait3A_651 = tpu.memref_slice %arg4[%mul3A_2, %dma_wait3A_649, %dma_wait3A_650] : memref<4096x50x32xf32, #tpu.memory_space<hbm>> -> memref<1x50x32xf32, #tpu.memory_space<hbm>>
        %dma_wait3A_652 = tpu.memref_squeeze %dma_wait3A_651 : memref<1x50x32xf32, #tpu.memory_space<hbm>> -> memref<50x32xf32, #tpu.memory_space<hbm>>
        %dma_wait3A_653 = arith.constant 0 : i32
        %dma_wait3A_654 = arith.constant 0 : i32
        %dma_wait3A_655 = tpu.memref_slice %arg4[%mul3A_2, %dma_wait3A_653, %dma_wait3A_654] : memref<4096x50x32xf32, #tpu.memory_space<hbm>> -> memref<1x50x32xf32, #tpu.memory_space<hbm>>
        %dma_wait3A_656 = tpu.memref_squeeze %dma_wait3A_655 : memref<1x50x32xf32, #tpu.memory_space<hbm>> -> memref<50x32xf32, #tpu.memory_space<hbm>>
        %dma_wait3A_657 = arith.constant 250 : i32
        %dma_wait3A_658 = arith.constant 0 : i32
        %dma_wait3A_659 = tpu.memref_slice %arg6[%dma_wait3A_657, %dma_wait3A_658] : memref<400x32xf32, #tpu.memory_space<vmem>> -> memref<50x32xf32, #tpu.memory_space<vmem>>
        tpu.wait_dma2 semaphore(%arg10 : memref<!tpu.dma_semaphore, #tpu.memory_space<semaphore_mem>>) src(%dma_wait3A_659 : memref<50x32xf32, #tpu.memory_space<vmem>>) dst(%dma_wait3A_656 : memref<50x32xf32, #tpu.memory_space<hbm>>)
        %dma_wait3A_660 = arith.constant 300 : i32
        %dma_wait3A_661 = arith.constant 0 : i32
        %dma_wait3A_662 = tpu.memref_slice %arg6[%dma_wait3A_660, %dma_wait3A_661] : memref<400x32xf32, #tpu.memory_space<vmem>> -> memref<50x32xf32, #tpu.memory_space<vmem>>
        %dma_wait3A_663 = arith.constant 0 : i32
        %dma_wait3A_664 = arith.constant 0 : i32
        %dma_wait3A_665 = tpu.memref_slice %arg4[%mul3A_2, %dma_wait3A_663, %dma_wait3A_664] : memref<4096x50x32xf32, #tpu.memory_space<hbm>> -> memref<1x50x32xf32, #tpu.memory_space<hbm>>
        %dma_wait3A_666 = tpu.memref_squeeze %dma_wait3A_665 : memref<1x50x32xf32, #tpu.memory_space<hbm>> -> memref<50x32xf32, #tpu.memory_space<hbm>>
        %dma_wait3A_667 = arith.constant 0 : i32
        %dma_wait3A_668 = arith.constant 0 : i32
        %dma_wait3A_669 = tpu.memref_slice %arg4[%mul3A_2, %dma_wait3A_667, %dma_wait3A_668] : memref<4096x50x32xf32, #tpu.memory_space<hbm>> -> memref<1x50x32xf32, #tpu.memory_space<hbm>>
        %dma_wait3A_670 = tpu.memref_squeeze %dma_wait3A_669 : memref<1x50x32xf32, #tpu.memory_space<hbm>> -> memref<50x32xf32, #tpu.memory_space<hbm>>
        %dma_wait3A_671 = arith.constant 300 : i32
        %dma_wait3A_672 = arith.constant 0 : i32
        %dma_wait3A_673 = tpu.memref_slice %arg6[%dma_wait3A_671, %dma_wait3A_672] : memref<400x32xf32, #tpu.memory_space<vmem>> -> memref<50x32xf32, #tpu.memory_space<vmem>>
        tpu.wait_dma2 semaphore(%arg10 : memref<!tpu.dma_semaphore, #tpu.memory_space<semaphore_mem>>) src(%dma_wait3A_673 : memref<50x32xf32, #tpu.memory_space<vmem>>) dst(%dma_wait3A_670 : memref<50x32xf32, #tpu.memory_space<hbm>>)
        %dma_wait3A_674 = arith.constant 350 : i32
        %dma_wait3A_675 = arith.constant 0 : i32
        %dma_wait3A_676 = tpu.memref_slice %arg6[%dma_wait3A_674, %dma_wait3A_675] : memref<400x32xf32, #tpu.memory_space<vmem>> -> memref<50x32xf32, #tpu.memory_space<vmem>>
        %dma_wait3A_677 = arith.constant 0 : i32
        %dma_wait3A_678 = arith.constant 0 : i32
        %dma_wait3A_679 = tpu.memref_slice %arg4[%mul3A_2, %dma_wait3A_677, %dma_wait3A_678] : memref<4096x50x32xf32, #tpu.memory_space<hbm>> -> memref<1x50x32xf32, #tpu.memory_space<hbm>>
        %dma_wait3A_680 = tpu.memref_squeeze %dma_wait3A_679 : memref<1x50x32xf32, #tpu.memory_space<hbm>> -> memref<50x32xf32, #tpu.memory_space<hbm>>
        %dma_wait3A_681 = arith.constant 0 : i32
        %dma_wait3A_682 = arith.constant 0 : i32
        %dma_wait3A_683 = tpu.memref_slice %arg4[%mul3A_2, %dma_wait3A_681, %dma_wait3A_682] : memref<4096x50x32xf32, #tpu.memory_space<hbm>> -> memref<1x50x32xf32, #tpu.memory_space<hbm>>
        %dma_wait3A_684 = tpu.memref_squeeze %dma_wait3A_683 : memref<1x50x32xf32, #tpu.memory_space<hbm>> -> memref<50x32xf32, #tpu.memory_space<hbm>>
        %dma_wait3A_685 = arith.constant 350 : i32
        %dma_wait3A_686 = arith.constant 0 : i32
        %dma_wait3A_687 = tpu.memref_slice %arg6[%dma_wait3A_685, %dma_wait3A_686] : memref<400x32xf32, #tpu.memory_space<vmem>> -> memref<50x32xf32, #tpu.memory_space<vmem>>
        tpu.wait_dma2 semaphore(%arg10 : memref<!tpu.dma_semaphore, #tpu.memory_space<semaphore_mem>>) src(%dma_wait3A_687 : memref<50x32xf32, #tpu.memory_space<vmem>>) dst(%dma_wait3A_684 : memref<50x32xf32, #tpu.memory_space<hbm>>)
      } else {
      }
      %mul3A_240 = arith.constant 8 : i32
      %mul3A_241 = arith.muli %add3A_237, %mul3A_240 : i32
      %mul3A_242 = arith.constant 50 : i32
      %mul3A_243 = arith.muli %mul3A_241, %mul3A_242 : i32
      %dma_start3A = tpu.memref_slice %arg5[%mul3A_243] : memref<6400xi32, #tpu.memory_space<vmem>> -> memref<400xi32, #tpu.memory_space<vmem>>
      %dma_start3A_244 = arith.constant 0 : i32
      %dma_start3A_245 = arith.constant 0 : i32
      %dma_start3A_246 = tpu.memref_slice %arg3[%dma_start3A_244, %dma_start3A_245] : memref<1000000x32xf32, #tpu.memory_space<hbm>> -> memref<1000000x32xf32, #tpu.memory_space<hbm>>
      tpu.enqueue_indirect_dma source(%dma_start3A_246 : memref<1000000x32xf32, #tpu.memory_space<hbm>>) target(%arg6 : memref<400x32xf32, #tpu.memory_space<vmem>>) offsets(%dma_start3A : memref<400xi32, #tpu.memory_space<vmem>>) semaphore(%arg8 : memref<!tpu.dma_semaphore, #tpu.memory_space<semaphore_mem>>)
      %dma_wait3A_247 = tpu.memref_slice %arg5[%mul3A_243] : memref<6400xi32, #tpu.memory_space<vmem>> -> memref<400xi32, #tpu.memory_space<vmem>>
      %dma_wait3A_248 = arith.constant 0 : i32
      %dma_wait3A_249 = arith.constant 0 : i32
      %dma_wait3A_250 = tpu.memref_slice %arg3[%dma_wait3A_248, %dma_wait3A_249] : memref<1000000x32xf32, #tpu.memory_space<hbm>> -> memref<1000000x32xf32, #tpu.memory_space<hbm>>
      tpu.wait_indirect_dma semaphore(%arg8 : memref<!tpu.dma_semaphore, #tpu.memory_space<semaphore_mem>>) src(%dma_wait3A_250 : memref<1000000x32xf32, #tpu.memory_space<hbm>>) dst(%arg6 : memref<400x32xf32, #tpu.memory_space<vmem>>)
      %mul3A_251 = arith.constant 8 : i32
      %mul3A_252 = arith.muli %add3A_237, %mul3A_251 : i32
      %add3A_253 = arith.addi %mul3A_2, %mul3A_252 : i32
      %add3A_254 = arith.constant 0 : i32
      %add3A_255 = arith.addi %add3A_253, %add3A_254 : i32
      %dma_start3A_256 = arith.constant 0 : i32
      %dma_start3A_257 = arith.constant 0 : i32
      %dma_start3A_258 = tpu.memref_slice %arg6[%dma_start3A_256, %dma_start3A_257] : memref<400x32xf32, #tpu.memory_space<vmem>> -> memref<50x32xf32, #tpu.memory_space<vmem>>
      %dma_start3A_259 = arith.constant 0 : i32
      %dma_start3A_260 = arith.constant 0 : i32
      %dma_start3A_261 = tpu.memref_slice %arg4[%add3A_255, %dma_start3A_259, %dma_start3A_260] : memref<4096x50x32xf32, #tpu.memory_space<hbm>> -> memref<1x50x32xf32, #tpu.memory_space<hbm>>
      %dma_start3A_262 = tpu.memref_squeeze %dma_start3A_261 : memref<1x50x32xf32, #tpu.memory_space<hbm>> -> memref<50x32xf32, #tpu.memory_space<hbm>>
      %dma_start3A_263 = arith.constant 0 : i32
      %dma_start3A_264 = arith.constant 0 : i32
      %dma_start3A_265 = tpu.memref_slice %arg4[%add3A_255, %dma_start3A_263, %dma_start3A_264] : memref<4096x50x32xf32, #tpu.memory_space<hbm>> -> memref<1x50x32xf32, #tpu.memory_space<hbm>>
      %dma_start3A_266 = tpu.memref_squeeze %dma_start3A_265 : memref<1x50x32xf32, #tpu.memory_space<hbm>> -> memref<50x32xf32, #tpu.memory_space<hbm>>
      %dma_start3A_267 = arith.constant 0 : i32
      %dma_start3A_268 = arith.constant 0 : i32
      %dma_start3A_269 = tpu.memref_slice %arg6[%dma_start3A_267, %dma_start3A_268] : memref<400x32xf32, #tpu.memory_space<vmem>> -> memref<50x32xf32, #tpu.memory_space<vmem>>
      tpu.enqueue_dma source(%dma_start3A_269 : memref<50x32xf32, #tpu.memory_space<vmem>>) target(%dma_start3A_266 : memref<50x32xf32, #tpu.memory_space<hbm>>) target_semaphore(%arg10 : memref<!tpu.dma_semaphore, #tpu.memory_space<semaphore_mem>>)
      %mul3A_270 = arith.constant 8 : i32
      %mul3A_271 = arith.muli %add3A_237, %mul3A_270 : i32
      %add3A_272 = arith.addi %mul3A_2, %mul3A_271 : i32
      %add3A_273 = arith.constant 1 : i32
      %add3A_274 = arith.addi %add3A_272, %add3A_273 : i32
      %dma_start3A_275 = arith.constant 50 : i32
      %dma_start3A_276 = arith.constant 0 : i32
      %dma_start3A_277 = tpu.memref_slice %arg6[%dma_start3A_275, %dma_start3A_276] : memref<400x32xf32, #tpu.memory_space<vmem>> -> memref<50x32xf32, #tpu.memory_space<vmem>>
      %dma_start3A_278 = arith.constant 0 : i32
      %dma_start3A_279 = arith.constant 0 : i32
      %dma_start3A_280 = tpu.memref_slice %arg4[%add3A_274, %dma_start3A_278, %dma_start3A_279] : memref<4096x50x32xf32, #tpu.memory_space<hbm>> -> memref<1x50x32xf32, #tpu.memory_space<hbm>>
      %dma_start3A_281 = tpu.memref_squeeze %dma_start3A_280 : memref<1x50x32xf32, #tpu.memory_space<hbm>> -> memref<50x32xf32, #tpu.memory_space<hbm>>
      %dma_start3A_282 = arith.constant 0 : i32
      %dma_start3A_283 = arith.constant 0 : i32
      %dma_start3A_284 = tpu.memref_slice %arg4[%add3A_274, %dma_start3A_282, %dma_start3A_283] : memref<4096x50x32xf32, #tpu.memory_space<hbm>> -> memref<1x50x32xf32, #tpu.memory_space<hbm>>
      %dma_start3A_285 = tpu.memref_squeeze %dma_start3A_284 : memref<1x50x32xf32, #tpu.memory_space<hbm>> -> memref<50x32xf32, #tpu.memory_space<hbm>>
      %dma_start3A_286 = arith.constant 50 : i32
      %dma_start3A_287 = arith.constant 0 : i32
      %dma_start3A_288 = tpu.memref_slice %arg6[%dma_start3A_286, %dma_start3A_287] : memref<400x32xf32, #tpu.memory_space<vmem>> -> memref<50x32xf32, #tpu.memory_space<vmem>>
      tpu.enqueue_dma source(%dma_start3A_288 : memref<50x32xf32, #tpu.memory_space<vmem>>) target(%dma_start3A_285 : memref<50x32xf32, #tpu.memory_space<hbm>>) target_semaphore(%arg10 : memref<!tpu.dma_semaphore, #tpu.memory_space<semaphore_mem>>)
      %mul3A_289 = arith.constant 8 : i32
      %mul3A_290 = arith.muli %add3A_237, %mul3A_289 : i32
      %add3A_291 = arith.addi %mul3A_2, %mul3A_290 : i32
      %add3A_292 = arith.constant 2 : i32
      %add3A_293 = arith.addi %add3A_291, %add3A_292 : i32
      %dma_start3A_294 = arith.constant 100 : i32
      %dma_start3A_295 = arith.constant 0 : i32
      %dma_start3A_296 = tpu.memref_slice %arg6[%dma_start3A_294, %dma_start3A_295] : memref<400x32xf32, #tpu.memory_space<vmem>> -> memref<50x32xf32, #tpu.memory_space<vmem>>
      %dma_start3A_297 = arith.constant 0 : i32
      %dma_start3A_298 = arith.constant 0 : i32
      %dma_start3A_299 = tpu.memref_slice %arg4[%add3A_293, %dma_start3A_297, %dma_start3A_298] : memref<4096x50x32xf32, #tpu.memory_space<hbm>> -> memref<1x50x32xf32, #tpu.memory_space<hbm>>
      %dma_start3A_300 = tpu.memref_squeeze %dma_start3A_299 : memref<1x50x32xf32, #tpu.memory_space<hbm>> -> memref<50x32xf32, #tpu.memory_space<hbm>>
      %dma_start3A_301 = arith.constant 0 : i32
      %dma_start3A_302 = arith.constant 0 : i32
      %dma_start3A_303 = tpu.memref_slice %arg4[%add3A_293, %dma_start3A_301, %dma_start3A_302] : memref<4096x50x32xf32, #tpu.memory_space<hbm>> -> memref<1x50x32xf32, #tpu.memory_space<hbm>>
      %dma_start3A_304 = tpu.memref_squeeze %dma_start3A_303 : memref<1x50x32xf32, #tpu.memory_space<hbm>> -> memref<50x32xf32, #tpu.memory_space<hbm>>
      %dma_start3A_305 = arith.constant 100 : i32
      %dma_start3A_306 = arith.constant 0 : i32
      %dma_start3A_307 = tpu.memref_slice %arg6[%dma_start3A_305, %dma_start3A_306] : memref<400x32xf32, #tpu.memory_space<vmem>> -> memref<50x32xf32, #tpu.memory_space<vmem>>
      tpu.enqueue_dma source(%dma_start3A_307 : memref<50x32xf32, #tpu.memory_space<vmem>>) target(%dma_start3A_304 : memref<50x32xf32, #tpu.memory_space<hbm>>) target_semaphore(%arg10 : memref<!tpu.dma_semaphore, #tpu.memory_space<semaphore_mem>>)
      %mul3A_308 = arith.constant 8 : i32
      %mul3A_309 = arith.muli %add3A_237, %mul3A_308 : i32
      %add3A_310 = arith.addi %mul3A_2, %mul3A_309 : i32
      %add3A_311 = arith.constant 3 : i32
      %add3A_312 = arith.addi %add3A_310, %add3A_311 : i32
      %dma_start3A_313 = arith.constant 150 : i32
      %dma_start3A_314 = arith.constant 0 : i32
      %dma_start3A_315 = tpu.memref_slice %arg6[%dma_start3A_313, %dma_start3A_314] : memref<400x32xf32, #tpu.memory_space<vmem>> -> memref<50x32xf32, #tpu.memory_space<vmem>>
      %dma_start3A_316 = arith.constant 0 : i32
      %dma_start3A_317 = arith.constant 0 : i32
      %dma_start3A_318 = tpu.memref_slice %arg4[%add3A_312, %dma_start3A_316, %dma_start3A_317] : memref<4096x50x32xf32, #tpu.memory_space<hbm>> -> memref<1x50x32xf32, #tpu.memory_space<hbm>>
      %dma_start3A_319 = tpu.memref_squeeze %dma_start3A_318 : memref<1x50x32xf32, #tpu.memory_space<hbm>> -> memref<50x32xf32, #tpu.memory_space<hbm>>
      %dma_start3A_320 = arith.constant 0 : i32
      %dma_start3A_321 = arith.constant 0 : i32
      %dma_start3A_322 = tpu.memref_slice %arg4[%add3A_312, %dma_start3A_320, %dma_start3A_321] : memref<4096x50x32xf32, #tpu.memory_space<hbm>> -> memref<1x50x32xf32, #tpu.memory_space<hbm>>
      %dma_start3A_323 = tpu.memref_squeeze %dma_start3A_322 : memref<1x50x32xf32, #tpu.memory_space<hbm>> -> memref<50x32xf32, #tpu.memory_space<hbm>>
      %dma_start3A_324 = arith.constant 150 : i32
      %dma_start3A_325 = arith.constant 0 : i32
      %dma_start3A_326 = tpu.memref_slice %arg6[%dma_start3A_324, %dma_start3A_325] : memref<400x32xf32, #tpu.memory_space<vmem>> -> memref<50x32xf32, #tpu.memory_space<vmem>>
      tpu.enqueue_dma source(%dma_start3A_326 : memref<50x32xf32, #tpu.memory_space<vmem>>) target(%dma_start3A_323 : memref<50x32xf32, #tpu.memory_space<hbm>>) target_semaphore(%arg10 : memref<!tpu.dma_semaphore, #tpu.memory_space<semaphore_mem>>)
      %mul3A_327 = arith.constant 8 : i32
      %mul3A_328 = arith.muli %add3A_237, %mul3A_327 : i32
      %add3A_329 = arith.addi %mul3A_2, %mul3A_328 : i32
      %add3A_330 = arith.constant 4 : i32
      %add3A_331 = arith.addi %add3A_329, %add3A_330 : i32
      %dma_start3A_332 = arith.constant 200 : i32
      %dma_start3A_333 = arith.constant 0 : i32
      %dma_start3A_334 = tpu.memref_slice %arg6[%dma_start3A_332, %dma_start3A_333] : memref<400x32xf32, #tpu.memory_space<vmem>> -> memref<50x32xf32, #tpu.memory_space<vmem>>
      %dma_start3A_335 = arith.constant 0 : i32
      %dma_start3A_336 = arith.constant 0 : i32
      %dma_start3A_337 = tpu.memref_slice %arg4[%add3A_331, %dma_start3A_335, %dma_start3A_336] : memref<4096x50x32xf32, #tpu.memory_space<hbm>> -> memref<1x50x32xf32, #tpu.memory_space<hbm>>
      %dma_start3A_338 = tpu.memref_squeeze %dma_start3A_337 : memref<1x50x32xf32, #tpu.memory_space<hbm>> -> memref<50x32xf32, #tpu.memory_space<hbm>>
      %dma_start3A_339 = arith.constant 0 : i32
      %dma_start3A_340 = arith.constant 0 : i32
      %dma_start3A_341 = tpu.memref_slice %arg4[%add3A_331, %dma_start3A_339, %dma_start3A_340] : memref<4096x50x32xf32, #tpu.memory_space<hbm>> -> memref<1x50x32xf32, #tpu.memory_space<hbm>>
      %dma_start3A_342 = tpu.memref_squeeze %dma_start3A_341 : memref<1x50x32xf32, #tpu.memory_space<hbm>> -> memref<50x32xf32, #tpu.memory_space<hbm>>
      %dma_start3A_343 = arith.constant 200 : i32
      %dma_start3A_344 = arith.constant 0 : i32
      %dma_start3A_345 = tpu.memref_slice %arg6[%dma_start3A_343, %dma_start3A_344] : memref<400x32xf32, #tpu.memory_space<vmem>> -> memref<50x32xf32, #tpu.memory_space<vmem>>
      tpu.enqueue_dma source(%dma_start3A_345 : memref<50x32xf32, #tpu.memory_space<vmem>>) target(%dma_start3A_342 : memref<50x32xf32, #tpu.memory_space<hbm>>) target_semaphore(%arg10 : memref<!tpu.dma_semaphore, #tpu.memory_space<semaphore_mem>>)
      %mul3A_346 = arith.constant 8 : i32
      %mul3A_347 = arith.muli %add3A_237, %mul3A_346 : i32
      %add3A_348 = arith.addi %mul3A_2, %mul3A_347 : i32
      %add3A_349 = arith.constant 5 : i32
      %add3A_350 = arith.addi %add3A_348, %add3A_349 : i32
      %dma_start3A_351 = arith.constant 250 : i32
      %dma_start3A_352 = arith.constant 0 : i32
      %dma_start3A_353 = tpu.memref_slice %arg6[%dma_start3A_351, %dma_start3A_352] : memref<400x32xf32, #tpu.memory_space<vmem>> -> memref<50x32xf32, #tpu.memory_space<vmem>>
      %dma_start3A_354 = arith.constant 0 : i32
      %dma_start3A_355 = arith.constant 0 : i32
      %dma_start3A_356 = tpu.memref_slice %arg4[%add3A_350, %dma_start3A_354, %dma_start3A_355] : memref<4096x50x32xf32, #tpu.memory_space<hbm>> -> memref<1x50x32xf32, #tpu.memory_space<hbm>>
      %dma_start3A_357 = tpu.memref_squeeze %dma_start3A_356 : memref<1x50x32xf32, #tpu.memory_space<hbm>> -> memref<50x32xf32, #tpu.memory_space<hbm>>
      %dma_start3A_358 = arith.constant 0 : i32
      %dma_start3A_359 = arith.constant 0 : i32
      %dma_start3A_360 = tpu.memref_slice %arg4[%add3A_350, %dma_start3A_358, %dma_start3A_359] : memref<4096x50x32xf32, #tpu.memory_space<hbm>> -> memref<1x50x32xf32, #tpu.memory_space<hbm>>
      %dma_start3A_361 = tpu.memref_squeeze %dma_start3A_360 : memref<1x50x32xf32, #tpu.memory_space<hbm>> -> memref<50x32xf32, #tpu.memory_space<hbm>>
      %dma_start3A_362 = arith.constant 250 : i32
      %dma_start3A_363 = arith.constant 0 : i32
      %dma_start3A_364 = tpu.memref_slice %arg6[%dma_start3A_362, %dma_start3A_363] : memref<400x32xf32, #tpu.memory_space<vmem>> -> memref<50x32xf32, #tpu.memory_space<vmem>>
      tpu.enqueue_dma source(%dma_start3A_364 : memref<50x32xf32, #tpu.memory_space<vmem>>) target(%dma_start3A_361 : memref<50x32xf32, #tpu.memory_space<hbm>>) target_semaphore(%arg10 : memref<!tpu.dma_semaphore, #tpu.memory_space<semaphore_mem>>)
      %mul3A_365 = arith.constant 8 : i32
      %mul3A_366 = arith.muli %add3A_237, %mul3A_365 : i32
      %add3A_367 = arith.addi %mul3A_2, %mul3A_366 : i32
      %add3A_368 = arith.constant 6 : i32
      %add3A_369 = arith.addi %add3A_367, %add3A_368 : i32
      %dma_start3A_370 = arith.constant 300 : i32
      %dma_start3A_371 = arith.constant 0 : i32
      %dma_start3A_372 = tpu.memref_slice %arg6[%dma_start3A_370, %dma_start3A_371] : memref<400x32xf32, #tpu.memory_space<vmem>> -> memref<50x32xf32, #tpu.memory_space<vmem>>
      %dma_start3A_373 = arith.constant 0 : i32
      %dma_start3A_374 = arith.constant 0 : i32
      %dma_start3A_375 = tpu.memref_slice %arg4[%add3A_369, %dma_start3A_373, %dma_start3A_374] : memref<4096x50x32xf32, #tpu.memory_space<hbm>> -> memref<1x50x32xf32, #tpu.memory_space<hbm>>
      %dma_start3A_376 = tpu.memref_squeeze %dma_start3A_375 : memref<1x50x32xf32, #tpu.memory_space<hbm>> -> memref<50x32xf32, #tpu.memory_space<hbm>>
      %dma_start3A_377 = arith.constant 0 : i32
      %dma_start3A_378 = arith.constant 0 : i32
      %dma_start3A_379 = tpu.memref_slice %arg4[%add3A_369, %dma_start3A_377, %dma_start3A_378] : memref<4096x50x32xf32, #tpu.memory_space<hbm>> -> memref<1x50x32xf32, #tpu.memory_space<hbm>>
      %dma_start3A_380 = tpu.memref_squeeze %dma_start3A_379 : memref<1x50x32xf32, #tpu.memory_space<hbm>> -> memref<50x32xf32, #tpu.memory_space<hbm>>
      %dma_start3A_381 = arith.constant 300 : i32
      %dma_start3A_382 = arith.constant 0 : i32
      %dma_start3A_383 = tpu.memref_slice %arg6[%dma_start3A_381, %dma_start3A_382] : memref<400x32xf32, #tpu.memory_space<vmem>> -> memref<50x32xf32, #tpu.memory_space<vmem>>
      tpu.enqueue_dma source(%dma_start3A_383 : memref<50x32xf32, #tpu.memory_space<vmem>>) target(%dma_start3A_380 : memref<50x32xf32, #tpu.memory_space<hbm>>) target_semaphore(%arg10 : memref<!tpu.dma_semaphore, #tpu.memory_space<semaphore_mem>>)
      %mul3A_384 = arith.constant 8 : i32
      %mul3A_385 = arith.muli %add3A_237, %mul3A_384 : i32
      %add3A_386 = arith.addi %mul3A_2, %mul3A_385 : i32
      %add3A_387 = arith.constant 7 : i32
      %add3A_388 = arith.addi %add3A_386, %add3A_387 : i32
      %dma_start3A_389 = arith.constant 350 : i32
      %dma_start3A_390 = arith.constant 0 : i32
      %dma_start3A_391 = tpu.memref_slice %arg6[%dma_start3A_389, %dma_start3A_390] : memref<400x32xf32, #tpu.memory_space<vmem>> -> memref<50x32xf32, #tpu.memory_space<vmem>>
      %dma_start3A_392 = arith.constant 0 : i32
      %dma_start3A_393 = arith.constant 0 : i32
      %dma_start3A_394 = tpu.memref_slice %arg4[%add3A_388, %dma_start3A_392, %dma_start3A_393] : memref<4096x50x32xf32, #tpu.memory_space<hbm>> -> memref<1x50x32xf32, #tpu.memory_space<hbm>>
      %dma_start3A_395 = tpu.memref_squeeze %dma_start3A_394 : memref<1x50x32xf32, #tpu.memory_space<hbm>> -> memref<50x32xf32, #tpu.memory_space<hbm>>
      %dma_start3A_396 = arith.constant 0 : i32
      %dma_start3A_397 = arith.constant 0 : i32
      %dma_start3A_398 = tpu.memref_slice %arg4[%add3A_388, %dma_start3A_396, %dma_start3A_397] : memref<4096x50x32xf32, #tpu.memory_space<hbm>> -> memref<1x50x32xf32, #tpu.memory_space<hbm>>
      %dma_start3A_399 = tpu.memref_squeeze %dma_start3A_398 : memref<1x50x32xf32, #tpu.memory_space<hbm>> -> memref<50x32xf32, #tpu.memory_space<hbm>>
      %dma_start3A_400 = arith.constant 350 : i32
      %dma_start3A_401 = arith.constant 0 : i32
      %dma_start3A_402 = tpu.memref_slice %arg6[%dma_start3A_400, %dma_start3A_401] : memref<400x32xf32, #tpu.memory_space<vmem>> -> memref<50x32xf32, #tpu.memory_space<vmem>>
      tpu.enqueue_dma source(%dma_start3A_402 : memref<50x32xf32, #tpu.memory_space<vmem>>) target(%dma_start3A_399 : memref<50x32xf32, #tpu.memory_space<hbm>>) target_semaphore(%arg10 : memref<!tpu.dma_semaphore, #tpu.memory_space<semaphore_mem>>)
      %mul3A_403 = arith.constant 2 : i32
      %mul3A_404 = arith.muli %mul3A_403, %scan3A_233 : i32
      %add3A_405 = arith.constant 1 : i32
      %add3A_406 = arith.addi %mul3A_404, %add3A_405 : i32
      %ge3A_407 = arith.constant 1 : i32
      %ge3A_408 = arith.cmpi sge, %scan3A_233, %ge3A_407 : i32
      %convert_element_type3A_409 = arith.extui %ge3A_408 : i1 to i32
      %cond3A_410 = arith.constant 0 : i32
      %cond3A_411 = arith.cmpi ne, %convert_element_type3A_409, %cond3A_410 : i32
      scf.if %cond3A_411 {
        %dma_wait3A_576 = arith.constant 0 : i32
        %dma_wait3A_577 = arith.constant 0 : i32
        %dma_wait3A_578 = tpu.memref_slice %arg7[%dma_wait3A_576, %dma_wait3A_577] : memref<400x32xf32, #tpu.memory_space<vmem>> -> memref<50x32xf32, #tpu.memory_space<vmem>>
        %dma_wait3A_579 = arith.constant 0 : i32
        %dma_wait3A_580 = arith.constant 0 : i32
        %dma_wait3A_581 = tpu.memref_slice %arg4[%mul3A_2, %dma_wait3A_579, %dma_wait3A_580] : memref<4096x50x32xf32, #tpu.memory_space<hbm>> -> memref<1x50x32xf32, #tpu.memory_space<hbm>>
        %dma_wait3A_582 = tpu.memref_squeeze %dma_wait3A_581 : memref<1x50x32xf32, #tpu.memory_space<hbm>> -> memref<50x32xf32, #tpu.memory_space<hbm>>
        %dma_wait3A_583 = arith.constant 0 : i32
        %dma_wait3A_584 = arith.constant 0 : i32
        %dma_wait3A_585 = tpu.memref_slice %arg4[%mul3A_2, %dma_wait3A_583, %dma_wait3A_584] : memref<4096x50x32xf32, #tpu.memory_space<hbm>> -> memref<1x50x32xf32, #tpu.memory_space<hbm>>
        %dma_wait3A_586 = tpu.memref_squeeze %dma_wait3A_585 : memref<1x50x32xf32, #tpu.memory_space<hbm>> -> memref<50x32xf32, #tpu.memory_space<hbm>>
        %dma_wait3A_587 = arith.constant 0 : i32
        %dma_wait3A_588 = arith.constant 0 : i32
        %dma_wait3A_589 = tpu.memref_slice %arg7[%dma_wait3A_587, %dma_wait3A_588] : memref<400x32xf32, #tpu.memory_space<vmem>> -> memref<50x32xf32, #tpu.memory_space<vmem>>
        tpu.wait_dma2 semaphore(%arg11 : memref<!tpu.dma_semaphore, #tpu.memory_space<semaphore_mem>>) src(%dma_wait3A_589 : memref<50x32xf32, #tpu.memory_space<vmem>>) dst(%dma_wait3A_586 : memref<50x32xf32, #tpu.memory_space<hbm>>)
        %dma_wait3A_590 = arith.constant 50 : i32
        %dma_wait3A_591 = arith.constant 0 : i32
        %dma_wait3A_592 = tpu.memref_slice %arg7[%dma_wait3A_590, %dma_wait3A_591] : memref<400x32xf32, #tpu.memory_space<vmem>> -> memref<50x32xf32, #tpu.memory_space<vmem>>
        %dma_wait3A_593 = arith.constant 0 : i32
        %dma_wait3A_594 = arith.constant 0 : i32
        %dma_wait3A_595 = tpu.memref_slice %arg4[%mul3A_2, %dma_wait3A_593, %dma_wait3A_594] : memref<4096x50x32xf32, #tpu.memory_space<hbm>> -> memref<1x50x32xf32, #tpu.memory_space<hbm>>
        %dma_wait3A_596 = tpu.memref_squeeze %dma_wait3A_595 : memref<1x50x32xf32, #tpu.memory_space<hbm>> -> memref<50x32xf32, #tpu.memory_space<hbm>>
        %dma_wait3A_597 = arith.constant 0 : i32
        %dma_wait3A_598 = arith.constant 0 : i32
        %dma_wait3A_599 = tpu.memref_slice %arg4[%mul3A_2, %dma_wait3A_597, %dma_wait3A_598] : memref<4096x50x32xf32, #tpu.memory_space<hbm>> -> memref<1x50x32xf32, #tpu.memory_space<hbm>>
        %dma_wait3A_600 = tpu.memref_squeeze %dma_wait3A_599 : memref<1x50x32xf32, #tpu.memory_space<hbm>> -> memref<50x32xf32, #tpu.memory_space<hbm>>
        %dma_wait3A_601 = arith.constant 50 : i32
        %dma_wait3A_602 = arith.constant 0 : i32
        %dma_wait3A_603 = tpu.memref_slice %arg7[%dma_wait3A_601, %dma_wait3A_602] : memref<400x32xf32, #tpu.memory_space<vmem>> -> memref<50x32xf32, #tpu.memory_space<vmem>>
        tpu.wait_dma2 semaphore(%arg11 : memref<!tpu.dma_semaphore, #tpu.memory_space<semaphore_mem>>) src(%dma_wait3A_603 : memref<50x32xf32, #tpu.memory_space<vmem>>) dst(%dma_wait3A_600 : memref<50x32xf32, #tpu.memory_space<hbm>>)
        %dma_wait3A_604 = arith.constant 100 : i32
        %dma_wait3A_605 = arith.constant 0 : i32
        %dma_wait3A_606 = tpu.memref_slice %arg7[%dma_wait3A_604, %dma_wait3A_605] : memref<400x32xf32, #tpu.memory_space<vmem>> -> memref<50x32xf32, #tpu.memory_space<vmem>>
        %dma_wait3A_607 = arith.constant 0 : i32
        %dma_wait3A_608 = arith.constant 0 : i32
        %dma_wait3A_609 = tpu.memref_slice %arg4[%mul3A_2, %dma_wait3A_607, %dma_wait3A_608] : memref<4096x50x32xf32, #tpu.memory_space<hbm>> -> memref<1x50x32xf32, #tpu.memory_space<hbm>>
        %dma_wait3A_610 = tpu.memref_squeeze %dma_wait3A_609 : memref<1x50x32xf32, #tpu.memory_space<hbm>> -> memref<50x32xf32, #tpu.memory_space<hbm>>
        %dma_wait3A_611 = arith.constant 0 : i32
        %dma_wait3A_612 = arith.constant 0 : i32
        %dma_wait3A_613 = tpu.memref_slice %arg4[%mul3A_2, %dma_wait3A_611, %dma_wait3A_612] : memref<4096x50x32xf32, #tpu.memory_space<hbm>> -> memref<1x50x32xf32, #tpu.memory_space<hbm>>
        %dma_wait3A_614 = tpu.memref_squeeze %dma_wait3A_613 : memref<1x50x32xf32, #tpu.memory_space<hbm>> -> memref<50x32xf32, #tpu.memory_space<hbm>>
        %dma_wait3A_615 = arith.constant 100 : i32
        %dma_wait3A_616 = arith.constant 0 : i32
        %dma_wait3A_617 = tpu.memref_slice %arg7[%dma_wait3A_615, %dma_wait3A_616] : memref<400x32xf32, #tpu.memory_space<vmem>> -> memref<50x32xf32, #tpu.memory_space<vmem>>
        tpu.wait_dma2 semaphore(%arg11 : memref<!tpu.dma_semaphore, #tpu.memory_space<semaphore_mem>>) src(%dma_wait3A_617 : memref<50x32xf32, #tpu.memory_space<vmem>>) dst(%dma_wait3A_614 : memref<50x32xf32, #tpu.memory_space<hbm>>)
        %dma_wait3A_618 = arith.constant 150 : i32
        %dma_wait3A_619 = arith.constant 0 : i32
        %dma_wait3A_620 = tpu.memref_slice %arg7[%dma_wait3A_618, %dma_wait3A_619] : memref<400x32xf32, #tpu.memory_space<vmem>> -> memref<50x32xf32, #tpu.memory_space<vmem>>
        %dma_wait3A_621 = arith.constant 0 : i32
        %dma_wait3A_622 = arith.constant 0 : i32
        %dma_wait3A_623 = tpu.memref_slice %arg4[%mul3A_2, %dma_wait3A_621, %dma_wait3A_622] : memref<4096x50x32xf32, #tpu.memory_space<hbm>> -> memref<1x50x32xf32, #tpu.memory_space<hbm>>
        %dma_wait3A_624 = tpu.memref_squeeze %dma_wait3A_623 : memref<1x50x32xf32, #tpu.memory_space<hbm>> -> memref<50x32xf32, #tpu.memory_space<hbm>>
        %dma_wait3A_625 = arith.constant 0 : i32
        %dma_wait3A_626 = arith.constant 0 : i32
        %dma_wait3A_627 = tpu.memref_slice %arg4[%mul3A_2, %dma_wait3A_625, %dma_wait3A_626] : memref<4096x50x32xf32, #tpu.memory_space<hbm>> -> memref<1x50x32xf32, #tpu.memory_space<hbm>>
        %dma_wait3A_628 = tpu.memref_squeeze %dma_wait3A_627 : memref<1x50x32xf32, #tpu.memory_space<hbm>> -> memref<50x32xf32, #tpu.memory_space<hbm>>
        %dma_wait3A_629 = arith.constant 150 : i32
        %dma_wait3A_630 = arith.constant 0 : i32
        %dma_wait3A_631 = tpu.memref_slice %arg7[%dma_wait3A_629, %dma_wait3A_630] : memref<400x32xf32, #tpu.memory_space<vmem>> -> memref<50x32xf32, #tpu.memory_space<vmem>>
        tpu.wait_dma2 semaphore(%arg11 : memref<!tpu.dma_semaphore, #tpu.memory_space<semaphore_mem>>) src(%dma_wait3A_631 : memref<50x32xf32, #tpu.memory_space<vmem>>) dst(%dma_wait3A_628 : memref<50x32xf32, #tpu.memory_space<hbm>>)
        %dma_wait3A_632 = arith.constant 200 : i32
        %dma_wait3A_633 = arith.constant 0 : i32
        %dma_wait3A_634 = tpu.memref_slice %arg7[%dma_wait3A_632, %dma_wait3A_633] : memref<400x32xf32, #tpu.memory_space<vmem>> -> memref<50x32xf32, #tpu.memory_space<vmem>>
        %dma_wait3A_635 = arith.constant 0 : i32
        %dma_wait3A_636 = arith.constant 0 : i32
        %dma_wait3A_637 = tpu.memref_slice %arg4[%mul3A_2, %dma_wait3A_635, %dma_wait3A_636] : memref<4096x50x32xf32, #tpu.memory_space<hbm>> -> memref<1x50x32xf32, #tpu.memory_space<hbm>>
        %dma_wait3A_638 = tpu.memref_squeeze %dma_wait3A_637 : memref<1x50x32xf32, #tpu.memory_space<hbm>> -> memref<50x32xf32, #tpu.memory_space<hbm>>
        %dma_wait3A_639 = arith.constant 0 : i32
        %dma_wait3A_640 = arith.constant 0 : i32
        %dma_wait3A_641 = tpu.memref_slice %arg4[%mul3A_2, %dma_wait3A_639, %dma_wait3A_640] : memref<4096x50x32xf32, #tpu.memory_space<hbm>> -> memref<1x50x32xf32, #tpu.memory_space<hbm>>
        %dma_wait3A_642 = tpu.memref_squeeze %dma_wait3A_641 : memref<1x50x32xf32, #tpu.memory_space<hbm>> -> memref<50x32xf32, #tpu.memory_space<hbm>>
        %dma_wait3A_643 = arith.constant 200 : i32
        %dma_wait3A_644 = arith.constant 0 : i32
        %dma_wait3A_645 = tpu.memref_slice %arg7[%dma_wait3A_643, %dma_wait3A_644] : memref<400x32xf32, #tpu.memory_space<vmem>> -> memref<50x32xf32, #tpu.memory_space<vmem>>
        tpu.wait_dma2 semaphore(%arg11 : memref<!tpu.dma_semaphore, #tpu.memory_space<semaphore_mem>>) src(%dma_wait3A_645 : memref<50x32xf32, #tpu.memory_space<vmem>>) dst(%dma_wait3A_642 : memref<50x32xf32, #tpu.memory_space<hbm>>)
        %dma_wait3A_646 = arith.constant 250 : i32
        %dma_wait3A_647 = arith.constant 0 : i32
        %dma_wait3A_648 = tpu.memref_slice %arg7[%dma_wait3A_646, %dma_wait3A_647] : memref<400x32xf32, #tpu.memory_space<vmem>> -> memref<50x32xf32, #tpu.memory_space<vmem>>
        %dma_wait3A_649 = arith.constant 0 : i32
        %dma_wait3A_650 = arith.constant 0 : i32
        %dma_wait3A_651 = tpu.memref_slice %arg4[%mul3A_2, %dma_wait3A_649, %dma_wait3A_650] : memref<4096x50x32xf32, #tpu.memory_space<hbm>> -> memref<1x50x32xf32, #tpu.memory_space<hbm>>
        %dma_wait3A_652 = tpu.memref_squeeze %dma_wait3A_651 : memref<1x50x32xf32, #tpu.memory_space<hbm>> -> memref<50x32xf32, #tpu.memory_space<hbm>>
        %dma_wait3A_653 = arith.constant 0 : i32
        %dma_wait3A_654 = arith.constant 0 : i32
        %dma_wait3A_655 = tpu.memref_slice %arg4[%mul3A_2, %dma_wait3A_653, %dma_wait3A_654] : memref<4096x50x32xf32, #tpu.memory_space<hbm>> -> memref<1x50x32xf32, #tpu.memory_space<hbm>>
        %dma_wait3A_656 = tpu.memref_squeeze %dma_wait3A_655 : memref<1x50x32xf32, #tpu.memory_space<hbm>> -> memref<50x32xf32, #tpu.memory_space<hbm>>
        %dma_wait3A_657 = arith.constant 250 : i32
        %dma_wait3A_658 = arith.constant 0 : i32
        %dma_wait3A_659 = tpu.memref_slice %arg7[%dma_wait3A_657, %dma_wait3A_658] : memref<400x32xf32, #tpu.memory_space<vmem>> -> memref<50x32xf32, #tpu.memory_space<vmem>>
        tpu.wait_dma2 semaphore(%arg11 : memref<!tpu.dma_semaphore, #tpu.memory_space<semaphore_mem>>) src(%dma_wait3A_659 : memref<50x32xf32, #tpu.memory_space<vmem>>) dst(%dma_wait3A_656 : memref<50x32xf32, #tpu.memory_space<hbm>>)
        %dma_wait3A_660 = arith.constant 300 : i32
        %dma_wait3A_661 = arith.constant 0 : i32
        %dma_wait3A_662 = tpu.memref_slice %arg7[%dma_wait3A_660, %dma_wait3A_661] : memref<400x32xf32, #tpu.memory_space<vmem>> -> memref<50x32xf32, #tpu.memory_space<vmem>>
        %dma_wait3A_663 = arith.constant 0 : i32
        %dma_wait3A_664 = arith.constant 0 : i32
        %dma_wait3A_665 = tpu.memref_slice %arg4[%mul3A_2, %dma_wait3A_663, %dma_wait3A_664] : memref<4096x50x32xf32, #tpu.memory_space<hbm>> -> memref<1x50x32xf32, #tpu.memory_space<hbm>>
        %dma_wait3A_666 = tpu.memref_squeeze %dma_wait3A_665 : memref<1x50x32xf32, #tpu.memory_space<hbm>> -> memref<50x32xf32, #tpu.memory_space<hbm>>
        %dma_wait3A_667 = arith.constant 0 : i32
        %dma_wait3A_668 = arith.constant 0 : i32
        %dma_wait3A_669 = tpu.memref_slice %arg4[%mul3A_2, %dma_wait3A_667, %dma_wait3A_668] : memref<4096x50x32xf32, #tpu.memory_space<hbm>> -> memref<1x50x32xf32, #tpu.memory_space<hbm>>
        %dma_wait3A_670 = tpu.memref_squeeze %dma_wait3A_669 : memref<1x50x32xf32, #tpu.memory_space<hbm>> -> memref<50x32xf32, #tpu.memory_space<hbm>>
        %dma_wait3A_671 = arith.constant 300 : i32
        %dma_wait3A_672 = arith.constant 0 : i32
        %dma_wait3A_673 = tpu.memref_slice %arg7[%dma_wait3A_671, %dma_wait3A_672] : memref<400x32xf32, #tpu.memory_space<vmem>> -> memref<50x32xf32, #tpu.memory_space<vmem>>
        tpu.wait_dma2 semaphore(%arg11 : memref<!tpu.dma_semaphore, #tpu.memory_space<semaphore_mem>>) src(%dma_wait3A_673 : memref<50x32xf32, #tpu.memory_space<vmem>>) dst(%dma_wait3A_670 : memref<50x32xf32, #tpu.memory_space<hbm>>)
        %dma_wait3A_674 = arith.constant 350 : i32
        %dma_wait3A_675 = arith.constant 0 : i32
        %dma_wait3A_676 = tpu.memref_slice %arg7[%dma_wait3A_674, %dma_wait3A_675] : memref<400x32xf32, #tpu.memory_space<vmem>> -> memref<50x32xf32, #tpu.memory_space<vmem>>
        %dma_wait3A_677 = arith.constant 0 : i32
        %dma_wait3A_678 = arith.constant 0 : i32
        %dma_wait3A_679 = tpu.memref_slice %arg4[%mul3A_2, %dma_wait3A_677, %dma_wait3A_678] : memref<4096x50x32xf32, #tpu.memory_space<hbm>> -> memref<1x50x32xf32, #tpu.memory_space<hbm>>
        %dma_wait3A_680 = tpu.memref_squeeze %dma_wait3A_679 : memref<1x50x32xf32, #tpu.memory_space<hbm>> -> memref<50x32xf32, #tpu.memory_space<hbm>>
        %dma_wait3A_681 = arith.constant 0 : i32
        %dma_wait3A_682 = arith.constant 0 : i32
        %dma_wait3A_683 = tpu.memref_slice %arg4[%mul3A_2, %dma_wait3A_681, %dma_wait3A_682] : memref<4096x50x32xf32, #tpu.memory_space<hbm>> -> memref<1x50x32xf32, #tpu.memory_space<hbm>>
        %dma_wait3A_684 = tpu.memref_squeeze %dma_wait3A_683 : memref<1x50x32xf32, #tpu.memory_space<hbm>> -> memref<50x32xf32, #tpu.memory_space<hbm>>
        %dma_wait3A_685 = arith.constant 350 : i32
        %dma_wait3A_686 = arith.constant 0 : i32
        %dma_wait3A_687 = tpu.memref_slice %arg7[%dma_wait3A_685, %dma_wait3A_686] : memref<400x32xf32, #tpu.memory_space<vmem>> -> memref<50x32xf32, #tpu.memory_space<vmem>>
        tpu.wait_dma2 semaphore(%arg11 : memref<!tpu.dma_semaphore, #tpu.memory_space<semaphore_mem>>) src(%dma_wait3A_687 : memref<50x32xf32, #tpu.memory_space<vmem>>) dst(%dma_wait3A_684 : memref<50x32xf32, #tpu.memory_space<hbm>>)
      } else {
      }
      %mul3A_412 = arith.constant 8 : i32
      %mul3A_413 = arith.muli %add3A_406, %mul3A_412 : i32
      %mul3A_414 = arith.constant 50 : i32
      %mul3A_415 = arith.muli %mul3A_413, %mul3A_414 : i32
      %dma_start3A_416 = tpu.memref_slice %arg5[%mul3A_415] : memref<6400xi32, #tpu.memory_space<vmem>> -> memref<400xi32, #tpu.memory_space<vmem>>
      %dma_start3A_417 = arith.constant 0 : i32
      %dma_start3A_418 = arith.constant 0 : i32
      %dma_start3A_419 = tpu.memref_slice %arg3[%dma_start3A_417, %dma_start3A_418] : memref<1000000x32xf32, #tpu.memory_space<hbm>> -> memref<1000000x32xf32, #tpu.memory_space<hbm>>
      tpu.enqueue_indirect_dma source(%dma_start3A_419 : memref<1000000x32xf32, #tpu.memory_space<hbm>>) target(%arg7 : memref<400x32xf32, #tpu.memory_space<vmem>>) offsets(%dma_start3A_416 : memref<400xi32, #tpu.memory_space<vmem>>) semaphore(%arg9 : memref<!tpu.dma_semaphore, #tpu.memory_space<semaphore_mem>>)
      %dma_wait3A_420 = tpu.memref_slice %arg5[%mul3A_415] : memref<6400xi32, #tpu.memory_space<vmem>> -> memref<400xi32, #tpu.memory_space<vmem>>
      %dma_wait3A_421 = arith.constant 0 : i32
      %dma_wait3A_422 = arith.constant 0 : i32
      %dma_wait3A_423 = tpu.memref_slice %arg3[%dma_wait3A_421, %dma_wait3A_422] : memref<1000000x32xf32, #tpu.memory_space<hbm>> -> memref<1000000x32xf32, #tpu.memory_space<hbm>>
      tpu.wait_indirect_dma semaphore(%arg9 : memref<!tpu.dma_semaphore, #tpu.memory_space<semaphore_mem>>) src(%dma_wait3A_423 : memref<1000000x32xf32, #tpu.memory_space<hbm>>) dst(%arg7 : memref<400x32xf32, #tpu.memory_space<vmem>>)
      %mul3A_424 = arith.constant 8 : i32
      %mul3A_425 = arith.muli %add3A_406, %mul3A_424 : i32
      %add3A_426 = arith.addi %mul3A_2, %mul3A_425 : i32
      %add3A_427 = arith.constant 0 : i32
      %add3A_428 = arith.addi %add3A_426, %add3A_427 : i32
      %dma_start3A_429 = arith.constant 0 : i32
      %dma_start3A_430 = arith.constant 0 : i32
      %dma_start3A_431 = tpu.memref_slice %arg7[%dma_start3A_429, %dma_start3A_430] : memref<400x32xf32, #tpu.memory_space<vmem>> -> memref<50x32xf32, #tpu.memory_space<vmem>>
      %dma_start3A_432 = arith.constant 0 : i32
      %dma_start3A_433 = arith.constant 0 : i32
      %dma_start3A_434 = tpu.memref_slice %arg4[%add3A_428, %dma_start3A_432, %dma_start3A_433] : memref<4096x50x32xf32, #tpu.memory_space<hbm>> -> memref<1x50x32xf32, #tpu.memory_space<hbm>>
      %dma_start3A_435 = tpu.memref_squeeze %dma_start3A_434 : memref<1x50x32xf32, #tpu.memory_space<hbm>> -> memref<50x32xf32, #tpu.memory_space<hbm>>
      %dma_start3A_436 = arith.constant 0 : i32
      %dma_start3A_437 = arith.constant 0 : i32
      %dma_start3A_438 = tpu.memref_slice %arg4[%add3A_428, %dma_start3A_436, %dma_start3A_437] : memref<4096x50x32xf32, #tpu.memory_space<hbm>> -> memref<1x50x32xf32, #tpu.memory_space<hbm>>
      %dma_start3A_439 = tpu.memref_squeeze %dma_start3A_438 : memref<1x50x32xf32, #tpu.memory_space<hbm>> -> memref<50x32xf32, #tpu.memory_space<hbm>>
      %dma_start3A_440 = arith.constant 0 : i32
      %dma_start3A_441 = arith.constant 0 : i32
      %dma_start3A_442 = tpu.memref_slice %arg7[%dma_start3A_440, %dma_start3A_441] : memref<400x32xf32, #tpu.memory_space<vmem>> -> memref<50x32xf32, #tpu.memory_space<vmem>>
      tpu.enqueue_dma source(%dma_start3A_442 : memref<50x32xf32, #tpu.memory_space<vmem>>) target(%dma_start3A_439 : memref<50x32xf32, #tpu.memory_space<hbm>>) target_semaphore(%arg11 : memref<!tpu.dma_semaphore, #tpu.memory_space<semaphore_mem>>)
      %mul3A_443 = arith.constant 8 : i32
      %mul3A_444 = arith.muli %add3A_406, %mul3A_443 : i32
      %add3A_445 = arith.addi %mul3A_2, %mul3A_444 : i32
      %add3A_446 = arith.constant 1 : i32
      %add3A_447 = arith.addi %add3A_445, %add3A_446 : i32
      %dma_start3A_448 = arith.constant 50 : i32
      %dma_start3A_449 = arith.constant 0 : i32
      %dma_start3A_450 = tpu.memref_slice %arg7[%dma_start3A_448, %dma_start3A_449] : memref<400x32xf32, #tpu.memory_space<vmem>> -> memref<50x32xf32, #tpu.memory_space<vmem>>
      %dma_start3A_451 = arith.constant 0 : i32
      %dma_start3A_452 = arith.constant 0 : i32
      %dma_start3A_453 = tpu.memref_slice %arg4[%add3A_447, %dma_start3A_451, %dma_start3A_452] : memref<4096x50x32xf32, #tpu.memory_space<hbm>> -> memref<1x50x32xf32, #tpu.memory_space<hbm>>
      %dma_start3A_454 = tpu.memref_squeeze %dma_start3A_453 : memref<1x50x32xf32, #tpu.memory_space<hbm>> -> memref<50x32xf32, #tpu.memory_space<hbm>>
      %dma_start3A_455 = arith.constant 0 : i32
      %dma_start3A_456 = arith.constant 0 : i32
      %dma_start3A_457 = tpu.memref_slice %arg4[%add3A_447, %dma_start3A_455, %dma_start3A_456] : memref<4096x50x32xf32, #tpu.memory_space<hbm>> -> memref<1x50x32xf32, #tpu.memory_space<hbm>>
      %dma_start3A_458 = tpu.memref_squeeze %dma_start3A_457 : memref<1x50x32xf32, #tpu.memory_space<hbm>> -> memref<50x32xf32, #tpu.memory_space<hbm>>
      %dma_start3A_459 = arith.constant 50 : i32
      %dma_start3A_460 = arith.constant 0 : i32
      %dma_start3A_461 = tpu.memref_slice %arg7[%dma_start3A_459, %dma_start3A_460] : memref<400x32xf32, #tpu.memory_space<vmem>> -> memref<50x32xf32, #tpu.memory_space<vmem>>
      tpu.enqueue_dma source(%dma_start3A_461 : memref<50x32xf32, #tpu.memory_space<vmem>>) target(%dma_start3A_458 : memref<50x32xf32, #tpu.memory_space<hbm>>) target_semaphore(%arg11 : memref<!tpu.dma_semaphore, #tpu.memory_space<semaphore_mem>>)
      %mul3A_462 = arith.constant 8 : i32
      %mul3A_463 = arith.muli %add3A_406, %mul3A_462 : i32
      %add3A_464 = arith.addi %mul3A_2, %mul3A_463 : i32
      %add3A_465 = arith.constant 2 : i32
      %add3A_466 = arith.addi %add3A_464, %add3A_465 : i32
      %dma_start3A_467 = arith.constant 100 : i32
      %dma_start3A_468 = arith.constant 0 : i32
      %dma_start3A_469 = tpu.memref_slice %arg7[%dma_start3A_467, %dma_start3A_468] : memref<400x32xf32, #tpu.memory_space<vmem>> -> memref<50x32xf32, #tpu.memory_space<vmem>>
      %dma_start3A_470 = arith.constant 0 : i32
      %dma_start3A_471 = arith.constant 0 : i32
      %dma_start3A_472 = tpu.memref_slice %arg4[%add3A_466, %dma_start3A_470, %dma_start3A_471] : memref<4096x50x32xf32, #tpu.memory_space<hbm>> -> memref<1x50x32xf32, #tpu.memory_space<hbm>>
      %dma_start3A_473 = tpu.memref_squeeze %dma_start3A_472 : memref<1x50x32xf32, #tpu.memory_space<hbm>> -> memref<50x32xf32, #tpu.memory_space<hbm>>
      %dma_start3A_474 = arith.constant 0 : i32
      %dma_start3A_475 = arith.constant 0 : i32
      %dma_start3A_476 = tpu.memref_slice %arg4[%add3A_466, %dma_start3A_474, %dma_start3A_475] : memref<4096x50x32xf32, #tpu.memory_space<hbm>> -> memref<1x50x32xf32, #tpu.memory_space<hbm>>
      %dma_start3A_477 = tpu.memref_squeeze %dma_start3A_476 : memref<1x50x32xf32, #tpu.memory_space<hbm>> -> memref<50x32xf32, #tpu.memory_space<hbm>>
      %dma_start3A_478 = arith.constant 100 : i32
      %dma_start3A_479 = arith.constant 0 : i32
      %dma_start3A_480 = tpu.memref_slice %arg7[%dma_start3A_478, %dma_start3A_479] : memref<400x32xf32, #tpu.memory_space<vmem>> -> memref<50x32xf32, #tpu.memory_space<vmem>>
      tpu.enqueue_dma source(%dma_start3A_480 : memref<50x32xf32, #tpu.memory_space<vmem>>) target(%dma_start3A_477 : memref<50x32xf32, #tpu.memory_space<hbm>>) target_semaphore(%arg11 : memref<!tpu.dma_semaphore, #tpu.memory_space<semaphore_mem>>)
      %mul3A_481 = arith.constant 8 : i32
      %mul3A_482 = arith.muli %add3A_406, %mul3A_481 : i32
      %add3A_483 = arith.addi %mul3A_2, %mul3A_482 : i32
      %add3A_484 = arith.constant 3 : i32
      %add3A_485 = arith.addi %add3A_483, %add3A_484 : i32
      %dma_start3A_486 = arith.constant 150 : i32
      %dma_start3A_487 = arith.constant 0 : i32
      %dma_start3A_488 = tpu.memref_slice %arg7[%dma_start3A_486, %dma_start3A_487] : memref<400x32xf32, #tpu.memory_space<vmem>> -> memref<50x32xf32, #tpu.memory_space<vmem>>
      %dma_start3A_489 = arith.constant 0 : i32
      %dma_start3A_490 = arith.constant 0 : i32
      %dma_start3A_491 = tpu.memref_slice %arg4[%add3A_485, %dma_start3A_489, %dma_start3A_490] : memref<4096x50x32xf32, #tpu.memory_space<hbm>> -> memref<1x50x32xf32, #tpu.memory_space<hbm>>
      %dma_start3A_492 = tpu.memref_squeeze %dma_start3A_491 : memref<1x50x32xf32, #tpu.memory_space<hbm>> -> memref<50x32xf32, #tpu.memory_space<hbm>>
      %dma_start3A_493 = arith.constant 0 : i32
      %dma_start3A_494 = arith.constant 0 : i32
      %dma_start3A_495 = tpu.memref_slice %arg4[%add3A_485, %dma_start3A_493, %dma_start3A_494] : memref<4096x50x32xf32, #tpu.memory_space<hbm>> -> memref<1x50x32xf32, #tpu.memory_space<hbm>>
      %dma_start3A_496 = tpu.memref_squeeze %dma_start3A_495 : memref<1x50x32xf32, #tpu.memory_space<hbm>> -> memref<50x32xf32, #tpu.memory_space<hbm>>
      %dma_start3A_497 = arith.constant 150 : i32
      %dma_start3A_498 = arith.constant 0 : i32
      %dma_start3A_499 = tpu.memref_slice %arg7[%dma_start3A_497, %dma_start3A_498] : memref<400x32xf32, #tpu.memory_space<vmem>> -> memref<50x32xf32, #tpu.memory_space<vmem>>
      tpu.enqueue_dma source(%dma_start3A_499 : memref<50x32xf32, #tpu.memory_space<vmem>>) target(%dma_start3A_496 : memref<50x32xf32, #tpu.memory_space<hbm>>) target_semaphore(%arg11 : memref<!tpu.dma_semaphore, #tpu.memory_space<semaphore_mem>>)
      %mul3A_500 = arith.constant 8 : i32
      %mul3A_501 = arith.muli %add3A_406, %mul3A_500 : i32
      %add3A_502 = arith.addi %mul3A_2, %mul3A_501 : i32
      %add3A_503 = arith.constant 4 : i32
      %add3A_504 = arith.addi %add3A_502, %add3A_503 : i32
      %dma_start3A_505 = arith.constant 200 : i32
      %dma_start3A_506 = arith.constant 0 : i32
      %dma_start3A_507 = tpu.memref_slice %arg7[%dma_start3A_505, %dma_start3A_506] : memref<400x32xf32, #tpu.memory_space<vmem>> -> memref<50x32xf32, #tpu.memory_space<vmem>>
      %dma_start3A_508 = arith.constant 0 : i32
      %dma_start3A_509 = arith.constant 0 : i32
      %dma_start3A_510 = tpu.memref_slice %arg4[%add3A_504, %dma_start3A_508, %dma_start3A_509] : memref<4096x50x32xf32, #tpu.memory_space<hbm>> -> memref<1x50x32xf32, #tpu.memory_space<hbm>>
      %dma_start3A_511 = tpu.memref_squeeze %dma_start3A_510 : memref<1x50x32xf32, #tpu.memory_space<hbm>> -> memref<50x32xf32, #tpu.memory_space<hbm>>
      %dma_start3A_512 = arith.constant 0 : i32
      %dma_start3A_513 = arith.constant 0 : i32
      %dma_start3A_514 = tpu.memref_slice %arg4[%add3A_504, %dma_start3A_512, %dma_start3A_513] : memref<4096x50x32xf32, #tpu.memory_space<hbm>> -> memref<1x50x32xf32, #tpu.memory_space<hbm>>
      %dma_start3A_515 = tpu.memref_squeeze %dma_start3A_514 : memref<1x50x32xf32, #tpu.memory_space<hbm>> -> memref<50x32xf32, #tpu.memory_space<hbm>>
      %dma_start3A_516 = arith.constant 200 : i32
      %dma_start3A_517 = arith.constant 0 : i32
      %dma_start3A_518 = tpu.memref_slice %arg7[%dma_start3A_516, %dma_start3A_517] : memref<400x32xf32, #tpu.memory_space<vmem>> -> memref<50x32xf32, #tpu.memory_space<vmem>>
      tpu.enqueue_dma source(%dma_start3A_518 : memref<50x32xf32, #tpu.memory_space<vmem>>) target(%dma_start3A_515 : memref<50x32xf32, #tpu.memory_space<hbm>>) target_semaphore(%arg11 : memref<!tpu.dma_semaphore, #tpu.memory_space<semaphore_mem>>)
      %mul3A_519 = arith.constant 8 : i32
      %mul3A_520 = arith.muli %add3A_406, %mul3A_519 : i32
      %add3A_521 = arith.addi %mul3A_2, %mul3A_520 : i32
      %add3A_522 = arith.constant 5 : i32
      %add3A_523 = arith.addi %add3A_521, %add3A_522 : i32
      %dma_start3A_524 = arith.constant 250 : i32
      %dma_start3A_525 = arith.constant 0 : i32
      %dma_start3A_526 = tpu.memref_slice %arg7[%dma_start3A_524, %dma_start3A_525] : memref<400x32xf32, #tpu.memory_space<vmem>> -> memref<50x32xf32, #tpu.memory_space<vmem>>
      %dma_start3A_527 = arith.constant 0 : i32
      %dma_start3A_528 = arith.constant 0 : i32
      %dma_start3A_529 = tpu.memref_slice %arg4[%add3A_523, %dma_start3A_527, %dma_start3A_528] : memref<4096x50x32xf32, #tpu.memory_space<hbm>> -> memref<1x50x32xf32, #tpu.memory_space<hbm>>
      %dma_start3A_530 = tpu.memref_squeeze %dma_start3A_529 : memref<1x50x32xf32, #tpu.memory_space<hbm>> -> memref<50x32xf32, #tpu.memory_space<hbm>>
      %dma_start3A_531 = arith.constant 0 : i32
      %dma_start3A_532 = arith.constant 0 : i32
      %dma_start3A_533 = tpu.memref_slice %arg4[%add3A_523, %dma_start3A_531, %dma_start3A_532] : memref<4096x50x32xf32, #tpu.memory_space<hbm>> -> memref<1x50x32xf32, #tpu.memory_space<hbm>>
      %dma_start3A_534 = tpu.memref_squeeze %dma_start3A_533 : memref<1x50x32xf32, #tpu.memory_space<hbm>> -> memref<50x32xf32, #tpu.memory_space<hbm>>
      %dma_start3A_535 = arith.constant 250 : i32
      %dma_start3A_536 = arith.constant 0 : i32
      %dma_start3A_537 = tpu.memref_slice %arg7[%dma_start3A_535, %dma_start3A_536] : memref<400x32xf32, #tpu.memory_space<vmem>> -> memref<50x32xf32, #tpu.memory_space<vmem>>
      tpu.enqueue_dma source(%dma_start3A_537 : memref<50x32xf32, #tpu.memory_space<vmem>>) target(%dma_start3A_534 : memref<50x32xf32, #tpu.memory_space<hbm>>) target_semaphore(%arg11 : memref<!tpu.dma_semaphore, #tpu.memory_space<semaphore_mem>>)
      %mul3A_538 = arith.constant 8 : i32
      %mul3A_539 = arith.muli %add3A_406, %mul3A_538 : i32
      %add3A_540 = arith.addi %mul3A_2, %mul3A_539 : i32
      %add3A_541 = arith.constant 6 : i32
      %add3A_542 = arith.addi %add3A_540, %add3A_541 : i32
      %dma_start3A_543 = arith.constant 300 : i32
      %dma_start3A_544 = arith.constant 0 : i32
      %dma_start3A_545 = tpu.memref_slice %arg7[%dma_start3A_543, %dma_start3A_544] : memref<400x32xf32, #tpu.memory_space<vmem>> -> memref<50x32xf32, #tpu.memory_space<vmem>>
      %dma_start3A_546 = arith.constant 0 : i32
      %dma_start3A_547 = arith.constant 0 : i32
      %dma_start3A_548 = tpu.memref_slice %arg4[%add3A_542, %dma_start3A_546, %dma_start3A_547] : memref<4096x50x32xf32, #tpu.memory_space<hbm>> -> memref<1x50x32xf32, #tpu.memory_space<hbm>>
      %dma_start3A_549 = tpu.memref_squeeze %dma_start3A_548 : memref<1x50x32xf32, #tpu.memory_space<hbm>> -> memref<50x32xf32, #tpu.memory_space<hbm>>
      %dma_start3A_550 = arith.constant 0 : i32
      %dma_start3A_551 = arith.constant 0 : i32
      %dma_start3A_552 = tpu.memref_slice %arg4[%add3A_542, %dma_start3A_550, %dma_start3A_551] : memref<4096x50x32xf32, #tpu.memory_space<hbm>> -> memref<1x50x32xf32, #tpu.memory_space<hbm>>
      %dma_start3A_553 = tpu.memref_squeeze %dma_start3A_552 : memref<1x50x32xf32, #tpu.memory_space<hbm>> -> memref<50x32xf32, #tpu.memory_space<hbm>>
      %dma_start3A_554 = arith.constant 300 : i32
      %dma_start3A_555 = arith.constant 0 : i32
      %dma_start3A_556 = tpu.memref_slice %arg7[%dma_start3A_554, %dma_start3A_555] : memref<400x32xf32, #tpu.memory_space<vmem>> -> memref<50x32xf32, #tpu.memory_space<vmem>>
      tpu.enqueue_dma source(%dma_start3A_556 : memref<50x32xf32, #tpu.memory_space<vmem>>) target(%dma_start3A_553 : memref<50x32xf32, #tpu.memory_space<hbm>>) target_semaphore(%arg11 : memref<!tpu.dma_semaphore, #tpu.memory_space<semaphore_mem>>)
      %mul3A_557 = arith.constant 8 : i32
      %mul3A_558 = arith.muli %add3A_406, %mul3A_557 : i32
      %add3A_559 = arith.addi %mul3A_2, %mul3A_558 : i32
      %add3A_560 = arith.constant 7 : i32
      %add3A_561 = arith.addi %add3A_559, %add3A_560 : i32
      %dma_start3A_562 = arith.constant 350 : i32
      %dma_start3A_563 = arith.constant 0 : i32
      %dma_start3A_564 = tpu.memref_slice %arg7[%dma_start3A_562, %dma_start3A_563] : memref<400x32xf32, #tpu.memory_space<vmem>> -> memref<50x32xf32, #tpu.memory_space<vmem>>
      %dma_start3A_565 = arith.constant 0 : i32
      %dma_start3A_566 = arith.constant 0 : i32
      %dma_start3A_567 = tpu.memref_slice %arg4[%add3A_561, %dma_start3A_565, %dma_start3A_566] : memref<4096x50x32xf32, #tpu.memory_space<hbm>> -> memref<1x50x32xf32, #tpu.memory_space<hbm>>
      %dma_start3A_568 = tpu.memref_squeeze %dma_start3A_567 : memref<1x50x32xf32, #tpu.memory_space<hbm>> -> memref<50x32xf32, #tpu.memory_space<hbm>>
      %dma_start3A_569 = arith.constant 0 : i32
      %dma_start3A_570 = arith.constant 0 : i32
      %dma_start3A_571 = tpu.memref_slice %arg4[%add3A_561, %dma_start3A_569, %dma_start3A_570] : memref<4096x50x32xf32, #tpu.memory_space<hbm>> -> memref<1x50x32xf32, #tpu.memory_space<hbm>>
      %dma_start3A_572 = tpu.memref_squeeze %dma_start3A_571 : memref<1x50x32xf32, #tpu.memory_space<hbm>> -> memref<50x32xf32, #tpu.memory_space<hbm>>
      %dma_start3A_573 = arith.constant 350 : i32
      %dma_start3A_574 = arith.constant 0 : i32
      %dma_start3A_575 = tpu.memref_slice %arg7[%dma_start3A_573, %dma_start3A_574] : memref<400x32xf32, #tpu.memory_space<vmem>> -> memref<50x32xf32, #tpu.memory_space<vmem>>
      tpu.enqueue_dma source(%dma_start3A_575 : memref<50x32xf32, #tpu.memory_space<vmem>>) target(%dma_start3A_572 : memref<50x32xf32, #tpu.memory_space<hbm>>) target_semaphore(%arg11 : memref<!tpu.dma_semaphore, #tpu.memory_space<semaphore_mem>>)
    }
    %scan3A_9 = arith.constant 8 : i32
    %dma_wait3A = arith.constant 0 : i32
    %dma_wait3A_10 = arith.constant 0 : i32
    %dma_wait3A_11 = tpu.memref_slice %arg6[%dma_wait3A, %dma_wait3A_10] : memref<400x32xf32, #tpu.memory_space<vmem>> -> memref<50x32xf32, #tpu.memory_space<vmem>>
    %dma_wait3A_12 = arith.constant 0 : i32
    %dma_wait3A_13 = arith.constant 0 : i32
    %dma_wait3A_14 = tpu.memref_slice %arg4[%mul3A_2, %dma_wait3A_12, %dma_wait3A_13] : memref<4096x50x32xf32, #tpu.memory_space<hbm>> -> memref<1x50x32xf32, #tpu.memory_space<hbm>>
    %dma_wait3A_15 = tpu.memref_squeeze %dma_wait3A_14 : memref<1x50x32xf32, #tpu.memory_space<hbm>> -> memref<50x32xf32, #tpu.memory_space<hbm>>
    %dma_wait3A_16 = arith.constant 0 : i32
    %dma_wait3A_17 = arith.constant 0 : i32
    %dma_wait3A_18 = tpu.memref_slice %arg4[%mul3A_2, %dma_wait3A_16, %dma_wait3A_17] : memref<4096x50x32xf32, #tpu.memory_space<hbm>> -> memref<1x50x32xf32, #tpu.memory_space<hbm>>
    %dma_wait3A_19 = tpu.memref_squeeze %dma_wait3A_18 : memref<1x50x32xf32, #tpu.memory_space<hbm>> -> memref<50x32xf32, #tpu.memory_space<hbm>>
    %dma_wait3A_20 = arith.constant 0 : i32
    %dma_wait3A_21 = arith.constant 0 : i32
    %dma_wait3A_22 = tpu.memref_slice %arg6[%dma_wait3A_20, %dma_wait3A_21] : memref<400x32xf32, #tpu.memory_space<vmem>> -> memref<50x32xf32, #tpu.memory_space<vmem>>
    tpu.wait_dma2 semaphore(%arg10 : memref<!tpu.dma_semaphore, #tpu.memory_space<semaphore_mem>>) src(%dma_wait3A_22 : memref<50x32xf32, #tpu.memory_space<vmem>>) dst(%dma_wait3A_19 : memref<50x32xf32, #tpu.memory_space<hbm>>)
    %dma_wait3A_23 = arith.constant 50 : i32
    %dma_wait3A_24 = arith.constant 0 : i32
    %dma_wait3A_25 = tpu.memref_slice %arg6[%dma_wait3A_23, %dma_wait3A_24] : memref<400x32xf32, #tpu.memory_space<vmem>> -> memref<50x32xf32, #tpu.memory_space<vmem>>
    %dma_wait3A_26 = arith.constant 0 : i32
    %dma_wait3A_27 = arith.constant 0 : i32
    %dma_wait3A_28 = tpu.memref_slice %arg4[%mul3A_2, %dma_wait3A_26, %dma_wait3A_27] : memref<4096x50x32xf32, #tpu.memory_space<hbm>> -> memref<1x50x32xf32, #tpu.memory_space<hbm>>
    %dma_wait3A_29 = tpu.memref_squeeze %dma_wait3A_28 : memref<1x50x32xf32, #tpu.memory_space<hbm>> -> memref<50x32xf32, #tpu.memory_space<hbm>>
    %dma_wait3A_30 = arith.constant 0 : i32
    %dma_wait3A_31 = arith.constant 0 : i32
    %dma_wait3A_32 = tpu.memref_slice %arg4[%mul3A_2, %dma_wait3A_30, %dma_wait3A_31] : memref<4096x50x32xf32, #tpu.memory_space<hbm>> -> memref<1x50x32xf32, #tpu.memory_space<hbm>>
    %dma_wait3A_33 = tpu.memref_squeeze %dma_wait3A_32 : memref<1x50x32xf32, #tpu.memory_space<hbm>> -> memref<50x32xf32, #tpu.memory_space<hbm>>
    %dma_wait3A_34 = arith.constant 50 : i32
    %dma_wait3A_35 = arith.constant 0 : i32
    %dma_wait3A_36 = tpu.memref_slice %arg6[%dma_wait3A_34, %dma_wait3A_35] : memref<400x32xf32, #tpu.memory_space<vmem>> -> memref<50x32xf32, #tpu.memory_space<vmem>>
    tpu.wait_dma2 semaphore(%arg10 : memref<!tpu.dma_semaphore, #tpu.memory_space<semaphore_mem>>) src(%dma_wait3A_36 : memref<50x32xf32, #tpu.memory_space<vmem>>) dst(%dma_wait3A_33 : memref<50x32xf32, #tpu.memory_space<hbm>>)
    %dma_wait3A_37 = arith.constant 100 : i32
    %dma_wait3A_38 = arith.constant 0 : i32
    %dma_wait3A_39 = tpu.memref_slice %arg6[%dma_wait3A_37, %dma_wait3A_38] : memref<400x32xf32, #tpu.memory_space<vmem>> -> memref<50x32xf32, #tpu.memory_space<vmem>>
    %dma_wait3A_40 = arith.constant 0 : i32
    %dma_wait3A_41 = arith.constant 0 : i32
    %dma_wait3A_42 = tpu.memref_slice %arg4[%mul3A_2, %dma_wait3A_40, %dma_wait3A_41] : memref<4096x50x32xf32, #tpu.memory_space<hbm>> -> memref<1x50x32xf32, #tpu.memory_space<hbm>>
    %dma_wait3A_43 = tpu.memref_squeeze %dma_wait3A_42 : memref<1x50x32xf32, #tpu.memory_space<hbm>> -> memref<50x32xf32, #tpu.memory_space<hbm>>
    %dma_wait3A_44 = arith.constant 0 : i32
    %dma_wait3A_45 = arith.constant 0 : i32
    %dma_wait3A_46 = tpu.memref_slice %arg4[%mul3A_2, %dma_wait3A_44, %dma_wait3A_45] : memref<4096x50x32xf32, #tpu.memory_space<hbm>> -> memref<1x50x32xf32, #tpu.memory_space<hbm>>
    %dma_wait3A_47 = tpu.memref_squeeze %dma_wait3A_46 : memref<1x50x32xf32, #tpu.memory_space<hbm>> -> memref<50x32xf32, #tpu.memory_space<hbm>>
    %dma_wait3A_48 = arith.constant 100 : i32
    %dma_wait3A_49 = arith.constant 0 : i32
    %dma_wait3A_50 = tpu.memref_slice %arg6[%dma_wait3A_48, %dma_wait3A_49] : memref<400x32xf32, #tpu.memory_space<vmem>> -> memref<50x32xf32, #tpu.memory_space<vmem>>
    tpu.wait_dma2 semaphore(%arg10 : memref<!tpu.dma_semaphore, #tpu.memory_space<semaphore_mem>>) src(%dma_wait3A_50 : memref<50x32xf32, #tpu.memory_space<vmem>>) dst(%dma_wait3A_47 : memref<50x32xf32, #tpu.memory_space<hbm>>)
    %dma_wait3A_51 = arith.constant 150 : i32
    %dma_wait3A_52 = arith.constant 0 : i32
    %dma_wait3A_53 = tpu.memref_slice %arg6[%dma_wait3A_51, %dma_wait3A_52] : memref<400x32xf32, #tpu.memory_space<vmem>> -> memref<50x32xf32, #tpu.memory_space<vmem>>
    %dma_wait3A_54 = arith.constant 0 : i32
    %dma_wait3A_55 = arith.constant 0 : i32
    %dma_wait3A_56 = tpu.memref_slice %arg4[%mul3A_2, %dma_wait3A_54, %dma_wait3A_55] : memref<4096x50x32xf32, #tpu.memory_space<hbm>> -> memref<1x50x32xf32, #tpu.memory_space<hbm>>
    %dma_wait3A_57 = tpu.memref_squeeze %dma_wait3A_56 : memref<1x50x32xf32, #tpu.memory_space<hbm>> -> memref<50x32xf32, #tpu.memory_space<hbm>>
    %dma_wait3A_58 = arith.constant 0 : i32
    %dma_wait3A_59 = arith.constant 0 : i32
    %dma_wait3A_60 = tpu.memref_slice %arg4[%mul3A_2, %dma_wait3A_58, %dma_wait3A_59] : memref<4096x50x32xf32, #tpu.memory_space<hbm>> -> memref<1x50x32xf32, #tpu.memory_space<hbm>>
    %dma_wait3A_61 = tpu.memref_squeeze %dma_wait3A_60 : memref<1x50x32xf32, #tpu.memory_space<hbm>> -> memref<50x32xf32, #tpu.memory_space<hbm>>
    %dma_wait3A_62 = arith.constant 150 : i32
    %dma_wait3A_63 = arith.constant 0 : i32
    %dma_wait3A_64 = tpu.memref_slice %arg6[%dma_wait3A_62, %dma_wait3A_63] : memref<400x32xf32, #tpu.memory_space<vmem>> -> memref<50x32xf32, #tpu.memory_space<vmem>>
    tpu.wait_dma2 semaphore(%arg10 : memref<!tpu.dma_semaphore, #tpu.memory_space<semaphore_mem>>) src(%dma_wait3A_64 : memref<50x32xf32, #tpu.memory_space<vmem>>) dst(%dma_wait3A_61 : memref<50x32xf32, #tpu.memory_space<hbm>>)
    %dma_wait3A_65 = arith.constant 200 : i32
    %dma_wait3A_66 = arith.constant 0 : i32
    %dma_wait3A_67 = tpu.memref_slice %arg6[%dma_wait3A_65, %dma_wait3A_66] : memref<400x32xf32, #tpu.memory_space<vmem>> -> memref<50x32xf32, #tpu.memory_space<vmem>>
    %dma_wait3A_68 = arith.constant 0 : i32
    %dma_wait3A_69 = arith.constant 0 : i32
    %dma_wait3A_70 = tpu.memref_slice %arg4[%mul3A_2, %dma_wait3A_68, %dma_wait3A_69] : memref<4096x50x32xf32, #tpu.memory_space<hbm>> -> memref<1x50x32xf32, #tpu.memory_space<hbm>>
    %dma_wait3A_71 = tpu.memref_squeeze %dma_wait3A_70 : memref<1x50x32xf32, #tpu.memory_space<hbm>> -> memref<50x32xf32, #tpu.memory_space<hbm>>
    %dma_wait3A_72 = arith.constant 0 : i32
    %dma_wait3A_73 = arith.constant 0 : i32
    %dma_wait3A_74 = tpu.memref_slice %arg4[%mul3A_2, %dma_wait3A_72, %dma_wait3A_73] : memref<4096x50x32xf32, #tpu.memory_space<hbm>> -> memref<1x50x32xf32, #tpu.memory_space<hbm>>
    %dma_wait3A_75 = tpu.memref_squeeze %dma_wait3A_74 : memref<1x50x32xf32, #tpu.memory_space<hbm>> -> memref<50x32xf32, #tpu.memory_space<hbm>>
    %dma_wait3A_76 = arith.constant 200 : i32
    %dma_wait3A_77 = arith.constant 0 : i32
    %dma_wait3A_78 = tpu.memref_slice %arg6[%dma_wait3A_76, %dma_wait3A_77] : memref<400x32xf32, #tpu.memory_space<vmem>> -> memref<50x32xf32, #tpu.memory_space<vmem>>
    tpu.wait_dma2 semaphore(%arg10 : memref<!tpu.dma_semaphore, #tpu.memory_space<semaphore_mem>>) src(%dma_wait3A_78 : memref<50x32xf32, #tpu.memory_space<vmem>>) dst(%dma_wait3A_75 : memref<50x32xf32, #tpu.memory_space<hbm>>)
    %dma_wait3A_79 = arith.constant 250 : i32
    %dma_wait3A_80 = arith.constant 0 : i32
    %dma_wait3A_81 = tpu.memref_slice %arg6[%dma_wait3A_79, %dma_wait3A_80] : memref<400x32xf32, #tpu.memory_space<vmem>> -> memref<50x32xf32, #tpu.memory_space<vmem>>
    %dma_wait3A_82 = arith.constant 0 : i32
    %dma_wait3A_83 = arith.constant 0 : i32
    %dma_wait3A_84 = tpu.memref_slice %arg4[%mul3A_2, %dma_wait3A_82, %dma_wait3A_83] : memref<4096x50x32xf32, #tpu.memory_space<hbm>> -> memref<1x50x32xf32, #tpu.memory_space<hbm>>
    %dma_wait3A_85 = tpu.memref_squeeze %dma_wait3A_84 : memref<1x50x32xf32, #tpu.memory_space<hbm>> -> memref<50x32xf32, #tpu.memory_space<hbm>>
    %dma_wait3A_86 = arith.constant 0 : i32
    %dma_wait3A_87 = arith.constant 0 : i32
    %dma_wait3A_88 = tpu.memref_slice %arg4[%mul3A_2, %dma_wait3A_86, %dma_wait3A_87] : memref<4096x50x32xf32, #tpu.memory_space<hbm>> -> memref<1x50x32xf32, #tpu.memory_space<hbm>>
    %dma_wait3A_89 = tpu.memref_squeeze %dma_wait3A_88 : memref<1x50x32xf32, #tpu.memory_space<hbm>> -> memref<50x32xf32, #tpu.memory_space<hbm>>
    %dma_wait3A_90 = arith.constant 250 : i32
    %dma_wait3A_91 = arith.constant 0 : i32
    %dma_wait3A_92 = tpu.memref_slice %arg6[%dma_wait3A_90, %dma_wait3A_91] : memref<400x32xf32, #tpu.memory_space<vmem>> -> memref<50x32xf32, #tpu.memory_space<vmem>>
    tpu.wait_dma2 semaphore(%arg10 : memref<!tpu.dma_semaphore, #tpu.memory_space<semaphore_mem>>) src(%dma_wait3A_92 : memref<50x32xf32, #tpu.memory_space<vmem>>) dst(%dma_wait3A_89 : memref<50x32xf32, #tpu.memory_space<hbm>>)
    %dma_wait3A_93 = arith.constant 300 : i32
    %dma_wait3A_94 = arith.constant 0 : i32
    %dma_wait3A_95 = tpu.memref_slice %arg6[%dma_wait3A_93, %dma_wait3A_94] : memref<400x32xf32, #tpu.memory_space<vmem>> -> memref<50x32xf32, #tpu.memory_space<vmem>>
    %dma_wait3A_96 = arith.constant 0 : i32
    %dma_wait3A_97 = arith.constant 0 : i32
    %dma_wait3A_98 = tpu.memref_slice %arg4[%mul3A_2, %dma_wait3A_96, %dma_wait3A_97] : memref<4096x50x32xf32, #tpu.memory_space<hbm>> -> memref<1x50x32xf32, #tpu.memory_space<hbm>>
    %dma_wait3A_99 = tpu.memref_squeeze %dma_wait3A_98 : memref<1x50x32xf32, #tpu.memory_space<hbm>> -> memref<50x32xf32, #tpu.memory_space<hbm>>
    %dma_wait3A_100 = arith.constant 0 : i32
    %dma_wait3A_101 = arith.constant 0 : i32
    %dma_wait3A_102 = tpu.memref_slice %arg4[%mul3A_2, %dma_wait3A_100, %dma_wait3A_101] : memref<4096x50x32xf32, #tpu.memory_space<hbm>> -> memref<1x50x32xf32, #tpu.memory_space<hbm>>
    %dma_wait3A_103 = tpu.memref_squeeze %dma_wait3A_102 : memref<1x50x32xf32, #tpu.memory_space<hbm>> -> memref<50x32xf32, #tpu.memory_space<hbm>>
    %dma_wait3A_104 = arith.constant 300 : i32
    %dma_wait3A_105 = arith.constant 0 : i32
    %dma_wait3A_106 = tpu.memref_slice %arg6[%dma_wait3A_104, %dma_wait3A_105] : memref<400x32xf32, #tpu.memory_space<vmem>> -> memref<50x32xf32, #tpu.memory_space<vmem>>
    tpu.wait_dma2 semaphore(%arg10 : memref<!tpu.dma_semaphore, #tpu.memory_space<semaphore_mem>>) src(%dma_wait3A_106 : memref<50x32xf32, #tpu.memory_space<vmem>>) dst(%dma_wait3A_103 : memref<50x32xf32, #tpu.memory_space<hbm>>)
    %dma_wait3A_107 = arith.constant 350 : i32
    %dma_wait3A_108 = arith.constant 0 : i32
    %dma_wait3A_109 = tpu.memref_slice %arg6[%dma_wait3A_107, %dma_wait3A_108] : memref<400x32xf32, #tpu.memory_space<vmem>> -> memref<50x32xf32, #tpu.memory_space<vmem>>
    %dma_wait3A_110 = arith.constant 0 : i32
    %dma_wait3A_111 = arith.constant 0 : i32
    %dma_wait3A_112 = tpu.memref_slice %arg4[%mul3A_2, %dma_wait3A_110, %dma_wait3A_111] : memref<4096x50x32xf32, #tpu.memory_space<hbm>> -> memref<1x50x32xf32, #tpu.memory_space<hbm>>
    %dma_wait3A_113 = tpu.memref_squeeze %dma_wait3A_112 : memref<1x50x32xf32, #tpu.memory_space<hbm>> -> memref<50x32xf32, #tpu.memory_space<hbm>>
    %dma_wait3A_114 = arith.constant 0 : i32
    %dma_wait3A_115 = arith.constant 0 : i32
    %dma_wait3A_116 = tpu.memref_slice %arg4[%mul3A_2, %dma_wait3A_114, %dma_wait3A_115] : memref<4096x50x32xf32, #tpu.memory_space<hbm>> -> memref<1x50x32xf32, #tpu.memory_space<hbm>>
    %dma_wait3A_117 = tpu.memref_squeeze %dma_wait3A_116 : memref<1x50x32xf32, #tpu.memory_space<hbm>> -> memref<50x32xf32, #tpu.memory_space<hbm>>
    %dma_wait3A_118 = arith.constant 350 : i32
    %dma_wait3A_119 = arith.constant 0 : i32
    %dma_wait3A_120 = tpu.memref_slice %arg6[%dma_wait3A_118, %dma_wait3A_119] : memref<400x32xf32, #tpu.memory_space<vmem>> -> memref<50x32xf32, #tpu.memory_space<vmem>>
    tpu.wait_dma2 semaphore(%arg10 : memref<!tpu.dma_semaphore, #tpu.memory_space<semaphore_mem>>) src(%dma_wait3A_120 : memref<50x32xf32, #tpu.memory_space<vmem>>) dst(%dma_wait3A_117 : memref<50x32xf32, #tpu.memory_space<hbm>>)
    %dma_wait3A_121 = arith.constant 0 : i32
    %dma_wait3A_122 = arith.constant 0 : i32
    %dma_wait3A_123 = tpu.memref_slice %arg7[%dma_wait3A_121, %dma_wait3A_122] : memref<400x32xf32, #tpu.memory_space<vmem>> -> memref<50x32xf32, #tpu.memory_space<vmem>>
    %dma_wait3A_124 = arith.constant 0 : i32
    %dma_wait3A_125 = arith.constant 0 : i32
    %dma_wait3A_126 = tpu.memref_slice %arg4[%mul3A_2, %dma_wait3A_124, %dma_wait3A_125] : memref<4096x50x32xf32, #tpu.memory_space<hbm>> -> memref<1x50x32xf32, #tpu.memory_space<hbm>>
    %dma_wait3A_127 = tpu.memref_squeeze %dma_wait3A_126 : memref<1x50x32xf32, #tpu.memory_space<hbm>> -> memref<50x32xf32, #tpu.memory_space<hbm>>
    %dma_wait3A_128 = arith.constant 0 : i32
    %dma_wait3A_129 = arith.constant 0 : i32
    %dma_wait3A_130 = tpu.memref_slice %arg4[%mul3A_2, %dma_wait3A_128, %dma_wait3A_129] : memref<4096x50x32xf32, #tpu.memory_space<hbm>> -> memref<1x50x32xf32, #tpu.memory_space<hbm>>
    %dma_wait3A_131 = tpu.memref_squeeze %dma_wait3A_130 : memref<1x50x32xf32, #tpu.memory_space<hbm>> -> memref<50x32xf32, #tpu.memory_space<hbm>>
    %dma_wait3A_132 = arith.constant 0 : i32
    %dma_wait3A_133 = arith.constant 0 : i32
    %dma_wait3A_134 = tpu.memref_slice %arg7[%dma_wait3A_132, %dma_wait3A_133] : memref<400x32xf32, #tpu.memory_space<vmem>> -> memref<50x32xf32, #tpu.memory_space<vmem>>
    tpu.wait_dma2 semaphore(%arg11 : memref<!tpu.dma_semaphore, #tpu.memory_space<semaphore_mem>>) src(%dma_wait3A_134 : memref<50x32xf32, #tpu.memory_space<vmem>>) dst(%dma_wait3A_131 : memref<50x32xf32, #tpu.memory_space<hbm>>)
    %dma_wait3A_135 = arith.constant 50 : i32
    %dma_wait3A_136 = arith.constant 0 : i32
    %dma_wait3A_137 = tpu.memref_slice %arg7[%dma_wait3A_135, %dma_wait3A_136] : memref<400x32xf32, #tpu.memory_space<vmem>> -> memref<50x32xf32, #tpu.memory_space<vmem>>
    %dma_wait3A_138 = arith.constant 0 : i32
    %dma_wait3A_139 = arith.constant 0 : i32
    %dma_wait3A_140 = tpu.memref_slice %arg4[%mul3A_2, %dma_wait3A_138, %dma_wait3A_139] : memref<4096x50x32xf32, #tpu.memory_space<hbm>> -> memref<1x50x32xf32, #tpu.memory_space<hbm>>
    %dma_wait3A_141 = tpu.memref_squeeze %dma_wait3A_140 : memref<1x50x32xf32, #tpu.memory_space<hbm>> -> memref<50x32xf32, #tpu.memory_space<hbm>>
    %dma_wait3A_142 = arith.constant 0 : i32
    %dma_wait3A_143 = arith.constant 0 : i32
    %dma_wait3A_144 = tpu.memref_slice %arg4[%mul3A_2, %dma_wait3A_142, %dma_wait3A_143] : memref<4096x50x32xf32, #tpu.memory_space<hbm>> -> memref<1x50x32xf32, #tpu.memory_space<hbm>>
    %dma_wait3A_145 = tpu.memref_squeeze %dma_wait3A_144 : memref<1x50x32xf32, #tpu.memory_space<hbm>> -> memref<50x32xf32, #tpu.memory_space<hbm>>
    %dma_wait3A_146 = arith.constant 50 : i32
    %dma_wait3A_147 = arith.constant 0 : i32
    %dma_wait3A_148 = tpu.memref_slice %arg7[%dma_wait3A_146, %dma_wait3A_147] : memref<400x32xf32, #tpu.memory_space<vmem>> -> memref<50x32xf32, #tpu.memory_space<vmem>>
    tpu.wait_dma2 semaphore(%arg11 : memref<!tpu.dma_semaphore, #tpu.memory_space<semaphore_mem>>) src(%dma_wait3A_148 : memref<50x32xf32, #tpu.memory_space<vmem>>) dst(%dma_wait3A_145 : memref<50x32xf32, #tpu.memory_space<hbm>>)
    %dma_wait3A_149 = arith.constant 100 : i32
    %dma_wait3A_150 = arith.constant 0 : i32
    %dma_wait3A_151 = tpu.memref_slice %arg7[%dma_wait3A_149, %dma_wait3A_150] : memref<400x32xf32, #tpu.memory_space<vmem>> -> memref<50x32xf32, #tpu.memory_space<vmem>>
    %dma_wait3A_152 = arith.constant 0 : i32
    %dma_wait3A_153 = arith.constant 0 : i32
    %dma_wait3A_154 = tpu.memref_slice %arg4[%mul3A_2, %dma_wait3A_152, %dma_wait3A_153] : memref<4096x50x32xf32, #tpu.memory_space<hbm>> -> memref<1x50x32xf32, #tpu.memory_space<hbm>>
    %dma_wait3A_155 = tpu.memref_squeeze %dma_wait3A_154 : memref<1x50x32xf32, #tpu.memory_space<hbm>> -> memref<50x32xf32, #tpu.memory_space<hbm>>
    %dma_wait3A_156 = arith.constant 0 : i32
    %dma_wait3A_157 = arith.constant 0 : i32
    %dma_wait3A_158 = tpu.memref_slice %arg4[%mul3A_2, %dma_wait3A_156, %dma_wait3A_157] : memref<4096x50x32xf32, #tpu.memory_space<hbm>> -> memref<1x50x32xf32, #tpu.memory_space<hbm>>
    %dma_wait3A_159 = tpu.memref_squeeze %dma_wait3A_158 : memref<1x50x32xf32, #tpu.memory_space<hbm>> -> memref<50x32xf32, #tpu.memory_space<hbm>>
    %dma_wait3A_160 = arith.constant 100 : i32
    %dma_wait3A_161 = arith.constant 0 : i32
    %dma_wait3A_162 = tpu.memref_slice %arg7[%dma_wait3A_160, %dma_wait3A_161] : memref<400x32xf32, #tpu.memory_space<vmem>> -> memref<50x32xf32, #tpu.memory_space<vmem>>
    tpu.wait_dma2 semaphore(%arg11 : memref<!tpu.dma_semaphore, #tpu.memory_space<semaphore_mem>>) src(%dma_wait3A_162 : memref<50x32xf32, #tpu.memory_space<vmem>>) dst(%dma_wait3A_159 : memref<50x32xf32, #tpu.memory_space<hbm>>)
    %dma_wait3A_163 = arith.constant 150 : i32
    %dma_wait3A_164 = arith.constant 0 : i32
    %dma_wait3A_165 = tpu.memref_slice %arg7[%dma_wait3A_163, %dma_wait3A_164] : memref<400x32xf32, #tpu.memory_space<vmem>> -> memref<50x32xf32, #tpu.memory_space<vmem>>
    %dma_wait3A_166 = arith.constant 0 : i32
    %dma_wait3A_167 = arith.constant 0 : i32
    %dma_wait3A_168 = tpu.memref_slice %arg4[%mul3A_2, %dma_wait3A_166, %dma_wait3A_167] : memref<4096x50x32xf32, #tpu.memory_space<hbm>> -> memref<1x50x32xf32, #tpu.memory_space<hbm>>
    %dma_wait3A_169 = tpu.memref_squeeze %dma_wait3A_168 : memref<1x50x32xf32, #tpu.memory_space<hbm>> -> memref<50x32xf32, #tpu.memory_space<hbm>>
    %dma_wait3A_170 = arith.constant 0 : i32
    %dma_wait3A_171 = arith.constant 0 : i32
    %dma_wait3A_172 = tpu.memref_slice %arg4[%mul3A_2, %dma_wait3A_170, %dma_wait3A_171] : memref<4096x50x32xf32, #tpu.memory_space<hbm>> -> memref<1x50x32xf32, #tpu.memory_space<hbm>>
    %dma_wait3A_173 = tpu.memref_squeeze %dma_wait3A_172 : memref<1x50x32xf32, #tpu.memory_space<hbm>> -> memref<50x32xf32, #tpu.memory_space<hbm>>
    %dma_wait3A_174 = arith.constant 150 : i32
    %dma_wait3A_175 = arith.constant 0 : i32
    %dma_wait3A_176 = tpu.memref_slice %arg7[%dma_wait3A_174, %dma_wait3A_175] : memref<400x32xf32, #tpu.memory_space<vmem>> -> memref<50x32xf32, #tpu.memory_space<vmem>>
    tpu.wait_dma2 semaphore(%arg11 : memref<!tpu.dma_semaphore, #tpu.memory_space<semaphore_mem>>) src(%dma_wait3A_176 : memref<50x32xf32, #tpu.memory_space<vmem>>) dst(%dma_wait3A_173 : memref<50x32xf32, #tpu.memory_space<hbm>>)
    %dma_wait3A_177 = arith.constant 200 : i32
    %dma_wait3A_178 = arith.constant 0 : i32
    %dma_wait3A_179 = tpu.memref_slice %arg7[%dma_wait3A_177, %dma_wait3A_178] : memref<400x32xf32, #tpu.memory_space<vmem>> -> memref<50x32xf32, #tpu.memory_space<vmem>>
    %dma_wait3A_180 = arith.constant 0 : i32
    %dma_wait3A_181 = arith.constant 0 : i32
    %dma_wait3A_182 = tpu.memref_slice %arg4[%mul3A_2, %dma_wait3A_180, %dma_wait3A_181] : memref<4096x50x32xf32, #tpu.memory_space<hbm>> -> memref<1x50x32xf32, #tpu.memory_space<hbm>>
    %dma_wait3A_183 = tpu.memref_squeeze %dma_wait3A_182 : memref<1x50x32xf32, #tpu.memory_space<hbm>> -> memref<50x32xf32, #tpu.memory_space<hbm>>
    %dma_wait3A_184 = arith.constant 0 : i32
    %dma_wait3A_185 = arith.constant 0 : i32
    %dma_wait3A_186 = tpu.memref_slice %arg4[%mul3A_2, %dma_wait3A_184, %dma_wait3A_185] : memref<4096x50x32xf32, #tpu.memory_space<hbm>> -> memref<1x50x32xf32, #tpu.memory_space<hbm>>
    %dma_wait3A_187 = tpu.memref_squeeze %dma_wait3A_186 : memref<1x50x32xf32, #tpu.memory_space<hbm>> -> memref<50x32xf32, #tpu.memory_space<hbm>>
    %dma_wait3A_188 = arith.constant 200 : i32
    %dma_wait3A_189 = arith.constant 0 : i32
    %dma_wait3A_190 = tpu.memref_slice %arg7[%dma_wait3A_188, %dma_wait3A_189] : memref<400x32xf32, #tpu.memory_space<vmem>> -> memref<50x32xf32, #tpu.memory_space<vmem>>
    tpu.wait_dma2 semaphore(%arg11 : memref<!tpu.dma_semaphore, #tpu.memory_space<semaphore_mem>>) src(%dma_wait3A_190 : memref<50x32xf32, #tpu.memory_space<vmem>>) dst(%dma_wait3A_187 : memref<50x32xf32, #tpu.memory_space<hbm>>)
    %dma_wait3A_191 = arith.constant 250 : i32
    %dma_wait3A_192 = arith.constant 0 : i32
    %dma_wait3A_193 = tpu.memref_slice %arg7[%dma_wait3A_191, %dma_wait3A_192] : memref<400x32xf32, #tpu.memory_space<vmem>> -> memref<50x32xf32, #tpu.memory_space<vmem>>
    %dma_wait3A_194 = arith.constant 0 : i32
    %dma_wait3A_195 = arith.constant 0 : i32
    %dma_wait3A_196 = tpu.memref_slice %arg4[%mul3A_2, %dma_wait3A_194, %dma_wait3A_195] : memref<4096x50x32xf32, #tpu.memory_space<hbm>> -> memref<1x50x32xf32, #tpu.memory_space<hbm>>
    %dma_wait3A_197 = tpu.memref_squeeze %dma_wait3A_196 : memref<1x50x32xf32, #tpu.memory_space<hbm>> -> memref<50x32xf32, #tpu.memory_space<hbm>>
    %dma_wait3A_198 = arith.constant 0 : i32
    %dma_wait3A_199 = arith.constant 0 : i32
    %dma_wait3A_200 = tpu.memref_slice %arg4[%mul3A_2, %dma_wait3A_198, %dma_wait3A_199] : memref<4096x50x32xf32, #tpu.memory_space<hbm>> -> memref<1x50x32xf32, #tpu.memory_space<hbm>>
    %dma_wait3A_201 = tpu.memref_squeeze %dma_wait3A_200 : memref<1x50x32xf32, #tpu.memory_space<hbm>> -> memref<50x32xf32, #tpu.memory_space<hbm>>
    %dma_wait3A_202 = arith.constant 250 : i32
    %dma_wait3A_203 = arith.constant 0 : i32
    %dma_wait3A_204 = tpu.memref_slice %arg7[%dma_wait3A_202, %dma_wait3A_203] : memref<400x32xf32, #tpu.memory_space<vmem>> -> memref<50x32xf32, #tpu.memory_space<vmem>>
    tpu.wait_dma2 semaphore(%arg11 : memref<!tpu.dma_semaphore, #tpu.memory_space<semaphore_mem>>) src(%dma_wait3A_204 : memref<50x32xf32, #tpu.memory_space<vmem>>) dst(%dma_wait3A_201 : memref<50x32xf32, #tpu.memory_space<hbm>>)
    %dma_wait3A_205 = arith.constant 300 : i32
    %dma_wait3A_206 = arith.constant 0 : i32
    %dma_wait3A_207 = tpu.memref_slice %arg7[%dma_wait3A_205, %dma_wait3A_206] : memref<400x32xf32, #tpu.memory_space<vmem>> -> memref<50x32xf32, #tpu.memory_space<vmem>>
    %dma_wait3A_208 = arith.constant 0 : i32
    %dma_wait3A_209 = arith.constant 0 : i32
    %dma_wait3A_210 = tpu.memref_slice %arg4[%mul3A_2, %dma_wait3A_208, %dma_wait3A_209] : memref<4096x50x32xf32, #tpu.memory_space<hbm>> -> memref<1x50x32xf32, #tpu.memory_space<hbm>>
    %dma_wait3A_211 = tpu.memref_squeeze %dma_wait3A_210 : memref<1x50x32xf32, #tpu.memory_space<hbm>> -> memref<50x32xf32, #tpu.memory_space<hbm>>
    %dma_wait3A_212 = arith.constant 0 : i32
    %dma_wait3A_213 = arith.constant 0 : i32
    %dma_wait3A_214 = tpu.memref_slice %arg4[%mul3A_2, %dma_wait3A_212, %dma_wait3A_213] : memref<4096x50x32xf32, #tpu.memory_space<hbm>> -> memref<1x50x32xf32, #tpu.memory_space<hbm>>
    %dma_wait3A_215 = tpu.memref_squeeze %dma_wait3A_214 : memref<1x50x32xf32, #tpu.memory_space<hbm>> -> memref<50x32xf32, #tpu.memory_space<hbm>>
    %dma_wait3A_216 = arith.constant 300 : i32
    %dma_wait3A_217 = arith.constant 0 : i32
    %dma_wait3A_218 = tpu.memref_slice %arg7[%dma_wait3A_216, %dma_wait3A_217] : memref<400x32xf32, #tpu.memory_space<vmem>> -> memref<50x32xf32, #tpu.memory_space<vmem>>
    tpu.wait_dma2 semaphore(%arg11 : memref<!tpu.dma_semaphore, #tpu.memory_space<semaphore_mem>>) src(%dma_wait3A_218 : memref<50x32xf32, #tpu.memory_space<vmem>>) dst(%dma_wait3A_215 : memref<50x32xf32, #tpu.memory_space<hbm>>)
    %dma_wait3A_219 = arith.constant 350 : i32
    %dma_wait3A_220 = arith.constant 0 : i32
    %dma_wait3A_221 = tpu.memref_slice %arg7[%dma_wait3A_219, %dma_wait3A_220] : memref<400x32xf32, #tpu.memory_space<vmem>> -> memref<50x32xf32, #tpu.memory_space<vmem>>
    %dma_wait3A_222 = arith.constant 0 : i32
    %dma_wait3A_223 = arith.constant 0 : i32
    %dma_wait3A_224 = tpu.memref_slice %arg4[%mul3A_2, %dma_wait3A_222, %dma_wait3A_223] : memref<4096x50x32xf32, #tpu.memory_space<hbm>> -> memref<1x50x32xf32, #tpu.memory_space<hbm>>
    %dma_wait3A_225 = tpu.memref_squeeze %dma_wait3A_224 : memref<1x50x32xf32, #tpu.memory_space<hbm>> -> memref<50x32xf32, #tpu.memory_space<hbm>>
    %dma_wait3A_226 = arith.constant 0 : i32
    %dma_wait3A_227 = arith.constant 0 : i32
    %dma_wait3A_228 = tpu.memref_slice %arg4[%mul3A_2, %dma_wait3A_226, %dma_wait3A_227] : memref<4096x50x32xf32, #tpu.memory_space<hbm>> -> memref<1x50x32xf32, #tpu.memory_space<hbm>>
    %dma_wait3A_229 = tpu.memref_squeeze %dma_wait3A_228 : memref<1x50x32xf32, #tpu.memory_space<hbm>> -> memref<50x32xf32, #tpu.memory_space<hbm>>
    %dma_wait3A_230 = arith.constant 350 : i32
    %dma_wait3A_231 = arith.constant 0 : i32
    %dma_wait3A_232 = tpu.memref_slice %arg7[%dma_wait3A_230, %dma_wait3A_231] : memref<400x32xf32, #tpu.memory_space<vmem>> -> memref<50x32xf32, #tpu.memory_space<vmem>>
    tpu.wait_dma2 semaphore(%arg11 : memref<!tpu.dma_semaphore, #tpu.memory_space<semaphore_mem>>) src(%dma_wait3A_232 : memref<50x32xf32, #tpu.memory_space<vmem>>) dst(%dma_wait3A_229 : memref<50x32xf32, #tpu.memory_space<hbm>>)
    return
  }
}

#map = affine_map<(d0, d1) -> (0)>
#map1 = affine_map<(d0, d1) -> (0, 0)>
#map2 = affine_map<(d0, d1) -> (0, 0, 0)>
module attributes {stable_mosaic.version = 14 : i64} {
  func.func @_gather_body(%arg0: i32, %arg1: i32, %arg2: memref<204800xi32, #tpu.memory_space<hbm>>, %arg3: memref<1000000x32xf32, #tpu.memory_space<hbm>>, %arg4: memref<4096x50x32xf32, #tpu.memory_space<hbm>>, %arg5: memref<6400xi32, #tpu.memory_space<vmem>>, %arg6: memref<400x32xf32, #tpu.memory_space<vmem>>, %arg7: memref<400x32xf32, #tpu.memory_space<vmem>>, %arg8: memref<!tpu.dma_semaphore, #tpu.memory_space<semaphore_mem>>, %arg9: memref<!tpu.dma_semaphore, #tpu.memory_space<semaphore_mem>>, %arg10: memref<!tpu.dma_semaphore, #tpu.memory_space<semaphore_mem>>, %arg11: memref<!tpu.dma_semaphore, #tpu.memory_space<semaphore_mem>>) attributes {dimension_semantics = [#tpu.dimension_semantics<core_parallel>, #tpu.dimension_semantics<subcore_parallel>], iteration_bounds = array<i64: 2, 16>, scalar_prefetch = 0 : i64, scratch_operands = 7 : i64, tpu.core_type = #tpu.core_type<sc_vector_subcore>, window_params = [{transform_indices = #map}, {transform_indices = #map1}, {transform_indices = #map2}]} {
    %mul3A = arith.constant 2 : i32
    %mul3A_0 = arith.muli %arg1, %mul3A : i32
    %add3A = arith.addi %mul3A_0, %arg0 : i32
    %mul3A_1 = arith.constant 128 : i32
    %mul3A_2 = arith.muli %add3A, %mul3A_1 : i32
    %mul3A_3 = arith.constant 50 : i32
    %mul3A_4 = arith.muli %mul3A_2, %mul3A_3 : i32
    "tpu.region"() ({
      %run_scoped3A = tpu.sem_alloc : memref<!tpu.dma_semaphore, #tpu.memory_space<semaphore_mem>>
      %dma_start3A = tpu.memref_slice %arg2[%mul3A_4] : memref<204800xi32, #tpu.memory_space<hbm>> -> memref<6400xi32, #tpu.memory_space<hbm>>
      %dma_start3A_233 = tpu.memref_slice %arg2[%mul3A_4] : memref<204800xi32, #tpu.memory_space<hbm>> -> memref<6400xi32, #tpu.memory_space<hbm>>
      tpu.enqueue_dma source(%dma_start3A_233 : memref<6400xi32, #tpu.memory_space<hbm>>) target(%arg5 : memref<6400xi32, #tpu.memory_space<vmem>>) target_semaphore(%run_scoped3A : memref<!tpu.dma_semaphore, #tpu.memory_space<semaphore_mem>>)
      %dma_wait3A_234 = tpu.memref_slice %arg2[%mul3A_4] : memref<204800xi32, #tpu.memory_space<hbm>> -> memref<6400xi32, #tpu.memory_space<hbm>>
      %dma_wait3A_235 = tpu.memref_slice %arg2[%mul3A_4] : memref<204800xi32, #tpu.memory_space<hbm>> -> memref<6400xi32, #tpu.memory_space<hbm>>
      tpu.wait_dma2 semaphore(%run_scoped3A : memref<!tpu.dma_semaphore, #tpu.memory_space<semaphore_mem>>) src(%dma_wait3A_235 : memref<6400xi32, #tpu.memory_space<hbm>>) dst(%arg5 : memref<6400xi32, #tpu.memory_space<vmem>>)
      tpu.yield
    }) : () -> ()
    %scan3A = arith.constant 0 : i32
    %scan3A_5 = arith.constant 0 : i32
    %scan3A_6 = arith.constant 8 : i32
    %scan3A_7 = arith.addi %scan3A_5, %scan3A_6 : i32
    %scan3A_8 = arith.constant 1 : i32
    scf.for %scan3A_233 = %scan3A_5 to %scan3A_7 step %scan3A_8  : i32 {
      %mul3A_234 = arith.constant 2 : i32
      %mul3A_235 = arith.muli %mul3A_234, %scan3A_233 : i32
      %add3A_236 = arith.constant 0 : i32
      %add3A_237 = arith.addi %mul3A_235, %add3A_236 : i32
      %ge3A = arith.constant 1 : i32
      %ge3A_238 = arith.cmpi sge, %scan3A_233, %ge3A : i32
      %convert_element_type3A = arith.extui %ge3A_238 : i1 to i32
      %cond3A = arith.constant 0 : i32
      %cond3A_239 = arith.cmpi ne, %convert_element_type3A, %cond3A : i32
      scf.if %cond3A_239 {
        %dma_wait3A_576 = arith.constant 0 : i32
        %dma_wait3A_577 = arith.constant 0 : i32
        %dma_wait3A_578 = tpu.memref_slice %arg6[%dma_wait3A_576, %dma_wait3A_577] : memref<400x32xf32, #tpu.memory_space<vmem>> -> memref<50x32xf32, #tpu.memory_space<vmem>>
        %dma_wait3A_579 = arith.constant 0 : i32
        %dma_wait3A_580 = arith.constant 0 : i32
        %dma_wait3A_581 = tpu.memref_slice %arg4[%mul3A_2, %dma_wait3A_579, %dma_wait3A_580] : memref<4096x50x32xf32, #tpu.memory_space<hbm>> -> memref<1x50x32xf32, #tpu.memory_space<hbm>>
        %dma_wait3A_582 = tpu.memref_squeeze %dma_wait3A_581 : memref<1x50x32xf32, #tpu.memory_space<hbm>> -> memref<50x32xf32, #tpu.memory_space<hbm>>
        %dma_wait3A_583 = arith.constant 0 : i32
        %dma_wait3A_584 = arith.constant 0 : i32
        %dma_wait3A_585 = tpu.memref_slice %arg4[%mul3A_2, %dma_wait3A_583, %dma_wait3A_584] : memref<4096x50x32xf32, #tpu.memory_space<hbm>> -> memref<1x50x32xf32, #tpu.memory_space<hbm>>
        %dma_wait3A_586 = tpu.memref_squeeze %dma_wait3A_585 : memref<1x50x32xf32, #tpu.memory_space<hbm>> -> memref<50x32xf32, #tpu.memory_space<hbm>>
        %dma_wait3A_587 = arith.constant 0 : i32
        %dma_wait3A_588 = arith.constant 0 : i32
        %dma_wait3A_589 = tpu.memref_slice %arg6[%dma_wait3A_587, %dma_wait3A_588] : memref<400x32xf32, #tpu.memory_space<vmem>> -> memref<50x32xf32, #tpu.memory_space<vmem>>
        tpu.wait_dma2 semaphore(%arg10 : memref<!tpu.dma_semaphore, #tpu.memory_space<semaphore_mem>>) src(%dma_wait3A_589 : memref<50x32xf32, #tpu.memory_space<vmem>>) dst(%dma_wait3A_586 : memref<50x32xf32, #tpu.memory_space<hbm>>)
        %dma_wait3A_590 = arith.constant 50 : i32
        %dma_wait3A_591 = arith.constant 0 : i32
        %dma_wait3A_592 = tpu.memref_slice %arg6[%dma_wait3A_590, %dma_wait3A_591] : memref<400x32xf32, #tpu.memory_space<vmem>> -> memref<50x32xf32, #tpu.memory_space<vmem>>
        %dma_wait3A_593 = arith.constant 0 : i32
        %dma_wait3A_594 = arith.constant 0 : i32
        %dma_wait3A_595 = tpu.memref_slice %arg4[%mul3A_2, %dma_wait3A_593, %dma_wait3A_594] : memref<4096x50x32xf32, #tpu.memory_space<hbm>> -> memref<1x50x32xf32, #tpu.memory_space<hbm>>
        %dma_wait3A_596 = tpu.memref_squeeze %dma_wait3A_595 : memref<1x50x32xf32, #tpu.memory_space<hbm>> -> memref<50x32xf32, #tpu.memory_space<hbm>>
        %dma_wait3A_597 = arith.constant 0 : i32
        %dma_wait3A_598 = arith.constant 0 : i32
        %dma_wait3A_599 = tpu.memref_slice %arg4[%mul3A_2, %dma_wait3A_597, %dma_wait3A_598] : memref<4096x50x32xf32, #tpu.memory_space<hbm>> -> memref<1x50x32xf32, #tpu.memory_space<hbm>>
        %dma_wait3A_600 = tpu.memref_squeeze %dma_wait3A_599 : memref<1x50x32xf32, #tpu.memory_space<hbm>> -> memref<50x32xf32, #tpu.memory_space<hbm>>
        %dma_wait3A_601 = arith.constant 50 : i32
        %dma_wait3A_602 = arith.constant 0 : i32
        %dma_wait3A_603 = tpu.memref_slice %arg6[%dma_wait3A_601, %dma_wait3A_602] : memref<400x32xf32, #tpu.memory_space<vmem>> -> memref<50x32xf32, #tpu.memory_space<vmem>>
        tpu.wait_dma2 semaphore(%arg10 : memref<!tpu.dma_semaphore, #tpu.memory_space<semaphore_mem>>) src(%dma_wait3A_603 : memref<50x32xf32, #tpu.memory_space<vmem>>) dst(%dma_wait3A_600 : memref<50x32xf32, #tpu.memory_space<hbm>>)
        %dma_wait3A_604 = arith.constant 100 : i32
        %dma_wait3A_605 = arith.constant 0 : i32
        %dma_wait3A_606 = tpu.memref_slice %arg6[%dma_wait3A_604, %dma_wait3A_605] : memref<400x32xf32, #tpu.memory_space<vmem>> -> memref<50x32xf32, #tpu.memory_space<vmem>>
        %dma_wait3A_607 = arith.constant 0 : i32
        %dma_wait3A_608 = arith.constant 0 : i32
        %dma_wait3A_609 = tpu.memref_slice %arg4[%mul3A_2, %dma_wait3A_607, %dma_wait3A_608] : memref<4096x50x32xf32, #tpu.memory_space<hbm>> -> memref<1x50x32xf32, #tpu.memory_space<hbm>>
        %dma_wait3A_610 = tpu.memref_squeeze %dma_wait3A_609 : memref<1x50x32xf32, #tpu.memory_space<hbm>> -> memref<50x32xf32, #tpu.memory_space<hbm>>
        %dma_wait3A_611 = arith.constant 0 : i32
        %dma_wait3A_612 = arith.constant 0 : i32
        %dma_wait3A_613 = tpu.memref_slice %arg4[%mul3A_2, %dma_wait3A_611, %dma_wait3A_612] : memref<4096x50x32xf32, #tpu.memory_space<hbm>> -> memref<1x50x32xf32, #tpu.memory_space<hbm>>
        %dma_wait3A_614 = tpu.memref_squeeze %dma_wait3A_613 : memref<1x50x32xf32, #tpu.memory_space<hbm>> -> memref<50x32xf32, #tpu.memory_space<hbm>>
        %dma_wait3A_615 = arith.constant 100 : i32
        %dma_wait3A_616 = arith.constant 0 : i32
        %dma_wait3A_617 = tpu.memref_slice %arg6[%dma_wait3A_615, %dma_wait3A_616] : memref<400x32xf32, #tpu.memory_space<vmem>> -> memref<50x32xf32, #tpu.memory_space<vmem>>
        tpu.wait_dma2 semaphore(%arg10 : memref<!tpu.dma_semaphore, #tpu.memory_space<semaphore_mem>>) src(%dma_wait3A_617 : memref<50x32xf32, #tpu.memory_space<vmem>>) dst(%dma_wait3A_614 : memref<50x32xf32, #tpu.memory_space<hbm>>)
        %dma_wait3A_618 = arith.constant 150 : i32
        %dma_wait3A_619 = arith.constant 0 : i32
        %dma_wait3A_620 = tpu.memref_slice %arg6[%dma_wait3A_618, %dma_wait3A_619] : memref<400x32xf32, #tpu.memory_space<vmem>> -> memref<50x32xf32, #tpu.memory_space<vmem>>
        %dma_wait3A_621 = arith.constant 0 : i32
        %dma_wait3A_622 = arith.constant 0 : i32
        %dma_wait3A_623 = tpu.memref_slice %arg4[%mul3A_2, %dma_wait3A_621, %dma_wait3A_622] : memref<4096x50x32xf32, #tpu.memory_space<hbm>> -> memref<1x50x32xf32, #tpu.memory_space<hbm>>
        %dma_wait3A_624 = tpu.memref_squeeze %dma_wait3A_623 : memref<1x50x32xf32, #tpu.memory_space<hbm>> -> memref<50x32xf32, #tpu.memory_space<hbm>>
        %dma_wait3A_625 = arith.constant 0 : i32
        %dma_wait3A_626 = arith.constant 0 : i32
        %dma_wait3A_627 = tpu.memref_slice %arg4[%mul3A_2, %dma_wait3A_625, %dma_wait3A_626] : memref<4096x50x32xf32, #tpu.memory_space<hbm>> -> memref<1x50x32xf32, #tpu.memory_space<hbm>>
        %dma_wait3A_628 = tpu.memref_squeeze %dma_wait3A_627 : memref<1x50x32xf32, #tpu.memory_space<hbm>> -> memref<50x32xf32, #tpu.memory_space<hbm>>
        %dma_wait3A_629 = arith.constant 150 : i32
        %dma_wait3A_630 = arith.constant 0 : i32
        %dma_wait3A_631 = tpu.memref_slice %arg6[%dma_wait3A_629, %dma_wait3A_630] : memref<400x32xf32, #tpu.memory_space<vmem>> -> memref<50x32xf32, #tpu.memory_space<vmem>>
        tpu.wait_dma2 semaphore(%arg10 : memref<!tpu.dma_semaphore, #tpu.memory_space<semaphore_mem>>) src(%dma_wait3A_631 : memref<50x32xf32, #tpu.memory_space<vmem>>) dst(%dma_wait3A_628 : memref<50x32xf32, #tpu.memory_space<hbm>>)
        %dma_wait3A_632 = arith.constant 200 : i32
        %dma_wait3A_633 = arith.constant 0 : i32
        %dma_wait3A_634 = tpu.memref_slice %arg6[%dma_wait3A_632, %dma_wait3A_633] : memref<400x32xf32, #tpu.memory_space<vmem>> -> memref<50x32xf32, #tpu.memory_space<vmem>>
        %dma_wait3A_635 = arith.constant 0 : i32
        %dma_wait3A_636 = arith.constant 0 : i32
        %dma_wait3A_637 = tpu.memref_slice %arg4[%mul3A_2, %dma_wait3A_635, %dma_wait3A_636] : memref<4096x50x32xf32, #tpu.memory_space<hbm>> -> memref<1x50x32xf32, #tpu.memory_space<hbm>>
        %dma_wait3A_638 = tpu.memref_squeeze %dma_wait3A_637 : memref<1x50x32xf32, #tpu.memory_space<hbm>> -> memref<50x32xf32, #tpu.memory_space<hbm>>
        %dma_wait3A_639 = arith.constant 0 : i32
        %dma_wait3A_640 = arith.constant 0 : i32
        %dma_wait3A_641 = tpu.memref_slice %arg4[%mul3A_2, %dma_wait3A_639, %dma_wait3A_640] : memref<4096x50x32xf32, #tpu.memory_space<hbm>> -> memref<1x50x32xf32, #tpu.memory_space<hbm>>
        %dma_wait3A_642 = tpu.memref_squeeze %dma_wait3A_641 : memref<1x50x32xf32, #tpu.memory_space<hbm>> -> memref<50x32xf32, #tpu.memory_space<hbm>>
        %dma_wait3A_643 = arith.constant 200 : i32
        %dma_wait3A_644 = arith.constant 0 : i32
        %dma_wait3A_645 = tpu.memref_slice %arg6[%dma_wait3A_643, %dma_wait3A_644] : memref<400x32xf32, #tpu.memory_space<vmem>> -> memref<50x32xf32, #tpu.memory_space<vmem>>
        tpu.wait_dma2 semaphore(%arg10 : memref<!tpu.dma_semaphore, #tpu.memory_space<semaphore_mem>>) src(%dma_wait3A_645 : memref<50x32xf32, #tpu.memory_space<vmem>>) dst(%dma_wait3A_642 : memref<50x32xf32, #tpu.memory_space<hbm>>)
        %dma_wait3A_646 = arith.constant 250 : i32
        %dma_wait3A_647 = arith.constant 0 : i32
        %dma_wait3A_648 = tpu.memref_slice %arg6[%dma_wait3A_646, %dma_wait3A_647] : memref<400x32xf32, #tpu.memory_space<vmem>> -> memref<50x32xf32, #tpu.memory_space<vmem>>
        %dma_wait3A_649 = arith.constant 0 : i32
        %dma_wait3A_650 = arith.constant 0 : i32
        %dma_wait3A_651 = tpu.memref_slice %arg4[%mul3A_2, %dma_wait3A_649, %dma_wait3A_650] : memref<4096x50x32xf32, #tpu.memory_space<hbm>> -> memref<1x50x32xf32, #tpu.memory_space<hbm>>
        %dma_wait3A_652 = tpu.memref_squeeze %dma_wait3A_651 : memref<1x50x32xf32, #tpu.memory_space<hbm>> -> memref<50x32xf32, #tpu.memory_space<hbm>>
        %dma_wait3A_653 = arith.constant 0 : i32
        %dma_wait3A_654 = arith.constant 0 : i32
        %dma_wait3A_655 = tpu.memref_slice %arg4[%mul3A_2, %dma_wait3A_653, %dma_wait3A_654] : memref<4096x50x32xf32, #tpu.memory_space<hbm>> -> memref<1x50x32xf32, #tpu.memory_space<hbm>>
        %dma_wait3A_656 = tpu.memref_squeeze %dma_wait3A_655 : memref<1x50x32xf32, #tpu.memory_space<hbm>> -> memref<50x32xf32, #tpu.memory_space<hbm>>
        %dma_wait3A_657 = arith.constant 250 : i32
        %dma_wait3A_658 = arith.constant 0 : i32
        %dma_wait3A_659 = tpu.memref_slice %arg6[%dma_wait3A_657, %dma_wait3A_658] : memref<400x32xf32, #tpu.memory_space<vmem>> -> memref<50x32xf32, #tpu.memory_space<vmem>>
        tpu.wait_dma2 semaphore(%arg10 : memref<!tpu.dma_semaphore, #tpu.memory_space<semaphore_mem>>) src(%dma_wait3A_659 : memref<50x32xf32, #tpu.memory_space<vmem>>) dst(%dma_wait3A_656 : memref<50x32xf32, #tpu.memory_space<hbm>>)
        %dma_wait3A_660 = arith.constant 300 : i32
        %dma_wait3A_661 = arith.constant 0 : i32
        %dma_wait3A_662 = tpu.memref_slice %arg6[%dma_wait3A_660, %dma_wait3A_661] : memref<400x32xf32, #tpu.memory_space<vmem>> -> memref<50x32xf32, #tpu.memory_space<vmem>>
        %dma_wait3A_663 = arith.constant 0 : i32
        %dma_wait3A_664 = arith.constant 0 : i32
        %dma_wait3A_665 = tpu.memref_slice %arg4[%mul3A_2, %dma_wait3A_663, %dma_wait3A_664] : memref<4096x50x32xf32, #tpu.memory_space<hbm>> -> memref<1x50x32xf32, #tpu.memory_space<hbm>>
        %dma_wait3A_666 = tpu.memref_squeeze %dma_wait3A_665 : memref<1x50x32xf32, #tpu.memory_space<hbm>> -> memref<50x32xf32, #tpu.memory_space<hbm>>
        %dma_wait3A_667 = arith.constant 0 : i32
        %dma_wait3A_668 = arith.constant 0 : i32
        %dma_wait3A_669 = tpu.memref_slice %arg4[%mul3A_2, %dma_wait3A_667, %dma_wait3A_668] : memref<4096x50x32xf32, #tpu.memory_space<hbm>> -> memref<1x50x32xf32, #tpu.memory_space<hbm>>
        %dma_wait3A_670 = tpu.memref_squeeze %dma_wait3A_669 : memref<1x50x32xf32, #tpu.memory_space<hbm>> -> memref<50x32xf32, #tpu.memory_space<hbm>>
        %dma_wait3A_671 = arith.constant 300 : i32
        %dma_wait3A_672 = arith.constant 0 : i32
        %dma_wait3A_673 = tpu.memref_slice %arg6[%dma_wait3A_671, %dma_wait3A_672] : memref<400x32xf32, #tpu.memory_space<vmem>> -> memref<50x32xf32, #tpu.memory_space<vmem>>
        tpu.wait_dma2 semaphore(%arg10 : memref<!tpu.dma_semaphore, #tpu.memory_space<semaphore_mem>>) src(%dma_wait3A_673 : memref<50x32xf32, #tpu.memory_space<vmem>>) dst(%dma_wait3A_670 : memref<50x32xf32, #tpu.memory_space<hbm>>)
        %dma_wait3A_674 = arith.constant 350 : i32
        %dma_wait3A_675 = arith.constant 0 : i32
        %dma_wait3A_676 = tpu.memref_slice %arg6[%dma_wait3A_674, %dma_wait3A_675] : memref<400x32xf32, #tpu.memory_space<vmem>> -> memref<50x32xf32, #tpu.memory_space<vmem>>
        %dma_wait3A_677 = arith.constant 0 : i32
        %dma_wait3A_678 = arith.constant 0 : i32
        %dma_wait3A_679 = tpu.memref_slice %arg4[%mul3A_2, %dma_wait3A_677, %dma_wait3A_678] : memref<4096x50x32xf32, #tpu.memory_space<hbm>> -> memref<1x50x32xf32, #tpu.memory_space<hbm>>
        %dma_wait3A_680 = tpu.memref_squeeze %dma_wait3A_679 : memref<1x50x32xf32, #tpu.memory_space<hbm>> -> memref<50x32xf32, #tpu.memory_space<hbm>>
        %dma_wait3A_681 = arith.constant 0 : i32
        %dma_wait3A_682 = arith.constant 0 : i32
        %dma_wait3A_683 = tpu.memref_slice %arg4[%mul3A_2, %dma_wait3A_681, %dma_wait3A_682] : memref<4096x50x32xf32, #tpu.memory_space<hbm>> -> memref<1x50x32xf32, #tpu.memory_space<hbm>>
        %dma_wait3A_684 = tpu.memref_squeeze %dma_wait3A_683 : memref<1x50x32xf32, #tpu.memory_space<hbm>> -> memref<50x32xf32, #tpu.memory_space<hbm>>
        %dma_wait3A_685 = arith.constant 350 : i32
        %dma_wait3A_686 = arith.constant 0 : i32
        %dma_wait3A_687 = tpu.memref_slice %arg6[%dma_wait3A_685, %dma_wait3A_686] : memref<400x32xf32, #tpu.memory_space<vmem>> -> memref<50x32xf32, #tpu.memory_space<vmem>>
        tpu.wait_dma2 semaphore(%arg10 : memref<!tpu.dma_semaphore, #tpu.memory_space<semaphore_mem>>) src(%dma_wait3A_687 : memref<50x32xf32, #tpu.memory_space<vmem>>) dst(%dma_wait3A_684 : memref<50x32xf32, #tpu.memory_space<hbm>>)
      } else {
      }
      %mul3A_240 = arith.constant 8 : i32
      %mul3A_241 = arith.muli %add3A_237, %mul3A_240 : i32
      %mul3A_242 = arith.constant 50 : i32
      %mul3A_243 = arith.muli %mul3A_241, %mul3A_242 : i32
      %dma_start3A = tpu.memref_slice %arg5[%mul3A_243] : memref<6400xi32, #tpu.memory_space<vmem>> -> memref<400xi32, #tpu.memory_space<vmem>>
      %dma_start3A_244 = arith.constant 0 : i32
      %dma_start3A_245 = arith.constant 0 : i32
      %dma_start3A_246 = tpu.memref_slice %arg3[%dma_start3A_244, %dma_start3A_245] : memref<1000000x32xf32, #tpu.memory_space<hbm>> -> memref<1000000x32xf32, #tpu.memory_space<hbm>>
      tpu.enqueue_indirect_dma source(%dma_start3A_246 : memref<1000000x32xf32, #tpu.memory_space<hbm>>) target(%arg6 : memref<400x32xf32, #tpu.memory_space<vmem>>) offsets(%dma_start3A : memref<400xi32, #tpu.memory_space<vmem>>) semaphore(%arg8 : memref<!tpu.dma_semaphore, #tpu.memory_space<semaphore_mem>>)
      %dma_wait3A_247 = tpu.memref_slice %arg5[%mul3A_243] : memref<6400xi32, #tpu.memory_space<vmem>> -> memref<400xi32, #tpu.memory_space<vmem>>
      %dma_wait3A_248 = arith.constant 0 : i32
      %dma_wait3A_249 = arith.constant 0 : i32
      %dma_wait3A_250 = tpu.memref_slice %arg3[%dma_wait3A_248, %dma_wait3A_249] : memref<1000000x32xf32, #tpu.memory_space<hbm>> -> memref<1000000x32xf32, #tpu.memory_space<hbm>>
      tpu.wait_indirect_dma semaphore(%arg8 : memref<!tpu.dma_semaphore, #tpu.memory_space<semaphore_mem>>) src(%dma_wait3A_250 : memref<1000000x32xf32, #tpu.memory_space<hbm>>) dst(%arg6 : memref<400x32xf32, #tpu.memory_space<vmem>>)
      %mul3A_251 = arith.constant 8 : i32
      %mul3A_252 = arith.muli %add3A_237, %mul3A_251 : i32
      %add3A_253 = arith.addi %mul3A_2, %mul3A_252 : i32
      %add3A_254 = arith.constant 0 : i32
      %add3A_255 = arith.addi %add3A_253, %add3A_254 : i32
      %dma_start3A_256 = arith.constant 0 : i32
      %dma_start3A_257 = arith.constant 0 : i32
      %dma_start3A_258 = tpu.memref_slice %arg6[%dma_start3A_256, %dma_start3A_257] : memref<400x32xf32, #tpu.memory_space<vmem>> -> memref<50x32xf32, #tpu.memory_space<vmem>>
      %dma_start3A_259 = arith.constant 0 : i32
      %dma_start3A_260 = arith.constant 0 : i32
      %dma_start3A_261 = tpu.memref_slice %arg4[%add3A_255, %dma_start3A_259, %dma_start3A_260] : memref<4096x50x32xf32, #tpu.memory_space<hbm>> -> memref<1x50x32xf32, #tpu.memory_space<hbm>>
      %dma_start3A_262 = tpu.memref_squeeze %dma_start3A_261 : memref<1x50x32xf32, #tpu.memory_space<hbm>> -> memref<50x32xf32, #tpu.memory_space<hbm>>
      %dma_start3A_263 = arith.constant 0 : i32
      %dma_start3A_264 = arith.constant 0 : i32
      %dma_start3A_265 = tpu.memref_slice %arg4[%add3A_255, %dma_start3A_263, %dma_start3A_264] : memref<4096x50x32xf32, #tpu.memory_space<hbm>> -> memref<1x50x32xf32, #tpu.memory_space<hbm>>
      %dma_start3A_266 = tpu.memref_squeeze %dma_start3A_265 : memref<1x50x32xf32, #tpu.memory_space<hbm>> -> memref<50x32xf32, #tpu.memory_space<hbm>>
      %dma_start3A_267 = arith.constant 0 : i32
      %dma_start3A_268 = arith.constant 0 : i32
      %dma_start3A_269 = tpu.memref_slice %arg6[%dma_start3A_267, %dma_start3A_268] : memref<400x32xf32, #tpu.memory_space<vmem>> -> memref<50x32xf32, #tpu.memory_space<vmem>>
      tpu.enqueue_dma source(%dma_start3A_269 : memref<50x32xf32, #tpu.memory_space<vmem>>) target(%dma_start3A_266 : memref<50x32xf32, #tpu.memory_space<hbm>>) target_semaphore(%arg10 : memref<!tpu.dma_semaphore, #tpu.memory_space<semaphore_mem>>)
      %mul3A_270 = arith.constant 8 : i32
      %mul3A_271 = arith.muli %add3A_237, %mul3A_270 : i32
      %add3A_272 = arith.addi %mul3A_2, %mul3A_271 : i32
      %add3A_273 = arith.constant 1 : i32
      %add3A_274 = arith.addi %add3A_272, %add3A_273 : i32
      %dma_start3A_275 = arith.constant 50 : i32
      %dma_start3A_276 = arith.constant 0 : i32
      %dma_start3A_277 = tpu.memref_slice %arg6[%dma_start3A_275, %dma_start3A_276] : memref<400x32xf32, #tpu.memory_space<vmem>> -> memref<50x32xf32, #tpu.memory_space<vmem>>
      %dma_start3A_278 = arith.constant 0 : i32
      %dma_start3A_279 = arith.constant 0 : i32
      %dma_start3A_280 = tpu.memref_slice %arg4[%add3A_274, %dma_start3A_278, %dma_start3A_279] : memref<4096x50x32xf32, #tpu.memory_space<hbm>> -> memref<1x50x32xf32, #tpu.memory_space<hbm>>
      %dma_start3A_281 = tpu.memref_squeeze %dma_start3A_280 : memref<1x50x32xf32, #tpu.memory_space<hbm>> -> memref<50x32xf32, #tpu.memory_space<hbm>>
      %dma_start3A_282 = arith.constant 0 : i32
      %dma_start3A_283 = arith.constant 0 : i32
      %dma_start3A_284 = tpu.memref_slice %arg4[%add3A_274, %dma_start3A_282, %dma_start3A_283] : memref<4096x50x32xf32, #tpu.memory_space<hbm>> -> memref<1x50x32xf32, #tpu.memory_space<hbm>>
      %dma_start3A_285 = tpu.memref_squeeze %dma_start3A_284 : memref<1x50x32xf32, #tpu.memory_space<hbm>> -> memref<50x32xf32, #tpu.memory_space<hbm>>
      %dma_start3A_286 = arith.constant 50 : i32
      %dma_start3A_287 = arith.constant 0 : i32
      %dma_start3A_288 = tpu.memref_slice %arg6[%dma_start3A_286, %dma_start3A_287] : memref<400x32xf32, #tpu.memory_space<vmem>> -> memref<50x32xf32, #tpu.memory_space<vmem>>
      tpu.enqueue_dma source(%dma_start3A_288 : memref<50x32xf32, #tpu.memory_space<vmem>>) target(%dma_start3A_285 : memref<50x32xf32, #tpu.memory_space<hbm>>) target_semaphore(%arg10 : memref<!tpu.dma_semaphore, #tpu.memory_space<semaphore_mem>>)
      %mul3A_289 = arith.constant 8 : i32
      %mul3A_290 = arith.muli %add3A_237, %mul3A_289 : i32
      %add3A_291 = arith.addi %mul3A_2, %mul3A_290 : i32
      %add3A_292 = arith.constant 2 : i32
      %add3A_293 = arith.addi %add3A_291, %add3A_292 : i32
      %dma_start3A_294 = arith.constant 100 : i32
      %dma_start3A_295 = arith.constant 0 : i32
      %dma_start3A_296 = tpu.memref_slice %arg6[%dma_start3A_294, %dma_start3A_295] : memref<400x32xf32, #tpu.memory_space<vmem>> -> memref<50x32xf32, #tpu.memory_space<vmem>>
      %dma_start3A_297 = arith.constant 0 : i32
      %dma_start3A_298 = arith.constant 0 : i32
      %dma_start3A_299 = tpu.memref_slice %arg4[%add3A_293, %dma_start3A_297, %dma_start3A_298] : memref<4096x50x32xf32, #tpu.memory_space<hbm>> -> memref<1x50x32xf32, #tpu.memory_space<hbm>>
      %dma_start3A_300 = tpu.memref_squeeze %dma_start3A_299 : memref<1x50x32xf32, #tpu.memory_space<hbm>> -> memref<50x32xf32, #tpu.memory_space<hbm>>
      %dma_start3A_301 = arith.constant 0 : i32
      %dma_start3A_302 = arith.constant 0 : i32
      %dma_start3A_303 = tpu.memref_slice %arg4[%add3A_293, %dma_start3A_301, %dma_start3A_302] : memref<4096x50x32xf32, #tpu.memory_space<hbm>> -> memref<1x50x32xf32, #tpu.memory_space<hbm>>
      %dma_start3A_304 = tpu.memref_squeeze %dma_start3A_303 : memref<1x50x32xf32, #tpu.memory_space<hbm>> -> memref<50x32xf32, #tpu.memory_space<hbm>>
      %dma_start3A_305 = arith.constant 100 : i32
      %dma_start3A_306 = arith.constant 0 : i32
      %dma_start3A_307 = tpu.memref_slice %arg6[%dma_start3A_305, %dma_start3A_306] : memref<400x32xf32, #tpu.memory_space<vmem>> -> memref<50x32xf32, #tpu.memory_space<vmem>>
      tpu.enqueue_dma source(%dma_start3A_307 : memref<50x32xf32, #tpu.memory_space<vmem>>) target(%dma_start3A_304 : memref<50x32xf32, #tpu.memory_space<hbm>>) target_semaphore(%arg10 : memref<!tpu.dma_semaphore, #tpu.memory_space<semaphore_mem>>)
      %mul3A_308 = arith.constant 8 : i32
      %mul3A_309 = arith.muli %add3A_237, %mul3A_308 : i32
      %add3A_310 = arith.addi %mul3A_2, %mul3A_309 : i32
      %add3A_311 = arith.constant 3 : i32
      %add3A_312 = arith.addi %add3A_310, %add3A_311 : i32
      %dma_start3A_313 = arith.constant 150 : i32
      %dma_start3A_314 = arith.constant 0 : i32
      %dma_start3A_315 = tpu.memref_slice %arg6[%dma_start3A_313, %dma_start3A_314] : memref<400x32xf32, #tpu.memory_space<vmem>> -> memref<50x32xf32, #tpu.memory_space<vmem>>
      %dma_start3A_316 = arith.constant 0 : i32
      %dma_start3A_317 = arith.constant 0 : i32
      %dma_start3A_318 = tpu.memref_slice %arg4[%add3A_312, %dma_start3A_316, %dma_start3A_317] : memref<4096x50x32xf32, #tpu.memory_space<hbm>> -> memref<1x50x32xf32, #tpu.memory_space<hbm>>
      %dma_start3A_319 = tpu.memref_squeeze %dma_start3A_318 : memref<1x50x32xf32, #tpu.memory_space<hbm>> -> memref<50x32xf32, #tpu.memory_space<hbm>>
      %dma_start3A_320 = arith.constant 0 : i32
      %dma_start3A_321 = arith.constant 0 : i32
      %dma_start3A_322 = tpu.memref_slice %arg4[%add3A_312, %dma_start3A_320, %dma_start3A_321] : memref<4096x50x32xf32, #tpu.memory_space<hbm>> -> memref<1x50x32xf32, #tpu.memory_space<hbm>>
      %dma_start3A_323 = tpu.memref_squeeze %dma_start3A_322 : memref<1x50x32xf32, #tpu.memory_space<hbm>> -> memref<50x32xf32, #tpu.memory_space<hbm>>
      %dma_start3A_324 = arith.constant 150 : i32
      %dma_start3A_325 = arith.constant 0 : i32
      %dma_start3A_326 = tpu.memref_slice %arg6[%dma_start3A_324, %dma_start3A_325] : memref<400x32xf32, #tpu.memory_space<vmem>> -> memref<50x32xf32, #tpu.memory_space<vmem>>
      tpu.enqueue_dma source(%dma_start3A_326 : memref<50x32xf32, #tpu.memory_space<vmem>>) target(%dma_start3A_323 : memref<50x32xf32, #tpu.memory_space<hbm>>) target_semaphore(%arg10 : memref<!tpu.dma_semaphore, #tpu.memory_space<semaphore_mem>>)
      %mul3A_327 = arith.constant 8 : i32
      %mul3A_328 = arith.muli %add3A_237, %mul3A_327 : i32
      %add3A_329 = arith.addi %mul3A_2, %mul3A_328 : i32
      %add3A_330 = arith.constant 4 : i32
      %add3A_331 = arith.addi %add3A_329, %add3A_330 : i32
      %dma_start3A_332 = arith.constant 200 : i32
      %dma_start3A_333 = arith.constant 0 : i32
      %dma_start3A_334 = tpu.memref_slice %arg6[%dma_start3A_332, %dma_start3A_333] : memref<400x32xf32, #tpu.memory_space<vmem>> -> memref<50x32xf32, #tpu.memory_space<vmem>>
      %dma_start3A_335 = arith.constant 0 : i32
      %dma_start3A_336 = arith.constant 0 : i32
      %dma_start3A_337 = tpu.memref_slice %arg4[%add3A_331, %dma_start3A_335, %dma_start3A_336] : memref<4096x50x32xf32, #tpu.memory_space<hbm>> -> memref<1x50x32xf32, #tpu.memory_space<hbm>>
      %dma_start3A_338 = tpu.memref_squeeze %dma_start3A_337 : memref<1x50x32xf32, #tpu.memory_space<hbm>> -> memref<50x32xf32, #tpu.memory_space<hbm>>
      %dma_start3A_339 = arith.constant 0 : i32
      %dma_start3A_340 = arith.constant 0 : i32
      %dma_start3A_341 = tpu.memref_slice %arg4[%add3A_331, %dma_start3A_339, %dma_start3A_340] : memref<4096x50x32xf32, #tpu.memory_space<hbm>> -> memref<1x50x32xf32, #tpu.memory_space<hbm>>
      %dma_start3A_342 = tpu.memref_squeeze %dma_start3A_341 : memref<1x50x32xf32, #tpu.memory_space<hbm>> -> memref<50x32xf32, #tpu.memory_space<hbm>>
      %dma_start3A_343 = arith.constant 200 : i32
      %dma_start3A_344 = arith.constant 0 : i32
      %dma_start3A_345 = tpu.memref_slice %arg6[%dma_start3A_343, %dma_start3A_344] : memref<400x32xf32, #tpu.memory_space<vmem>> -> memref<50x32xf32, #tpu.memory_space<vmem>>
      tpu.enqueue_dma source(%dma_start3A_345 : memref<50x32xf32, #tpu.memory_space<vmem>>) target(%dma_start3A_342 : memref<50x32xf32, #tpu.memory_space<hbm>>) target_semaphore(%arg10 : memref<!tpu.dma_semaphore, #tpu.memory_space<semaphore_mem>>)
      %mul3A_346 = arith.constant 8 : i32
      %mul3A_347 = arith.muli %add3A_237, %mul3A_346 : i32
      %add3A_348 = arith.addi %mul3A_2, %mul3A_347 : i32
      %add3A_349 = arith.constant 5 : i32
      %add3A_350 = arith.addi %add3A_348, %add3A_349 : i32
      %dma_start3A_351 = arith.constant 250 : i32
      %dma_start3A_352 = arith.constant 0 : i32
      %dma_start3A_353 = tpu.memref_slice %arg6[%dma_start3A_351, %dma_start3A_352] : memref<400x32xf32, #tpu.memory_space<vmem>> -> memref<50x32xf32, #tpu.memory_space<vmem>>
      %dma_start3A_354 = arith.constant 0 : i32
      %dma_start3A_355 = arith.constant 0 : i32
      %dma_start3A_356 = tpu.memref_slice %arg4[%add3A_350, %dma_start3A_354, %dma_start3A_355] : memref<4096x50x32xf32, #tpu.memory_space<hbm>> -> memref<1x50x32xf32, #tpu.memory_space<hbm>>
      %dma_start3A_357 = tpu.memref_squeeze %dma_start3A_356 : memref<1x50x32xf32, #tpu.memory_space<hbm>> -> memref<50x32xf32, #tpu.memory_space<hbm>>
      %dma_start3A_358 = arith.constant 0 : i32
      %dma_start3A_359 = arith.constant 0 : i32
      %dma_start3A_360 = tpu.memref_slice %arg4[%add3A_350, %dma_start3A_358, %dma_start3A_359] : memref<4096x50x32xf32, #tpu.memory_space<hbm>> -> memref<1x50x32xf32, #tpu.memory_space<hbm>>
      %dma_start3A_361 = tpu.memref_squeeze %dma_start3A_360 : memref<1x50x32xf32, #tpu.memory_space<hbm>> -> memref<50x32xf32, #tpu.memory_space<hbm>>
      %dma_start3A_362 = arith.constant 250 : i32
      %dma_start3A_363 = arith.constant 0 : i32
      %dma_start3A_364 = tpu.memref_slice %arg6[%dma_start3A_362, %dma_start3A_363] : memref<400x32xf32, #tpu.memory_space<vmem>> -> memref<50x32xf32, #tpu.memory_space<vmem>>
      tpu.enqueue_dma source(%dma_start3A_364 : memref<50x32xf32, #tpu.memory_space<vmem>>) target(%dma_start3A_361 : memref<50x32xf32, #tpu.memory_space<hbm>>) target_semaphore(%arg10 : memref<!tpu.dma_semaphore, #tpu.memory_space<semaphore_mem>>)
      %mul3A_365 = arith.constant 8 : i32
      %mul3A_366 = arith.muli %add3A_237, %mul3A_365 : i32
      %add3A_367 = arith.addi %mul3A_2, %mul3A_366 : i32
      %add3A_368 = arith.constant 6 : i32
      %add3A_369 = arith.addi %add3A_367, %add3A_368 : i32
      %dma_start3A_370 = arith.constant 300 : i32
      %dma_start3A_371 = arith.constant 0 : i32
      %dma_start3A_372 = tpu.memref_slice %arg6[%dma_start3A_370, %dma_start3A_371] : memref<400x32xf32, #tpu.memory_space<vmem>> -> memref<50x32xf32, #tpu.memory_space<vmem>>
      %dma_start3A_373 = arith.constant 0 : i32
      %dma_start3A_374 = arith.constant 0 : i32
      %dma_start3A_375 = tpu.memref_slice %arg4[%add3A_369, %dma_start3A_373, %dma_start3A_374] : memref<4096x50x32xf32, #tpu.memory_space<hbm>> -> memref<1x50x32xf32, #tpu.memory_space<hbm>>
      %dma_start3A_376 = tpu.memref_squeeze %dma_start3A_375 : memref<1x50x32xf32, #tpu.memory_space<hbm>> -> memref<50x32xf32, #tpu.memory_space<hbm>>
      %dma_start3A_377 = arith.constant 0 : i32
      %dma_start3A_378 = arith.constant 0 : i32
      %dma_start3A_379 = tpu.memref_slice %arg4[%add3A_369, %dma_start3A_377, %dma_start3A_378] : memref<4096x50x32xf32, #tpu.memory_space<hbm>> -> memref<1x50x32xf32, #tpu.memory_space<hbm>>
      %dma_start3A_380 = tpu.memref_squeeze %dma_start3A_379 : memref<1x50x32xf32, #tpu.memory_space<hbm>> -> memref<50x32xf32, #tpu.memory_space<hbm>>
      %dma_start3A_381 = arith.constant 300 : i32
      %dma_start3A_382 = arith.constant 0 : i32
      %dma_start3A_383 = tpu.memref_slice %arg6[%dma_start3A_381, %dma_start3A_382] : memref<400x32xf32, #tpu.memory_space<vmem>> -> memref<50x32xf32, #tpu.memory_space<vmem>>
      tpu.enqueue_dma source(%dma_start3A_383 : memref<50x32xf32, #tpu.memory_space<vmem>>) target(%dma_start3A_380 : memref<50x32xf32, #tpu.memory_space<hbm>>) target_semaphore(%arg10 : memref<!tpu.dma_semaphore, #tpu.memory_space<semaphore_mem>>)
      %mul3A_384 = arith.constant 8 : i32
      %mul3A_385 = arith.muli %add3A_237, %mul3A_384 : i32
      %add3A_386 = arith.addi %mul3A_2, %mul3A_385 : i32
      %add3A_387 = arith.constant 7 : i32
      %add3A_388 = arith.addi %add3A_386, %add3A_387 : i32
      %dma_start3A_389 = arith.constant 350 : i32
      %dma_start3A_390 = arith.constant 0 : i32
      %dma_start3A_391 = tpu.memref_slice %arg6[%dma_start3A_389, %dma_start3A_390] : memref<400x32xf32, #tpu.memory_space<vmem>> -> memref<50x32xf32, #tpu.memory_space<vmem>>
      %dma_start3A_392 = arith.constant 0 : i32
      %dma_start3A_393 = arith.constant 0 : i32
      %dma_start3A_394 = tpu.memref_slice %arg4[%add3A_388, %dma_start3A_392, %dma_start3A_393] : memref<4096x50x32xf32, #tpu.memory_space<hbm>> -> memref<1x50x32xf32, #tpu.memory_space<hbm>>
      %dma_start3A_395 = tpu.memref_squeeze %dma_start3A_394 : memref<1x50x32xf32, #tpu.memory_space<hbm>> -> memref<50x32xf32, #tpu.memory_space<hbm>>
      %dma_start3A_396 = arith.constant 0 : i32
      %dma_start3A_397 = arith.constant 0 : i32
      %dma_start3A_398 = tpu.memref_slice %arg4[%add3A_388, %dma_start3A_396, %dma_start3A_397] : memref<4096x50x32xf32, #tpu.memory_space<hbm>> -> memref<1x50x32xf32, #tpu.memory_space<hbm>>
      %dma_start3A_399 = tpu.memref_squeeze %dma_start3A_398 : memref<1x50x32xf32, #tpu.memory_space<hbm>> -> memref<50x32xf32, #tpu.memory_space<hbm>>
      %dma_start3A_400 = arith.constant 350 : i32
      %dma_start3A_401 = arith.constant 0 : i32
      %dma_start3A_402 = tpu.memref_slice %arg6[%dma_start3A_400, %dma_start3A_401] : memref<400x32xf32, #tpu.memory_space<vmem>> -> memref<50x32xf32, #tpu.memory_space<vmem>>
      tpu.enqueue_dma source(%dma_start3A_402 : memref<50x32xf32, #tpu.memory_space<vmem>>) target(%dma_start3A_399 : memref<50x32xf32, #tpu.memory_space<hbm>>) target_semaphore(%arg10 : memref<!tpu.dma_semaphore, #tpu.memory_space<semaphore_mem>>)
      %mul3A_403 = arith.constant 2 : i32
      %mul3A_404 = arith.muli %mul3A_403, %scan3A_233 : i32
      %add3A_405 = arith.constant 1 : i32
      %add3A_406 = arith.addi %mul3A_404, %add3A_405 : i32
      %ge3A_407 = arith.constant 1 : i32
      %ge3A_408 = arith.cmpi sge, %scan3A_233, %ge3A_407 : i32
      %convert_element_type3A_409 = arith.extui %ge3A_408 : i1 to i32
      %cond3A_410 = arith.constant 0 : i32
      %cond3A_411 = arith.cmpi ne, %convert_element_type3A_409, %cond3A_410 : i32
      scf.if %cond3A_411 {
        %dma_wait3A_576 = arith.constant 0 : i32
        %dma_wait3A_577 = arith.constant 0 : i32
        %dma_wait3A_578 = tpu.memref_slice %arg7[%dma_wait3A_576, %dma_wait3A_577] : memref<400x32xf32, #tpu.memory_space<vmem>> -> memref<50x32xf32, #tpu.memory_space<vmem>>
        %dma_wait3A_579 = arith.constant 0 : i32
        %dma_wait3A_580 = arith.constant 0 : i32
        %dma_wait3A_581 = tpu.memref_slice %arg4[%mul3A_2, %dma_wait3A_579, %dma_wait3A_580] : memref<4096x50x32xf32, #tpu.memory_space<hbm>> -> memref<1x50x32xf32, #tpu.memory_space<hbm>>
        %dma_wait3A_582 = tpu.memref_squeeze %dma_wait3A_581 : memref<1x50x32xf32, #tpu.memory_space<hbm>> -> memref<50x32xf32, #tpu.memory_space<hbm>>
        %dma_wait3A_583 = arith.constant 0 : i32
        %dma_wait3A_584 = arith.constant 0 : i32
        %dma_wait3A_585 = tpu.memref_slice %arg4[%mul3A_2, %dma_wait3A_583, %dma_wait3A_584] : memref<4096x50x32xf32, #tpu.memory_space<hbm>> -> memref<1x50x32xf32, #tpu.memory_space<hbm>>
        %dma_wait3A_586 = tpu.memref_squeeze %dma_wait3A_585 : memref<1x50x32xf32, #tpu.memory_space<hbm>> -> memref<50x32xf32, #tpu.memory_space<hbm>>
        %dma_wait3A_587 = arith.constant 0 : i32
        %dma_wait3A_588 = arith.constant 0 : i32
        %dma_wait3A_589 = tpu.memref_slice %arg7[%dma_wait3A_587, %dma_wait3A_588] : memref<400x32xf32, #tpu.memory_space<vmem>> -> memref<50x32xf32, #tpu.memory_space<vmem>>
        tpu.wait_dma2 semaphore(%arg11 : memref<!tpu.dma_semaphore, #tpu.memory_space<semaphore_mem>>) src(%dma_wait3A_589 : memref<50x32xf32, #tpu.memory_space<vmem>>) dst(%dma_wait3A_586 : memref<50x32xf32, #tpu.memory_space<hbm>>)
        %dma_wait3A_590 = arith.constant 50 : i32
        %dma_wait3A_591 = arith.constant 0 : i32
        %dma_wait3A_592 = tpu.memref_slice %arg7[%dma_wait3A_590, %dma_wait3A_591] : memref<400x32xf32, #tpu.memory_space<vmem>> -> memref<50x32xf32, #tpu.memory_space<vmem>>
        %dma_wait3A_593 = arith.constant 0 : i32
        %dma_wait3A_594 = arith.constant 0 : i32
        %dma_wait3A_595 = tpu.memref_slice %arg4[%mul3A_2, %dma_wait3A_593, %dma_wait3A_594] : memref<4096x50x32xf32, #tpu.memory_space<hbm>> -> memref<1x50x32xf32, #tpu.memory_space<hbm>>
        %dma_wait3A_596 = tpu.memref_squeeze %dma_wait3A_595 : memref<1x50x32xf32, #tpu.memory_space<hbm>> -> memref<50x32xf32, #tpu.memory_space<hbm>>
        %dma_wait3A_597 = arith.constant 0 : i32
        %dma_wait3A_598 = arith.constant 0 : i32
        %dma_wait3A_599 = tpu.memref_slice %arg4[%mul3A_2, %dma_wait3A_597, %dma_wait3A_598] : memref<4096x50x32xf32, #tpu.memory_space<hbm>> -> memref<1x50x32xf32, #tpu.memory_space<hbm>>
        %dma_wait3A_600 = tpu.memref_squeeze %dma_wait3A_599 : memref<1x50x32xf32, #tpu.memory_space<hbm>> -> memref<50x32xf32, #tpu.memory_space<hbm>>
        %dma_wait3A_601 = arith.constant 50 : i32
        %dma_wait3A_602 = arith.constant 0 : i32
        %dma_wait3A_603 = tpu.memref_slice %arg7[%dma_wait3A_601, %dma_wait3A_602] : memref<400x32xf32, #tpu.memory_space<vmem>> -> memref<50x32xf32, #tpu.memory_space<vmem>>
        tpu.wait_dma2 semaphore(%arg11 : memref<!tpu.dma_semaphore, #tpu.memory_space<semaphore_mem>>) src(%dma_wait3A_603 : memref<50x32xf32, #tpu.memory_space<vmem>>) dst(%dma_wait3A_600 : memref<50x32xf32, #tpu.memory_space<hbm>>)
        %dma_wait3A_604 = arith.constant 100 : i32
        %dma_wait3A_605 = arith.constant 0 : i32
        %dma_wait3A_606 = tpu.memref_slice %arg7[%dma_wait3A_604, %dma_wait3A_605] : memref<400x32xf32, #tpu.memory_space<vmem>> -> memref<50x32xf32, #tpu.memory_space<vmem>>
        %dma_wait3A_607 = arith.constant 0 : i32
        %dma_wait3A_608 = arith.constant 0 : i32
        %dma_wait3A_609 = tpu.memref_slice %arg4[%mul3A_2, %dma_wait3A_607, %dma_wait3A_608] : memref<4096x50x32xf32, #tpu.memory_space<hbm>> -> memref<1x50x32xf32, #tpu.memory_space<hbm>>
        %dma_wait3A_610 = tpu.memref_squeeze %dma_wait3A_609 : memref<1x50x32xf32, #tpu.memory_space<hbm>> -> memref<50x32xf32, #tpu.memory_space<hbm>>
        %dma_wait3A_611 = arith.constant 0 : i32
        %dma_wait3A_612 = arith.constant 0 : i32
        %dma_wait3A_613 = tpu.memref_slice %arg4[%mul3A_2, %dma_wait3A_611, %dma_wait3A_612] : memref<4096x50x32xf32, #tpu.memory_space<hbm>> -> memref<1x50x32xf32, #tpu.memory_space<hbm>>
        %dma_wait3A_614 = tpu.memref_squeeze %dma_wait3A_613 : memref<1x50x32xf32, #tpu.memory_space<hbm>> -> memref<50x32xf32, #tpu.memory_space<hbm>>
        %dma_wait3A_615 = arith.constant 100 : i32
        %dma_wait3A_616 = arith.constant 0 : i32
        %dma_wait3A_617 = tpu.memref_slice %arg7[%dma_wait3A_615, %dma_wait3A_616] : memref<400x32xf32, #tpu.memory_space<vmem>> -> memref<50x32xf32, #tpu.memory_space<vmem>>
        tpu.wait_dma2 semaphore(%arg11 : memref<!tpu.dma_semaphore, #tpu.memory_space<semaphore_mem>>) src(%dma_wait3A_617 : memref<50x32xf32, #tpu.memory_space<vmem>>) dst(%dma_wait3A_614 : memref<50x32xf32, #tpu.memory_space<hbm>>)
        %dma_wait3A_618 = arith.constant 150 : i32
        %dma_wait3A_619 = arith.constant 0 : i32
        %dma_wait3A_620 = tpu.memref_slice %arg7[%dma_wait3A_618, %dma_wait3A_619] : memref<400x32xf32, #tpu.memory_space<vmem>> -> memref<50x32xf32, #tpu.memory_space<vmem>>
        %dma_wait3A_621 = arith.constant 0 : i32
        %dma_wait3A_622 = arith.constant 0 : i32
        %dma_wait3A_623 = tpu.memref_slice %arg4[%mul3A_2, %dma_wait3A_621, %dma_wait3A_622] : memref<4096x50x32xf32, #tpu.memory_space<hbm>> -> memref<1x50x32xf32, #tpu.memory_space<hbm>>
        %dma_wait3A_624 = tpu.memref_squeeze %dma_wait3A_623 : memref<1x50x32xf32, #tpu.memory_space<hbm>> -> memref<50x32xf32, #tpu.memory_space<hbm>>
        %dma_wait3A_625 = arith.constant 0 : i32
        %dma_wait3A_626 = arith.constant 0 : i32
        %dma_wait3A_627 = tpu.memref_slice %arg4[%mul3A_2, %dma_wait3A_625, %dma_wait3A_626] : memref<4096x50x32xf32, #tpu.memory_space<hbm>> -> memref<1x50x32xf32, #tpu.memory_space<hbm>>
        %dma_wait3A_628 = tpu.memref_squeeze %dma_wait3A_627 : memref<1x50x32xf32, #tpu.memory_space<hbm>> -> memref<50x32xf32, #tpu.memory_space<hbm>>
        %dma_wait3A_629 = arith.constant 150 : i32
        %dma_wait3A_630 = arith.constant 0 : i32
        %dma_wait3A_631 = tpu.memref_slice %arg7[%dma_wait3A_629, %dma_wait3A_630] : memref<400x32xf32, #tpu.memory_space<vmem>> -> memref<50x32xf32, #tpu.memory_space<vmem>>
        tpu.wait_dma2 semaphore(%arg11 : memref<!tpu.dma_semaphore, #tpu.memory_space<semaphore_mem>>) src(%dma_wait3A_631 : memref<50x32xf32, #tpu.memory_space<vmem>>) dst(%dma_wait3A_628 : memref<50x32xf32, #tpu.memory_space<hbm>>)
        %dma_wait3A_632 = arith.constant 200 : i32
        %dma_wait3A_633 = arith.constant 0 : i32
        %dma_wait3A_634 = tpu.memref_slice %arg7[%dma_wait3A_632, %dma_wait3A_633] : memref<400x32xf32, #tpu.memory_space<vmem>> -> memref<50x32xf32, #tpu.memory_space<vmem>>
        %dma_wait3A_635 = arith.constant 0 : i32
        %dma_wait3A_636 = arith.constant 0 : i32
        %dma_wait3A_637 = tpu.memref_slice %arg4[%mul3A_2, %dma_wait3A_635, %dma_wait3A_636] : memref<4096x50x32xf32, #tpu.memory_space<hbm>> -> memref<1x50x32xf32, #tpu.memory_space<hbm>>
        %dma_wait3A_638 = tpu.memref_squeeze %dma_wait3A_637 : memref<1x50x32xf32, #tpu.memory_space<hbm>> -> memref<50x32xf32, #tpu.memory_space<hbm>>
        %dma_wait3A_639 = arith.constant 0 : i32
        %dma_wait3A_640 = arith.constant 0 : i32
        %dma_wait3A_641 = tpu.memref_slice %arg4[%mul3A_2, %dma_wait3A_639, %dma_wait3A_640] : memref<4096x50x32xf32, #tpu.memory_space<hbm>> -> memref<1x50x32xf32, #tpu.memory_space<hbm>>
        %dma_wait3A_642 = tpu.memref_squeeze %dma_wait3A_641 : memref<1x50x32xf32, #tpu.memory_space<hbm>> -> memref<50x32xf32, #tpu.memory_space<hbm>>
        %dma_wait3A_643 = arith.constant 200 : i32
        %dma_wait3A_644 = arith.constant 0 : i32
        %dma_wait3A_645 = tpu.memref_slice %arg7[%dma_wait3A_643, %dma_wait3A_644] : memref<400x32xf32, #tpu.memory_space<vmem>> -> memref<50x32xf32, #tpu.memory_space<vmem>>
        tpu.wait_dma2 semaphore(%arg11 : memref<!tpu.dma_semaphore, #tpu.memory_space<semaphore_mem>>) src(%dma_wait3A_645 : memref<50x32xf32, #tpu.memory_space<vmem>>) dst(%dma_wait3A_642 : memref<50x32xf32, #tpu.memory_space<hbm>>)
        %dma_wait3A_646 = arith.constant 250 : i32
        %dma_wait3A_647 = arith.constant 0 : i32
        %dma_wait3A_648 = tpu.memref_slice %arg7[%dma_wait3A_646, %dma_wait3A_647] : memref<400x32xf32, #tpu.memory_space<vmem>> -> memref<50x32xf32, #tpu.memory_space<vmem>>
        %dma_wait3A_649 = arith.constant 0 : i32
        %dma_wait3A_650 = arith.constant 0 : i32
        %dma_wait3A_651 = tpu.memref_slice %arg4[%mul3A_2, %dma_wait3A_649, %dma_wait3A_650] : memref<4096x50x32xf32, #tpu.memory_space<hbm>> -> memref<1x50x32xf32, #tpu.memory_space<hbm>>
        %dma_wait3A_652 = tpu.memref_squeeze %dma_wait3A_651 : memref<1x50x32xf32, #tpu.memory_space<hbm>> -> memref<50x32xf32, #tpu.memory_space<hbm>>
        %dma_wait3A_653 = arith.constant 0 : i32
        %dma_wait3A_654 = arith.constant 0 : i32
        %dma_wait3A_655 = tpu.memref_slice %arg4[%mul3A_2, %dma_wait3A_653, %dma_wait3A_654] : memref<4096x50x32xf32, #tpu.memory_space<hbm>> -> memref<1x50x32xf32, #tpu.memory_space<hbm>>
        %dma_wait3A_656 = tpu.memref_squeeze %dma_wait3A_655 : memref<1x50x32xf32, #tpu.memory_space<hbm>> -> memref<50x32xf32, #tpu.memory_space<hbm>>
        %dma_wait3A_657 = arith.constant 250 : i32
        %dma_wait3A_658 = arith.constant 0 : i32
        %dma_wait3A_659 = tpu.memref_slice %arg7[%dma_wait3A_657, %dma_wait3A_658] : memref<400x32xf32, #tpu.memory_space<vmem>> -> memref<50x32xf32, #tpu.memory_space<vmem>>
        tpu.wait_dma2 semaphore(%arg11 : memref<!tpu.dma_semaphore, #tpu.memory_space<semaphore_mem>>) src(%dma_wait3A_659 : memref<50x32xf32, #tpu.memory_space<vmem>>) dst(%dma_wait3A_656 : memref<50x32xf32, #tpu.memory_space<hbm>>)
        %dma_wait3A_660 = arith.constant 300 : i32
        %dma_wait3A_661 = arith.constant 0 : i32
        %dma_wait3A_662 = tpu.memref_slice %arg7[%dma_wait3A_660, %dma_wait3A_661] : memref<400x32xf32, #tpu.memory_space<vmem>> -> memref<50x32xf32, #tpu.memory_space<vmem>>
        %dma_wait3A_663 = arith.constant 0 : i32
        %dma_wait3A_664 = arith.constant 0 : i32
        %dma_wait3A_665 = tpu.memref_slice %arg4[%mul3A_2, %dma_wait3A_663, %dma_wait3A_664] : memref<4096x50x32xf32, #tpu.memory_space<hbm>> -> memref<1x50x32xf32, #tpu.memory_space<hbm>>
        %dma_wait3A_666 = tpu.memref_squeeze %dma_wait3A_665 : memref<1x50x32xf32, #tpu.memory_space<hbm>> -> memref<50x32xf32, #tpu.memory_space<hbm>>
        %dma_wait3A_667 = arith.constant 0 : i32
        %dma_wait3A_668 = arith.constant 0 : i32
        %dma_wait3A_669 = tpu.memref_slice %arg4[%mul3A_2, %dma_wait3A_667, %dma_wait3A_668] : memref<4096x50x32xf32, #tpu.memory_space<hbm>> -> memref<1x50x32xf32, #tpu.memory_space<hbm>>
        %dma_wait3A_670 = tpu.memref_squeeze %dma_wait3A_669 : memref<1x50x32xf32, #tpu.memory_space<hbm>> -> memref<50x32xf32, #tpu.memory_space<hbm>>
        %dma_wait3A_671 = arith.constant 300 : i32
        %dma_wait3A_672 = arith.constant 0 : i32
        %dma_wait3A_673 = tpu.memref_slice %arg7[%dma_wait3A_671, %dma_wait3A_672] : memref<400x32xf32, #tpu.memory_space<vmem>> -> memref<50x32xf32, #tpu.memory_space<vmem>>
        tpu.wait_dma2 semaphore(%arg11 : memref<!tpu.dma_semaphore, #tpu.memory_space<semaphore_mem>>) src(%dma_wait3A_673 : memref<50x32xf32, #tpu.memory_space<vmem>>) dst(%dma_wait3A_670 : memref<50x32xf32, #tpu.memory_space<hbm>>)
        %dma_wait3A_674 = arith.constant 350 : i32
        %dma_wait3A_675 = arith.constant 0 : i32
        %dma_wait3A_676 = tpu.memref_slice %arg7[%dma_wait3A_674, %dma_wait3A_675] : memref<400x32xf32, #tpu.memory_space<vmem>> -> memref<50x32xf32, #tpu.memory_space<vmem>>
        %dma_wait3A_677 = arith.constant 0 : i32
        %dma_wait3A_678 = arith.constant 0 : i32
        %dma_wait3A_679 = tpu.memref_slice %arg4[%mul3A_2, %dma_wait3A_677, %dma_wait3A_678] : memref<4096x50x32xf32, #tpu.memory_space<hbm>> -> memref<1x50x32xf32, #tpu.memory_space<hbm>>
        %dma_wait3A_680 = tpu.memref_squeeze %dma_wait3A_679 : memref<1x50x32xf32, #tpu.memory_space<hbm>> -> memref<50x32xf32, #tpu.memory_space<hbm>>
        %dma_wait3A_681 = arith.constant 0 : i32
        %dma_wait3A_682 = arith.constant 0 : i32
        %dma_wait3A_683 = tpu.memref_slice %arg4[%mul3A_2, %dma_wait3A_681, %dma_wait3A_682] : memref<4096x50x32xf32, #tpu.memory_space<hbm>> -> memref<1x50x32xf32, #tpu.memory_space<hbm>>
        %dma_wait3A_684 = tpu.memref_squeeze %dma_wait3A_683 : memref<1x50x32xf32, #tpu.memory_space<hbm>> -> memref<50x32xf32, #tpu.memory_space<hbm>>
        %dma_wait3A_685 = arith.constant 350 : i32
        %dma_wait3A_686 = arith.constant 0 : i32
        %dma_wait3A_687 = tpu.memref_slice %arg7[%dma_wait3A_685, %dma_wait3A_686] : memref<400x32xf32, #tpu.memory_space<vmem>> -> memref<50x32xf32, #tpu.memory_space<vmem>>
        tpu.wait_dma2 semaphore(%arg11 : memref<!tpu.dma_semaphore, #tpu.memory_space<semaphore_mem>>) src(%dma_wait3A_687 : memref<50x32xf32, #tpu.memory_space<vmem>>) dst(%dma_wait3A_684 : memref<50x32xf32, #tpu.memory_space<hbm>>)
      } else {
      }
      %mul3A_412 = arith.constant 8 : i32
      %mul3A_413 = arith.muli %add3A_406, %mul3A_412 : i32
      %mul3A_414 = arith.constant 50 : i32
      %mul3A_415 = arith.muli %mul3A_413, %mul3A_414 : i32
      %dma_start3A_416 = tpu.memref_slice %arg5[%mul3A_415] : memref<6400xi32, #tpu.memory_space<vmem>> -> memref<400xi32, #tpu.memory_space<vmem>>
      %dma_start3A_417 = arith.constant 0 : i32
      %dma_start3A_418 = arith.constant 0 : i32
      %dma_start3A_419 = tpu.memref_slice %arg3[%dma_start3A_417, %dma_start3A_418] : memref<1000000x32xf32, #tpu.memory_space<hbm>> -> memref<1000000x32xf32, #tpu.memory_space<hbm>>
      tpu.enqueue_indirect_dma source(%dma_start3A_419 : memref<1000000x32xf32, #tpu.memory_space<hbm>>) target(%arg7 : memref<400x32xf32, #tpu.memory_space<vmem>>) offsets(%dma_start3A_416 : memref<400xi32, #tpu.memory_space<vmem>>) semaphore(%arg9 : memref<!tpu.dma_semaphore, #tpu.memory_space<semaphore_mem>>)
      %dma_wait3A_420 = tpu.memref_slice %arg5[%mul3A_415] : memref<6400xi32, #tpu.memory_space<vmem>> -> memref<400xi32, #tpu.memory_space<vmem>>
      %dma_wait3A_421 = arith.constant 0 : i32
      %dma_wait3A_422 = arith.constant 0 : i32
      %dma_wait3A_423 = tpu.memref_slice %arg3[%dma_wait3A_421, %dma_wait3A_422] : memref<1000000x32xf32, #tpu.memory_space<hbm>> -> memref<1000000x32xf32, #tpu.memory_space<hbm>>
      tpu.wait_indirect_dma semaphore(%arg9 : memref<!tpu.dma_semaphore, #tpu.memory_space<semaphore_mem>>) src(%dma_wait3A_423 : memref<1000000x32xf32, #tpu.memory_space<hbm>>) dst(%arg7 : memref<400x32xf32, #tpu.memory_space<vmem>>)
      %mul3A_424 = arith.constant 8 : i32
      %mul3A_425 = arith.muli %add3A_406, %mul3A_424 : i32
      %add3A_426 = arith.addi %mul3A_2, %mul3A_425 : i32
      %add3A_427 = arith.constant 0 : i32
      %add3A_428 = arith.addi %add3A_426, %add3A_427 : i32
      %dma_start3A_429 = arith.constant 0 : i32
      %dma_start3A_430 = arith.constant 0 : i32
      %dma_start3A_431 = tpu.memref_slice %arg7[%dma_start3A_429, %dma_start3A_430] : memref<400x32xf32, #tpu.memory_space<vmem>> -> memref<50x32xf32, #tpu.memory_space<vmem>>
      %dma_start3A_432 = arith.constant 0 : i32
      %dma_start3A_433 = arith.constant 0 : i32
      %dma_start3A_434 = tpu.memref_slice %arg4[%add3A_428, %dma_start3A_432, %dma_start3A_433] : memref<4096x50x32xf32, #tpu.memory_space<hbm>> -> memref<1x50x32xf32, #tpu.memory_space<hbm>>
      %dma_start3A_435 = tpu.memref_squeeze %dma_start3A_434 : memref<1x50x32xf32, #tpu.memory_space<hbm>> -> memref<50x32xf32, #tpu.memory_space<hbm>>
      %dma_start3A_436 = arith.constant 0 : i32
      %dma_start3A_437 = arith.constant 0 : i32
      %dma_start3A_438 = tpu.memref_slice %arg4[%add3A_428, %dma_start3A_436, %dma_start3A_437] : memref<4096x50x32xf32, #tpu.memory_space<hbm>> -> memref<1x50x32xf32, #tpu.memory_space<hbm>>
      %dma_start3A_439 = tpu.memref_squeeze %dma_start3A_438 : memref<1x50x32xf32, #tpu.memory_space<hbm>> -> memref<50x32xf32, #tpu.memory_space<hbm>>
      %dma_start3A_440 = arith.constant 0 : i32
      %dma_start3A_441 = arith.constant 0 : i32
      %dma_start3A_442 = tpu.memref_slice %arg7[%dma_start3A_440, %dma_start3A_441] : memref<400x32xf32, #tpu.memory_space<vmem>> -> memref<50x32xf32, #tpu.memory_space<vmem>>
      tpu.enqueue_dma source(%dma_start3A_442 : memref<50x32xf32, #tpu.memory_space<vmem>>) target(%dma_start3A_439 : memref<50x32xf32, #tpu.memory_space<hbm>>) target_semaphore(%arg11 : memref<!tpu.dma_semaphore, #tpu.memory_space<semaphore_mem>>)
      %mul3A_443 = arith.constant 8 : i32
      %mul3A_444 = arith.muli %add3A_406, %mul3A_443 : i32
      %add3A_445 = arith.addi %mul3A_2, %mul3A_444 : i32
      %add3A_446 = arith.constant 1 : i32
      %add3A_447 = arith.addi %add3A_445, %add3A_446 : i32
      %dma_start3A_448 = arith.constant 50 : i32
      %dma_start3A_449 = arith.constant 0 : i32
      %dma_start3A_450 = tpu.memref_slice %arg7[%dma_start3A_448, %dma_start3A_449] : memref<400x32xf32, #tpu.memory_space<vmem>> -> memref<50x32xf32, #tpu.memory_space<vmem>>
      %dma_start3A_451 = arith.constant 0 : i32
      %dma_start3A_452 = arith.constant 0 : i32
      %dma_start3A_453 = tpu.memref_slice %arg4[%add3A_447, %dma_start3A_451, %dma_start3A_452] : memref<4096x50x32xf32, #tpu.memory_space<hbm>> -> memref<1x50x32xf32, #tpu.memory_space<hbm>>
      %dma_start3A_454 = tpu.memref_squeeze %dma_start3A_453 : memref<1x50x32xf32, #tpu.memory_space<hbm>> -> memref<50x32xf32, #tpu.memory_space<hbm>>
      %dma_start3A_455 = arith.constant 0 : i32
      %dma_start3A_456 = arith.constant 0 : i32
      %dma_start3A_457 = tpu.memref_slice %arg4[%add3A_447, %dma_start3A_455, %dma_start3A_456] : memref<4096x50x32xf32, #tpu.memory_space<hbm>> -> memref<1x50x32xf32, #tpu.memory_space<hbm>>
      %dma_start3A_458 = tpu.memref_squeeze %dma_start3A_457 : memref<1x50x32xf32, #tpu.memory_space<hbm>> -> memref<50x32xf32, #tpu.memory_space<hbm>>
      %dma_start3A_459 = arith.constant 50 : i32
      %dma_start3A_460 = arith.constant 0 : i32
      %dma_start3A_461 = tpu.memref_slice %arg7[%dma_start3A_459, %dma_start3A_460] : memref<400x32xf32, #tpu.memory_space<vmem>> -> memref<50x32xf32, #tpu.memory_space<vmem>>
      tpu.enqueue_dma source(%dma_start3A_461 : memref<50x32xf32, #tpu.memory_space<vmem>>) target(%dma_start3A_458 : memref<50x32xf32, #tpu.memory_space<hbm>>) target_semaphore(%arg11 : memref<!tpu.dma_semaphore, #tpu.memory_space<semaphore_mem>>)
      %mul3A_462 = arith.constant 8 : i32
      %mul3A_463 = arith.muli %add3A_406, %mul3A_462 : i32
      %add3A_464 = arith.addi %mul3A_2, %mul3A_463 : i32
      %add3A_465 = arith.constant 2 : i32
      %add3A_466 = arith.addi %add3A_464, %add3A_465 : i32
      %dma_start3A_467 = arith.constant 100 : i32
      %dma_start3A_468 = arith.constant 0 : i32
      %dma_start3A_469 = tpu.memref_slice %arg7[%dma_start3A_467, %dma_start3A_468] : memref<400x32xf32, #tpu.memory_space<vmem>> -> memref<50x32xf32, #tpu.memory_space<vmem>>
      %dma_start3A_470 = arith.constant 0 : i32
      %dma_start3A_471 = arith.constant 0 : i32
      %dma_start3A_472 = tpu.memref_slice %arg4[%add3A_466, %dma_start3A_470, %dma_start3A_471] : memref<4096x50x32xf32, #tpu.memory_space<hbm>> -> memref<1x50x32xf32, #tpu.memory_space<hbm>>
      %dma_start3A_473 = tpu.memref_squeeze %dma_start3A_472 : memref<1x50x32xf32, #tpu.memory_space<hbm>> -> memref<50x32xf32, #tpu.memory_space<hbm>>
      %dma_start3A_474 = arith.constant 0 : i32
      %dma_start3A_475 = arith.constant 0 : i32
      %dma_start3A_476 = tpu.memref_slice %arg4[%add3A_466, %dma_start3A_474, %dma_start3A_475] : memref<4096x50x32xf32, #tpu.memory_space<hbm>> -> memref<1x50x32xf32, #tpu.memory_space<hbm>>
      %dma_start3A_477 = tpu.memref_squeeze %dma_start3A_476 : memref<1x50x32xf32, #tpu.memory_space<hbm>> -> memref<50x32xf32, #tpu.memory_space<hbm>>
      %dma_start3A_478 = arith.constant 100 : i32
      %dma_start3A_479 = arith.constant 0 : i32
      %dma_start3A_480 = tpu.memref_slice %arg7[%dma_start3A_478, %dma_start3A_479] : memref<400x32xf32, #tpu.memory_space<vmem>> -> memref<50x32xf32, #tpu.memory_space<vmem>>
      tpu.enqueue_dma source(%dma_start3A_480 : memref<50x32xf32, #tpu.memory_space<vmem>>) target(%dma_start3A_477 : memref<50x32xf32, #tpu.memory_space<hbm>>) target_semaphore(%arg11 : memref<!tpu.dma_semaphore, #tpu.memory_space<semaphore_mem>>)
      %mul3A_481 = arith.constant 8 : i32
      %mul3A_482 = arith.muli %add3A_406, %mul3A_481 : i32
      %add3A_483 = arith.addi %mul3A_2, %mul3A_482 : i32
      %add3A_484 = arith.constant 3 : i32
      %add3A_485 = arith.addi %add3A_483, %add3A_484 : i32
      %dma_start3A_486 = arith.constant 150 : i32
      %dma_start3A_487 = arith.constant 0 : i32
      %dma_start3A_488 = tpu.memref_slice %arg7[%dma_start3A_486, %dma_start3A_487] : memref<400x32xf32, #tpu.memory_space<vmem>> -> memref<50x32xf32, #tpu.memory_space<vmem>>
      %dma_start3A_489 = arith.constant 0 : i32
      %dma_start3A_490 = arith.constant 0 : i32
      %dma_start3A_491 = tpu.memref_slice %arg4[%add3A_485, %dma_start3A_489, %dma_start3A_490] : memref<4096x50x32xf32, #tpu.memory_space<hbm>> -> memref<1x50x32xf32, #tpu.memory_space<hbm>>
      %dma_start3A_492 = tpu.memref_squeeze %dma_start3A_491 : memref<1x50x32xf32, #tpu.memory_space<hbm>> -> memref<50x32xf32, #tpu.memory_space<hbm>>
      %dma_start3A_493 = arith.constant 0 : i32
      %dma_start3A_494 = arith.constant 0 : i32
      %dma_start3A_495 = tpu.memref_slice %arg4[%add3A_485, %dma_start3A_493, %dma_start3A_494] : memref<4096x50x32xf32, #tpu.memory_space<hbm>> -> memref<1x50x32xf32, #tpu.memory_space<hbm>>
      %dma_start3A_496 = tpu.memref_squeeze %dma_start3A_495 : memref<1x50x32xf32, #tpu.memory_space<hbm>> -> memref<50x32xf32, #tpu.memory_space<hbm>>
      %dma_start3A_497 = arith.constant 150 : i32
      %dma_start3A_498 = arith.constant 0 : i32
      %dma_start3A_499 = tpu.memref_slice %arg7[%dma_start3A_497, %dma_start3A_498] : memref<400x32xf32, #tpu.memory_space<vmem>> -> memref<50x32xf32, #tpu.memory_space<vmem>>
      tpu.enqueue_dma source(%dma_start3A_499 : memref<50x32xf32, #tpu.memory_space<vmem>>) target(%dma_start3A_496 : memref<50x32xf32, #tpu.memory_space<hbm>>) target_semaphore(%arg11 : memref<!tpu.dma_semaphore, #tpu.memory_space<semaphore_mem>>)
      %mul3A_500 = arith.constant 8 : i32
      %mul3A_501 = arith.muli %add3A_406, %mul3A_500 : i32
      %add3A_502 = arith.addi %mul3A_2, %mul3A_501 : i32
      %add3A_503 = arith.constant 4 : i32
      %add3A_504 = arith.addi %add3A_502, %add3A_503 : i32
      %dma_start3A_505 = arith.constant 200 : i32
      %dma_start3A_506 = arith.constant 0 : i32
      %dma_start3A_507 = tpu.memref_slice %arg7[%dma_start3A_505, %dma_start3A_506] : memref<400x32xf32, #tpu.memory_space<vmem>> -> memref<50x32xf32, #tpu.memory_space<vmem>>
      %dma_start3A_508 = arith.constant 0 : i32
      %dma_start3A_509 = arith.constant 0 : i32
      %dma_start3A_510 = tpu.memref_slice %arg4[%add3A_504, %dma_start3A_508, %dma_start3A_509] : memref<4096x50x32xf32, #tpu.memory_space<hbm>> -> memref<1x50x32xf32, #tpu.memory_space<hbm>>
      %dma_start3A_511 = tpu.memref_squeeze %dma_start3A_510 : memref<1x50x32xf32, #tpu.memory_space<hbm>> -> memref<50x32xf32, #tpu.memory_space<hbm>>
      %dma_start3A_512 = arith.constant 0 : i32
      %dma_start3A_513 = arith.constant 0 : i32
      %dma_start3A_514 = tpu.memref_slice %arg4[%add3A_504, %dma_start3A_512, %dma_start3A_513] : memref<4096x50x32xf32, #tpu.memory_space<hbm>> -> memref<1x50x32xf32, #tpu.memory_space<hbm>>
      %dma_start3A_515 = tpu.memref_squeeze %dma_start3A_514 : memref<1x50x32xf32, #tpu.memory_space<hbm>> -> memref<50x32xf32, #tpu.memory_space<hbm>>
      %dma_start3A_516 = arith.constant 200 : i32
      %dma_start3A_517 = arith.constant 0 : i32
      %dma_start3A_518 = tpu.memref_slice %arg7[%dma_start3A_516, %dma_start3A_517] : memref<400x32xf32, #tpu.memory_space<vmem>> -> memref<50x32xf32, #tpu.memory_space<vmem>>
      tpu.enqueue_dma source(%dma_start3A_518 : memref<50x32xf32, #tpu.memory_space<vmem>>) target(%dma_start3A_515 : memref<50x32xf32, #tpu.memory_space<hbm>>) target_semaphore(%arg11 : memref<!tpu.dma_semaphore, #tpu.memory_space<semaphore_mem>>)
      %mul3A_519 = arith.constant 8 : i32
      %mul3A_520 = arith.muli %add3A_406, %mul3A_519 : i32
      %add3A_521 = arith.addi %mul3A_2, %mul3A_520 : i32
      %add3A_522 = arith.constant 5 : i32
      %add3A_523 = arith.addi %add3A_521, %add3A_522 : i32
      %dma_start3A_524 = arith.constant 250 : i32
      %dma_start3A_525 = arith.constant 0 : i32
      %dma_start3A_526 = tpu.memref_slice %arg7[%dma_start3A_524, %dma_start3A_525] : memref<400x32xf32, #tpu.memory_space<vmem>> -> memref<50x32xf32, #tpu.memory_space<vmem>>
      %dma_start3A_527 = arith.constant 0 : i32
      %dma_start3A_528 = arith.constant 0 : i32
      %dma_start3A_529 = tpu.memref_slice %arg4[%add3A_523, %dma_start3A_527, %dma_start3A_528] : memref<4096x50x32xf32, #tpu.memory_space<hbm>> -> memref<1x50x32xf32, #tpu.memory_space<hbm>>
      %dma_start3A_530 = tpu.memref_squeeze %dma_start3A_529 : memref<1x50x32xf32, #tpu.memory_space<hbm>> -> memref<50x32xf32, #tpu.memory_space<hbm>>
      %dma_start3A_531 = arith.constant 0 : i32
      %dma_start3A_532 = arith.constant 0 : i32
      %dma_start3A_533 = tpu.memref_slice %arg4[%add3A_523, %dma_start3A_531, %dma_start3A_532] : memref<4096x50x32xf32, #tpu.memory_space<hbm>> -> memref<1x50x32xf32, #tpu.memory_space<hbm>>
      %dma_start3A_534 = tpu.memref_squeeze %dma_start3A_533 : memref<1x50x32xf32, #tpu.memory_space<hbm>> -> memref<50x32xf32, #tpu.memory_space<hbm>>
      %dma_start3A_535 = arith.constant 250 : i32
      %dma_start3A_536 = arith.constant 0 : i32
      %dma_start3A_537 = tpu.memref_slice %arg7[%dma_start3A_535, %dma_start3A_536] : memref<400x32xf32, #tpu.memory_space<vmem>> -> memref<50x32xf32, #tpu.memory_space<vmem>>
      tpu.enqueue_dma source(%dma_start3A_537 : memref<50x32xf32, #tpu.memory_space<vmem>>) target(%dma_start3A_534 : memref<50x32xf32, #tpu.memory_space<hbm>>) target_semaphore(%arg11 : memref<!tpu.dma_semaphore, #tpu.memory_space<semaphore_mem>>)
      %mul3A_538 = arith.constant 8 : i32
      %mul3A_539 = arith.muli %add3A_406, %mul3A_538 : i32
      %add3A_540 = arith.addi %mul3A_2, %mul3A_539 : i32
      %add3A_541 = arith.constant 6 : i32
      %add3A_542 = arith.addi %add3A_540, %add3A_541 : i32
      %dma_start3A_543 = arith.constant 300 : i32
      %dma_start3A_544 = arith.constant 0 : i32
      %dma_start3A_545 = tpu.memref_slice %arg7[%dma_start3A_543, %dma_start3A_544] : memref<400x32xf32, #tpu.memory_space<vmem>> -> memref<50x32xf32, #tpu.memory_space<vmem>>
      %dma_start3A_546 = arith.constant 0 : i32
      %dma_start3A_547 = arith.constant 0 : i32
      %dma_start3A_548 = tpu.memref_slice %arg4[%add3A_542, %dma_start3A_546, %dma_start3A_547] : memref<4096x50x32xf32, #tpu.memory_space<hbm>> -> memref<1x50x32xf32, #tpu.memory_space<hbm>>
      %dma_start3A_549 = tpu.memref_squeeze %dma_start3A_548 : memref<1x50x32xf32, #tpu.memory_space<hbm>> -> memref<50x32xf32, #tpu.memory_space<hbm>>
      %dma_start3A_550 = arith.constant 0 : i32
      %dma_start3A_551 = arith.constant 0 : i32
      %dma_start3A_552 = tpu.memref_slice %arg4[%add3A_542, %dma_start3A_550, %dma_start3A_551] : memref<4096x50x32xf32, #tpu.memory_space<hbm>> -> memref<1x50x32xf32, #tpu.memory_space<hbm>>
      %dma_start3A_553 = tpu.memref_squeeze %dma_start3A_552 : memref<1x50x32xf32, #tpu.memory_space<hbm>> -> memref<50x32xf32, #tpu.memory_space<hbm>>
      %dma_start3A_554 = arith.constant 300 : i32
      %dma_start3A_555 = arith.constant 0 : i32
      %dma_start3A_556 = tpu.memref_slice %arg7[%dma_start3A_554, %dma_start3A_555] : memref<400x32xf32, #tpu.memory_space<vmem>> -> memref<50x32xf32, #tpu.memory_space<vmem>>
      tpu.enqueue_dma source(%dma_start3A_556 : memref<50x32xf32, #tpu.memory_space<vmem>>) target(%dma_start3A_553 : memref<50x32xf32, #tpu.memory_space<hbm>>) target_semaphore(%arg11 : memref<!tpu.dma_semaphore, #tpu.memory_space<semaphore_mem>>)
      %mul3A_557 = arith.constant 8 : i32
      %mul3A_558 = arith.muli %add3A_406, %mul3A_557 : i32
      %add3A_559 = arith.addi %mul3A_2, %mul3A_558 : i32
      %add3A_560 = arith.constant 7 : i32
      %add3A_561 = arith.addi %add3A_559, %add3A_560 : i32
      %dma_start3A_562 = arith.constant 350 : i32
      %dma_start3A_563 = arith.constant 0 : i32
      %dma_start3A_564 = tpu.memref_slice %arg7[%dma_start3A_562, %dma_start3A_563] : memref<400x32xf32, #tpu.memory_space<vmem>> -> memref<50x32xf32, #tpu.memory_space<vmem>>
      %dma_start3A_565 = arith.constant 0 : i32
      %dma_start3A_566 = arith.constant 0 : i32
      %dma_start3A_567 = tpu.memref_slice %arg4[%add3A_561, %dma_start3A_565, %dma_start3A_566] : memref<4096x50x32xf32, #tpu.memory_space<hbm>> -> memref<1x50x32xf32, #tpu.memory_space<hbm>>
      %dma_start3A_568 = tpu.memref_squeeze %dma_start3A_567 : memref<1x50x32xf32, #tpu.memory_space<hbm>> -> memref<50x32xf32, #tpu.memory_space<hbm>>
      %dma_start3A_569 = arith.constant 0 : i32
      %dma_start3A_570 = arith.constant 0 : i32
      %dma_start3A_571 = tpu.memref_slice %arg4[%add3A_561, %dma_start3A_569, %dma_start3A_570] : memref<4096x50x32xf32, #tpu.memory_space<hbm>> -> memref<1x50x32xf32, #tpu.memory_space<hbm>>
      %dma_start3A_572 = tpu.memref_squeeze %dma_start3A_571 : memref<1x50x32xf32, #tpu.memory_space<hbm>> -> memref<50x32xf32, #tpu.memory_space<hbm>>
      %dma_start3A_573 = arith.constant 350 : i32
      %dma_start3A_574 = arith.constant 0 : i32
      %dma_start3A_575 = tpu.memref_slice %arg7[%dma_start3A_573, %dma_start3A_574] : memref<400x32xf32, #tpu.memory_space<vmem>> -> memref<50x32xf32, #tpu.memory_space<vmem>>
      tpu.enqueue_dma source(%dma_start3A_575 : memref<50x32xf32, #tpu.memory_space<vmem>>) target(%dma_start3A_572 : memref<50x32xf32, #tpu.memory_space<hbm>>) target_semaphore(%arg11 : memref<!tpu.dma_semaphore, #tpu.memory_space<semaphore_mem>>)
    }
    %scan3A_9 = arith.constant 8 : i32
    %dma_wait3A = arith.constant 0 : i32
    %dma_wait3A_10 = arith.constant 0 : i32
    %dma_wait3A_11 = tpu.memref_slice %arg6[%dma_wait3A, %dma_wait3A_10] : memref<400x32xf32, #tpu.memory_space<vmem>> -> memref<50x32xf32, #tpu.memory_space<vmem>>
    %dma_wait3A_12 = arith.constant 0 : i32
    %dma_wait3A_13 = arith.constant 0 : i32
    %dma_wait3A_14 = tpu.memref_slice %arg4[%mul3A_2, %dma_wait3A_12, %dma_wait3A_13] : memref<4096x50x32xf32, #tpu.memory_space<hbm>> -> memref<1x50x32xf32, #tpu.memory_space<hbm>>
    %dma_wait3A_15 = tpu.memref_squeeze %dma_wait3A_14 : memref<1x50x32xf32, #tpu.memory_space<hbm>> -> memref<50x32xf32, #tpu.memory_space<hbm>>
    %dma_wait3A_16 = arith.constant 0 : i32
    %dma_wait3A_17 = arith.constant 0 : i32
    %dma_wait3A_18 = tpu.memref_slice %arg4[%mul3A_2, %dma_wait3A_16, %dma_wait3A_17] : memref<4096x50x32xf32, #tpu.memory_space<hbm>> -> memref<1x50x32xf32, #tpu.memory_space<hbm>>
    %dma_wait3A_19 = tpu.memref_squeeze %dma_wait3A_18 : memref<1x50x32xf32, #tpu.memory_space<hbm>> -> memref<50x32xf32, #tpu.memory_space<hbm>>
    %dma_wait3A_20 = arith.constant 0 : i32
    %dma_wait3A_21 = arith.constant 0 : i32
    %dma_wait3A_22 = tpu.memref_slice %arg6[%dma_wait3A_20, %dma_wait3A_21] : memref<400x32xf32, #tpu.memory_space<vmem>> -> memref<50x32xf32, #tpu.memory_space<vmem>>
    tpu.wait_dma2 semaphore(%arg10 : memref<!tpu.dma_semaphore, #tpu.memory_space<semaphore_mem>>) src(%dma_wait3A_22 : memref<50x32xf32, #tpu.memory_space<vmem>>) dst(%dma_wait3A_19 : memref<50x32xf32, #tpu.memory_space<hbm>>)
    %dma_wait3A_23 = arith.constant 50 : i32
    %dma_wait3A_24 = arith.constant 0 : i32
    %dma_wait3A_25 = tpu.memref_slice %arg6[%dma_wait3A_23, %dma_wait3A_24] : memref<400x32xf32, #tpu.memory_space<vmem>> -> memref<50x32xf32, #tpu.memory_space<vmem>>
    %dma_wait3A_26 = arith.constant 0 : i32
    %dma_wait3A_27 = arith.constant 0 : i32
    %dma_wait3A_28 = tpu.memref_slice %arg4[%mul3A_2, %dma_wait3A_26, %dma_wait3A_27] : memref<4096x50x32xf32, #tpu.memory_space<hbm>> -> memref<1x50x32xf32, #tpu.memory_space<hbm>>
    %dma_wait3A_29 = tpu.memref_squeeze %dma_wait3A_28 : memref<1x50x32xf32, #tpu.memory_space<hbm>> -> memref<50x32xf32, #tpu.memory_space<hbm>>
    %dma_wait3A_30 = arith.constant 0 : i32
    %dma_wait3A_31 = arith.constant 0 : i32
    %dma_wait3A_32 = tpu.memref_slice %arg4[%mul3A_2, %dma_wait3A_30, %dma_wait3A_31] : memref<4096x50x32xf32, #tpu.memory_space<hbm>> -> memref<1x50x32xf32, #tpu.memory_space<hbm>>
    %dma_wait3A_33 = tpu.memref_squeeze %dma_wait3A_32 : memref<1x50x32xf32, #tpu.memory_space<hbm>> -> memref<50x32xf32, #tpu.memory_space<hbm>>
    %dma_wait3A_34 = arith.constant 50 : i32
    %dma_wait3A_35 = arith.constant 0 : i32
    %dma_wait3A_36 = tpu.memref_slice %arg6[%dma_wait3A_34, %dma_wait3A_35] : memref<400x32xf32, #tpu.memory_space<vmem>> -> memref<50x32xf32, #tpu.memory_space<vmem>>
    tpu.wait_dma2 semaphore(%arg10 : memref<!tpu.dma_semaphore, #tpu.memory_space<semaphore_mem>>) src(%dma_wait3A_36 : memref<50x32xf32, #tpu.memory_space<vmem>>) dst(%dma_wait3A_33 : memref<50x32xf32, #tpu.memory_space<hbm>>)
    %dma_wait3A_37 = arith.constant 100 : i32
    %dma_wait3A_38 = arith.constant 0 : i32
    %dma_wait3A_39 = tpu.memref_slice %arg6[%dma_wait3A_37, %dma_wait3A_38] : memref<400x32xf32, #tpu.memory_space<vmem>> -> memref<50x32xf32, #tpu.memory_space<vmem>>
    %dma_wait3A_40 = arith.constant 0 : i32
    %dma_wait3A_41 = arith.constant 0 : i32
    %dma_wait3A_42 = tpu.memref_slice %arg4[%mul3A_2, %dma_wait3A_40, %dma_wait3A_41] : memref<4096x50x32xf32, #tpu.memory_space<hbm>> -> memref<1x50x32xf32, #tpu.memory_space<hbm>>
    %dma_wait3A_43 = tpu.memref_squeeze %dma_wait3A_42 : memref<1x50x32xf32, #tpu.memory_space<hbm>> -> memref<50x32xf32, #tpu.memory_space<hbm>>
    %dma_wait3A_44 = arith.constant 0 : i32
    %dma_wait3A_45 = arith.constant 0 : i32
    %dma_wait3A_46 = tpu.memref_slice %arg4[%mul3A_2, %dma_wait3A_44, %dma_wait3A_45] : memref<4096x50x32xf32, #tpu.memory_space<hbm>> -> memref<1x50x32xf32, #tpu.memory_space<hbm>>
    %dma_wait3A_47 = tpu.memref_squeeze %dma_wait3A_46 : memref<1x50x32xf32, #tpu.memory_space<hbm>> -> memref<50x32xf32, #tpu.memory_space<hbm>>
    %dma_wait3A_48 = arith.constant 100 : i32
    %dma_wait3A_49 = arith.constant 0 : i32
    %dma_wait3A_50 = tpu.memref_slice %arg6[%dma_wait3A_48, %dma_wait3A_49] : memref<400x32xf32, #tpu.memory_space<vmem>> -> memref<50x32xf32, #tpu.memory_space<vmem>>
    tpu.wait_dma2 semaphore(%arg10 : memref<!tpu.dma_semaphore, #tpu.memory_space<semaphore_mem>>) src(%dma_wait3A_50 : memref<50x32xf32, #tpu.memory_space<vmem>>) dst(%dma_wait3A_47 : memref<50x32xf32, #tpu.memory_space<hbm>>)
    %dma_wait3A_51 = arith.constant 150 : i32
    %dma_wait3A_52 = arith.constant 0 : i32
    %dma_wait3A_53 = tpu.memref_slice %arg6[%dma_wait3A_51, %dma_wait3A_52] : memref<400x32xf32, #tpu.memory_space<vmem>> -> memref<50x32xf32, #tpu.memory_space<vmem>>
    %dma_wait3A_54 = arith.constant 0 : i32
    %dma_wait3A_55 = arith.constant 0 : i32
    %dma_wait3A_56 = tpu.memref_slice %arg4[%mul3A_2, %dma_wait3A_54, %dma_wait3A_55] : memref<4096x50x32xf32, #tpu.memory_space<hbm>> -> memref<1x50x32xf32, #tpu.memory_space<hbm>>
    %dma_wait3A_57 = tpu.memref_squeeze %dma_wait3A_56 : memref<1x50x32xf32, #tpu.memory_space<hbm>> -> memref<50x32xf32, #tpu.memory_space<hbm>>
    %dma_wait3A_58 = arith.constant 0 : i32
    %dma_wait3A_59 = arith.constant 0 : i32
    %dma_wait3A_60 = tpu.memref_slice %arg4[%mul3A_2, %dma_wait3A_58, %dma_wait3A_59] : memref<4096x50x32xf32, #tpu.memory_space<hbm>> -> memref<1x50x32xf32, #tpu.memory_space<hbm>>
    %dma_wait3A_61 = tpu.memref_squeeze %dma_wait3A_60 : memref<1x50x32xf32, #tpu.memory_space<hbm>> -> memref<50x32xf32, #tpu.memory_space<hbm>>
    %dma_wait3A_62 = arith.constant 150 : i32
    %dma_wait3A_63 = arith.constant 0 : i32
    %dma_wait3A_64 = tpu.memref_slice %arg6[%dma_wait3A_62, %dma_wait3A_63] : memref<400x32xf32, #tpu.memory_space<vmem>> -> memref<50x32xf32, #tpu.memory_space<vmem>>
    tpu.wait_dma2 semaphore(%arg10 : memref<!tpu.dma_semaphore, #tpu.memory_space<semaphore_mem>>) src(%dma_wait3A_64 : memref<50x32xf32, #tpu.memory_space<vmem>>) dst(%dma_wait3A_61 : memref<50x32xf32, #tpu.memory_space<hbm>>)
    %dma_wait3A_65 = arith.constant 200 : i32
    %dma_wait3A_66 = arith.constant 0 : i32
    %dma_wait3A_67 = tpu.memref_slice %arg6[%dma_wait3A_65, %dma_wait3A_66] : memref<400x32xf32, #tpu.memory_space<vmem>> -> memref<50x32xf32, #tpu.memory_space<vmem>>
    %dma_wait3A_68 = arith.constant 0 : i32
    %dma_wait3A_69 = arith.constant 0 : i32
    %dma_wait3A_70 = tpu.memref_slice %arg4[%mul3A_2, %dma_wait3A_68, %dma_wait3A_69] : memref<4096x50x32xf32, #tpu.memory_space<hbm>> -> memref<1x50x32xf32, #tpu.memory_space<hbm>>
    %dma_wait3A_71 = tpu.memref_squeeze %dma_wait3A_70 : memref<1x50x32xf32, #tpu.memory_space<hbm>> -> memref<50x32xf32, #tpu.memory_space<hbm>>
    %dma_wait3A_72 = arith.constant 0 : i32
    %dma_wait3A_73 = arith.constant 0 : i32
    %dma_wait3A_74 = tpu.memref_slice %arg4[%mul3A_2, %dma_wait3A_72, %dma_wait3A_73] : memref<4096x50x32xf32, #tpu.memory_space<hbm>> -> memref<1x50x32xf32, #tpu.memory_space<hbm>>
    %dma_wait3A_75 = tpu.memref_squeeze %dma_wait3A_74 : memref<1x50x32xf32, #tpu.memory_space<hbm>> -> memref<50x32xf32, #tpu.memory_space<hbm>>
    %dma_wait3A_76 = arith.constant 200 : i32
    %dma_wait3A_77 = arith.constant 0 : i32
    %dma_wait3A_78 = tpu.memref_slice %arg6[%dma_wait3A_76, %dma_wait3A_77] : memref<400x32xf32, #tpu.memory_space<vmem>> -> memref<50x32xf32, #tpu.memory_space<vmem>>
    tpu.wait_dma2 semaphore(%arg10 : memref<!tpu.dma_semaphore, #tpu.memory_space<semaphore_mem>>) src(%dma_wait3A_78 : memref<50x32xf32, #tpu.memory_space<vmem>>) dst(%dma_wait3A_75 : memref<50x32xf32, #tpu.memory_space<hbm>>)
    %dma_wait3A_79 = arith.constant 250 : i32
    %dma_wait3A_80 = arith.constant 0 : i32
    %dma_wait3A_81 = tpu.memref_slice %arg6[%dma_wait3A_79, %dma_wait3A_80] : memref<400x32xf32, #tpu.memory_space<vmem>> -> memref<50x32xf32, #tpu.memory_space<vmem>>
    %dma_wait3A_82 = arith.constant 0 : i32
    %dma_wait3A_83 = arith.constant 0 : i32
    %dma_wait3A_84 = tpu.memref_slice %arg4[%mul3A_2, %dma_wait3A_82, %dma_wait3A_83] : memref<4096x50x32xf32, #tpu.memory_space<hbm>> -> memref<1x50x32xf32, #tpu.memory_space<hbm>>
    %dma_wait3A_85 = tpu.memref_squeeze %dma_wait3A_84 : memref<1x50x32xf32, #tpu.memory_space<hbm>> -> memref<50x32xf32, #tpu.memory_space<hbm>>
    %dma_wait3A_86 = arith.constant 0 : i32
    %dma_wait3A_87 = arith.constant 0 : i32
    %dma_wait3A_88 = tpu.memref_slice %arg4[%mul3A_2, %dma_wait3A_86, %dma_wait3A_87] : memref<4096x50x32xf32, #tpu.memory_space<hbm>> -> memref<1x50x32xf32, #tpu.memory_space<hbm>>
    %dma_wait3A_89 = tpu.memref_squeeze %dma_wait3A_88 : memref<1x50x32xf32, #tpu.memory_space<hbm>> -> memref<50x32xf32, #tpu.memory_space<hbm>>
    %dma_wait3A_90 = arith.constant 250 : i32
    %dma_wait3A_91 = arith.constant 0 : i32
    %dma_wait3A_92 = tpu.memref_slice %arg6[%dma_wait3A_90, %dma_wait3A_91] : memref<400x32xf32, #tpu.memory_space<vmem>> -> memref<50x32xf32, #tpu.memory_space<vmem>>
    tpu.wait_dma2 semaphore(%arg10 : memref<!tpu.dma_semaphore, #tpu.memory_space<semaphore_mem>>) src(%dma_wait3A_92 : memref<50x32xf32, #tpu.memory_space<vmem>>) dst(%dma_wait3A_89 : memref<50x32xf32, #tpu.memory_space<hbm>>)
    %dma_wait3A_93 = arith.constant 300 : i32
    %dma_wait3A_94 = arith.constant 0 : i32
    %dma_wait3A_95 = tpu.memref_slice %arg6[%dma_wait3A_93, %dma_wait3A_94] : memref<400x32xf32, #tpu.memory_space<vmem>> -> memref<50x32xf32, #tpu.memory_space<vmem>>
    %dma_wait3A_96 = arith.constant 0 : i32
    %dma_wait3A_97 = arith.constant 0 : i32
    %dma_wait3A_98 = tpu.memref_slice %arg4[%mul3A_2, %dma_wait3A_96, %dma_wait3A_97] : memref<4096x50x32xf32, #tpu.memory_space<hbm>> -> memref<1x50x32xf32, #tpu.memory_space<hbm>>
    %dma_wait3A_99 = tpu.memref_squeeze %dma_wait3A_98 : memref<1x50x32xf32, #tpu.memory_space<hbm>> -> memref<50x32xf32, #tpu.memory_space<hbm>>
    %dma_wait3A_100 = arith.constant 0 : i32
    %dma_wait3A_101 = arith.constant 0 : i32
    %dma_wait3A_102 = tpu.memref_slice %arg4[%mul3A_2, %dma_wait3A_100, %dma_wait3A_101] : memref<4096x50x32xf32, #tpu.memory_space<hbm>> -> memref<1x50x32xf32, #tpu.memory_space<hbm>>
    %dma_wait3A_103 = tpu.memref_squeeze %dma_wait3A_102 : memref<1x50x32xf32, #tpu.memory_space<hbm>> -> memref<50x32xf32, #tpu.memory_space<hbm>>
    %dma_wait3A_104 = arith.constant 300 : i32
    %dma_wait3A_105 = arith.constant 0 : i32
    %dma_wait3A_106 = tpu.memref_slice %arg6[%dma_wait3A_104, %dma_wait3A_105] : memref<400x32xf32, #tpu.memory_space<vmem>> -> memref<50x32xf32, #tpu.memory_space<vmem>>
    tpu.wait_dma2 semaphore(%arg10 : memref<!tpu.dma_semaphore, #tpu.memory_space<semaphore_mem>>) src(%dma_wait3A_106 : memref<50x32xf32, #tpu.memory_space<vmem>>) dst(%dma_wait3A_103 : memref<50x32xf32, #tpu.memory_space<hbm>>)
    %dma_wait3A_107 = arith.constant 350 : i32
    %dma_wait3A_108 = arith.constant 0 : i32
    %dma_wait3A_109 = tpu.memref_slice %arg6[%dma_wait3A_107, %dma_wait3A_108] : memref<400x32xf32, #tpu.memory_space<vmem>> -> memref<50x32xf32, #tpu.memory_space<vmem>>
    %dma_wait3A_110 = arith.constant 0 : i32
    %dma_wait3A_111 = arith.constant 0 : i32
    %dma_wait3A_112 = tpu.memref_slice %arg4[%mul3A_2, %dma_wait3A_110, %dma_wait3A_111] : memref<4096x50x32xf32, #tpu.memory_space<hbm>> -> memref<1x50x32xf32, #tpu.memory_space<hbm>>
    %dma_wait3A_113 = tpu.memref_squeeze %dma_wait3A_112 : memref<1x50x32xf32, #tpu.memory_space<hbm>> -> memref<50x32xf32, #tpu.memory_space<hbm>>
    %dma_wait3A_114 = arith.constant 0 : i32
    %dma_wait3A_115 = arith.constant 0 : i32
    %dma_wait3A_116 = tpu.memref_slice %arg4[%mul3A_2, %dma_wait3A_114, %dma_wait3A_115] : memref<4096x50x32xf32, #tpu.memory_space<hbm>> -> memref<1x50x32xf32, #tpu.memory_space<hbm>>
    %dma_wait3A_117 = tpu.memref_squeeze %dma_wait3A_116 : memref<1x50x32xf32, #tpu.memory_space<hbm>> -> memref<50x32xf32, #tpu.memory_space<hbm>>
    %dma_wait3A_118 = arith.constant 350 : i32
    %dma_wait3A_119 = arith.constant 0 : i32
    %dma_wait3A_120 = tpu.memref_slice %arg6[%dma_wait3A_118, %dma_wait3A_119] : memref<400x32xf32, #tpu.memory_space<vmem>> -> memref<50x32xf32, #tpu.memory_space<vmem>>
    tpu.wait_dma2 semaphore(%arg10 : memref<!tpu.dma_semaphore, #tpu.memory_space<semaphore_mem>>) src(%dma_wait3A_120 : memref<50x32xf32, #tpu.memory_space<vmem>>) dst(%dma_wait3A_117 : memref<50x32xf32, #tpu.memory_space<hbm>>)
    %dma_wait3A_121 = arith.constant 0 : i32
    %dma_wait3A_122 = arith.constant 0 : i32
    %dma_wait3A_123 = tpu.memref_slice %arg7[%dma_wait3A_121, %dma_wait3A_122] : memref<400x32xf32, #tpu.memory_space<vmem>> -> memref<50x32xf32, #tpu.memory_space<vmem>>
    %dma_wait3A_124 = arith.constant 0 : i32
    %dma_wait3A_125 = arith.constant 0 : i32
    %dma_wait3A_126 = tpu.memref_slice %arg4[%mul3A_2, %dma_wait3A_124, %dma_wait3A_125] : memref<4096x50x32xf32, #tpu.memory_space<hbm>> -> memref<1x50x32xf32, #tpu.memory_space<hbm>>
    %dma_wait3A_127 = tpu.memref_squeeze %dma_wait3A_126 : memref<1x50x32xf32, #tpu.memory_space<hbm>> -> memref<50x32xf32, #tpu.memory_space<hbm>>
    %dma_wait3A_128 = arith.constant 0 : i32
    %dma_wait3A_129 = arith.constant 0 : i32
    %dma_wait3A_130 = tpu.memref_slice %arg4[%mul3A_2, %dma_wait3A_128, %dma_wait3A_129] : memref<4096x50x32xf32, #tpu.memory_space<hbm>> -> memref<1x50x32xf32, #tpu.memory_space<hbm>>
    %dma_wait3A_131 = tpu.memref_squeeze %dma_wait3A_130 : memref<1x50x32xf32, #tpu.memory_space<hbm>> -> memref<50x32xf32, #tpu.memory_space<hbm>>
    %dma_wait3A_132 = arith.constant 0 : i32
    %dma_wait3A_133 = arith.constant 0 : i32
    %dma_wait3A_134 = tpu.memref_slice %arg7[%dma_wait3A_132, %dma_wait3A_133] : memref<400x32xf32, #tpu.memory_space<vmem>> -> memref<50x32xf32, #tpu.memory_space<vmem>>
    tpu.wait_dma2 semaphore(%arg11 : memref<!tpu.dma_semaphore, #tpu.memory_space<semaphore_mem>>) src(%dma_wait3A_134 : memref<50x32xf32, #tpu.memory_space<vmem>>) dst(%dma_wait3A_131 : memref<50x32xf32, #tpu.memory_space<hbm>>)
    %dma_wait3A_135 = arith.constant 50 : i32
    %dma_wait3A_136 = arith.constant 0 : i32
    %dma_wait3A_137 = tpu.memref_slice %arg7[%dma_wait3A_135, %dma_wait3A_136] : memref<400x32xf32, #tpu.memory_space<vmem>> -> memref<50x32xf32, #tpu.memory_space<vmem>>
    %dma_wait3A_138 = arith.constant 0 : i32
    %dma_wait3A_139 = arith.constant 0 : i32
    %dma_wait3A_140 = tpu.memref_slice %arg4[%mul3A_2, %dma_wait3A_138, %dma_wait3A_139] : memref<4096x50x32xf32, #tpu.memory_space<hbm>> -> memref<1x50x32xf32, #tpu.memory_space<hbm>>
    %dma_wait3A_141 = tpu.memref_squeeze %dma_wait3A_140 : memref<1x50x32xf32, #tpu.memory_space<hbm>> -> memref<50x32xf32, #tpu.memory_space<hbm>>
    %dma_wait3A_142 = arith.constant 0 : i32
    %dma_wait3A_143 = arith.constant 0 : i32
    %dma_wait3A_144 = tpu.memref_slice %arg4[%mul3A_2, %dma_wait3A_142, %dma_wait3A_143] : memref<4096x50x32xf32, #tpu.memory_space<hbm>> -> memref<1x50x32xf32, #tpu.memory_space<hbm>>
    %dma_wait3A_145 = tpu.memref_squeeze %dma_wait3A_144 : memref<1x50x32xf32, #tpu.memory_space<hbm>> -> memref<50x32xf32, #tpu.memory_space<hbm>>
    %dma_wait3A_146 = arith.constant 50 : i32
    %dma_wait3A_147 = arith.constant 0 : i32
    %dma_wait3A_148 = tpu.memref_slice %arg7[%dma_wait3A_146, %dma_wait3A_147] : memref<400x32xf32, #tpu.memory_space<vmem>> -> memref<50x32xf32, #tpu.memory_space<vmem>>
    tpu.wait_dma2 semaphore(%arg11 : memref<!tpu.dma_semaphore, #tpu.memory_space<semaphore_mem>>) src(%dma_wait3A_148 : memref<50x32xf32, #tpu.memory_space<vmem>>) dst(%dma_wait3A_145 : memref<50x32xf32, #tpu.memory_space<hbm>>)
    %dma_wait3A_149 = arith.constant 100 : i32
    %dma_wait3A_150 = arith.constant 0 : i32
    %dma_wait3A_151 = tpu.memref_slice %arg7[%dma_wait3A_149, %dma_wait3A_150] : memref<400x32xf32, #tpu.memory_space<vmem>> -> memref<50x32xf32, #tpu.memory_space<vmem>>
    %dma_wait3A_152 = arith.constant 0 : i32
    %dma_wait3A_153 = arith.constant 0 : i32
    %dma_wait3A_154 = tpu.memref_slice %arg4[%mul3A_2, %dma_wait3A_152, %dma_wait3A_153] : memref<4096x50x32xf32, #tpu.memory_space<hbm>> -> memref<1x50x32xf32, #tpu.memory_space<hbm>>
    %dma_wait3A_155 = tpu.memref_squeeze %dma_wait3A_154 : memref<1x50x32xf32, #tpu.memory_space<hbm>> -> memref<50x32xf32, #tpu.memory_space<hbm>>
    %dma_wait3A_156 = arith.constant 0 : i32
    %dma_wait3A_157 = arith.constant 0 : i32
    %dma_wait3A_158 = tpu.memref_slice %arg4[%mul3A_2, %dma_wait3A_156, %dma_wait3A_157] : memref<4096x50x32xf32, #tpu.memory_space<hbm>> -> memref<1x50x32xf32, #tpu.memory_space<hbm>>
    %dma_wait3A_159 = tpu.memref_squeeze %dma_wait3A_158 : memref<1x50x32xf32, #tpu.memory_space<hbm>> -> memref<50x32xf32, #tpu.memory_space<hbm>>
    %dma_wait3A_160 = arith.constant 100 : i32
    %dma_wait3A_161 = arith.constant 0 : i32
    %dma_wait3A_162 = tpu.memref_slice %arg7[%dma_wait3A_160, %dma_wait3A_161] : memref<400x32xf32, #tpu.memory_space<vmem>> -> memref<50x32xf32, #tpu.memory_space<vmem>>
    tpu.wait_dma2 semaphore(%arg11 : memref<!tpu.dma_semaphore, #tpu.memory_space<semaphore_mem>>) src(%dma_wait3A_162 : memref<50x32xf32, #tpu.memory_space<vmem>>) dst(%dma_wait3A_159 : memref<50x32xf32, #tpu.memory_space<hbm>>)
    %dma_wait3A_163 = arith.constant 150 : i32
    %dma_wait3A_164 = arith.constant 0 : i32
    %dma_wait3A_165 = tpu.memref_slice %arg7[%dma_wait3A_163, %dma_wait3A_164] : memref<400x32xf32, #tpu.memory_space<vmem>> -> memref<50x32xf32, #tpu.memory_space<vmem>>
    %dma_wait3A_166 = arith.constant 0 : i32
    %dma_wait3A_167 = arith.constant 0 : i32
    %dma_wait3A_168 = tpu.memref_slice %arg4[%mul3A_2, %dma_wait3A_166, %dma_wait3A_167] : memref<4096x50x32xf32, #tpu.memory_space<hbm>> -> memref<1x50x32xf32, #tpu.memory_space<hbm>>
    %dma_wait3A_169 = tpu.memref_squeeze %dma_wait3A_168 : memref<1x50x32xf32, #tpu.memory_space<hbm>> -> memref<50x32xf32, #tpu.memory_space<hbm>>
    %dma_wait3A_170 = arith.constant 0 : i32
    %dma_wait3A_171 = arith.constant 0 : i32
    %dma_wait3A_172 = tpu.memref_slice %arg4[%mul3A_2, %dma_wait3A_170, %dma_wait3A_171] : memref<4096x50x32xf32, #tpu.memory_space<hbm>> -> memref<1x50x32xf32, #tpu.memory_space<hbm>>
    %dma_wait3A_173 = tpu.memref_squeeze %dma_wait3A_172 : memref<1x50x32xf32, #tpu.memory_space<hbm>> -> memref<50x32xf32, #tpu.memory_space<hbm>>
    %dma_wait3A_174 = arith.constant 150 : i32
    %dma_wait3A_175 = arith.constant 0 : i32
    %dma_wait3A_176 = tpu.memref_slice %arg7[%dma_wait3A_174, %dma_wait3A_175] : memref<400x32xf32, #tpu.memory_space<vmem>> -> memref<50x32xf32, #tpu.memory_space<vmem>>
    tpu.wait_dma2 semaphore(%arg11 : memref<!tpu.dma_semaphore, #tpu.memory_space<semaphore_mem>>) src(%dma_wait3A_176 : memref<50x32xf32, #tpu.memory_space<vmem>>) dst(%dma_wait3A_173 : memref<50x32xf32, #tpu.memory_space<hbm>>)
    %dma_wait3A_177 = arith.constant 200 : i32
    %dma_wait3A_178 = arith.constant 0 : i32
    %dma_wait3A_179 = tpu.memref_slice %arg7[%dma_wait3A_177, %dma_wait3A_178] : memref<400x32xf32, #tpu.memory_space<vmem>> -> memref<50x32xf32, #tpu.memory_space<vmem>>
    %dma_wait3A_180 = arith.constant 0 : i32
    %dma_wait3A_181 = arith.constant 0 : i32
    %dma_wait3A_182 = tpu.memref_slice %arg4[%mul3A_2, %dma_wait3A_180, %dma_wait3A_181] : memref<4096x50x32xf32, #tpu.memory_space<hbm>> -> memref<1x50x32xf32, #tpu.memory_space<hbm>>
    %dma_wait3A_183 = tpu.memref_squeeze %dma_wait3A_182 : memref<1x50x32xf32, #tpu.memory_space<hbm>> -> memref<50x32xf32, #tpu.memory_space<hbm>>
    %dma_wait3A_184 = arith.constant 0 : i32
    %dma_wait3A_185 = arith.constant 0 : i32
    %dma_wait3A_186 = tpu.memref_slice %arg4[%mul3A_2, %dma_wait3A_184, %dma_wait3A_185] : memref<4096x50x32xf32, #tpu.memory_space<hbm>> -> memref<1x50x32xf32, #tpu.memory_space<hbm>>
    %dma_wait3A_187 = tpu.memref_squeeze %dma_wait3A_186 : memref<1x50x32xf32, #tpu.memory_space<hbm>> -> memref<50x32xf32, #tpu.memory_space<hbm>>
    %dma_wait3A_188 = arith.constant 200 : i32
    %dma_wait3A_189 = arith.constant 0 : i32
    %dma_wait3A_190 = tpu.memref_slice %arg7[%dma_wait3A_188, %dma_wait3A_189] : memref<400x32xf32, #tpu.memory_space<vmem>> -> memref<50x32xf32, #tpu.memory_space<vmem>>
    tpu.wait_dma2 semaphore(%arg11 : memref<!tpu.dma_semaphore, #tpu.memory_space<semaphore_mem>>) src(%dma_wait3A_190 : memref<50x32xf32, #tpu.memory_space<vmem>>) dst(%dma_wait3A_187 : memref<50x32xf32, #tpu.memory_space<hbm>>)
    %dma_wait3A_191 = arith.constant 250 : i32
    %dma_wait3A_192 = arith.constant 0 : i32
    %dma_wait3A_193 = tpu.memref_slice %arg7[%dma_wait3A_191, %dma_wait3A_192] : memref<400x32xf32, #tpu.memory_space<vmem>> -> memref<50x32xf32, #tpu.memory_space<vmem>>
    %dma_wait3A_194 = arith.constant 0 : i32
    %dma_wait3A_195 = arith.constant 0 : i32
    %dma_wait3A_196 = tpu.memref_slice %arg4[%mul3A_2, %dma_wait3A_194, %dma_wait3A_195] : memref<4096x50x32xf32, #tpu.memory_space<hbm>> -> memref<1x50x32xf32, #tpu.memory_space<hbm>>
    %dma_wait3A_197 = tpu.memref_squeeze %dma_wait3A_196 : memref<1x50x32xf32, #tpu.memory_space<hbm>> -> memref<50x32xf32, #tpu.memory_space<hbm>>
    %dma_wait3A_198 = arith.constant 0 : i32
    %dma_wait3A_199 = arith.constant 0 : i32
    %dma_wait3A_200 = tpu.memref_slice %arg4[%mul3A_2, %dma_wait3A_198, %dma_wait3A_199] : memref<4096x50x32xf32, #tpu.memory_space<hbm>> -> memref<1x50x32xf32, #tpu.memory_space<hbm>>
    %dma_wait3A_201 = tpu.memref_squeeze %dma_wait3A_200 : memref<1x50x32xf32, #tpu.memory_space<hbm>> -> memref<50x32xf32, #tpu.memory_space<hbm>>
    %dma_wait3A_202 = arith.constant 250 : i32
    %dma_wait3A_203 = arith.constant 0 : i32
    %dma_wait3A_204 = tpu.memref_slice %arg7[%dma_wait3A_202, %dma_wait3A_203] : memref<400x32xf32, #tpu.memory_space<vmem>> -> memref<50x32xf32, #tpu.memory_space<vmem>>
    tpu.wait_dma2 semaphore(%arg11 : memref<!tpu.dma_semaphore, #tpu.memory_space<semaphore_mem>>) src(%dma_wait3A_204 : memref<50x32xf32, #tpu.memory_space<vmem>>) dst(%dma_wait3A_201 : memref<50x32xf32, #tpu.memory_space<hbm>>)
    %dma_wait3A_205 = arith.constant 300 : i32
    %dma_wait3A_206 = arith.constant 0 : i32
    %dma_wait3A_207 = tpu.memref_slice %arg7[%dma_wait3A_205, %dma_wait3A_206] : memref<400x32xf32, #tpu.memory_space<vmem>> -> memref<50x32xf32, #tpu.memory_space<vmem>>
    %dma_wait3A_208 = arith.constant 0 : i32
    %dma_wait3A_209 = arith.constant 0 : i32
    %dma_wait3A_210 = tpu.memref_slice %arg4[%mul3A_2, %dma_wait3A_208, %dma_wait3A_209] : memref<4096x50x32xf32, #tpu.memory_space<hbm>> -> memref<1x50x32xf32, #tpu.memory_space<hbm>>
    %dma_wait3A_211 = tpu.memref_squeeze %dma_wait3A_210 : memref<1x50x32xf32, #tpu.memory_space<hbm>> -> memref<50x32xf32, #tpu.memory_space<hbm>>
    %dma_wait3A_212 = arith.constant 0 : i32
    %dma_wait3A_213 = arith.constant 0 : i32
    %dma_wait3A_214 = tpu.memref_slice %arg4[%mul3A_2, %dma_wait3A_212, %dma_wait3A_213] : memref<4096x50x32xf32, #tpu.memory_space<hbm>> -> memref<1x50x32xf32, #tpu.memory_space<hbm>>
    %dma_wait3A_215 = tpu.memref_squeeze %dma_wait3A_214 : memref<1x50x32xf32, #tpu.memory_space<hbm>> -> memref<50x32xf32, #tpu.memory_space<hbm>>
    %dma_wait3A_216 = arith.constant 300 : i32
    %dma_wait3A_217 = arith.constant 0 : i32
    %dma_wait3A_218 = tpu.memref_slice %arg7[%dma_wait3A_216, %dma_wait3A_217] : memref<400x32xf32, #tpu.memory_space<vmem>> -> memref<50x32xf32, #tpu.memory_space<vmem>>
    tpu.wait_dma2 semaphore(%arg11 : memref<!tpu.dma_semaphore, #tpu.memory_space<semaphore_mem>>) src(%dma_wait3A_218 : memref<50x32xf32, #tpu.memory_space<vmem>>) dst(%dma_wait3A_215 : memref<50x32xf32, #tpu.memory_space<hbm>>)
    %dma_wait3A_219 = arith.constant 350 : i32
    %dma_wait3A_220 = arith.constant 0 : i32
    %dma_wait3A_221 = tpu.memref_slice %arg7[%dma_wait3A_219, %dma_wait3A_220] : memref<400x32xf32, #tpu.memory_space<vmem>> -> memref<50x32xf32, #tpu.memory_space<vmem>>
    %dma_wait3A_222 = arith.constant 0 : i32
    %dma_wait3A_223 = arith.constant 0 : i32
    %dma_wait3A_224 = tpu.memref_slice %arg4[%mul3A_2, %dma_wait3A_222, %dma_wait3A_223] : memref<4096x50x32xf32, #tpu.memory_space<hbm>> -> memref<1x50x32xf32, #tpu.memory_space<hbm>>
    %dma_wait3A_225 = tpu.memref_squeeze %dma_wait3A_224 : memref<1x50x32xf32, #tpu.memory_space<hbm>> -> memref<50x32xf32, #tpu.memory_space<hbm>>
    %dma_wait3A_226 = arith.constant 0 : i32
    %dma_wait3A_227 = arith.constant 0 : i32
    %dma_wait3A_228 = tpu.memref_slice %arg4[%mul3A_2, %dma_wait3A_226, %dma_wait3A_227] : memref<4096x50x32xf32, #tpu.memory_space<hbm>> -> memref<1x50x32xf32, #tpu.memory_space<hbm>>
    %dma_wait3A_229 = tpu.memref_squeeze %dma_wait3A_228 : memref<1x50x32xf32, #tpu.memory_space<hbm>> -> memref<50x32xf32, #tpu.memory_space<hbm>>
    %dma_wait3A_230 = arith.constant 350 : i32
    %dma_wait3A_231 = arith.constant 0 : i32
    %dma_wait3A_232 = tpu.memref_slice %arg7[%dma_wait3A_230, %dma_wait3A_231] : memref<400x32xf32, #tpu.memory_space<vmem>> -> memref<50x32xf32, #tpu.memory_space<vmem>>
    tpu.wait_dma2 semaphore(%arg11 : memref<!tpu.dma_semaphore, #tpu.memory_space<semaphore_mem>>) src(%dma_wait3A_232 : memref<50x32xf32, #tpu.memory_space<vmem>>) dst(%dma_wait3A_229 : memref<50x32xf32, #tpu.memory_space<hbm>>)
    return
  }
}

#map = affine_map<(d0, d1) -> (0)>
#map1 = affine_map<(d0, d1) -> (0, 0)>
#map2 = affine_map<(d0, d1) -> (0, 0, 0)>
module attributes {stable_mosaic.version = 14 : i64} {
  func.func @_gather_body(%arg0: i32, %arg1: i32, %arg2: memref<204800xi32, #tpu.memory_space<hbm>>, %arg3: memref<1000000x32xf32, #tpu.memory_space<hbm>>, %arg4: memref<4096x50x32xf32, #tpu.memory_space<hbm>>, %arg5: memref<6400xi32, #tpu.memory_space<vmem>>, %arg6: memref<400x32xf32, #tpu.memory_space<vmem>>, %arg7: memref<400x32xf32, #tpu.memory_space<vmem>>, %arg8: memref<!tpu.dma_semaphore, #tpu.memory_space<semaphore_mem>>, %arg9: memref<!tpu.dma_semaphore, #tpu.memory_space<semaphore_mem>>, %arg10: memref<!tpu.dma_semaphore, #tpu.memory_space<semaphore_mem>>, %arg11: memref<!tpu.dma_semaphore, #tpu.memory_space<semaphore_mem>>) attributes {dimension_semantics = [#tpu.dimension_semantics<core_parallel>, #tpu.dimension_semantics<subcore_parallel>], iteration_bounds = array<i64: 2, 16>, scalar_prefetch = 0 : i64, scratch_operands = 7 : i64, tpu.core_type = #tpu.core_type<sc_vector_subcore>, window_params = [{transform_indices = #map}, {transform_indices = #map1}, {transform_indices = #map2}]} {
    %mul3A = arith.constant 2 : i32
    %mul3A_0 = arith.muli %arg1, %mul3A : i32
    %add3A = arith.addi %mul3A_0, %arg0 : i32
    %mul3A_1 = arith.constant 128 : i32
    %mul3A_2 = arith.muli %add3A, %mul3A_1 : i32
    %mul3A_3 = arith.constant 50 : i32
    %mul3A_4 = arith.muli %mul3A_2, %mul3A_3 : i32
    "tpu.region"() ({
      %run_scoped3A = tpu.sem_alloc : memref<!tpu.dma_semaphore, #tpu.memory_space<semaphore_mem>>
      %dma_start3A = tpu.memref_slice %arg2[%mul3A_4] : memref<204800xi32, #tpu.memory_space<hbm>> -> memref<6400xi32, #tpu.memory_space<hbm>>
      %dma_start3A_233 = tpu.memref_slice %arg2[%mul3A_4] : memref<204800xi32, #tpu.memory_space<hbm>> -> memref<6400xi32, #tpu.memory_space<hbm>>
      tpu.enqueue_dma source(%dma_start3A_233 : memref<6400xi32, #tpu.memory_space<hbm>>) target(%arg5 : memref<6400xi32, #tpu.memory_space<vmem>>) target_semaphore(%run_scoped3A : memref<!tpu.dma_semaphore, #tpu.memory_space<semaphore_mem>>)
      %dma_wait3A_234 = tpu.memref_slice %arg2[%mul3A_4] : memref<204800xi32, #tpu.memory_space<hbm>> -> memref<6400xi32, #tpu.memory_space<hbm>>
      %dma_wait3A_235 = tpu.memref_slice %arg2[%mul3A_4] : memref<204800xi32, #tpu.memory_space<hbm>> -> memref<6400xi32, #tpu.memory_space<hbm>>
      tpu.wait_dma2 semaphore(%run_scoped3A : memref<!tpu.dma_semaphore, #tpu.memory_space<semaphore_mem>>) src(%dma_wait3A_235 : memref<6400xi32, #tpu.memory_space<hbm>>) dst(%arg5 : memref<6400xi32, #tpu.memory_space<vmem>>)
      tpu.yield
    }) : () -> ()
    %scan3A = arith.constant 0 : i32
    %scan3A_5 = arith.constant 0 : i32
    %scan3A_6 = arith.constant 8 : i32
    %scan3A_7 = arith.addi %scan3A_5, %scan3A_6 : i32
    %scan3A_8 = arith.constant 1 : i32
    scf.for %scan3A_233 = %scan3A_5 to %scan3A_7 step %scan3A_8  : i32 {
      %mul3A_234 = arith.constant 2 : i32
      %mul3A_235 = arith.muli %mul3A_234, %scan3A_233 : i32
      %add3A_236 = arith.constant 0 : i32
      %add3A_237 = arith.addi %mul3A_235, %add3A_236 : i32
      %ge3A = arith.constant 1 : i32
      %ge3A_238 = arith.cmpi sge, %scan3A_233, %ge3A : i32
      %convert_element_type3A = arith.extui %ge3A_238 : i1 to i32
      %cond3A = arith.constant 0 : i32
      %cond3A_239 = arith.cmpi ne, %convert_element_type3A, %cond3A : i32
      scf.if %cond3A_239 {
        %dma_wait3A_576 = arith.constant 0 : i32
        %dma_wait3A_577 = arith.constant 0 : i32
        %dma_wait3A_578 = tpu.memref_slice %arg6[%dma_wait3A_576, %dma_wait3A_577] : memref<400x32xf32, #tpu.memory_space<vmem>> -> memref<50x32xf32, #tpu.memory_space<vmem>>
        %dma_wait3A_579 = arith.constant 0 : i32
        %dma_wait3A_580 = arith.constant 0 : i32
        %dma_wait3A_581 = tpu.memref_slice %arg4[%mul3A_2, %dma_wait3A_579, %dma_wait3A_580] : memref<4096x50x32xf32, #tpu.memory_space<hbm>> -> memref<1x50x32xf32, #tpu.memory_space<hbm>>
        %dma_wait3A_582 = tpu.memref_squeeze %dma_wait3A_581 : memref<1x50x32xf32, #tpu.memory_space<hbm>> -> memref<50x32xf32, #tpu.memory_space<hbm>>
        %dma_wait3A_583 = arith.constant 0 : i32
        %dma_wait3A_584 = arith.constant 0 : i32
        %dma_wait3A_585 = tpu.memref_slice %arg4[%mul3A_2, %dma_wait3A_583, %dma_wait3A_584] : memref<4096x50x32xf32, #tpu.memory_space<hbm>> -> memref<1x50x32xf32, #tpu.memory_space<hbm>>
        %dma_wait3A_586 = tpu.memref_squeeze %dma_wait3A_585 : memref<1x50x32xf32, #tpu.memory_space<hbm>> -> memref<50x32xf32, #tpu.memory_space<hbm>>
        %dma_wait3A_587 = arith.constant 0 : i32
        %dma_wait3A_588 = arith.constant 0 : i32
        %dma_wait3A_589 = tpu.memref_slice %arg6[%dma_wait3A_587, %dma_wait3A_588] : memref<400x32xf32, #tpu.memory_space<vmem>> -> memref<50x32xf32, #tpu.memory_space<vmem>>
        tpu.wait_dma2 semaphore(%arg10 : memref<!tpu.dma_semaphore, #tpu.memory_space<semaphore_mem>>) src(%dma_wait3A_589 : memref<50x32xf32, #tpu.memory_space<vmem>>) dst(%dma_wait3A_586 : memref<50x32xf32, #tpu.memory_space<hbm>>)
        %dma_wait3A_590 = arith.constant 50 : i32
        %dma_wait3A_591 = arith.constant 0 : i32
        %dma_wait3A_592 = tpu.memref_slice %arg6[%dma_wait3A_590, %dma_wait3A_591] : memref<400x32xf32, #tpu.memory_space<vmem>> -> memref<50x32xf32, #tpu.memory_space<vmem>>
        %dma_wait3A_593 = arith.constant 0 : i32
        %dma_wait3A_594 = arith.constant 0 : i32
        %dma_wait3A_595 = tpu.memref_slice %arg4[%mul3A_2, %dma_wait3A_593, %dma_wait3A_594] : memref<4096x50x32xf32, #tpu.memory_space<hbm>> -> memref<1x50x32xf32, #tpu.memory_space<hbm>>
        %dma_wait3A_596 = tpu.memref_squeeze %dma_wait3A_595 : memref<1x50x32xf32, #tpu.memory_space<hbm>> -> memref<50x32xf32, #tpu.memory_space<hbm>>
        %dma_wait3A_597 = arith.constant 0 : i32
        %dma_wait3A_598 = arith.constant 0 : i32
        %dma_wait3A_599 = tpu.memref_slice %arg4[%mul3A_2, %dma_wait3A_597, %dma_wait3A_598] : memref<4096x50x32xf32, #tpu.memory_space<hbm>> -> memref<1x50x32xf32, #tpu.memory_space<hbm>>
        %dma_wait3A_600 = tpu.memref_squeeze %dma_wait3A_599 : memref<1x50x32xf32, #tpu.memory_space<hbm>> -> memref<50x32xf32, #tpu.memory_space<hbm>>
        %dma_wait3A_601 = arith.constant 50 : i32
        %dma_wait3A_602 = arith.constant 0 : i32
        %dma_wait3A_603 = tpu.memref_slice %arg6[%dma_wait3A_601, %dma_wait3A_602] : memref<400x32xf32, #tpu.memory_space<vmem>> -> memref<50x32xf32, #tpu.memory_space<vmem>>
        tpu.wait_dma2 semaphore(%arg10 : memref<!tpu.dma_semaphore, #tpu.memory_space<semaphore_mem>>) src(%dma_wait3A_603 : memref<50x32xf32, #tpu.memory_space<vmem>>) dst(%dma_wait3A_600 : memref<50x32xf32, #tpu.memory_space<hbm>>)
        %dma_wait3A_604 = arith.constant 100 : i32
        %dma_wait3A_605 = arith.constant 0 : i32
        %dma_wait3A_606 = tpu.memref_slice %arg6[%dma_wait3A_604, %dma_wait3A_605] : memref<400x32xf32, #tpu.memory_space<vmem>> -> memref<50x32xf32, #tpu.memory_space<vmem>>
        %dma_wait3A_607 = arith.constant 0 : i32
        %dma_wait3A_608 = arith.constant 0 : i32
        %dma_wait3A_609 = tpu.memref_slice %arg4[%mul3A_2, %dma_wait3A_607, %dma_wait3A_608] : memref<4096x50x32xf32, #tpu.memory_space<hbm>> -> memref<1x50x32xf32, #tpu.memory_space<hbm>>
        %dma_wait3A_610 = tpu.memref_squeeze %dma_wait3A_609 : memref<1x50x32xf32, #tpu.memory_space<hbm>> -> memref<50x32xf32, #tpu.memory_space<hbm>>
        %dma_wait3A_611 = arith.constant 0 : i32
        %dma_wait3A_612 = arith.constant 0 : i32
        %dma_wait3A_613 = tpu.memref_slice %arg4[%mul3A_2, %dma_wait3A_611, %dma_wait3A_612] : memref<4096x50x32xf32, #tpu.memory_space<hbm>> -> memref<1x50x32xf32, #tpu.memory_space<hbm>>
        %dma_wait3A_614 = tpu.memref_squeeze %dma_wait3A_613 : memref<1x50x32xf32, #tpu.memory_space<hbm>> -> memref<50x32xf32, #tpu.memory_space<hbm>>
        %dma_wait3A_615 = arith.constant 100 : i32
        %dma_wait3A_616 = arith.constant 0 : i32
        %dma_wait3A_617 = tpu.memref_slice %arg6[%dma_wait3A_615, %dma_wait3A_616] : memref<400x32xf32, #tpu.memory_space<vmem>> -> memref<50x32xf32, #tpu.memory_space<vmem>>
        tpu.wait_dma2 semaphore(%arg10 : memref<!tpu.dma_semaphore, #tpu.memory_space<semaphore_mem>>) src(%dma_wait3A_617 : memref<50x32xf32, #tpu.memory_space<vmem>>) dst(%dma_wait3A_614 : memref<50x32xf32, #tpu.memory_space<hbm>>)
        %dma_wait3A_618 = arith.constant 150 : i32
        %dma_wait3A_619 = arith.constant 0 : i32
        %dma_wait3A_620 = tpu.memref_slice %arg6[%dma_wait3A_618, %dma_wait3A_619] : memref<400x32xf32, #tpu.memory_space<vmem>> -> memref<50x32xf32, #tpu.memory_space<vmem>>
        %dma_wait3A_621 = arith.constant 0 : i32
        %dma_wait3A_622 = arith.constant 0 : i32
        %dma_wait3A_623 = tpu.memref_slice %arg4[%mul3A_2, %dma_wait3A_621, %dma_wait3A_622] : memref<4096x50x32xf32, #tpu.memory_space<hbm>> -> memref<1x50x32xf32, #tpu.memory_space<hbm>>
        %dma_wait3A_624 = tpu.memref_squeeze %dma_wait3A_623 : memref<1x50x32xf32, #tpu.memory_space<hbm>> -> memref<50x32xf32, #tpu.memory_space<hbm>>
        %dma_wait3A_625 = arith.constant 0 : i32
        %dma_wait3A_626 = arith.constant 0 : i32
        %dma_wait3A_627 = tpu.memref_slice %arg4[%mul3A_2, %dma_wait3A_625, %dma_wait3A_626] : memref<4096x50x32xf32, #tpu.memory_space<hbm>> -> memref<1x50x32xf32, #tpu.memory_space<hbm>>
        %dma_wait3A_628 = tpu.memref_squeeze %dma_wait3A_627 : memref<1x50x32xf32, #tpu.memory_space<hbm>> -> memref<50x32xf32, #tpu.memory_space<hbm>>
        %dma_wait3A_629 = arith.constant 150 : i32
        %dma_wait3A_630 = arith.constant 0 : i32
        %dma_wait3A_631 = tpu.memref_slice %arg6[%dma_wait3A_629, %dma_wait3A_630] : memref<400x32xf32, #tpu.memory_space<vmem>> -> memref<50x32xf32, #tpu.memory_space<vmem>>
        tpu.wait_dma2 semaphore(%arg10 : memref<!tpu.dma_semaphore, #tpu.memory_space<semaphore_mem>>) src(%dma_wait3A_631 : memref<50x32xf32, #tpu.memory_space<vmem>>) dst(%dma_wait3A_628 : memref<50x32xf32, #tpu.memory_space<hbm>>)
        %dma_wait3A_632 = arith.constant 200 : i32
        %dma_wait3A_633 = arith.constant 0 : i32
        %dma_wait3A_634 = tpu.memref_slice %arg6[%dma_wait3A_632, %dma_wait3A_633] : memref<400x32xf32, #tpu.memory_space<vmem>> -> memref<50x32xf32, #tpu.memory_space<vmem>>
        %dma_wait3A_635 = arith.constant 0 : i32
        %dma_wait3A_636 = arith.constant 0 : i32
        %dma_wait3A_637 = tpu.memref_slice %arg4[%mul3A_2, %dma_wait3A_635, %dma_wait3A_636] : memref<4096x50x32xf32, #tpu.memory_space<hbm>> -> memref<1x50x32xf32, #tpu.memory_space<hbm>>
        %dma_wait3A_638 = tpu.memref_squeeze %dma_wait3A_637 : memref<1x50x32xf32, #tpu.memory_space<hbm>> -> memref<50x32xf32, #tpu.memory_space<hbm>>
        %dma_wait3A_639 = arith.constant 0 : i32
        %dma_wait3A_640 = arith.constant 0 : i32
        %dma_wait3A_641 = tpu.memref_slice %arg4[%mul3A_2, %dma_wait3A_639, %dma_wait3A_640] : memref<4096x50x32xf32, #tpu.memory_space<hbm>> -> memref<1x50x32xf32, #tpu.memory_space<hbm>>
        %dma_wait3A_642 = tpu.memref_squeeze %dma_wait3A_641 : memref<1x50x32xf32, #tpu.memory_space<hbm>> -> memref<50x32xf32, #tpu.memory_space<hbm>>
        %dma_wait3A_643 = arith.constant 200 : i32
        %dma_wait3A_644 = arith.constant 0 : i32
        %dma_wait3A_645 = tpu.memref_slice %arg6[%dma_wait3A_643, %dma_wait3A_644] : memref<400x32xf32, #tpu.memory_space<vmem>> -> memref<50x32xf32, #tpu.memory_space<vmem>>
        tpu.wait_dma2 semaphore(%arg10 : memref<!tpu.dma_semaphore, #tpu.memory_space<semaphore_mem>>) src(%dma_wait3A_645 : memref<50x32xf32, #tpu.memory_space<vmem>>) dst(%dma_wait3A_642 : memref<50x32xf32, #tpu.memory_space<hbm>>)
        %dma_wait3A_646 = arith.constant 250 : i32
        %dma_wait3A_647 = arith.constant 0 : i32
        %dma_wait3A_648 = tpu.memref_slice %arg6[%dma_wait3A_646, %dma_wait3A_647] : memref<400x32xf32, #tpu.memory_space<vmem>> -> memref<50x32xf32, #tpu.memory_space<vmem>>
        %dma_wait3A_649 = arith.constant 0 : i32
        %dma_wait3A_650 = arith.constant 0 : i32
        %dma_wait3A_651 = tpu.memref_slice %arg4[%mul3A_2, %dma_wait3A_649, %dma_wait3A_650] : memref<4096x50x32xf32, #tpu.memory_space<hbm>> -> memref<1x50x32xf32, #tpu.memory_space<hbm>>
        %dma_wait3A_652 = tpu.memref_squeeze %dma_wait3A_651 : memref<1x50x32xf32, #tpu.memory_space<hbm>> -> memref<50x32xf32, #tpu.memory_space<hbm>>
        %dma_wait3A_653 = arith.constant 0 : i32
        %dma_wait3A_654 = arith.constant 0 : i32
        %dma_wait3A_655 = tpu.memref_slice %arg4[%mul3A_2, %dma_wait3A_653, %dma_wait3A_654] : memref<4096x50x32xf32, #tpu.memory_space<hbm>> -> memref<1x50x32xf32, #tpu.memory_space<hbm>>
        %dma_wait3A_656 = tpu.memref_squeeze %dma_wait3A_655 : memref<1x50x32xf32, #tpu.memory_space<hbm>> -> memref<50x32xf32, #tpu.memory_space<hbm>>
        %dma_wait3A_657 = arith.constant 250 : i32
        %dma_wait3A_658 = arith.constant 0 : i32
        %dma_wait3A_659 = tpu.memref_slice %arg6[%dma_wait3A_657, %dma_wait3A_658] : memref<400x32xf32, #tpu.memory_space<vmem>> -> memref<50x32xf32, #tpu.memory_space<vmem>>
        tpu.wait_dma2 semaphore(%arg10 : memref<!tpu.dma_semaphore, #tpu.memory_space<semaphore_mem>>) src(%dma_wait3A_659 : memref<50x32xf32, #tpu.memory_space<vmem>>) dst(%dma_wait3A_656 : memref<50x32xf32, #tpu.memory_space<hbm>>)
        %dma_wait3A_660 = arith.constant 300 : i32
        %dma_wait3A_661 = arith.constant 0 : i32
        %dma_wait3A_662 = tpu.memref_slice %arg6[%dma_wait3A_660, %dma_wait3A_661] : memref<400x32xf32, #tpu.memory_space<vmem>> -> memref<50x32xf32, #tpu.memory_space<vmem>>
        %dma_wait3A_663 = arith.constant 0 : i32
        %dma_wait3A_664 = arith.constant 0 : i32
        %dma_wait3A_665 = tpu.memref_slice %arg4[%mul3A_2, %dma_wait3A_663, %dma_wait3A_664] : memref<4096x50x32xf32, #tpu.memory_space<hbm>> -> memref<1x50x32xf32, #tpu.memory_space<hbm>>
        %dma_wait3A_666 = tpu.memref_squeeze %dma_wait3A_665 : memref<1x50x32xf32, #tpu.memory_space<hbm>> -> memref<50x32xf32, #tpu.memory_space<hbm>>
        %dma_wait3A_667 = arith.constant 0 : i32
        %dma_wait3A_668 = arith.constant 0 : i32
        %dma_wait3A_669 = tpu.memref_slice %arg4[%mul3A_2, %dma_wait3A_667, %dma_wait3A_668] : memref<4096x50x32xf32, #tpu.memory_space<hbm>> -> memref<1x50x32xf32, #tpu.memory_space<hbm>>
        %dma_wait3A_670 = tpu.memref_squeeze %dma_wait3A_669 : memref<1x50x32xf32, #tpu.memory_space<hbm>> -> memref<50x32xf32, #tpu.memory_space<hbm>>
        %dma_wait3A_671 = arith.constant 300 : i32
        %dma_wait3A_672 = arith.constant 0 : i32
        %dma_wait3A_673 = tpu.memref_slice %arg6[%dma_wait3A_671, %dma_wait3A_672] : memref<400x32xf32, #tpu.memory_space<vmem>> -> memref<50x32xf32, #tpu.memory_space<vmem>>
        tpu.wait_dma2 semaphore(%arg10 : memref<!tpu.dma_semaphore, #tpu.memory_space<semaphore_mem>>) src(%dma_wait3A_673 : memref<50x32xf32, #tpu.memory_space<vmem>>) dst(%dma_wait3A_670 : memref<50x32xf32, #tpu.memory_space<hbm>>)
        %dma_wait3A_674 = arith.constant 350 : i32
        %dma_wait3A_675 = arith.constant 0 : i32
        %dma_wait3A_676 = tpu.memref_slice %arg6[%dma_wait3A_674, %dma_wait3A_675] : memref<400x32xf32, #tpu.memory_space<vmem>> -> memref<50x32xf32, #tpu.memory_space<vmem>>
        %dma_wait3A_677 = arith.constant 0 : i32
        %dma_wait3A_678 = arith.constant 0 : i32
        %dma_wait3A_679 = tpu.memref_slice %arg4[%mul3A_2, %dma_wait3A_677, %dma_wait3A_678] : memref<4096x50x32xf32, #tpu.memory_space<hbm>> -> memref<1x50x32xf32, #tpu.memory_space<hbm>>
        %dma_wait3A_680 = tpu.memref_squeeze %dma_wait3A_679 : memref<1x50x32xf32, #tpu.memory_space<hbm>> -> memref<50x32xf32, #tpu.memory_space<hbm>>
        %dma_wait3A_681 = arith.constant 0 : i32
        %dma_wait3A_682 = arith.constant 0 : i32
        %dma_wait3A_683 = tpu.memref_slice %arg4[%mul3A_2, %dma_wait3A_681, %dma_wait3A_682] : memref<4096x50x32xf32, #tpu.memory_space<hbm>> -> memref<1x50x32xf32, #tpu.memory_space<hbm>>
        %dma_wait3A_684 = tpu.memref_squeeze %dma_wait3A_683 : memref<1x50x32xf32, #tpu.memory_space<hbm>> -> memref<50x32xf32, #tpu.memory_space<hbm>>
        %dma_wait3A_685 = arith.constant 350 : i32
        %dma_wait3A_686 = arith.constant 0 : i32
        %dma_wait3A_687 = tpu.memref_slice %arg6[%dma_wait3A_685, %dma_wait3A_686] : memref<400x32xf32, #tpu.memory_space<vmem>> -> memref<50x32xf32, #tpu.memory_space<vmem>>
        tpu.wait_dma2 semaphore(%arg10 : memref<!tpu.dma_semaphore, #tpu.memory_space<semaphore_mem>>) src(%dma_wait3A_687 : memref<50x32xf32, #tpu.memory_space<vmem>>) dst(%dma_wait3A_684 : memref<50x32xf32, #tpu.memory_space<hbm>>)
      } else {
      }
      %mul3A_240 = arith.constant 8 : i32
      %mul3A_241 = arith.muli %add3A_237, %mul3A_240 : i32
      %mul3A_242 = arith.constant 50 : i32
      %mul3A_243 = arith.muli %mul3A_241, %mul3A_242 : i32
      %dma_start3A = tpu.memref_slice %arg5[%mul3A_243] : memref<6400xi32, #tpu.memory_space<vmem>> -> memref<400xi32, #tpu.memory_space<vmem>>
      %dma_start3A_244 = arith.constant 0 : i32
      %dma_start3A_245 = arith.constant 0 : i32
      %dma_start3A_246 = tpu.memref_slice %arg3[%dma_start3A_244, %dma_start3A_245] : memref<1000000x32xf32, #tpu.memory_space<hbm>> -> memref<1000000x32xf32, #tpu.memory_space<hbm>>
      tpu.enqueue_indirect_dma source(%dma_start3A_246 : memref<1000000x32xf32, #tpu.memory_space<hbm>>) target(%arg6 : memref<400x32xf32, #tpu.memory_space<vmem>>) offsets(%dma_start3A : memref<400xi32, #tpu.memory_space<vmem>>) semaphore(%arg8 : memref<!tpu.dma_semaphore, #tpu.memory_space<semaphore_mem>>)
      %dma_wait3A_247 = tpu.memref_slice %arg5[%mul3A_243] : memref<6400xi32, #tpu.memory_space<vmem>> -> memref<400xi32, #tpu.memory_space<vmem>>
      %dma_wait3A_248 = arith.constant 0 : i32
      %dma_wait3A_249 = arith.constant 0 : i32
      %dma_wait3A_250 = tpu.memref_slice %arg3[%dma_wait3A_248, %dma_wait3A_249] : memref<1000000x32xf32, #tpu.memory_space<hbm>> -> memref<1000000x32xf32, #tpu.memory_space<hbm>>
      tpu.wait_indirect_dma semaphore(%arg8 : memref<!tpu.dma_semaphore, #tpu.memory_space<semaphore_mem>>) src(%dma_wait3A_250 : memref<1000000x32xf32, #tpu.memory_space<hbm>>) dst(%arg6 : memref<400x32xf32, #tpu.memory_space<vmem>>)
      %mul3A_251 = arith.constant 8 : i32
      %mul3A_252 = arith.muli %add3A_237, %mul3A_251 : i32
      %add3A_253 = arith.addi %mul3A_2, %mul3A_252 : i32
      %add3A_254 = arith.constant 0 : i32
      %add3A_255 = arith.addi %add3A_253, %add3A_254 : i32
      %dma_start3A_256 = arith.constant 0 : i32
      %dma_start3A_257 = arith.constant 0 : i32
      %dma_start3A_258 = tpu.memref_slice %arg6[%dma_start3A_256, %dma_start3A_257] : memref<400x32xf32, #tpu.memory_space<vmem>> -> memref<50x32xf32, #tpu.memory_space<vmem>>
      %dma_start3A_259 = arith.constant 0 : i32
      %dma_start3A_260 = arith.constant 0 : i32
      %dma_start3A_261 = tpu.memref_slice %arg4[%add3A_255, %dma_start3A_259, %dma_start3A_260] : memref<4096x50x32xf32, #tpu.memory_space<hbm>> -> memref<1x50x32xf32, #tpu.memory_space<hbm>>
      %dma_start3A_262 = tpu.memref_squeeze %dma_start3A_261 : memref<1x50x32xf32, #tpu.memory_space<hbm>> -> memref<50x32xf32, #tpu.memory_space<hbm>>
      %dma_start3A_263 = arith.constant 0 : i32
      %dma_start3A_264 = arith.constant 0 : i32
      %dma_start3A_265 = tpu.memref_slice %arg4[%add3A_255, %dma_start3A_263, %dma_start3A_264] : memref<4096x50x32xf32, #tpu.memory_space<hbm>> -> memref<1x50x32xf32, #tpu.memory_space<hbm>>
      %dma_start3A_266 = tpu.memref_squeeze %dma_start3A_265 : memref<1x50x32xf32, #tpu.memory_space<hbm>> -> memref<50x32xf32, #tpu.memory_space<hbm>>
      %dma_start3A_267 = arith.constant 0 : i32
      %dma_start3A_268 = arith.constant 0 : i32
      %dma_start3A_269 = tpu.memref_slice %arg6[%dma_start3A_267, %dma_start3A_268] : memref<400x32xf32, #tpu.memory_space<vmem>> -> memref<50x32xf32, #tpu.memory_space<vmem>>
      tpu.enqueue_dma source(%dma_start3A_269 : memref<50x32xf32, #tpu.memory_space<vmem>>) target(%dma_start3A_266 : memref<50x32xf32, #tpu.memory_space<hbm>>) target_semaphore(%arg10 : memref<!tpu.dma_semaphore, #tpu.memory_space<semaphore_mem>>)
      %mul3A_270 = arith.constant 8 : i32
      %mul3A_271 = arith.muli %add3A_237, %mul3A_270 : i32
      %add3A_272 = arith.addi %mul3A_2, %mul3A_271 : i32
      %add3A_273 = arith.constant 1 : i32
      %add3A_274 = arith.addi %add3A_272, %add3A_273 : i32
      %dma_start3A_275 = arith.constant 50 : i32
      %dma_start3A_276 = arith.constant 0 : i32
      %dma_start3A_277 = tpu.memref_slice %arg6[%dma_start3A_275, %dma_start3A_276] : memref<400x32xf32, #tpu.memory_space<vmem>> -> memref<50x32xf32, #tpu.memory_space<vmem>>
      %dma_start3A_278 = arith.constant 0 : i32
      %dma_start3A_279 = arith.constant 0 : i32
      %dma_start3A_280 = tpu.memref_slice %arg4[%add3A_274, %dma_start3A_278, %dma_start3A_279] : memref<4096x50x32xf32, #tpu.memory_space<hbm>> -> memref<1x50x32xf32, #tpu.memory_space<hbm>>
      %dma_start3A_281 = tpu.memref_squeeze %dma_start3A_280 : memref<1x50x32xf32, #tpu.memory_space<hbm>> -> memref<50x32xf32, #tpu.memory_space<hbm>>
      %dma_start3A_282 = arith.constant 0 : i32
      %dma_start3A_283 = arith.constant 0 : i32
      %dma_start3A_284 = tpu.memref_slice %arg4[%add3A_274, %dma_start3A_282, %dma_start3A_283] : memref<4096x50x32xf32, #tpu.memory_space<hbm>> -> memref<1x50x32xf32, #tpu.memory_space<hbm>>
      %dma_start3A_285 = tpu.memref_squeeze %dma_start3A_284 : memref<1x50x32xf32, #tpu.memory_space<hbm>> -> memref<50x32xf32, #tpu.memory_space<hbm>>
      %dma_start3A_286 = arith.constant 50 : i32
      %dma_start3A_287 = arith.constant 0 : i32
      %dma_start3A_288 = tpu.memref_slice %arg6[%dma_start3A_286, %dma_start3A_287] : memref<400x32xf32, #tpu.memory_space<vmem>> -> memref<50x32xf32, #tpu.memory_space<vmem>>
      tpu.enqueue_dma source(%dma_start3A_288 : memref<50x32xf32, #tpu.memory_space<vmem>>) target(%dma_start3A_285 : memref<50x32xf32, #tpu.memory_space<hbm>>) target_semaphore(%arg10 : memref<!tpu.dma_semaphore, #tpu.memory_space<semaphore_mem>>)
      %mul3A_289 = arith.constant 8 : i32
      %mul3A_290 = arith.muli %add3A_237, %mul3A_289 : i32
      %add3A_291 = arith.addi %mul3A_2, %mul3A_290 : i32
      %add3A_292 = arith.constant 2 : i32
      %add3A_293 = arith.addi %add3A_291, %add3A_292 : i32
      %dma_start3A_294 = arith.constant 100 : i32
      %dma_start3A_295 = arith.constant 0 : i32
      %dma_start3A_296 = tpu.memref_slice %arg6[%dma_start3A_294, %dma_start3A_295] : memref<400x32xf32, #tpu.memory_space<vmem>> -> memref<50x32xf32, #tpu.memory_space<vmem>>
      %dma_start3A_297 = arith.constant 0 : i32
      %dma_start3A_298 = arith.constant 0 : i32
      %dma_start3A_299 = tpu.memref_slice %arg4[%add3A_293, %dma_start3A_297, %dma_start3A_298] : memref<4096x50x32xf32, #tpu.memory_space<hbm>> -> memref<1x50x32xf32, #tpu.memory_space<hbm>>
      %dma_start3A_300 = tpu.memref_squeeze %dma_start3A_299 : memref<1x50x32xf32, #tpu.memory_space<hbm>> -> memref<50x32xf32, #tpu.memory_space<hbm>>
      %dma_start3A_301 = arith.constant 0 : i32
      %dma_start3A_302 = arith.constant 0 : i32
      %dma_start3A_303 = tpu.memref_slice %arg4[%add3A_293, %dma_start3A_301, %dma_start3A_302] : memref<4096x50x32xf32, #tpu.memory_space<hbm>> -> memref<1x50x32xf32, #tpu.memory_space<hbm>>
      %dma_start3A_304 = tpu.memref_squeeze %dma_start3A_303 : memref<1x50x32xf32, #tpu.memory_space<hbm>> -> memref<50x32xf32, #tpu.memory_space<hbm>>
      %dma_start3A_305 = arith.constant 100 : i32
      %dma_start3A_306 = arith.constant 0 : i32
      %dma_start3A_307 = tpu.memref_slice %arg6[%dma_start3A_305, %dma_start3A_306] : memref<400x32xf32, #tpu.memory_space<vmem>> -> memref<50x32xf32, #tpu.memory_space<vmem>>
      tpu.enqueue_dma source(%dma_start3A_307 : memref<50x32xf32, #tpu.memory_space<vmem>>) target(%dma_start3A_304 : memref<50x32xf32, #tpu.memory_space<hbm>>) target_semaphore(%arg10 : memref<!tpu.dma_semaphore, #tpu.memory_space<semaphore_mem>>)
      %mul3A_308 = arith.constant 8 : i32
      %mul3A_309 = arith.muli %add3A_237, %mul3A_308 : i32
      %add3A_310 = arith.addi %mul3A_2, %mul3A_309 : i32
      %add3A_311 = arith.constant 3 : i32
      %add3A_312 = arith.addi %add3A_310, %add3A_311 : i32
      %dma_start3A_313 = arith.constant 150 : i32
      %dma_start3A_314 = arith.constant 0 : i32
      %dma_start3A_315 = tpu.memref_slice %arg6[%dma_start3A_313, %dma_start3A_314] : memref<400x32xf32, #tpu.memory_space<vmem>> -> memref<50x32xf32, #tpu.memory_space<vmem>>
      %dma_start3A_316 = arith.constant 0 : i32
      %dma_start3A_317 = arith.constant 0 : i32
      %dma_start3A_318 = tpu.memref_slice %arg4[%add3A_312, %dma_start3A_316, %dma_start3A_317] : memref<4096x50x32xf32, #tpu.memory_space<hbm>> -> memref<1x50x32xf32, #tpu.memory_space<hbm>>
      %dma_start3A_319 = tpu.memref_squeeze %dma_start3A_318 : memref<1x50x32xf32, #tpu.memory_space<hbm>> -> memref<50x32xf32, #tpu.memory_space<hbm>>
      %dma_start3A_320 = arith.constant 0 : i32
      %dma_start3A_321 = arith.constant 0 : i32
      %dma_start3A_322 = tpu.memref_slice %arg4[%add3A_312, %dma_start3A_320, %dma_start3A_321] : memref<4096x50x32xf32, #tpu.memory_space<hbm>> -> memref<1x50x32xf32, #tpu.memory_space<hbm>>
      %dma_start3A_323 = tpu.memref_squeeze %dma_start3A_322 : memref<1x50x32xf32, #tpu.memory_space<hbm>> -> memref<50x32xf32, #tpu.memory_space<hbm>>
      %dma_start3A_324 = arith.constant 150 : i32
      %dma_start3A_325 = arith.constant 0 : i32
      %dma_start3A_326 = tpu.memref_slice %arg6[%dma_start3A_324, %dma_start3A_325] : memref<400x32xf32, #tpu.memory_space<vmem>> -> memref<50x32xf32, #tpu.memory_space<vmem>>
      tpu.enqueue_dma source(%dma_start3A_326 : memref<50x32xf32, #tpu.memory_space<vmem>>) target(%dma_start3A_323 : memref<50x32xf32, #tpu.memory_space<hbm>>) target_semaphore(%arg10 : memref<!tpu.dma_semaphore, #tpu.memory_space<semaphore_mem>>)
      %mul3A_327 = arith.constant 8 : i32
      %mul3A_328 = arith.muli %add3A_237, %mul3A_327 : i32
      %add3A_329 = arith.addi %mul3A_2, %mul3A_328 : i32
      %add3A_330 = arith.constant 4 : i32
      %add3A_331 = arith.addi %add3A_329, %add3A_330 : i32
      %dma_start3A_332 = arith.constant 200 : i32
      %dma_start3A_333 = arith.constant 0 : i32
      %dma_start3A_334 = tpu.memref_slice %arg6[%dma_start3A_332, %dma_start3A_333] : memref<400x32xf32, #tpu.memory_space<vmem>> -> memref<50x32xf32, #tpu.memory_space<vmem>>
      %dma_start3A_335 = arith.constant 0 : i32
      %dma_start3A_336 = arith.constant 0 : i32
      %dma_start3A_337 = tpu.memref_slice %arg4[%add3A_331, %dma_start3A_335, %dma_start3A_336] : memref<4096x50x32xf32, #tpu.memory_space<hbm>> -> memref<1x50x32xf32, #tpu.memory_space<hbm>>
      %dma_start3A_338 = tpu.memref_squeeze %dma_start3A_337 : memref<1x50x32xf32, #tpu.memory_space<hbm>> -> memref<50x32xf32, #tpu.memory_space<hbm>>
      %dma_start3A_339 = arith.constant 0 : i32
      %dma_start3A_340 = arith.constant 0 : i32
      %dma_start3A_341 = tpu.memref_slice %arg4[%add3A_331, %dma_start3A_339, %dma_start3A_340] : memref<4096x50x32xf32, #tpu.memory_space<hbm>> -> memref<1x50x32xf32, #tpu.memory_space<hbm>>
      %dma_start3A_342 = tpu.memref_squeeze %dma_start3A_341 : memref<1x50x32xf32, #tpu.memory_space<hbm>> -> memref<50x32xf32, #tpu.memory_space<hbm>>
      %dma_start3A_343 = arith.constant 200 : i32
      %dma_start3A_344 = arith.constant 0 : i32
      %dma_start3A_345 = tpu.memref_slice %arg6[%dma_start3A_343, %dma_start3A_344] : memref<400x32xf32, #tpu.memory_space<vmem>> -> memref<50x32xf32, #tpu.memory_space<vmem>>
      tpu.enqueue_dma source(%dma_start3A_345 : memref<50x32xf32, #tpu.memory_space<vmem>>) target(%dma_start3A_342 : memref<50x32xf32, #tpu.memory_space<hbm>>) target_semaphore(%arg10 : memref<!tpu.dma_semaphore, #tpu.memory_space<semaphore_mem>>)
      %mul3A_346 = arith.constant 8 : i32
      %mul3A_347 = arith.muli %add3A_237, %mul3A_346 : i32
      %add3A_348 = arith.addi %mul3A_2, %mul3A_347 : i32
      %add3A_349 = arith.constant 5 : i32
      %add3A_350 = arith.addi %add3A_348, %add3A_349 : i32
      %dma_start3A_351 = arith.constant 250 : i32
      %dma_start3A_352 = arith.constant 0 : i32
      %dma_start3A_353 = tpu.memref_slice %arg6[%dma_start3A_351, %dma_start3A_352] : memref<400x32xf32, #tpu.memory_space<vmem>> -> memref<50x32xf32, #tpu.memory_space<vmem>>
      %dma_start3A_354 = arith.constant 0 : i32
      %dma_start3A_355 = arith.constant 0 : i32
      %dma_start3A_356 = tpu.memref_slice %arg4[%add3A_350, %dma_start3A_354, %dma_start3A_355] : memref<4096x50x32xf32, #tpu.memory_space<hbm>> -> memref<1x50x32xf32, #tpu.memory_space<hbm>>
      %dma_start3A_357 = tpu.memref_squeeze %dma_start3A_356 : memref<1x50x32xf32, #tpu.memory_space<hbm>> -> memref<50x32xf32, #tpu.memory_space<hbm>>
      %dma_start3A_358 = arith.constant 0 : i32
      %dma_start3A_359 = arith.constant 0 : i32
      %dma_start3A_360 = tpu.memref_slice %arg4[%add3A_350, %dma_start3A_358, %dma_start3A_359] : memref<4096x50x32xf32, #tpu.memory_space<hbm>> -> memref<1x50x32xf32, #tpu.memory_space<hbm>>
      %dma_start3A_361 = tpu.memref_squeeze %dma_start3A_360 : memref<1x50x32xf32, #tpu.memory_space<hbm>> -> memref<50x32xf32, #tpu.memory_space<hbm>>
      %dma_start3A_362 = arith.constant 250 : i32
      %dma_start3A_363 = arith.constant 0 : i32
      %dma_start3A_364 = tpu.memref_slice %arg6[%dma_start3A_362, %dma_start3A_363] : memref<400x32xf32, #tpu.memory_space<vmem>> -> memref<50x32xf32, #tpu.memory_space<vmem>>
      tpu.enqueue_dma source(%dma_start3A_364 : memref<50x32xf32, #tpu.memory_space<vmem>>) target(%dma_start3A_361 : memref<50x32xf32, #tpu.memory_space<hbm>>) target_semaphore(%arg10 : memref<!tpu.dma_semaphore, #tpu.memory_space<semaphore_mem>>)
      %mul3A_365 = arith.constant 8 : i32
      %mul3A_366 = arith.muli %add3A_237, %mul3A_365 : i32
      %add3A_367 = arith.addi %mul3A_2, %mul3A_366 : i32
      %add3A_368 = arith.constant 6 : i32
      %add3A_369 = arith.addi %add3A_367, %add3A_368 : i32
      %dma_start3A_370 = arith.constant 300 : i32
      %dma_start3A_371 = arith.constant 0 : i32
      %dma_start3A_372 = tpu.memref_slice %arg6[%dma_start3A_370, %dma_start3A_371] : memref<400x32xf32, #tpu.memory_space<vmem>> -> memref<50x32xf32, #tpu.memory_space<vmem>>
      %dma_start3A_373 = arith.constant 0 : i32
      %dma_start3A_374 = arith.constant 0 : i32
      %dma_start3A_375 = tpu.memref_slice %arg4[%add3A_369, %dma_start3A_373, %dma_start3A_374] : memref<4096x50x32xf32, #tpu.memory_space<hbm>> -> memref<1x50x32xf32, #tpu.memory_space<hbm>>
      %dma_start3A_376 = tpu.memref_squeeze %dma_start3A_375 : memref<1x50x32xf32, #tpu.memory_space<hbm>> -> memref<50x32xf32, #tpu.memory_space<hbm>>
      %dma_start3A_377 = arith.constant 0 : i32
      %dma_start3A_378 = arith.constant 0 : i32
      %dma_start3A_379 = tpu.memref_slice %arg4[%add3A_369, %dma_start3A_377, %dma_start3A_378] : memref<4096x50x32xf32, #tpu.memory_space<hbm>> -> memref<1x50x32xf32, #tpu.memory_space<hbm>>
      %dma_start3A_380 = tpu.memref_squeeze %dma_start3A_379 : memref<1x50x32xf32, #tpu.memory_space<hbm>> -> memref<50x32xf32, #tpu.memory_space<hbm>>
      %dma_start3A_381 = arith.constant 300 : i32
      %dma_start3A_382 = arith.constant 0 : i32
      %dma_start3A_383 = tpu.memref_slice %arg6[%dma_start3A_381, %dma_start3A_382] : memref<400x32xf32, #tpu.memory_space<vmem>> -> memref<50x32xf32, #tpu.memory_space<vmem>>
      tpu.enqueue_dma source(%dma_start3A_383 : memref<50x32xf32, #tpu.memory_space<vmem>>) target(%dma_start3A_380 : memref<50x32xf32, #tpu.memory_space<hbm>>) target_semaphore(%arg10 : memref<!tpu.dma_semaphore, #tpu.memory_space<semaphore_mem>>)
      %mul3A_384 = arith.constant 8 : i32
      %mul3A_385 = arith.muli %add3A_237, %mul3A_384 : i32
      %add3A_386 = arith.addi %mul3A_2, %mul3A_385 : i32
      %add3A_387 = arith.constant 7 : i32
      %add3A_388 = arith.addi %add3A_386, %add3A_387 : i32
      %dma_start3A_389 = arith.constant 350 : i32
      %dma_start3A_390 = arith.constant 0 : i32
      %dma_start3A_391 = tpu.memref_slice %arg6[%dma_start3A_389, %dma_start3A_390] : memref<400x32xf32, #tpu.memory_space<vmem>> -> memref<50x32xf32, #tpu.memory_space<vmem>>
      %dma_start3A_392 = arith.constant 0 : i32
      %dma_start3A_393 = arith.constant 0 : i32
      %dma_start3A_394 = tpu.memref_slice %arg4[%add3A_388, %dma_start3A_392, %dma_start3A_393] : memref<4096x50x32xf32, #tpu.memory_space<hbm>> -> memref<1x50x32xf32, #tpu.memory_space<hbm>>
      %dma_start3A_395 = tpu.memref_squeeze %dma_start3A_394 : memref<1x50x32xf32, #tpu.memory_space<hbm>> -> memref<50x32xf32, #tpu.memory_space<hbm>>
      %dma_start3A_396 = arith.constant 0 : i32
      %dma_start3A_397 = arith.constant 0 : i32
      %dma_start3A_398 = tpu.memref_slice %arg4[%add3A_388, %dma_start3A_396, %dma_start3A_397] : memref<4096x50x32xf32, #tpu.memory_space<hbm>> -> memref<1x50x32xf32, #tpu.memory_space<hbm>>
      %dma_start3A_399 = tpu.memref_squeeze %dma_start3A_398 : memref<1x50x32xf32, #tpu.memory_space<hbm>> -> memref<50x32xf32, #tpu.memory_space<hbm>>
      %dma_start3A_400 = arith.constant 350 : i32
      %dma_start3A_401 = arith.constant 0 : i32
      %dma_start3A_402 = tpu.memref_slice %arg6[%dma_start3A_400, %dma_start3A_401] : memref<400x32xf32, #tpu.memory_space<vmem>> -> memref<50x32xf32, #tpu.memory_space<vmem>>
      tpu.enqueue_dma source(%dma_start3A_402 : memref<50x32xf32, #tpu.memory_space<vmem>>) target(%dma_start3A_399 : memref<50x32xf32, #tpu.memory_space<hbm>>) target_semaphore(%arg10 : memref<!tpu.dma_semaphore, #tpu.memory_space<semaphore_mem>>)
      %mul3A_403 = arith.constant 2 : i32
      %mul3A_404 = arith.muli %mul3A_403, %scan3A_233 : i32
      %add3A_405 = arith.constant 1 : i32
      %add3A_406 = arith.addi %mul3A_404, %add3A_405 : i32
      %ge3A_407 = arith.constant 1 : i32
      %ge3A_408 = arith.cmpi sge, %scan3A_233, %ge3A_407 : i32
      %convert_element_type3A_409 = arith.extui %ge3A_408 : i1 to i32
      %cond3A_410 = arith.constant 0 : i32
      %cond3A_411 = arith.cmpi ne, %convert_element_type3A_409, %cond3A_410 : i32
      scf.if %cond3A_411 {
        %dma_wait3A_576 = arith.constant 0 : i32
        %dma_wait3A_577 = arith.constant 0 : i32
        %dma_wait3A_578 = tpu.memref_slice %arg7[%dma_wait3A_576, %dma_wait3A_577] : memref<400x32xf32, #tpu.memory_space<vmem>> -> memref<50x32xf32, #tpu.memory_space<vmem>>
        %dma_wait3A_579 = arith.constant 0 : i32
        %dma_wait3A_580 = arith.constant 0 : i32
        %dma_wait3A_581 = tpu.memref_slice %arg4[%mul3A_2, %dma_wait3A_579, %dma_wait3A_580] : memref<4096x50x32xf32, #tpu.memory_space<hbm>> -> memref<1x50x32xf32, #tpu.memory_space<hbm>>
        %dma_wait3A_582 = tpu.memref_squeeze %dma_wait3A_581 : memref<1x50x32xf32, #tpu.memory_space<hbm>> -> memref<50x32xf32, #tpu.memory_space<hbm>>
        %dma_wait3A_583 = arith.constant 0 : i32
        %dma_wait3A_584 = arith.constant 0 : i32
        %dma_wait3A_585 = tpu.memref_slice %arg4[%mul3A_2, %dma_wait3A_583, %dma_wait3A_584] : memref<4096x50x32xf32, #tpu.memory_space<hbm>> -> memref<1x50x32xf32, #tpu.memory_space<hbm>>
        %dma_wait3A_586 = tpu.memref_squeeze %dma_wait3A_585 : memref<1x50x32xf32, #tpu.memory_space<hbm>> -> memref<50x32xf32, #tpu.memory_space<hbm>>
        %dma_wait3A_587 = arith.constant 0 : i32
        %dma_wait3A_588 = arith.constant 0 : i32
        %dma_wait3A_589 = tpu.memref_slice %arg7[%dma_wait3A_587, %dma_wait3A_588] : memref<400x32xf32, #tpu.memory_space<vmem>> -> memref<50x32xf32, #tpu.memory_space<vmem>>
        tpu.wait_dma2 semaphore(%arg11 : memref<!tpu.dma_semaphore, #tpu.memory_space<semaphore_mem>>) src(%dma_wait3A_589 : memref<50x32xf32, #tpu.memory_space<vmem>>) dst(%dma_wait3A_586 : memref<50x32xf32, #tpu.memory_space<hbm>>)
        %dma_wait3A_590 = arith.constant 50 : i32
        %dma_wait3A_591 = arith.constant 0 : i32
        %dma_wait3A_592 = tpu.memref_slice %arg7[%dma_wait3A_590, %dma_wait3A_591] : memref<400x32xf32, #tpu.memory_space<vmem>> -> memref<50x32xf32, #tpu.memory_space<vmem>>
        %dma_wait3A_593 = arith.constant 0 : i32
        %dma_wait3A_594 = arith.constant 0 : i32
        %dma_wait3A_595 = tpu.memref_slice %arg4[%mul3A_2, %dma_wait3A_593, %dma_wait3A_594] : memref<4096x50x32xf32, #tpu.memory_space<hbm>> -> memref<1x50x32xf32, #tpu.memory_space<hbm>>
        %dma_wait3A_596 = tpu.memref_squeeze %dma_wait3A_595 : memref<1x50x32xf32, #tpu.memory_space<hbm>> -> memref<50x32xf32, #tpu.memory_space<hbm>>
        %dma_wait3A_597 = arith.constant 0 : i32
        %dma_wait3A_598 = arith.constant 0 : i32
        %dma_wait3A_599 = tpu.memref_slice %arg4[%mul3A_2, %dma_wait3A_597, %dma_wait3A_598] : memref<4096x50x32xf32, #tpu.memory_space<hbm>> -> memref<1x50x32xf32, #tpu.memory_space<hbm>>
        %dma_wait3A_600 = tpu.memref_squeeze %dma_wait3A_599 : memref<1x50x32xf32, #tpu.memory_space<hbm>> -> memref<50x32xf32, #tpu.memory_space<hbm>>
        %dma_wait3A_601 = arith.constant 50 : i32
        %dma_wait3A_602 = arith.constant 0 : i32
        %dma_wait3A_603 = tpu.memref_slice %arg7[%dma_wait3A_601, %dma_wait3A_602] : memref<400x32xf32, #tpu.memory_space<vmem>> -> memref<50x32xf32, #tpu.memory_space<vmem>>
        tpu.wait_dma2 semaphore(%arg11 : memref<!tpu.dma_semaphore, #tpu.memory_space<semaphore_mem>>) src(%dma_wait3A_603 : memref<50x32xf32, #tpu.memory_space<vmem>>) dst(%dma_wait3A_600 : memref<50x32xf32, #tpu.memory_space<hbm>>)
        %dma_wait3A_604 = arith.constant 100 : i32
        %dma_wait3A_605 = arith.constant 0 : i32
        %dma_wait3A_606 = tpu.memref_slice %arg7[%dma_wait3A_604, %dma_wait3A_605] : memref<400x32xf32, #tpu.memory_space<vmem>> -> memref<50x32xf32, #tpu.memory_space<vmem>>
        %dma_wait3A_607 = arith.constant 0 : i32
        %dma_wait3A_608 = arith.constant 0 : i32
        %dma_wait3A_609 = tpu.memref_slice %arg4[%mul3A_2, %dma_wait3A_607, %dma_wait3A_608] : memref<4096x50x32xf32, #tpu.memory_space<hbm>> -> memref<1x50x32xf32, #tpu.memory_space<hbm>>
        %dma_wait3A_610 = tpu.memref_squeeze %dma_wait3A_609 : memref<1x50x32xf32, #tpu.memory_space<hbm>> -> memref<50x32xf32, #tpu.memory_space<hbm>>
        %dma_wait3A_611 = arith.constant 0 : i32
        %dma_wait3A_612 = arith.constant 0 : i32
        %dma_wait3A_613 = tpu.memref_slice %arg4[%mul3A_2, %dma_wait3A_611, %dma_wait3A_612] : memref<4096x50x32xf32, #tpu.memory_space<hbm>> -> memref<1x50x32xf32, #tpu.memory_space<hbm>>
        %dma_wait3A_614 = tpu.memref_squeeze %dma_wait3A_613 : memref<1x50x32xf32, #tpu.memory_space<hbm>> -> memref<50x32xf32, #tpu.memory_space<hbm>>
        %dma_wait3A_615 = arith.constant 100 : i32
        %dma_wait3A_616 = arith.constant 0 : i32
        %dma_wait3A_617 = tpu.memref_slice %arg7[%dma_wait3A_615, %dma_wait3A_616] : memref<400x32xf32, #tpu.memory_space<vmem>> -> memref<50x32xf32, #tpu.memory_space<vmem>>
        tpu.wait_dma2 semaphore(%arg11 : memref<!tpu.dma_semaphore, #tpu.memory_space<semaphore_mem>>) src(%dma_wait3A_617 : memref<50x32xf32, #tpu.memory_space<vmem>>) dst(%dma_wait3A_614 : memref<50x32xf32, #tpu.memory_space<hbm>>)
        %dma_wait3A_618 = arith.constant 150 : i32
        %dma_wait3A_619 = arith.constant 0 : i32
        %dma_wait3A_620 = tpu.memref_slice %arg7[%dma_wait3A_618, %dma_wait3A_619] : memref<400x32xf32, #tpu.memory_space<vmem>> -> memref<50x32xf32, #tpu.memory_space<vmem>>
        %dma_wait3A_621 = arith.constant 0 : i32
        %dma_wait3A_622 = arith.constant 0 : i32
        %dma_wait3A_623 = tpu.memref_slice %arg4[%mul3A_2, %dma_wait3A_621, %dma_wait3A_622] : memref<4096x50x32xf32, #tpu.memory_space<hbm>> -> memref<1x50x32xf32, #tpu.memory_space<hbm>>
        %dma_wait3A_624 = tpu.memref_squeeze %dma_wait3A_623 : memref<1x50x32xf32, #tpu.memory_space<hbm>> -> memref<50x32xf32, #tpu.memory_space<hbm>>
        %dma_wait3A_625 = arith.constant 0 : i32
        %dma_wait3A_626 = arith.constant 0 : i32
        %dma_wait3A_627 = tpu.memref_slice %arg4[%mul3A_2, %dma_wait3A_625, %dma_wait3A_626] : memref<4096x50x32xf32, #tpu.memory_space<hbm>> -> memref<1x50x32xf32, #tpu.memory_space<hbm>>
        %dma_wait3A_628 = tpu.memref_squeeze %dma_wait3A_627 : memref<1x50x32xf32, #tpu.memory_space<hbm>> -> memref<50x32xf32, #tpu.memory_space<hbm>>
        %dma_wait3A_629 = arith.constant 150 : i32
        %dma_wait3A_630 = arith.constant 0 : i32
        %dma_wait3A_631 = tpu.memref_slice %arg7[%dma_wait3A_629, %dma_wait3A_630] : memref<400x32xf32, #tpu.memory_space<vmem>> -> memref<50x32xf32, #tpu.memory_space<vmem>>
        tpu.wait_dma2 semaphore(%arg11 : memref<!tpu.dma_semaphore, #tpu.memory_space<semaphore_mem>>) src(%dma_wait3A_631 : memref<50x32xf32, #tpu.memory_space<vmem>>) dst(%dma_wait3A_628 : memref<50x32xf32, #tpu.memory_space<hbm>>)
        %dma_wait3A_632 = arith.constant 200 : i32
        %dma_wait3A_633 = arith.constant 0 : i32
        %dma_wait3A_634 = tpu.memref_slice %arg7[%dma_wait3A_632, %dma_wait3A_633] : memref<400x32xf32, #tpu.memory_space<vmem>> -> memref<50x32xf32, #tpu.memory_space<vmem>>
        %dma_wait3A_635 = arith.constant 0 : i32
        %dma_wait3A_636 = arith.constant 0 : i32
        %dma_wait3A_637 = tpu.memref_slice %arg4[%mul3A_2, %dma_wait3A_635, %dma_wait3A_636] : memref<4096x50x32xf32, #tpu.memory_space<hbm>> -> memref<1x50x32xf32, #tpu.memory_space<hbm>>
        %dma_wait3A_638 = tpu.memref_squeeze %dma_wait3A_637 : memref<1x50x32xf32, #tpu.memory_space<hbm>> -> memref<50x32xf32, #tpu.memory_space<hbm>>
        %dma_wait3A_639 = arith.constant 0 : i32
        %dma_wait3A_640 = arith.constant 0 : i32
        %dma_wait3A_641 = tpu.memref_slice %arg4[%mul3A_2, %dma_wait3A_639, %dma_wait3A_640] : memref<4096x50x32xf32, #tpu.memory_space<hbm>> -> memref<1x50x32xf32, #tpu.memory_space<hbm>>
        %dma_wait3A_642 = tpu.memref_squeeze %dma_wait3A_641 : memref<1x50x32xf32, #tpu.memory_space<hbm>> -> memref<50x32xf32, #tpu.memory_space<hbm>>
        %dma_wait3A_643 = arith.constant 200 : i32
        %dma_wait3A_644 = arith.constant 0 : i32
        %dma_wait3A_645 = tpu.memref_slice %arg7[%dma_wait3A_643, %dma_wait3A_644] : memref<400x32xf32, #tpu.memory_space<vmem>> -> memref<50x32xf32, #tpu.memory_space<vmem>>
        tpu.wait_dma2 semaphore(%arg11 : memref<!tpu.dma_semaphore, #tpu.memory_space<semaphore_mem>>) src(%dma_wait3A_645 : memref<50x32xf32, #tpu.memory_space<vmem>>) dst(%dma_wait3A_642 : memref<50x32xf32, #tpu.memory_space<hbm>>)
        %dma_wait3A_646 = arith.constant 250 : i32
        %dma_wait3A_647 = arith.constant 0 : i32
        %dma_wait3A_648 = tpu.memref_slice %arg7[%dma_wait3A_646, %dma_wait3A_647] : memref<400x32xf32, #tpu.memory_space<vmem>> -> memref<50x32xf32, #tpu.memory_space<vmem>>
        %dma_wait3A_649 = arith.constant 0 : i32
        %dma_wait3A_650 = arith.constant 0 : i32
        %dma_wait3A_651 = tpu.memref_slice %arg4[%mul3A_2, %dma_wait3A_649, %dma_wait3A_650] : memref<4096x50x32xf32, #tpu.memory_space<hbm>> -> memref<1x50x32xf32, #tpu.memory_space<hbm>>
        %dma_wait3A_652 = tpu.memref_squeeze %dma_wait3A_651 : memref<1x50x32xf32, #tpu.memory_space<hbm>> -> memref<50x32xf32, #tpu.memory_space<hbm>>
        %dma_wait3A_653 = arith.constant 0 : i32
        %dma_wait3A_654 = arith.constant 0 : i32
        %dma_wait3A_655 = tpu.memref_slice %arg4[%mul3A_2, %dma_wait3A_653, %dma_wait3A_654] : memref<4096x50x32xf32, #tpu.memory_space<hbm>> -> memref<1x50x32xf32, #tpu.memory_space<hbm>>
        %dma_wait3A_656 = tpu.memref_squeeze %dma_wait3A_655 : memref<1x50x32xf32, #tpu.memory_space<hbm>> -> memref<50x32xf32, #tpu.memory_space<hbm>>
        %dma_wait3A_657 = arith.constant 250 : i32
        %dma_wait3A_658 = arith.constant 0 : i32
        %dma_wait3A_659 = tpu.memref_slice %arg7[%dma_wait3A_657, %dma_wait3A_658] : memref<400x32xf32, #tpu.memory_space<vmem>> -> memref<50x32xf32, #tpu.memory_space<vmem>>
        tpu.wait_dma2 semaphore(%arg11 : memref<!tpu.dma_semaphore, #tpu.memory_space<semaphore_mem>>) src(%dma_wait3A_659 : memref<50x32xf32, #tpu.memory_space<vmem>>) dst(%dma_wait3A_656 : memref<50x32xf32, #tpu.memory_space<hbm>>)
        %dma_wait3A_660 = arith.constant 300 : i32
        %dma_wait3A_661 = arith.constant 0 : i32
        %dma_wait3A_662 = tpu.memref_slice %arg7[%dma_wait3A_660, %dma_wait3A_661] : memref<400x32xf32, #tpu.memory_space<vmem>> -> memref<50x32xf32, #tpu.memory_space<vmem>>
        %dma_wait3A_663 = arith.constant 0 : i32
        %dma_wait3A_664 = arith.constant 0 : i32
        %dma_wait3A_665 = tpu.memref_slice %arg4[%mul3A_2, %dma_wait3A_663, %dma_wait3A_664] : memref<4096x50x32xf32, #tpu.memory_space<hbm>> -> memref<1x50x32xf32, #tpu.memory_space<hbm>>
        %dma_wait3A_666 = tpu.memref_squeeze %dma_wait3A_665 : memref<1x50x32xf32, #tpu.memory_space<hbm>> -> memref<50x32xf32, #tpu.memory_space<hbm>>
        %dma_wait3A_667 = arith.constant 0 : i32
        %dma_wait3A_668 = arith.constant 0 : i32
        %dma_wait3A_669 = tpu.memref_slice %arg4[%mul3A_2, %dma_wait3A_667, %dma_wait3A_668] : memref<4096x50x32xf32, #tpu.memory_space<hbm>> -> memref<1x50x32xf32, #tpu.memory_space<hbm>>
        %dma_wait3A_670 = tpu.memref_squeeze %dma_wait3A_669 : memref<1x50x32xf32, #tpu.memory_space<hbm>> -> memref<50x32xf32, #tpu.memory_space<hbm>>
        %dma_wait3A_671 = arith.constant 300 : i32
        %dma_wait3A_672 = arith.constant 0 : i32
        %dma_wait3A_673 = tpu.memref_slice %arg7[%dma_wait3A_671, %dma_wait3A_672] : memref<400x32xf32, #tpu.memory_space<vmem>> -> memref<50x32xf32, #tpu.memory_space<vmem>>
        tpu.wait_dma2 semaphore(%arg11 : memref<!tpu.dma_semaphore, #tpu.memory_space<semaphore_mem>>) src(%dma_wait3A_673 : memref<50x32xf32, #tpu.memory_space<vmem>>) dst(%dma_wait3A_670 : memref<50x32xf32, #tpu.memory_space<hbm>>)
        %dma_wait3A_674 = arith.constant 350 : i32
        %dma_wait3A_675 = arith.constant 0 : i32
        %dma_wait3A_676 = tpu.memref_slice %arg7[%dma_wait3A_674, %dma_wait3A_675] : memref<400x32xf32, #tpu.memory_space<vmem>> -> memref<50x32xf32, #tpu.memory_space<vmem>>
        %dma_wait3A_677 = arith.constant 0 : i32
        %dma_wait3A_678 = arith.constant 0 : i32
        %dma_wait3A_679 = tpu.memref_slice %arg4[%mul3A_2, %dma_wait3A_677, %dma_wait3A_678] : memref<4096x50x32xf32, #tpu.memory_space<hbm>> -> memref<1x50x32xf32, #tpu.memory_space<hbm>>
        %dma_wait3A_680 = tpu.memref_squeeze %dma_wait3A_679 : memref<1x50x32xf32, #tpu.memory_space<hbm>> -> memref<50x32xf32, #tpu.memory_space<hbm>>
        %dma_wait3A_681 = arith.constant 0 : i32
        %dma_wait3A_682 = arith.constant 0 : i32
        %dma_wait3A_683 = tpu.memref_slice %arg4[%mul3A_2, %dma_wait3A_681, %dma_wait3A_682] : memref<4096x50x32xf32, #tpu.memory_space<hbm>> -> memref<1x50x32xf32, #tpu.memory_space<hbm>>
        %dma_wait3A_684 = tpu.memref_squeeze %dma_wait3A_683 : memref<1x50x32xf32, #tpu.memory_space<hbm>> -> memref<50x32xf32, #tpu.memory_space<hbm>>
        %dma_wait3A_685 = arith.constant 350 : i32
        %dma_wait3A_686 = arith.constant 0 : i32
        %dma_wait3A_687 = tpu.memref_slice %arg7[%dma_wait3A_685, %dma_wait3A_686] : memref<400x32xf32, #tpu.memory_space<vmem>> -> memref<50x32xf32, #tpu.memory_space<vmem>>
        tpu.wait_dma2 semaphore(%arg11 : memref<!tpu.dma_semaphore, #tpu.memory_space<semaphore_mem>>) src(%dma_wait3A_687 : memref<50x32xf32, #tpu.memory_space<vmem>>) dst(%dma_wait3A_684 : memref<50x32xf32, #tpu.memory_space<hbm>>)
      } else {
      }
      %mul3A_412 = arith.constant 8 : i32
      %mul3A_413 = arith.muli %add3A_406, %mul3A_412 : i32
      %mul3A_414 = arith.constant 50 : i32
      %mul3A_415 = arith.muli %mul3A_413, %mul3A_414 : i32
      %dma_start3A_416 = tpu.memref_slice %arg5[%mul3A_415] : memref<6400xi32, #tpu.memory_space<vmem>> -> memref<400xi32, #tpu.memory_space<vmem>>
      %dma_start3A_417 = arith.constant 0 : i32
      %dma_start3A_418 = arith.constant 0 : i32
      %dma_start3A_419 = tpu.memref_slice %arg3[%dma_start3A_417, %dma_start3A_418] : memref<1000000x32xf32, #tpu.memory_space<hbm>> -> memref<1000000x32xf32, #tpu.memory_space<hbm>>
      tpu.enqueue_indirect_dma source(%dma_start3A_419 : memref<1000000x32xf32, #tpu.memory_space<hbm>>) target(%arg7 : memref<400x32xf32, #tpu.memory_space<vmem>>) offsets(%dma_start3A_416 : memref<400xi32, #tpu.memory_space<vmem>>) semaphore(%arg9 : memref<!tpu.dma_semaphore, #tpu.memory_space<semaphore_mem>>)
      %dma_wait3A_420 = tpu.memref_slice %arg5[%mul3A_415] : memref<6400xi32, #tpu.memory_space<vmem>> -> memref<400xi32, #tpu.memory_space<vmem>>
      %dma_wait3A_421 = arith.constant 0 : i32
      %dma_wait3A_422 = arith.constant 0 : i32
      %dma_wait3A_423 = tpu.memref_slice %arg3[%dma_wait3A_421, %dma_wait3A_422] : memref<1000000x32xf32, #tpu.memory_space<hbm>> -> memref<1000000x32xf32, #tpu.memory_space<hbm>>
      tpu.wait_indirect_dma semaphore(%arg9 : memref<!tpu.dma_semaphore, #tpu.memory_space<semaphore_mem>>) src(%dma_wait3A_423 : memref<1000000x32xf32, #tpu.memory_space<hbm>>) dst(%arg7 : memref<400x32xf32, #tpu.memory_space<vmem>>)
      %mul3A_424 = arith.constant 8 : i32
      %mul3A_425 = arith.muli %add3A_406, %mul3A_424 : i32
      %add3A_426 = arith.addi %mul3A_2, %mul3A_425 : i32
      %add3A_427 = arith.constant 0 : i32
      %add3A_428 = arith.addi %add3A_426, %add3A_427 : i32
      %dma_start3A_429 = arith.constant 0 : i32
      %dma_start3A_430 = arith.constant 0 : i32
      %dma_start3A_431 = tpu.memref_slice %arg7[%dma_start3A_429, %dma_start3A_430] : memref<400x32xf32, #tpu.memory_space<vmem>> -> memref<50x32xf32, #tpu.memory_space<vmem>>
      %dma_start3A_432 = arith.constant 0 : i32
      %dma_start3A_433 = arith.constant 0 : i32
      %dma_start3A_434 = tpu.memref_slice %arg4[%add3A_428, %dma_start3A_432, %dma_start3A_433] : memref<4096x50x32xf32, #tpu.memory_space<hbm>> -> memref<1x50x32xf32, #tpu.memory_space<hbm>>
      %dma_start3A_435 = tpu.memref_squeeze %dma_start3A_434 : memref<1x50x32xf32, #tpu.memory_space<hbm>> -> memref<50x32xf32, #tpu.memory_space<hbm>>
      %dma_start3A_436 = arith.constant 0 : i32
      %dma_start3A_437 = arith.constant 0 : i32
      %dma_start3A_438 = tpu.memref_slice %arg4[%add3A_428, %dma_start3A_436, %dma_start3A_437] : memref<4096x50x32xf32, #tpu.memory_space<hbm>> -> memref<1x50x32xf32, #tpu.memory_space<hbm>>
      %dma_start3A_439 = tpu.memref_squeeze %dma_start3A_438 : memref<1x50x32xf32, #tpu.memory_space<hbm>> -> memref<50x32xf32, #tpu.memory_space<hbm>>
      %dma_start3A_440 = arith.constant 0 : i32
      %dma_start3A_441 = arith.constant 0 : i32
      %dma_start3A_442 = tpu.memref_slice %arg7[%dma_start3A_440, %dma_start3A_441] : memref<400x32xf32, #tpu.memory_space<vmem>> -> memref<50x32xf32, #tpu.memory_space<vmem>>
      tpu.enqueue_dma source(%dma_start3A_442 : memref<50x32xf32, #tpu.memory_space<vmem>>) target(%dma_start3A_439 : memref<50x32xf32, #tpu.memory_space<hbm>>) target_semaphore(%arg11 : memref<!tpu.dma_semaphore, #tpu.memory_space<semaphore_mem>>)
      %mul3A_443 = arith.constant 8 : i32
      %mul3A_444 = arith.muli %add3A_406, %mul3A_443 : i32
      %add3A_445 = arith.addi %mul3A_2, %mul3A_444 : i32
      %add3A_446 = arith.constant 1 : i32
      %add3A_447 = arith.addi %add3A_445, %add3A_446 : i32
      %dma_start3A_448 = arith.constant 50 : i32
      %dma_start3A_449 = arith.constant 0 : i32
      %dma_start3A_450 = tpu.memref_slice %arg7[%dma_start3A_448, %dma_start3A_449] : memref<400x32xf32, #tpu.memory_space<vmem>> -> memref<50x32xf32, #tpu.memory_space<vmem>>
      %dma_start3A_451 = arith.constant 0 : i32
      %dma_start3A_452 = arith.constant 0 : i32
      %dma_start3A_453 = tpu.memref_slice %arg4[%add3A_447, %dma_start3A_451, %dma_start3A_452] : memref<4096x50x32xf32, #tpu.memory_space<hbm>> -> memref<1x50x32xf32, #tpu.memory_space<hbm>>
      %dma_start3A_454 = tpu.memref_squeeze %dma_start3A_453 : memref<1x50x32xf32, #tpu.memory_space<hbm>> -> memref<50x32xf32, #tpu.memory_space<hbm>>
      %dma_start3A_455 = arith.constant 0 : i32
      %dma_start3A_456 = arith.constant 0 : i32
      %dma_start3A_457 = tpu.memref_slice %arg4[%add3A_447, %dma_start3A_455, %dma_start3A_456] : memref<4096x50x32xf32, #tpu.memory_space<hbm>> -> memref<1x50x32xf32, #tpu.memory_space<hbm>>
      %dma_start3A_458 = tpu.memref_squeeze %dma_start3A_457 : memref<1x50x32xf32, #tpu.memory_space<hbm>> -> memref<50x32xf32, #tpu.memory_space<hbm>>
      %dma_start3A_459 = arith.constant 50 : i32
      %dma_start3A_460 = arith.constant 0 : i32
      %dma_start3A_461 = tpu.memref_slice %arg7[%dma_start3A_459, %dma_start3A_460] : memref<400x32xf32, #tpu.memory_space<vmem>> -> memref<50x32xf32, #tpu.memory_space<vmem>>
      tpu.enqueue_dma source(%dma_start3A_461 : memref<50x32xf32, #tpu.memory_space<vmem>>) target(%dma_start3A_458 : memref<50x32xf32, #tpu.memory_space<hbm>>) target_semaphore(%arg11 : memref<!tpu.dma_semaphore, #tpu.memory_space<semaphore_mem>>)
      %mul3A_462 = arith.constant 8 : i32
      %mul3A_463 = arith.muli %add3A_406, %mul3A_462 : i32
      %add3A_464 = arith.addi %mul3A_2, %mul3A_463 : i32
      %add3A_465 = arith.constant 2 : i32
      %add3A_466 = arith.addi %add3A_464, %add3A_465 : i32
      %dma_start3A_467 = arith.constant 100 : i32
      %dma_start3A_468 = arith.constant 0 : i32
      %dma_start3A_469 = tpu.memref_slice %arg7[%dma_start3A_467, %dma_start3A_468] : memref<400x32xf32, #tpu.memory_space<vmem>> -> memref<50x32xf32, #tpu.memory_space<vmem>>
      %dma_start3A_470 = arith.constant 0 : i32
      %dma_start3A_471 = arith.constant 0 : i32
      %dma_start3A_472 = tpu.memref_slice %arg4[%add3A_466, %dma_start3A_470, %dma_start3A_471] : memref<4096x50x32xf32, #tpu.memory_space<hbm>> -> memref<1x50x32xf32, #tpu.memory_space<hbm>>
      %dma_start3A_473 = tpu.memref_squeeze %dma_start3A_472 : memref<1x50x32xf32, #tpu.memory_space<hbm>> -> memref<50x32xf32, #tpu.memory_space<hbm>>
      %dma_start3A_474 = arith.constant 0 : i32
      %dma_start3A_475 = arith.constant 0 : i32
      %dma_start3A_476 = tpu.memref_slice %arg4[%add3A_466, %dma_start3A_474, %dma_start3A_475] : memref<4096x50x32xf32, #tpu.memory_space<hbm>> -> memref<1x50x32xf32, #tpu.memory_space<hbm>>
      %dma_start3A_477 = tpu.memref_squeeze %dma_start3A_476 : memref<1x50x32xf32, #tpu.memory_space<hbm>> -> memref<50x32xf32, #tpu.memory_space<hbm>>
      %dma_start3A_478 = arith.constant 100 : i32
      %dma_start3A_479 = arith.constant 0 : i32
      %dma_start3A_480 = tpu.memref_slice %arg7[%dma_start3A_478, %dma_start3A_479] : memref<400x32xf32, #tpu.memory_space<vmem>> -> memref<50x32xf32, #tpu.memory_space<vmem>>
      tpu.enqueue_dma source(%dma_start3A_480 : memref<50x32xf32, #tpu.memory_space<vmem>>) target(%dma_start3A_477 : memref<50x32xf32, #tpu.memory_space<hbm>>) target_semaphore(%arg11 : memref<!tpu.dma_semaphore, #tpu.memory_space<semaphore_mem>>)
      %mul3A_481 = arith.constant 8 : i32
      %mul3A_482 = arith.muli %add3A_406, %mul3A_481 : i32
      %add3A_483 = arith.addi %mul3A_2, %mul3A_482 : i32
      %add3A_484 = arith.constant 3 : i32
      %add3A_485 = arith.addi %add3A_483, %add3A_484 : i32
      %dma_start3A_486 = arith.constant 150 : i32
      %dma_start3A_487 = arith.constant 0 : i32
      %dma_start3A_488 = tpu.memref_slice %arg7[%dma_start3A_486, %dma_start3A_487] : memref<400x32xf32, #tpu.memory_space<vmem>> -> memref<50x32xf32, #tpu.memory_space<vmem>>
      %dma_start3A_489 = arith.constant 0 : i32
      %dma_start3A_490 = arith.constant 0 : i32
      %dma_start3A_491 = tpu.memref_slice %arg4[%add3A_485, %dma_start3A_489, %dma_start3A_490] : memref<4096x50x32xf32, #tpu.memory_space<hbm>> -> memref<1x50x32xf32, #tpu.memory_space<hbm>>
      %dma_start3A_492 = tpu.memref_squeeze %dma_start3A_491 : memref<1x50x32xf32, #tpu.memory_space<hbm>> -> memref<50x32xf32, #tpu.memory_space<hbm>>
      %dma_start3A_493 = arith.constant 0 : i32
      %dma_start3A_494 = arith.constant 0 : i32
      %dma_start3A_495 = tpu.memref_slice %arg4[%add3A_485, %dma_start3A_493, %dma_start3A_494] : memref<4096x50x32xf32, #tpu.memory_space<hbm>> -> memref<1x50x32xf32, #tpu.memory_space<hbm>>
      %dma_start3A_496 = tpu.memref_squeeze %dma_start3A_495 : memref<1x50x32xf32, #tpu.memory_space<hbm>> -> memref<50x32xf32, #tpu.memory_space<hbm>>
      %dma_start3A_497 = arith.constant 150 : i32
      %dma_start3A_498 = arith.constant 0 : i32
      %dma_start3A_499 = tpu.memref_slice %arg7[%dma_start3A_497, %dma_start3A_498] : memref<400x32xf32, #tpu.memory_space<vmem>> -> memref<50x32xf32, #tpu.memory_space<vmem>>
      tpu.enqueue_dma source(%dma_start3A_499 : memref<50x32xf32, #tpu.memory_space<vmem>>) target(%dma_start3A_496 : memref<50x32xf32, #tpu.memory_space<hbm>>) target_semaphore(%arg11 : memref<!tpu.dma_semaphore, #tpu.memory_space<semaphore_mem>>)
      %mul3A_500 = arith.constant 8 : i32
      %mul3A_501 = arith.muli %add3A_406, %mul3A_500 : i32
      %add3A_502 = arith.addi %mul3A_2, %mul3A_501 : i32
      %add3A_503 = arith.constant 4 : i32
      %add3A_504 = arith.addi %add3A_502, %add3A_503 : i32
      %dma_start3A_505 = arith.constant 200 : i32
      %dma_start3A_506 = arith.constant 0 : i32
      %dma_start3A_507 = tpu.memref_slice %arg7[%dma_start3A_505, %dma_start3A_506] : memref<400x32xf32, #tpu.memory_space<vmem>> -> memref<50x32xf32, #tpu.memory_space<vmem>>
      %dma_start3A_508 = arith.constant 0 : i32
      %dma_start3A_509 = arith.constant 0 : i32
      %dma_start3A_510 = tpu.memref_slice %arg4[%add3A_504, %dma_start3A_508, %dma_start3A_509] : memref<4096x50x32xf32, #tpu.memory_space<hbm>> -> memref<1x50x32xf32, #tpu.memory_space<hbm>>
      %dma_start3A_511 = tpu.memref_squeeze %dma_start3A_510 : memref<1x50x32xf32, #tpu.memory_space<hbm>> -> memref<50x32xf32, #tpu.memory_space<hbm>>
      %dma_start3A_512 = arith.constant 0 : i32
      %dma_start3A_513 = arith.constant 0 : i32
      %dma_start3A_514 = tpu.memref_slice %arg4[%add3A_504, %dma_start3A_512, %dma_start3A_513] : memref<4096x50x32xf32, #tpu.memory_space<hbm>> -> memref<1x50x32xf32, #tpu.memory_space<hbm>>
      %dma_start3A_515 = tpu.memref_squeeze %dma_start3A_514 : memref<1x50x32xf32, #tpu.memory_space<hbm>> -> memref<50x32xf32, #tpu.memory_space<hbm>>
      %dma_start3A_516 = arith.constant 200 : i32
      %dma_start3A_517 = arith.constant 0 : i32
      %dma_start3A_518 = tpu.memref_slice %arg7[%dma_start3A_516, %dma_start3A_517] : memref<400x32xf32, #tpu.memory_space<vmem>> -> memref<50x32xf32, #tpu.memory_space<vmem>>
      tpu.enqueue_dma source(%dma_start3A_518 : memref<50x32xf32, #tpu.memory_space<vmem>>) target(%dma_start3A_515 : memref<50x32xf32, #tpu.memory_space<hbm>>) target_semaphore(%arg11 : memref<!tpu.dma_semaphore, #tpu.memory_space<semaphore_mem>>)
      %mul3A_519 = arith.constant 8 : i32
      %mul3A_520 = arith.muli %add3A_406, %mul3A_519 : i32
      %add3A_521 = arith.addi %mul3A_2, %mul3A_520 : i32
      %add3A_522 = arith.constant 5 : i32
      %add3A_523 = arith.addi %add3A_521, %add3A_522 : i32
      %dma_start3A_524 = arith.constant 250 : i32
      %dma_start3A_525 = arith.constant 0 : i32
      %dma_start3A_526 = tpu.memref_slice %arg7[%dma_start3A_524, %dma_start3A_525] : memref<400x32xf32, #tpu.memory_space<vmem>> -> memref<50x32xf32, #tpu.memory_space<vmem>>
      %dma_start3A_527 = arith.constant 0 : i32
      %dma_start3A_528 = arith.constant 0 : i32
      %dma_start3A_529 = tpu.memref_slice %arg4[%add3A_523, %dma_start3A_527, %dma_start3A_528] : memref<4096x50x32xf32, #tpu.memory_space<hbm>> -> memref<1x50x32xf32, #tpu.memory_space<hbm>>
      %dma_start3A_530 = tpu.memref_squeeze %dma_start3A_529 : memref<1x50x32xf32, #tpu.memory_space<hbm>> -> memref<50x32xf32, #tpu.memory_space<hbm>>
      %dma_start3A_531 = arith.constant 0 : i32
      %dma_start3A_532 = arith.constant 0 : i32
      %dma_start3A_533 = tpu.memref_slice %arg4[%add3A_523, %dma_start3A_531, %dma_start3A_532] : memref<4096x50x32xf32, #tpu.memory_space<hbm>> -> memref<1x50x32xf32, #tpu.memory_space<hbm>>
      %dma_start3A_534 = tpu.memref_squeeze %dma_start3A_533 : memref<1x50x32xf32, #tpu.memory_space<hbm>> -> memref<50x32xf32, #tpu.memory_space<hbm>>
      %dma_start3A_535 = arith.constant 250 : i32
      %dma_start3A_536 = arith.constant 0 : i32
      %dma_start3A_537 = tpu.memref_slice %arg7[%dma_start3A_535, %dma_start3A_536] : memref<400x32xf32, #tpu.memory_space<vmem>> -> memref<50x32xf32, #tpu.memory_space<vmem>>
      tpu.enqueue_dma source(%dma_start3A_537 : memref<50x32xf32, #tpu.memory_space<vmem>>) target(%dma_start3A_534 : memref<50x32xf32, #tpu.memory_space<hbm>>) target_semaphore(%arg11 : memref<!tpu.dma_semaphore, #tpu.memory_space<semaphore_mem>>)
      %mul3A_538 = arith.constant 8 : i32
      %mul3A_539 = arith.muli %add3A_406, %mul3A_538 : i32
      %add3A_540 = arith.addi %mul3A_2, %mul3A_539 : i32
      %add3A_541 = arith.constant 6 : i32
      %add3A_542 = arith.addi %add3A_540, %add3A_541 : i32
      %dma_start3A_543 = arith.constant 300 : i32
      %dma_start3A_544 = arith.constant 0 : i32
      %dma_start3A_545 = tpu.memref_slice %arg7[%dma_start3A_543, %dma_start3A_544] : memref<400x32xf32, #tpu.memory_space<vmem>> -> memref<50x32xf32, #tpu.memory_space<vmem>>
      %dma_start3A_546 = arith.constant 0 : i32
      %dma_start3A_547 = arith.constant 0 : i32
      %dma_start3A_548 = tpu.memref_slice %arg4[%add3A_542, %dma_start3A_546, %dma_start3A_547] : memref<4096x50x32xf32, #tpu.memory_space<hbm>> -> memref<1x50x32xf32, #tpu.memory_space<hbm>>
      %dma_start3A_549 = tpu.memref_squeeze %dma_start3A_548 : memref<1x50x32xf32, #tpu.memory_space<hbm>> -> memref<50x32xf32, #tpu.memory_space<hbm>>
      %dma_start3A_550 = arith.constant 0 : i32
      %dma_start3A_551 = arith.constant 0 : i32
      %dma_start3A_552 = tpu.memref_slice %arg4[%add3A_542, %dma_start3A_550, %dma_start3A_551] : memref<4096x50x32xf32, #tpu.memory_space<hbm>> -> memref<1x50x32xf32, #tpu.memory_space<hbm>>
      %dma_start3A_553 = tpu.memref_squeeze %dma_start3A_552 : memref<1x50x32xf32, #tpu.memory_space<hbm>> -> memref<50x32xf32, #tpu.memory_space<hbm>>
      %dma_start3A_554 = arith.constant 300 : i32
      %dma_start3A_555 = arith.constant 0 : i32
      %dma_start3A_556 = tpu.memref_slice %arg7[%dma_start3A_554, %dma_start3A_555] : memref<400x32xf32, #tpu.memory_space<vmem>> -> memref<50x32xf32, #tpu.memory_space<vmem>>
      tpu.enqueue_dma source(%dma_start3A_556 : memref<50x32xf32, #tpu.memory_space<vmem>>) target(%dma_start3A_553 : memref<50x32xf32, #tpu.memory_space<hbm>>) target_semaphore(%arg11 : memref<!tpu.dma_semaphore, #tpu.memory_space<semaphore_mem>>)
      %mul3A_557 = arith.constant 8 : i32
      %mul3A_558 = arith.muli %add3A_406, %mul3A_557 : i32
      %add3A_559 = arith.addi %mul3A_2, %mul3A_558 : i32
      %add3A_560 = arith.constant 7 : i32
      %add3A_561 = arith.addi %add3A_559, %add3A_560 : i32
      %dma_start3A_562 = arith.constant 350 : i32
      %dma_start3A_563 = arith.constant 0 : i32
      %dma_start3A_564 = tpu.memref_slice %arg7[%dma_start3A_562, %dma_start3A_563] : memref<400x32xf32, #tpu.memory_space<vmem>> -> memref<50x32xf32, #tpu.memory_space<vmem>>
      %dma_start3A_565 = arith.constant 0 : i32
      %dma_start3A_566 = arith.constant 0 : i32
      %dma_start3A_567 = tpu.memref_slice %arg4[%add3A_561, %dma_start3A_565, %dma_start3A_566] : memref<4096x50x32xf32, #tpu.memory_space<hbm>> -> memref<1x50x32xf32, #tpu.memory_space<hbm>>
      %dma_start3A_568 = tpu.memref_squeeze %dma_start3A_567 : memref<1x50x32xf32, #tpu.memory_space<hbm>> -> memref<50x32xf32, #tpu.memory_space<hbm>>
      %dma_start3A_569 = arith.constant 0 : i32
      %dma_start3A_570 = arith.constant 0 : i32
      %dma_start3A_571 = tpu.memref_slice %arg4[%add3A_561, %dma_start3A_569, %dma_start3A_570] : memref<4096x50x32xf32, #tpu.memory_space<hbm>> -> memref<1x50x32xf32, #tpu.memory_space<hbm>>
      %dma_start3A_572 = tpu.memref_squeeze %dma_start3A_571 : memref<1x50x32xf32, #tpu.memory_space<hbm>> -> memref<50x32xf32, #tpu.memory_space<hbm>>
      %dma_start3A_573 = arith.constant 350 : i32
      %dma_start3A_574 = arith.constant 0 : i32
      %dma_start3A_575 = tpu.memref_slice %arg7[%dma_start3A_573, %dma_start3A_574] : memref<400x32xf32, #tpu.memory_space<vmem>> -> memref<50x32xf32, #tpu.memory_space<vmem>>
      tpu.enqueue_dma source(%dma_start3A_575 : memref<50x32xf32, #tpu.memory_space<vmem>>) target(%dma_start3A_572 : memref<50x32xf32, #tpu.memory_space<hbm>>) target_semaphore(%arg11 : memref<!tpu.dma_semaphore, #tpu.memory_space<semaphore_mem>>)
    }
    %scan3A_9 = arith.constant 8 : i32
    %dma_wait3A = arith.constant 0 : i32
    %dma_wait3A_10 = arith.constant 0 : i32
    %dma_wait3A_11 = tpu.memref_slice %arg6[%dma_wait3A, %dma_wait3A_10] : memref<400x32xf32, #tpu.memory_space<vmem>> -> memref<50x32xf32, #tpu.memory_space<vmem>>
    %dma_wait3A_12 = arith.constant 0 : i32
    %dma_wait3A_13 = arith.constant 0 : i32
    %dma_wait3A_14 = tpu.memref_slice %arg4[%mul3A_2, %dma_wait3A_12, %dma_wait3A_13] : memref<4096x50x32xf32, #tpu.memory_space<hbm>> -> memref<1x50x32xf32, #tpu.memory_space<hbm>>
    %dma_wait3A_15 = tpu.memref_squeeze %dma_wait3A_14 : memref<1x50x32xf32, #tpu.memory_space<hbm>> -> memref<50x32xf32, #tpu.memory_space<hbm>>
    %dma_wait3A_16 = arith.constant 0 : i32
    %dma_wait3A_17 = arith.constant 0 : i32
    %dma_wait3A_18 = tpu.memref_slice %arg4[%mul3A_2, %dma_wait3A_16, %dma_wait3A_17] : memref<4096x50x32xf32, #tpu.memory_space<hbm>> -> memref<1x50x32xf32, #tpu.memory_space<hbm>>
    %dma_wait3A_19 = tpu.memref_squeeze %dma_wait3A_18 : memref<1x50x32xf32, #tpu.memory_space<hbm>> -> memref<50x32xf32, #tpu.memory_space<hbm>>
    %dma_wait3A_20 = arith.constant 0 : i32
    %dma_wait3A_21 = arith.constant 0 : i32
    %dma_wait3A_22 = tpu.memref_slice %arg6[%dma_wait3A_20, %dma_wait3A_21] : memref<400x32xf32, #tpu.memory_space<vmem>> -> memref<50x32xf32, #tpu.memory_space<vmem>>
    tpu.wait_dma2 semaphore(%arg10 : memref<!tpu.dma_semaphore, #tpu.memory_space<semaphore_mem>>) src(%dma_wait3A_22 : memref<50x32xf32, #tpu.memory_space<vmem>>) dst(%dma_wait3A_19 : memref<50x32xf32, #tpu.memory_space<hbm>>)
    %dma_wait3A_23 = arith.constant 50 : i32
    %dma_wait3A_24 = arith.constant 0 : i32
    %dma_wait3A_25 = tpu.memref_slice %arg6[%dma_wait3A_23, %dma_wait3A_24] : memref<400x32xf32, #tpu.memory_space<vmem>> -> memref<50x32xf32, #tpu.memory_space<vmem>>
    %dma_wait3A_26 = arith.constant 0 : i32
    %dma_wait3A_27 = arith.constant 0 : i32
    %dma_wait3A_28 = tpu.memref_slice %arg4[%mul3A_2, %dma_wait3A_26, %dma_wait3A_27] : memref<4096x50x32xf32, #tpu.memory_space<hbm>> -> memref<1x50x32xf32, #tpu.memory_space<hbm>>
    %dma_wait3A_29 = tpu.memref_squeeze %dma_wait3A_28 : memref<1x50x32xf32, #tpu.memory_space<hbm>> -> memref<50x32xf32, #tpu.memory_space<hbm>>
    %dma_wait3A_30 = arith.constant 0 : i32
    %dma_wait3A_31 = arith.constant 0 : i32
    %dma_wait3A_32 = tpu.memref_slice %arg4[%mul3A_2, %dma_wait3A_30, %dma_wait3A_31] : memref<4096x50x32xf32, #tpu.memory_space<hbm>> -> memref<1x50x32xf32, #tpu.memory_space<hbm>>
    %dma_wait3A_33 = tpu.memref_squeeze %dma_wait3A_32 : memref<1x50x32xf32, #tpu.memory_space<hbm>> -> memref<50x32xf32, #tpu.memory_space<hbm>>
    %dma_wait3A_34 = arith.constant 50 : i32
    %dma_wait3A_35 = arith.constant 0 : i32
    %dma_wait3A_36 = tpu.memref_slice %arg6[%dma_wait3A_34, %dma_wait3A_35] : memref<400x32xf32, #tpu.memory_space<vmem>> -> memref<50x32xf32, #tpu.memory_space<vmem>>
    tpu.wait_dma2 semaphore(%arg10 : memref<!tpu.dma_semaphore, #tpu.memory_space<semaphore_mem>>) src(%dma_wait3A_36 : memref<50x32xf32, #tpu.memory_space<vmem>>) dst(%dma_wait3A_33 : memref<50x32xf32, #tpu.memory_space<hbm>>)
    %dma_wait3A_37 = arith.constant 100 : i32
    %dma_wait3A_38 = arith.constant 0 : i32
    %dma_wait3A_39 = tpu.memref_slice %arg6[%dma_wait3A_37, %dma_wait3A_38] : memref<400x32xf32, #tpu.memory_space<vmem>> -> memref<50x32xf32, #tpu.memory_space<vmem>>
    %dma_wait3A_40 = arith.constant 0 : i32
    %dma_wait3A_41 = arith.constant 0 : i32
    %dma_wait3A_42 = tpu.memref_slice %arg4[%mul3A_2, %dma_wait3A_40, %dma_wait3A_41] : memref<4096x50x32xf32, #tpu.memory_space<hbm>> -> memref<1x50x32xf32, #tpu.memory_space<hbm>>
    %dma_wait3A_43 = tpu.memref_squeeze %dma_wait3A_42 : memref<1x50x32xf32, #tpu.memory_space<hbm>> -> memref<50x32xf32, #tpu.memory_space<hbm>>
    %dma_wait3A_44 = arith.constant 0 : i32
    %dma_wait3A_45 = arith.constant 0 : i32
    %dma_wait3A_46 = tpu.memref_slice %arg4[%mul3A_2, %dma_wait3A_44, %dma_wait3A_45] : memref<4096x50x32xf32, #tpu.memory_space<hbm>> -> memref<1x50x32xf32, #tpu.memory_space<hbm>>
    %dma_wait3A_47 = tpu.memref_squeeze %dma_wait3A_46 : memref<1x50x32xf32, #tpu.memory_space<hbm>> -> memref<50x32xf32, #tpu.memory_space<hbm>>
    %dma_wait3A_48 = arith.constant 100 : i32
    %dma_wait3A_49 = arith.constant 0 : i32
    %dma_wait3A_50 = tpu.memref_slice %arg6[%dma_wait3A_48, %dma_wait3A_49] : memref<400x32xf32, #tpu.memory_space<vmem>> -> memref<50x32xf32, #tpu.memory_space<vmem>>
    tpu.wait_dma2 semaphore(%arg10 : memref<!tpu.dma_semaphore, #tpu.memory_space<semaphore_mem>>) src(%dma_wait3A_50 : memref<50x32xf32, #tpu.memory_space<vmem>>) dst(%dma_wait3A_47 : memref<50x32xf32, #tpu.memory_space<hbm>>)
    %dma_wait3A_51 = arith.constant 150 : i32
    %dma_wait3A_52 = arith.constant 0 : i32
    %dma_wait3A_53 = tpu.memref_slice %arg6[%dma_wait3A_51, %dma_wait3A_52] : memref<400x32xf32, #tpu.memory_space<vmem>> -> memref<50x32xf32, #tpu.memory_space<vmem>>
    %dma_wait3A_54 = arith.constant 0 : i32
    %dma_wait3A_55 = arith.constant 0 : i32
    %dma_wait3A_56 = tpu.memref_slice %arg4[%mul3A_2, %dma_wait3A_54, %dma_wait3A_55] : memref<4096x50x32xf32, #tpu.memory_space<hbm>> -> memref<1x50x32xf32, #tpu.memory_space<hbm>>
    %dma_wait3A_57 = tpu.memref_squeeze %dma_wait3A_56 : memref<1x50x32xf32, #tpu.memory_space<hbm>> -> memref<50x32xf32, #tpu.memory_space<hbm>>
    %dma_wait3A_58 = arith.constant 0 : i32
    %dma_wait3A_59 = arith.constant 0 : i32
    %dma_wait3A_60 = tpu.memref_slice %arg4[%mul3A_2, %dma_wait3A_58, %dma_wait3A_59] : memref<4096x50x32xf32, #tpu.memory_space<hbm>> -> memref<1x50x32xf32, #tpu.memory_space<hbm>>
    %dma_wait3A_61 = tpu.memref_squeeze %dma_wait3A_60 : memref<1x50x32xf32, #tpu.memory_space<hbm>> -> memref<50x32xf32, #tpu.memory_space<hbm>>
    %dma_wait3A_62 = arith.constant 150 : i32
    %dma_wait3A_63 = arith.constant 0 : i32
    %dma_wait3A_64 = tpu.memref_slice %arg6[%dma_wait3A_62, %dma_wait3A_63] : memref<400x32xf32, #tpu.memory_space<vmem>> -> memref<50x32xf32, #tpu.memory_space<vmem>>
    tpu.wait_dma2 semaphore(%arg10 : memref<!tpu.dma_semaphore, #tpu.memory_space<semaphore_mem>>) src(%dma_wait3A_64 : memref<50x32xf32, #tpu.memory_space<vmem>>) dst(%dma_wait3A_61 : memref<50x32xf32, #tpu.memory_space<hbm>>)
    %dma_wait3A_65 = arith.constant 200 : i32
    %dma_wait3A_66 = arith.constant 0 : i32
    %dma_wait3A_67 = tpu.memref_slice %arg6[%dma_wait3A_65, %dma_wait3A_66] : memref<400x32xf32, #tpu.memory_space<vmem>> -> memref<50x32xf32, #tpu.memory_space<vmem>>
    %dma_wait3A_68 = arith.constant 0 : i32
    %dma_wait3A_69 = arith.constant 0 : i32
    %dma_wait3A_70 = tpu.memref_slice %arg4[%mul3A_2, %dma_wait3A_68, %dma_wait3A_69] : memref<4096x50x32xf32, #tpu.memory_space<hbm>> -> memref<1x50x32xf32, #tpu.memory_space<hbm>>
    %dma_wait3A_71 = tpu.memref_squeeze %dma_wait3A_70 : memref<1x50x32xf32, #tpu.memory_space<hbm>> -> memref<50x32xf32, #tpu.memory_space<hbm>>
    %dma_wait3A_72 = arith.constant 0 : i32
    %dma_wait3A_73 = arith.constant 0 : i32
    %dma_wait3A_74 = tpu.memref_slice %arg4[%mul3A_2, %dma_wait3A_72, %dma_wait3A_73] : memref<4096x50x32xf32, #tpu.memory_space<hbm>> -> memref<1x50x32xf32, #tpu.memory_space<hbm>>
    %dma_wait3A_75 = tpu.memref_squeeze %dma_wait3A_74 : memref<1x50x32xf32, #tpu.memory_space<hbm>> -> memref<50x32xf32, #tpu.memory_space<hbm>>
    %dma_wait3A_76 = arith.constant 200 : i32
    %dma_wait3A_77 = arith.constant 0 : i32
    %dma_wait3A_78 = tpu.memref_slice %arg6[%dma_wait3A_76, %dma_wait3A_77] : memref<400x32xf32, #tpu.memory_space<vmem>> -> memref<50x32xf32, #tpu.memory_space<vmem>>
    tpu.wait_dma2 semaphore(%arg10 : memref<!tpu.dma_semaphore, #tpu.memory_space<semaphore_mem>>) src(%dma_wait3A_78 : memref<50x32xf32, #tpu.memory_space<vmem>>) dst(%dma_wait3A_75 : memref<50x32xf32, #tpu.memory_space<hbm>>)
    %dma_wait3A_79 = arith.constant 250 : i32
    %dma_wait3A_80 = arith.constant 0 : i32
    %dma_wait3A_81 = tpu.memref_slice %arg6[%dma_wait3A_79, %dma_wait3A_80] : memref<400x32xf32, #tpu.memory_space<vmem>> -> memref<50x32xf32, #tpu.memory_space<vmem>>
    %dma_wait3A_82 = arith.constant 0 : i32
    %dma_wait3A_83 = arith.constant 0 : i32
    %dma_wait3A_84 = tpu.memref_slice %arg4[%mul3A_2, %dma_wait3A_82, %dma_wait3A_83] : memref<4096x50x32xf32, #tpu.memory_space<hbm>> -> memref<1x50x32xf32, #tpu.memory_space<hbm>>
    %dma_wait3A_85 = tpu.memref_squeeze %dma_wait3A_84 : memref<1x50x32xf32, #tpu.memory_space<hbm>> -> memref<50x32xf32, #tpu.memory_space<hbm>>
    %dma_wait3A_86 = arith.constant 0 : i32
    %dma_wait3A_87 = arith.constant 0 : i32
    %dma_wait3A_88 = tpu.memref_slice %arg4[%mul3A_2, %dma_wait3A_86, %dma_wait3A_87] : memref<4096x50x32xf32, #tpu.memory_space<hbm>> -> memref<1x50x32xf32, #tpu.memory_space<hbm>>
    %dma_wait3A_89 = tpu.memref_squeeze %dma_wait3A_88 : memref<1x50x32xf32, #tpu.memory_space<hbm>> -> memref<50x32xf32, #tpu.memory_space<hbm>>
    %dma_wait3A_90 = arith.constant 250 : i32
    %dma_wait3A_91 = arith.constant 0 : i32
    %dma_wait3A_92 = tpu.memref_slice %arg6[%dma_wait3A_90, %dma_wait3A_91] : memref<400x32xf32, #tpu.memory_space<vmem>> -> memref<50x32xf32, #tpu.memory_space<vmem>>
    tpu.wait_dma2 semaphore(%arg10 : memref<!tpu.dma_semaphore, #tpu.memory_space<semaphore_mem>>) src(%dma_wait3A_92 : memref<50x32xf32, #tpu.memory_space<vmem>>) dst(%dma_wait3A_89 : memref<50x32xf32, #tpu.memory_space<hbm>>)
    %dma_wait3A_93 = arith.constant 300 : i32
    %dma_wait3A_94 = arith.constant 0 : i32
    %dma_wait3A_95 = tpu.memref_slice %arg6[%dma_wait3A_93, %dma_wait3A_94] : memref<400x32xf32, #tpu.memory_space<vmem>> -> memref<50x32xf32, #tpu.memory_space<vmem>>
    %dma_wait3A_96 = arith.constant 0 : i32
    %dma_wait3A_97 = arith.constant 0 : i32
    %dma_wait3A_98 = tpu.memref_slice %arg4[%mul3A_2, %dma_wait3A_96, %dma_wait3A_97] : memref<4096x50x32xf32, #tpu.memory_space<hbm>> -> memref<1x50x32xf32, #tpu.memory_space<hbm>>
    %dma_wait3A_99 = tpu.memref_squeeze %dma_wait3A_98 : memref<1x50x32xf32, #tpu.memory_space<hbm>> -> memref<50x32xf32, #tpu.memory_space<hbm>>
    %dma_wait3A_100 = arith.constant 0 : i32
    %dma_wait3A_101 = arith.constant 0 : i32
    %dma_wait3A_102 = tpu.memref_slice %arg4[%mul3A_2, %dma_wait3A_100, %dma_wait3A_101] : memref<4096x50x32xf32, #tpu.memory_space<hbm>> -> memref<1x50x32xf32, #tpu.memory_space<hbm>>
    %dma_wait3A_103 = tpu.memref_squeeze %dma_wait3A_102 : memref<1x50x32xf32, #tpu.memory_space<hbm>> -> memref<50x32xf32, #tpu.memory_space<hbm>>
    %dma_wait3A_104 = arith.constant 300 : i32
    %dma_wait3A_105 = arith.constant 0 : i32
    %dma_wait3A_106 = tpu.memref_slice %arg6[%dma_wait3A_104, %dma_wait3A_105] : memref<400x32xf32, #tpu.memory_space<vmem>> -> memref<50x32xf32, #tpu.memory_space<vmem>>
    tpu.wait_dma2 semaphore(%arg10 : memref<!tpu.dma_semaphore, #tpu.memory_space<semaphore_mem>>) src(%dma_wait3A_106 : memref<50x32xf32, #tpu.memory_space<vmem>>) dst(%dma_wait3A_103 : memref<50x32xf32, #tpu.memory_space<hbm>>)
    %dma_wait3A_107 = arith.constant 350 : i32
    %dma_wait3A_108 = arith.constant 0 : i32
    %dma_wait3A_109 = tpu.memref_slice %arg6[%dma_wait3A_107, %dma_wait3A_108] : memref<400x32xf32, #tpu.memory_space<vmem>> -> memref<50x32xf32, #tpu.memory_space<vmem>>
    %dma_wait3A_110 = arith.constant 0 : i32
    %dma_wait3A_111 = arith.constant 0 : i32
    %dma_wait3A_112 = tpu.memref_slice %arg4[%mul3A_2, %dma_wait3A_110, %dma_wait3A_111] : memref<4096x50x32xf32, #tpu.memory_space<hbm>> -> memref<1x50x32xf32, #tpu.memory_space<hbm>>
    %dma_wait3A_113 = tpu.memref_squeeze %dma_wait3A_112 : memref<1x50x32xf32, #tpu.memory_space<hbm>> -> memref<50x32xf32, #tpu.memory_space<hbm>>
    %dma_wait3A_114 = arith.constant 0 : i32
    %dma_wait3A_115 = arith.constant 0 : i32
    %dma_wait3A_116 = tpu.memref_slice %arg4[%mul3A_2, %dma_wait3A_114, %dma_wait3A_115] : memref<4096x50x32xf32, #tpu.memory_space<hbm>> -> memref<1x50x32xf32, #tpu.memory_space<hbm>>
    %dma_wait3A_117 = tpu.memref_squeeze %dma_wait3A_116 : memref<1x50x32xf32, #tpu.memory_space<hbm>> -> memref<50x32xf32, #tpu.memory_space<hbm>>
    %dma_wait3A_118 = arith.constant 350 : i32
    %dma_wait3A_119 = arith.constant 0 : i32
    %dma_wait3A_120 = tpu.memref_slice %arg6[%dma_wait3A_118, %dma_wait3A_119] : memref<400x32xf32, #tpu.memory_space<vmem>> -> memref<50x32xf32, #tpu.memory_space<vmem>>
    tpu.wait_dma2 semaphore(%arg10 : memref<!tpu.dma_semaphore, #tpu.memory_space<semaphore_mem>>) src(%dma_wait3A_120 : memref<50x32xf32, #tpu.memory_space<vmem>>) dst(%dma_wait3A_117 : memref<50x32xf32, #tpu.memory_space<hbm>>)
    %dma_wait3A_121 = arith.constant 0 : i32
    %dma_wait3A_122 = arith.constant 0 : i32
    %dma_wait3A_123 = tpu.memref_slice %arg7[%dma_wait3A_121, %dma_wait3A_122] : memref<400x32xf32, #tpu.memory_space<vmem>> -> memref<50x32xf32, #tpu.memory_space<vmem>>
    %dma_wait3A_124 = arith.constant 0 : i32
    %dma_wait3A_125 = arith.constant 0 : i32
    %dma_wait3A_126 = tpu.memref_slice %arg4[%mul3A_2, %dma_wait3A_124, %dma_wait3A_125] : memref<4096x50x32xf32, #tpu.memory_space<hbm>> -> memref<1x50x32xf32, #tpu.memory_space<hbm>>
    %dma_wait3A_127 = tpu.memref_squeeze %dma_wait3A_126 : memref<1x50x32xf32, #tpu.memory_space<hbm>> -> memref<50x32xf32, #tpu.memory_space<hbm>>
    %dma_wait3A_128 = arith.constant 0 : i32
    %dma_wait3A_129 = arith.constant 0 : i32
    %dma_wait3A_130 = tpu.memref_slice %arg4[%mul3A_2, %dma_wait3A_128, %dma_wait3A_129] : memref<4096x50x32xf32, #tpu.memory_space<hbm>> -> memref<1x50x32xf32, #tpu.memory_space<hbm>>
    %dma_wait3A_131 = tpu.memref_squeeze %dma_wait3A_130 : memref<1x50x32xf32, #tpu.memory_space<hbm>> -> memref<50x32xf32, #tpu.memory_space<hbm>>
    %dma_wait3A_132 = arith.constant 0 : i32
    %dma_wait3A_133 = arith.constant 0 : i32
    %dma_wait3A_134 = tpu.memref_slice %arg7[%dma_wait3A_132, %dma_wait3A_133] : memref<400x32xf32, #tpu.memory_space<vmem>> -> memref<50x32xf32, #tpu.memory_space<vmem>>
    tpu.wait_dma2 semaphore(%arg11 : memref<!tpu.dma_semaphore, #tpu.memory_space<semaphore_mem>>) src(%dma_wait3A_134 : memref<50x32xf32, #tpu.memory_space<vmem>>) dst(%dma_wait3A_131 : memref<50x32xf32, #tpu.memory_space<hbm>>)
    %dma_wait3A_135 = arith.constant 50 : i32
    %dma_wait3A_136 = arith.constant 0 : i32
    %dma_wait3A_137 = tpu.memref_slice %arg7[%dma_wait3A_135, %dma_wait3A_136] : memref<400x32xf32, #tpu.memory_space<vmem>> -> memref<50x32xf32, #tpu.memory_space<vmem>>
    %dma_wait3A_138 = arith.constant 0 : i32
    %dma_wait3A_139 = arith.constant 0 : i32
    %dma_wait3A_140 = tpu.memref_slice %arg4[%mul3A_2, %dma_wait3A_138, %dma_wait3A_139] : memref<4096x50x32xf32, #tpu.memory_space<hbm>> -> memref<1x50x32xf32, #tpu.memory_space<hbm>>
    %dma_wait3A_141 = tpu.memref_squeeze %dma_wait3A_140 : memref<1x50x32xf32, #tpu.memory_space<hbm>> -> memref<50x32xf32, #tpu.memory_space<hbm>>
    %dma_wait3A_142 = arith.constant 0 : i32
    %dma_wait3A_143 = arith.constant 0 : i32
    %dma_wait3A_144 = tpu.memref_slice %arg4[%mul3A_2, %dma_wait3A_142, %dma_wait3A_143] : memref<4096x50x32xf32, #tpu.memory_space<hbm>> -> memref<1x50x32xf32, #tpu.memory_space<hbm>>
    %dma_wait3A_145 = tpu.memref_squeeze %dma_wait3A_144 : memref<1x50x32xf32, #tpu.memory_space<hbm>> -> memref<50x32xf32, #tpu.memory_space<hbm>>
    %dma_wait3A_146 = arith.constant 50 : i32
    %dma_wait3A_147 = arith.constant 0 : i32
    %dma_wait3A_148 = tpu.memref_slice %arg7[%dma_wait3A_146, %dma_wait3A_147] : memref<400x32xf32, #tpu.memory_space<vmem>> -> memref<50x32xf32, #tpu.memory_space<vmem>>
    tpu.wait_dma2 semaphore(%arg11 : memref<!tpu.dma_semaphore, #tpu.memory_space<semaphore_mem>>) src(%dma_wait3A_148 : memref<50x32xf32, #tpu.memory_space<vmem>>) dst(%dma_wait3A_145 : memref<50x32xf32, #tpu.memory_space<hbm>>)
    %dma_wait3A_149 = arith.constant 100 : i32
    %dma_wait3A_150 = arith.constant 0 : i32
    %dma_wait3A_151 = tpu.memref_slice %arg7[%dma_wait3A_149, %dma_wait3A_150] : memref<400x32xf32, #tpu.memory_space<vmem>> -> memref<50x32xf32, #tpu.memory_space<vmem>>
    %dma_wait3A_152 = arith.constant 0 : i32
    %dma_wait3A_153 = arith.constant 0 : i32
    %dma_wait3A_154 = tpu.memref_slice %arg4[%mul3A_2, %dma_wait3A_152, %dma_wait3A_153] : memref<4096x50x32xf32, #tpu.memory_space<hbm>> -> memref<1x50x32xf32, #tpu.memory_space<hbm>>
    %dma_wait3A_155 = tpu.memref_squeeze %dma_wait3A_154 : memref<1x50x32xf32, #tpu.memory_space<hbm>> -> memref<50x32xf32, #tpu.memory_space<hbm>>
    %dma_wait3A_156 = arith.constant 0 : i32
    %dma_wait3A_157 = arith.constant 0 : i32
    %dma_wait3A_158 = tpu.memref_slice %arg4[%mul3A_2, %dma_wait3A_156, %dma_wait3A_157] : memref<4096x50x32xf32, #tpu.memory_space<hbm>> -> memref<1x50x32xf32, #tpu.memory_space<hbm>>
    %dma_wait3A_159 = tpu.memref_squeeze %dma_wait3A_158 : memref<1x50x32xf32, #tpu.memory_space<hbm>> -> memref<50x32xf32, #tpu.memory_space<hbm>>
    %dma_wait3A_160 = arith.constant 100 : i32
    %dma_wait3A_161 = arith.constant 0 : i32
    %dma_wait3A_162 = tpu.memref_slice %arg7[%dma_wait3A_160, %dma_wait3A_161] : memref<400x32xf32, #tpu.memory_space<vmem>> -> memref<50x32xf32, #tpu.memory_space<vmem>>
    tpu.wait_dma2 semaphore(%arg11 : memref<!tpu.dma_semaphore, #tpu.memory_space<semaphore_mem>>) src(%dma_wait3A_162 : memref<50x32xf32, #tpu.memory_space<vmem>>) dst(%dma_wait3A_159 : memref<50x32xf32, #tpu.memory_space<hbm>>)
    %dma_wait3A_163 = arith.constant 150 : i32
    %dma_wait3A_164 = arith.constant 0 : i32
    %dma_wait3A_165 = tpu.memref_slice %arg7[%dma_wait3A_163, %dma_wait3A_164] : memref<400x32xf32, #tpu.memory_space<vmem>> -> memref<50x32xf32, #tpu.memory_space<vmem>>
    %dma_wait3A_166 = arith.constant 0 : i32
    %dma_wait3A_167 = arith.constant 0 : i32
    %dma_wait3A_168 = tpu.memref_slice %arg4[%mul3A_2, %dma_wait3A_166, %dma_wait3A_167] : memref<4096x50x32xf32, #tpu.memory_space<hbm>> -> memref<1x50x32xf32, #tpu.memory_space<hbm>>
    %dma_wait3A_169 = tpu.memref_squeeze %dma_wait3A_168 : memref<1x50x32xf32, #tpu.memory_space<hbm>> -> memref<50x32xf32, #tpu.memory_space<hbm>>
    %dma_wait3A_170 = arith.constant 0 : i32
    %dma_wait3A_171 = arith.constant 0 : i32
    %dma_wait3A_172 = tpu.memref_slice %arg4[%mul3A_2, %dma_wait3A_170, %dma_wait3A_171] : memref<4096x50x32xf32, #tpu.memory_space<hbm>> -> memref<1x50x32xf32, #tpu.memory_space<hbm>>
    %dma_wait3A_173 = tpu.memref_squeeze %dma_wait3A_172 : memref<1x50x32xf32, #tpu.memory_space<hbm>> -> memref<50x32xf32, #tpu.memory_space<hbm>>
    %dma_wait3A_174 = arith.constant 150 : i32
    %dma_wait3A_175 = arith.constant 0 : i32
    %dma_wait3A_176 = tpu.memref_slice %arg7[%dma_wait3A_174, %dma_wait3A_175] : memref<400x32xf32, #tpu.memory_space<vmem>> -> memref<50x32xf32, #tpu.memory_space<vmem>>
    tpu.wait_dma2 semaphore(%arg11 : memref<!tpu.dma_semaphore, #tpu.memory_space<semaphore_mem>>) src(%dma_wait3A_176 : memref<50x32xf32, #tpu.memory_space<vmem>>) dst(%dma_wait3A_173 : memref<50x32xf32, #tpu.memory_space<hbm>>)
    %dma_wait3A_177 = arith.constant 200 : i32
    %dma_wait3A_178 = arith.constant 0 : i32
    %dma_wait3A_179 = tpu.memref_slice %arg7[%dma_wait3A_177, %dma_wait3A_178] : memref<400x32xf32, #tpu.memory_space<vmem>> -> memref<50x32xf32, #tpu.memory_space<vmem>>
    %dma_wait3A_180 = arith.constant 0 : i32
    %dma_wait3A_181 = arith.constant 0 : i32
    %dma_wait3A_182 = tpu.memref_slice %arg4[%mul3A_2, %dma_wait3A_180, %dma_wait3A_181] : memref<4096x50x32xf32, #tpu.memory_space<hbm>> -> memref<1x50x32xf32, #tpu.memory_space<hbm>>
    %dma_wait3A_183 = tpu.memref_squeeze %dma_wait3A_182 : memref<1x50x32xf32, #tpu.memory_space<hbm>> -> memref<50x32xf32, #tpu.memory_space<hbm>>
    %dma_wait3A_184 = arith.constant 0 : i32
    %dma_wait3A_185 = arith.constant 0 : i32
    %dma_wait3A_186 = tpu.memref_slice %arg4[%mul3A_2, %dma_wait3A_184, %dma_wait3A_185] : memref<4096x50x32xf32, #tpu.memory_space<hbm>> -> memref<1x50x32xf32, #tpu.memory_space<hbm>>
    %dma_wait3A_187 = tpu.memref_squeeze %dma_wait3A_186 : memref<1x50x32xf32, #tpu.memory_space<hbm>> -> memref<50x32xf32, #tpu.memory_space<hbm>>
    %dma_wait3A_188 = arith.constant 200 : i32
    %dma_wait3A_189 = arith.constant 0 : i32
    %dma_wait3A_190 = tpu.memref_slice %arg7[%dma_wait3A_188, %dma_wait3A_189] : memref<400x32xf32, #tpu.memory_space<vmem>> -> memref<50x32xf32, #tpu.memory_space<vmem>>
    tpu.wait_dma2 semaphore(%arg11 : memref<!tpu.dma_semaphore, #tpu.memory_space<semaphore_mem>>) src(%dma_wait3A_190 : memref<50x32xf32, #tpu.memory_space<vmem>>) dst(%dma_wait3A_187 : memref<50x32xf32, #tpu.memory_space<hbm>>)
    %dma_wait3A_191 = arith.constant 250 : i32
    %dma_wait3A_192 = arith.constant 0 : i32
    %dma_wait3A_193 = tpu.memref_slice %arg7[%dma_wait3A_191, %dma_wait3A_192] : memref<400x32xf32, #tpu.memory_space<vmem>> -> memref<50x32xf32, #tpu.memory_space<vmem>>
    %dma_wait3A_194 = arith.constant 0 : i32
    %dma_wait3A_195 = arith.constant 0 : i32
    %dma_wait3A_196 = tpu.memref_slice %arg4[%mul3A_2, %dma_wait3A_194, %dma_wait3A_195] : memref<4096x50x32xf32, #tpu.memory_space<hbm>> -> memref<1x50x32xf32, #tpu.memory_space<hbm>>
    %dma_wait3A_197 = tpu.memref_squeeze %dma_wait3A_196 : memref<1x50x32xf32, #tpu.memory_space<hbm>> -> memref<50x32xf32, #tpu.memory_space<hbm>>
    %dma_wait3A_198 = arith.constant 0 : i32
    %dma_wait3A_199 = arith.constant 0 : i32
    %dma_wait3A_200 = tpu.memref_slice %arg4[%mul3A_2, %dma_wait3A_198, %dma_wait3A_199] : memref<4096x50x32xf32, #tpu.memory_space<hbm>> -> memref<1x50x32xf32, #tpu.memory_space<hbm>>
    %dma_wait3A_201 = tpu.memref_squeeze %dma_wait3A_200 : memref<1x50x32xf32, #tpu.memory_space<hbm>> -> memref<50x32xf32, #tpu.memory_space<hbm>>
    %dma_wait3A_202 = arith.constant 250 : i32
    %dma_wait3A_203 = arith.constant 0 : i32
    %dma_wait3A_204 = tpu.memref_slice %arg7[%dma_wait3A_202, %dma_wait3A_203] : memref<400x32xf32, #tpu.memory_space<vmem>> -> memref<50x32xf32, #tpu.memory_space<vmem>>
    tpu.wait_dma2 semaphore(%arg11 : memref<!tpu.dma_semaphore, #tpu.memory_space<semaphore_mem>>) src(%dma_wait3A_204 : memref<50x32xf32, #tpu.memory_space<vmem>>) dst(%dma_wait3A_201 : memref<50x32xf32, #tpu.memory_space<hbm>>)
    %dma_wait3A_205 = arith.constant 300 : i32
    %dma_wait3A_206 = arith.constant 0 : i32
    %dma_wait3A_207 = tpu.memref_slice %arg7[%dma_wait3A_205, %dma_wait3A_206] : memref<400x32xf32, #tpu.memory_space<vmem>> -> memref<50x32xf32, #tpu.memory_space<vmem>>
    %dma_wait3A_208 = arith.constant 0 : i32
    %dma_wait3A_209 = arith.constant 0 : i32
    %dma_wait3A_210 = tpu.memref_slice %arg4[%mul3A_2, %dma_wait3A_208, %dma_wait3A_209] : memref<4096x50x32xf32, #tpu.memory_space<hbm>> -> memref<1x50x32xf32, #tpu.memory_space<hbm>>
    %dma_wait3A_211 = tpu.memref_squeeze %dma_wait3A_210 : memref<1x50x32xf32, #tpu.memory_space<hbm>> -> memref<50x32xf32, #tpu.memory_space<hbm>>
    %dma_wait3A_212 = arith.constant 0 : i32
    %dma_wait3A_213 = arith.constant 0 : i32
    %dma_wait3A_214 = tpu.memref_slice %arg4[%mul3A_2, %dma_wait3A_212, %dma_wait3A_213] : memref<4096x50x32xf32, #tpu.memory_space<hbm>> -> memref<1x50x32xf32, #tpu.memory_space<hbm>>
    %dma_wait3A_215 = tpu.memref_squeeze %dma_wait3A_214 : memref<1x50x32xf32, #tpu.memory_space<hbm>> -> memref<50x32xf32, #tpu.memory_space<hbm>>
    %dma_wait3A_216 = arith.constant 300 : i32
    %dma_wait3A_217 = arith.constant 0 : i32
    %dma_wait3A_218 = tpu.memref_slice %arg7[%dma_wait3A_216, %dma_wait3A_217] : memref<400x32xf32, #tpu.memory_space<vmem>> -> memref<50x32xf32, #tpu.memory_space<vmem>>
    tpu.wait_dma2 semaphore(%arg11 : memref<!tpu.dma_semaphore, #tpu.memory_space<semaphore_mem>>) src(%dma_wait3A_218 : memref<50x32xf32, #tpu.memory_space<vmem>>) dst(%dma_wait3A_215 : memref<50x32xf32, #tpu.memory_space<hbm>>)
    %dma_wait3A_219 = arith.constant 350 : i32
    %dma_wait3A_220 = arith.constant 0 : i32
    %dma_wait3A_221 = tpu.memref_slice %arg7[%dma_wait3A_219, %dma_wait3A_220] : memref<400x32xf32, #tpu.memory_space<vmem>> -> memref<50x32xf32, #tpu.memory_space<vmem>>
    %dma_wait3A_222 = arith.constant 0 : i32
    %dma_wait3A_223 = arith.constant 0 : i32
    %dma_wait3A_224 = tpu.memref_slice %arg4[%mul3A_2, %dma_wait3A_222, %dma_wait3A_223] : memref<4096x50x32xf32, #tpu.memory_space<hbm>> -> memref<1x50x32xf32, #tpu.memory_space<hbm>>
    %dma_wait3A_225 = tpu.memref_squeeze %dma_wait3A_224 : memref<1x50x32xf32, #tpu.memory_space<hbm>> -> memref<50x32xf32, #tpu.memory_space<hbm>>
    %dma_wait3A_226 = arith.constant 0 : i32
    %dma_wait3A_227 = arith.constant 0 : i32
    %dma_wait3A_228 = tpu.memref_slice %arg4[%mul3A_2, %dma_wait3A_226, %dma_wait3A_227] : memref<4096x50x32xf32, #tpu.memory_space<hbm>> -> memref<1x50x32xf32, #tpu.memory_space<hbm>>
    %dma_wait3A_229 = tpu.memref_squeeze %dma_wait3A_228 : memref<1x50x32xf32, #tpu.memory_space<hbm>> -> memref<50x32xf32, #tpu.memory_space<hbm>>
    %dma_wait3A_230 = arith.constant 350 : i32
    %dma_wait3A_231 = arith.constant 0 : i32
    %dma_wait3A_232 = tpu.memref_slice %arg7[%dma_wait3A_230, %dma_wait3A_231] : memref<400x32xf32, #tpu.memory_space<vmem>> -> memref<50x32xf32, #tpu.memory_space<vmem>>
    tpu.wait_dma2 semaphore(%arg11 : memref<!tpu.dma_semaphore, #tpu.memory_space<semaphore_mem>>) src(%dma_wait3A_232 : memref<50x32xf32, #tpu.memory_space<vmem>>) dst(%dma_wait3A_229 : memref<50x32xf32, #tpu.memory_space<hbm>>)
    return
  }
}

</mosaic_0001>

<sc_bundles>
// kernel: _run.12.cloned.1.call-start
scs
__scs_entry_jumppad:
0x0: {  	(pc) =	sbr.rel $0x88, $3  }
0x1: {  	(tag) =	ssettag $0x0;
	lr =	simm.s32 $0x1  }
0x2: {  	[smem:$0x3F9F] =	sst lr;
	_ =	strace $0xD0000000  }
0x3: {  	_ = 	snop  }
0x4: {  	_ = 	snop  }
0x5: {  	_ = 	snop  }
0x6: {  	_ = 	snop  }
0x7: {  	_ = 	snop  }
__scs_overlays_trampoline_lowered:
0x8: {  	[smem:$0x3FAE] =	sst s0  }
0x9: {  	[smem:$0x3FAF] =	sst s1  }
0xa: {  	[smem:$0x3FB0] =	sst s2  }
0xb: {  	[smem:$0x3FB1] =	sst s3  }
0xc: {  	[smem:$0x3FB2] =	sst s4  }
0xd: {  	[smem:$0x3FB3] =	sst s5  }
0xe: {  	[smem:$0x3FB4] =	sst s6  }
0xf: {  	[smem:$0x3FB5] =	sst s7  }
0x10: {  	[smem:$0x3FB6] =	sst s8  }
0x11: {  	[smem:$0x3FB7] =	sst s9;
	s0 =	simm.s32 @!p0 $0x0  }
0x12: {  	s1 =	sld [smem:$0x3F9D];
	s0 =	simm.s32 @p0 $0x1  }
0x13: {  	[smem:$0x3FB8] =	sst s0;
	s0 =	simm.s32 @!p1 $0x0  }
0x14: {  	s2 =	sld [smem:$0x3F9C];
	s0 =	simm.s32 @p1 $0x1  }
0x15: {  	[smem:$0x3FB9] =	sst s0;
	s0 =	simm.s32 @!p2 $0x0  }
0x16: {  	s3 =	sld [smem:$0x3FDB];
	s0 =	simm.s32 @p2 $0x1  }
0x17: {  	s4 =	simm.s32 $0x1BF5;
	[smem:$0x3FBB] =	sst s0  }
0x18: {  	s0 =	sld [smem:$0x3F9E];
	_ =	swait.ge [sflag:s4], $0x0  }
0x19: {  	s7 =	sld [smem:$0x3F9F]  }
0x1a: {  	s8 =	sadd.s32 $0xFFFFE003, lr  }
0x1b: {  	s9 =	sadd.s32 $0xFFFFFEF7, lr;
	s5 =	simm.s32 $0xFFFFFFFF;
	p2 =	slt.u32 s8, $0xFFFFF086  }
0x1c: {  	p1 =	slt.u32 s9, $0xF7A;
	s5 =	simm.s32 @!p2 $0x0  }
0x1d: {  	s5 =	simm.s32 @p1 $0x1;
	p0 =	seq.s32 s7, s2  }
0x1e: {  	s7 =	smul.u32 @!p0 $0xF7A, s2;
	p2 =	seq.s32 @!p0 s5, $0x0  }
0x1f: {  	s9 =	smul.u32 $0xF7A, s1;
	s8 =	simm.s32 @!p0 $0x1BF5;
	p2 =	por !p2, p0  }
0x20: {  	[sflag:s8] =	ssyncset.s32 @!p0 $0xFFFFF086;
	s6 =	sadd.s32 @!p0 s3, s7;
	s7 =	simm.s32 @!p0 $0x108  }
0x21: {  	s3 =	sadd.s32 s3, s9;
	s6 =	sadd.s32 @!p0 $0x88, s6;
	s7 =	simm.s32 @p2 $0x1082  }
0x22: {  	[simem:s7], [sflag:s8] =	dma.local @!p0 [hbm:s6], $0xF7A  }
0x23: {  	s9 =	sor.u32 $0xD0000000, s2;
	s6 =	simm.s32 $0x108;
	_ =	swait.ge @!p0 [sflag:s8], $0x0  }
0x24: {  	s3 =	sadd.s32 $0x88, s3;
	s6 =	simm.s32 @!p1 $0x1082;
	[sflag:s4] =	ssyncset.s32 $0xFFFFF086  }
0x25: {  	[simem:s6], [sflag:s4] =	dma.local [hbm:s3], $0xF7A  }
0x26: {  	[smem:$0x3F9F] =	sst s1;
	(tag) =	ssettag s2;
	_ =	strace s9  }
0x27: {  	s1 =	sld [smem:$0x3FAF]  }
0x28: {  	s2 =	sld [smem:$0x3FB0]  }
0x29: {  	s4 =	sld [smem:$0x3FB2]  }
0x2a: {  	p0 =	seq.s32 s5, $0x0;
	s5 =	sld [smem:$0x3FB3]  }
0x2b: {  	s6 =	sld [smem:$0x3FB4]  }
0x2c: {  	s7 =	sld [smem:$0x3FB5]  }
0x2d: {  	s3 =	simm.s32 $0x108;
	s8 =	sld [smem:$0x3FB6]  }
0x2e: {  	s3 =	simm.s32 @!p0 $0x1082;
	s9 =	sld [smem:$0x3FB7]  }
0x2f: {  	lr =	sadd.s32 s0, s3;
	s0 =	sld [smem:$0x3FAE]  }
0x30: {  	s3 =	sld [smem:$0x3FB1]  }
0x31: {  	[smem:$0x3FBA] =	sst s10  }
0x32: {  	s10 =	sld [smem:$0x3FB8];
	_ =	sdelay $0x3  }
0x33: {  	p0 =	seq.s32 s10, $0x1;
	s10 =	sld [smem:$0x3FBA];
	_ =	sdelay $0x3  }
0x34: {  	[smem:$0x3FBA] =	sst s10  }
0x35: {  	s10 =	sld [smem:$0x3FB9];
	_ =	sdelay $0x3  }
0x36: {  	p1 =	seq.s32 s10, $0x1;
	s10 =	sld [smem:$0x3FBA];
	_ =	sdelay $0x3  }
0x37: {  	[smem:$0x3FBA] =	sst s10  }
0x38: {  	s10 =	sld [smem:$0x3FBB]  }
0x39: {  	_ = 	snop;
	(pc) =	sbr.ind lr, $3  }
0x3a: {  	_ = 	snop  }
0x3b: {  	_ = 	snop  }
0x3c: {  	p2 =	seq.s32 s10, $0x1;
	s10 =	sld [smem:$0x3FBA]  }
0x3d: {  	_ =	shalt  }
0x3e: {  	_ =	shalt  }
0x3f: {  	_ =	shalt  }
0x40: {  	_ =	shalt  }
0x41: {  	_ =	shalt  }
0x42: {  	_ =	shalt  }
0x43: {  	_ =	shalt  }
0x44: {  	_ =	shalt  }
0x45: {  	_ =	shalt  }
0x46: {  	_ =	shalt  }
0x47: {  	_ =	shalt  }
0x48: {  	_ =	shalt  }
0x49: {  	_ =	shalt  }
0x4a: {  	_ =	shalt  }
0x4b: {  	_ =	shalt  }
0x4c: {  	_ =	shalt  }
0x4d: {  	_ =	shalt  }
0x4e: {  	_ =	shalt  }
0x4f: {  	_ =	shalt  }
0x50: {  	_ =	shalt  }
0x51: {  	_ =	shalt  }
0x52: {  	_ =	shalt  }
0x53: {  	_ =	shalt  }
0x54: {  	_ =	shalt  }
0x55: {  	_ =	shalt  }
0x56: {  	_ =	shalt  }
0x57: {  	_ =	shalt  }
0x58: {  	_ =	shalt  }
0x59: {  	_ =	shalt  }
0x5a: {  	_ =	shalt  }
0x5b: {  	_ =	shalt  }
0x5c: {  	_ =	shalt  }
0x5d: {  	_ =	shalt  }
0x5e: {  	_ =	shalt  }
0x5f: {  	_ =	shalt  }
0x60: {  	_ =	shalt  }
0x61: {  	_ =	shalt  }
0x62: {  	_ =	shalt  }
0x63: {  	_ =	shalt  }
0x64: {  	_ =	shalt  }
0x65: {  	_ =	shalt  }
0x66: {  	_ =	shalt  }
0x67: {  	_ =	shalt  }
0x68: {  	_ =	shalt  }
0x69: {  	_ =	shalt  }
0x6a: {  	_ =	shalt  }
0x6b: {  	_ =	shalt  }
0x6c: {  	_ =	shalt  }
0x6d: {  	_ =	shalt  }
0x6e: {  	_ =	shalt  }
0x6f: {  	_ =	shalt  }
0x70: {  	_ =	shalt  }
0x71: {  	_ =	shalt  }
0x72: {  	_ =	shalt  }
0x73: {  	_ =	shalt  }
0x74: {  	_ =	shalt  }
0x75: {  	_ =	shalt  }
0x76: {  	_ =	shalt  }
0x77: {  	_ =	shalt  }
0x78: {  	_ =	shalt  }
0x79: {  	_ =	shalt  }
0x7a: {  	_ =	shalt  }
0x7b: {  	_ =	shalt  }
0x7c: {  	_ =	shalt  }
0x7d: {  	_ =	shalt  }
0x7e: {  	_ =	shalt  }
0x7f: {  	_ =	shalt  }
0x80: {  	_ =	shalt  }
0x81: {  	_ =	shalt  }
0x82: {  	_ =	shalt  }
0x83: {  	_ =	shalt  }
0x84: {  	_ =	shalt  }
0x85: {  	_ =	shalt  }
0x86: {  	_ =	shalt  }
0x87: {  	_ =	shalt  }
.Lfunc_end0:
.L_simem_size_0:
called_computation.2_lowered:
.L_overlay_start_0:
0x88: {  	s2 =	sld [smem:$0x3FD9]  }
0x89: {  	s3 =	sld [smem:$0x3FFE];
	_ =	sdelay $0x1  }
0x8a: {  	s1 =	srdreg.scid  }
0x8b: {  	s0 =	sand.u32 $0x1, s1  }
0x8c: {  	s17 =	sshll.u32 s0, $0xA;
	s2 =	sadd.s32 s3, s2  }
0x8d: {  	s2 =	sadd.s32 s2, s17  }
0x8e: {  	[smem:$0x3FC6] =	sst s2  }
0x8f: {  	_ = 	snop  }
0x90: {  	(tm) =	ssettm $0x1  }
0x91: {  	s18 =	sld [smem:$0x3FFB];
	_ =	sdelay $0x3  }
0x92: {  	_ =	strace s18  }
0x93: {  	s2 =	sld [smem:$0x3FFC];
	_ =	sdelay $0x3  }
0x94: {  	_ =	strace s2  }
0x95: {  	s2 =	sld [smem:$0x3FFD];
	_ =	sdelay $0x3  }
0x96: {  	_ =	strace s2  }
0x97: {  	_ =	strace $0x8FFFFFFF  }
0x98: {  	s19 =	sld [smem:$0x3FDB];
	_ =	sdelay $0x1  }
0x99: {  	s20 =	simm.s32 $_scs_section_size  }
0x9a: {  	s4 =	simm.s32 $_size__tile_overlayer_lowered;
	s5 =	simm.s32 $_tile_overlayer_lowered  }
0x9b: {  	s6 =	simm.s32 $0x1BFF;
	s21 =	sshll.u32 s5, $0x1;
	s3 =	sadd.s32 s20, s19  }
0x9c: {  	s22 =	simm.s32 $0x0;
	s4 =	sshll.u32 s4, $0x1;
	s5 =	sadd.s32 s21, s3  }
0x9d: {  	[timem:s22], [sflag:s6] =	dma.local [hbm:s5], s4  }
0x9e: {  	_ =	swait.ge [sflag:s6], s4  }
0x9f: {  	s4 =	ssub.s32 $0x0, s4;
	[sflag:s6] =	ssyncset.done $0x0  }
0xa0: {  	[sflag:s6] =	ssyncadd.s32 s4;
	_ =	sdelay $0x1  }
0xa1: {  	s23 =	simm.s32 $0x1B8B  }
0xa2: {  	_ =	swait.ge [sflag:s23], $0x1  }
0xa3: {  	[sflag:s23] =	ssyncset.done $0x0  }
0xa4: {  	[sflag:s23] =	ssyncadd.s32 $0xFFFFFFFF  }
0xa5: {  	s4 =	sld [smem:$0x0]  }
0xa6: {  	s5 =	sand.u32 $0xFFFFFFFE, s1  }
0xa7: {  	p0 =	sne.s32 s1, s5  }
0xa8: {  	s5 =	sshll.u32 @p0 s5, $0xE  }
0xa9: {  	s5 =	sadd.s32 @p0 $0x11B8D, s5;
	s6 =	sshll.u32 @p0 s4, $0x11  }
0xaa: {  	s5 =	sor.u32 @p0 s6, s5  }
0xab: {  	[sflag:s5] =	ssyncadd.remote.s32 @p0 $0x1;
	_ =	sdelay $0x1  }
0xac: {  	s5 =	simm.s32 @p0 $0x1B8D  }
0xad: {  	_ =	swait.eq @p0 [sflag:s5], $0x1  }
0xae: {  	[sflag:s5] =	ssyncadd.s32 @p0 $0xFFFFFFFF  }
0xaf: {  	s6 =	sshll.u32 @!p0 s1, $0xE  }
0xb0: {  	s6 =	sor.u32 @!p0 $0x4000, s6;
	s5 =	simm.s32 @!p0 $0x1B8D  }
0xb1: {  	s4 =	sshll.u32 @!p0 s4, $0x11;
	s6 =	sadd.s32 @!p0 $0x11B8D, s6;
	_ =	swait.eq @!p0 [sflag:s5], $0x1  }
0xb2: {  	s4 =	sor.u32 @!p0 s4, s6;
	[sflag:s5] =	ssyncadd.s32 @!p0 $0xFFFFFFFF  }
0xb3: {  	s25 =	simm.s32 $0x1B8E;
	s24 =	sld [smem:$0x3FFE];
	[sflag:s4] =	ssyncadd.remote.s32 @!p0 $0x1  }
0xb4: {  	s26 =	simm.s32 $execute0_lowered;
	[smem:$0x3FD2] =	sst s25  }
0xb5: {  	s5 =	sshll.u32 s26, $0x1;
	_ =	strace $0x80000049;
	[dreg:$0x1] =	wrdreg $0xFFFFFFFF  }
0xb6: {  	s28 =	simm.s32 $_size_execute0_lowered;
	s3 =	sadd.s32 s3, s5;
	[dreg:$0x0] =	wrdreg $0x0  }
0xb7: {  	s5 =	sshll.u32 s28, $0x1;
	[dreg:$0x2] =	wrdreg s3  }
0xb8: {  	[dreg:$0x3] =	wrdreg s5  }
0xb9: {  	[dreg:$0x4] =	wrdreg $0xC0  }
0xba: {  	_ =	task [dreg:s22], $0x5FFFF  }
0xbb: {  	[dreg:$0x1] =	wrdreg $0xFFFFFFFF  }
0xbc: {  	[dreg:$0x0] =	wrdreg $0x60  }
0xbd: {  	[dreg:$0x2] =	wrdreg s24  }
0xbe: {  	[dreg:$0x3] =	wrdreg $0xB  }
0xbf: {  	_ =	task.clear_ibuf [dreg:s22], $0x4FFFF;
	_ =	strace $0x90000049  }
0xc0: {  	s29 =	simm.s32 $0xB;
	_ =	strace $0x8000004B  }
0xc1: {  	_ =	swait.ge [sflag:s29], $0x1  }
0xc2: {  	[sflag:s29] =	ssyncadd.s32 $0xFFFFFFFF  }
0xc3: {  	_ =	strace $0x9000004B  }
0xc4: {  	_ =	sfence  }
0xc5: {  	s30 =	sld [smem:$0x0];
	_ =	sdelay $0x2  }
0xc6: {  	s31 =	sshll.u32 s1, $0xD;
	s1 =	sshrl.u32 s1, $0x2  }
0xc7: {  	s4 =	sand.u32 $0x4000, s31;
	s1 =	sadd.s32 s1, s30  }
0xc8: {  	s0 =	sor.u32 s4, s0;
	s1 =	sshll.u32 s1, $0x11  }
0xc9: {  	s0 =	sor.u32 s1, s0  }
0xca: {  	s0 =	sadd.s32 $0x8F2B, s0  }
0xcb: {  	[sflag:s0] =	ssyncadd.remote.s32 $0x1  }
0xcc: {  	_ =	sfence.sel $0xFFFF  }
0xcd: {  	[dreg:$0x0] =	wrdreg $0xFFFFFFFF;
	(pc) =	sbr.abs _section_cstart, $3  }
0xce: {  	[dreg:$0x1] =	wrdreg $0xFFFFFFFF  }
0xcf: {  	_ =	task.clear_ibuf [dreg:s22], $0x2FFFF;
	_ =	strace $0x9FFFFFFF  }
0xd0: {  	(tm) =	ssettm $0x7FFFFFFF  }
0xd1: {  	_ =	shalt  }
tec
execute0_lowered:
.L_overlay_start_1:
0x0: {  	(tag) =	ssettag $0x1  }
0x1: {  	s1 =	srdreg.scid  }
0x2: {  	s0 =	stileid.u32;
	s6 =	rddreg [dreg:$0x0]  }
0x3: {  	s2 =	simm.s32 $0x0;
	s4 =	sand.u32 $0x1, s1;
	s3 =	smul.u32 $0x64000, s0  }
0x4: {  	s7 =	sshll.u32 s0, $0x1;
	[smem:$0x7FF] =	sst s2;
	s5 =	smul.u32 $0x32000, s4  }
0x5: {  	s29 =	smul.u32 $0xC800, s0;
	s7 =	sor.u32 s4, s7;
	_ =	strace $0x8000004A  }
0x6: {  	s31 =	smul.u32 $0x6400, s4;
	s4 =	ssub.s32 $0x2, s4;
	s8 =	sadd.s32 s5, s3  }
0x7: {  	s15 =	smul.u32 $0x320, s7;
	s7 =	sadd.s32 $0x1C000, s6;
	s5 =	sadd.s32 $0x5DC0, s8  }
0x8: {  	s10 =	sadd.s32 $0x5780, s8;
	s19 =	sadd.s32 $0x5140, s8;
	s21 =	sadd.s32 $0x4B00, s8  }
0x9: {  	s22 =	sadd.s32 $0x44C0, s8;
	s25 =	sadd.s32 $0x3E80, s8;
	s28 =	sadd.s32 $0x3840, s8  }
0xa: {  	s11 =	sadd.s32 $0x2BC0, s8;
	s12 =	sor.u32 $0x1F40, s8;
	s13 =	sor.u32 $0x1900, s8  }
0xb: {  	s9 =	sshrl.u32 s5, $0x3;
	s5 =	sadd.s32 s15, s6;
	s17 =	sshrl.u32 s10, $0x3  }
0xc: {  	s20 =	sshrl.u32 s19, $0x3;
	s24 =	sshrl.u32 s22, $0x3;
	s26 =	sshrl.u32 s25, $0x3  }
0xd: {  	s30 =	sshrl.u32 s28, $0x3;
	s10 =	sadd.s32 s29, s7;
	s28 =	simm.s32 $0x3200  }
0xe: {  	s1 =	sshrl.u32 s11, $0x3;
	s29 =	simm.s32 $0x3840;
	[dreg:$0x14] =	wrdreg s28  }
0xf: {  	s15 =	sshrl.u32 s13, $0x3;
	s16 =	sadd.s32 s9, s7;
	[dreg:$0x15] =	wrdreg s29  }
0x10: {  	s19 =	sor.u32 $0xC80, s8;
	s18 =	sadd.s32 s17, s7;
	[dreg:$0x2] =	wrdreg s16  }
0x11: {  	s22 =	sshrl.u32 s4, $0x1;
	s3 =	sadd.s32 s20, s7;
	[dreg:$0x3] =	wrdreg s18  }
0x12: {  	s13 =	simm.s32 $0x5DC0;
	s0 =	sadd.s32 s31, s10;
	[dreg:$0x4] =	wrdreg s3  }
0x13: {  	s9 =	sshrl.u32 s21, $0x3;
	s25 =	sadd.s32 $0x9400, s5;
	[dreg:$0x9] =	wrdreg s0  }
0x14: {  	s10 =	sadd.s32 $0x2580, s8;
	s31 =	simm.s32 $0x44C0;
	[dreg:$0x19] =	wrdreg s25  }
0x15: {  	s17 =	sor.u32 $0x12C0, s8;
	s23 =	sadd.s32 s9, s7;
	[dreg:$0x17] =	wrdreg s31  }
0x16: {  	s8 =	sor.u32 $0x640, s8;
	s9 =	sadd.s32 s24, s7;
	[dreg:$0x5] =	wrdreg s23  }
0x17: {  	s3 =	sadd.s32 $0xF45400, s6;
	s6 =	sadd.s32 s26, s7;
	[dreg:$0x6] =	wrdreg s9  }
0x18: {  	s11 =	sshrl.u32 s10, $0x3;
	s16 =	sadd.s32 s15, s7;
	[dreg:$0x7] =	wrdreg s6  }
0x19: {  	s18 =	sshrl.u32 s17, $0x3;
	s24 =	simm.s32 $0x2580;
	[dreg:$0xd] =	wrdreg s16  }
0x1a: {  	s8 =	sshrl.u32 s8, $0x3;
	s26 =	simm.s32 $0x2BC0;
	[dreg:$0x12] =	wrdreg s24  }
0x1b: {  	s10 =	simm.s32 $0x4B00;
	s6 =	sadd.s32 s30, s7;
	[dreg:$0x13] =	wrdreg s26  }
0x1c: {  	s15 =	simm.s32 $0x6A40;
	s9 =	sadd.s32 s1, s7;
	[dreg:$0x8] =	wrdreg s6  }
0x1d: {  	s17 =	simm.s32 $0x76C0;
	s21 =	sadd.s32 s8, s7;
	[dreg:$0xa] =	wrdreg s9  }
0x1e: {  	s23 =	simm.s32 $0x1F40;
	s30 =	simm.s32 $0x3E80;
	[dreg:$0x10] =	wrdreg s21  }
0x1f: {  	s8 =	simm.s32 $0x1900;
	s16 =	simm.s32 $0x7080;
	[dreg:$0x11] =	wrdreg s23  }
0x20: {  	s6 =	sadd.s32 s11, s7;
	s9 =	sshrl.u32 s12, $0x3;
	[dreg:$0x16] =	wrdreg s30  }
0x21: {  	s12 =	simm.s32 $0x5140;
	s11 =	simm.s32 $0x2;
	[dreg:$0xb] =	wrdreg s6  }
0x22: {  	s14 =	sadd.s32 s9, s7;
	s6 =	sadd.s32 s18, s7;
	[dreg:$0x18] =	wrdreg s12  }
0x23: {  	s9 =	sshrl.u32 s19, $0x3;
	s12 =	simm.s32 $0x5780;
	[dreg:$0xc] =	wrdreg s14  }
0x24: {  	s18 =	simm.s32 $0x3;
	s19 =	simm.s32 $0x4;
	[dreg:$0xe] =	wrdreg s6  }
0x25: {  	s20 =	sadd.s32 s9, s7;
	s7 =	ssub.s32 s4, s22;
	s6 =	simm.s32 $0x5  }
0x26: {  	s9 =	simm.s32 $0x1;
	s14 =	simm.s32 $0x6400;
	[dreg:$0xf] =	wrdreg s20  }
0x27: {  	s5 =	smax.u32 s7, $0x1;
	s7 =	simm.s32 $0x190;
	s20 =	simm.s32 $0x0  }
.LBB2_1:
0x28: {  	s0 =	rddreg [dreg:$0x19]  }
0x29: {  	[tilespmem:s2], [sflag:$0x5] =	stream.linear.gather [hbm4b:s0+s2], $0x1900, $0x38;
	[tilespmem:$0x7D00] =	vst v63  }
0x2a: {  	_ =	swait.ge [sflag:s6], $0x1900  }
0x2b: {  	p0 =	por $0x1, $0x1;
	[sflag:s6] =	ssyncset.done $0x0  }
0x2c: {  	s21 =	simm.s32 @!p0 $0x3;
	[sflag:s6] =	ssyncadd.s32 $0xFFFFE700  }
0x2d: {  	_ =	swait.ge @!p0 [sflag:s21], $0x640  }
0x2e: {  	[sflag:s21] =	ssyncset.done @!p0 $0x0  }
0x2f: {  	[sflag:s21] =	ssyncadd.s32 @!p0 $0xFFFFF9C0  }
0x30: {  	_ =	swait.ge @!p0 [sflag:s21], $0x640  }
0x31: {  	[sflag:s21] =	ssyncset.done @!p0 $0x0  }
0x32: {  	[sflag:s21] =	ssyncadd.s32 @!p0 $0xFFFFF9C0  }
0x33: {  	_ =	swait.ge @!p0 [sflag:s21], $0x640  }
0x34: {  	[sflag:s21] =	ssyncset.done @!p0 $0x0  }
0x35: {  	[sflag:s21] =	ssyncadd.s32 @!p0 $0xFFFFF9C0  }
0x36: {  	_ =	swait.ge @!p0 [sflag:s21], $0x640  }
0x37: {  	[sflag:s21] =	ssyncset.done @!p0 $0x0  }
0x38: {  	[sflag:s21] =	ssyncadd.s32 @!p0 $0xFFFFF9C0  }
0x39: {  	_ =	swait.ge @!p0 [sflag:s21], $0x640  }
0x3a: {  	[sflag:s21] =	ssyncset.done @!p0 $0x0  }
0x3b: {  	[sflag:s21] =	ssyncadd.s32 @!p0 $0xFFFFF9C0  }
0x3c: {  	_ =	swait.ge @!p0 [sflag:s21], $0x640  }
0x3d: {  	[sflag:s21] =	ssyncset.done @!p0 $0x0  }
0x3e: {  	[sflag:s21] =	ssyncadd.s32 @!p0 $0xFFFFF9C0  }
0x3f: {  	_ =	swait.ge @!p0 [sflag:s21], $0x640  }
0x40: {  	[sflag:s21] =	ssyncset.done @!p0 $0x0  }
0x41: {  	[sflag:s21] =	ssyncadd.s32 @!p0 $0xFFFFF9C0  }
0x42: {  	_ =	swait.ge @!p0 [sflag:s21], $0x640  }
0x43: {  	[sflag:s21] =	ssyncset.done @!p0 $0x0  }
0x44: {  	s26 =	simm.s32 $0x0;
	[sflag:s21] =	ssyncadd.s32 @!p0 $0xFFFFF9C0  }
0x45: {  	[tilespmem:s8], [sflag:$0x1] =	stream.indirect.gather [hbm4b:s3+s7], $0x20, s26, s7, $0xb8;
	[tilespmem:$0x7D00] =	vst v63  }
0x46: {  	_ =	swait.ge [sflag:s9], $0x3200  }
0x47: {  	s21 =	rddreg [dreg:$0xa]  }
0x48: {  	s22 =	rddreg [dreg:$0xb]  }
0x49: {  	s23 =	rddreg [dreg:$0xc]  }
0x4a: {  	s24 =	rddreg [dreg:$0x10]  }
0x4b: {  	s25 =	rddreg [dreg:$0xf]  }
0x4c: {  	s26 =	rddreg [dreg:$0x9]  }
0x4d: {  	s28 =	rddreg [dreg:$0x11];
	[sflag:s9] =	ssyncset.done $0x0  }
0x4e: {  	s29 =	rddreg [dreg:$0xe];
	[sflag:s9] =	ssyncadd.s32 $0xFFFFCE00;
	s26 =	sadd.s32 $0x0, s26  }
0x4f: {  	[hbm4b:s26+s2] =	stream.linear.scatter [tilespmem:s8], [sflag:$0x3], $0x640, $0x38;
	[tilespmem:$0x7D00] =	vst v63  }
0x50: {  	s30 =	rddreg [dreg:$0xd];
	s24 =	sadd.s32 $0x0, s24  }
0x51: {  	[hbm4b:s24+s2] =	stream.linear.scatter [tilespmem:s28], [sflag:$0x3], $0x640, $0x38;
	[tilespmem:$0x7D00] =	vst v63  }
0x52: {  	s31 =	rddreg [dreg:$0x12];
	s28 =	sadd.s32 $0x0, s25  }
0x53: {  	[hbm4b:s28+s2] =	stream.linear.scatter [tilespmem:s31], [sflag:$0x3], $0x640, $0x38;
	[tilespmem:$0x7D00] =	vst v63  }
0x54: {  	s0 =	rddreg [dreg:$0x13];
	s1 =	sadd.s32 $0x0, s29  }
0x55: {  	[hbm4b:s1+s2] =	stream.linear.scatter [tilespmem:s0], [sflag:$0x3], $0x640, $0x38;
	[tilespmem:$0x7D00] =	vst v63  }
0x56: {  	s4 =	rddreg [dreg:$0x14];
	s29 =	sadd.s32 $0x0, s30  }
0x57: {  	[hbm4b:s29+s2] =	stream.linear.scatter [tilespmem:s4], [sflag:$0x3], $0x640, $0x38;
	[tilespmem:$0x7D00] =	vst v63  }
0x58: {  	s30 =	rddreg [dreg:$0x15];
	s23 =	sadd.s32 $0x0, s23  }
0x59: {  	[hbm4b:s23+s2] =	stream.linear.scatter [tilespmem:s30], [sflag:$0x3], $0x640, $0x38;
	[tilespmem:$0x7D00] =	vst v63  }
0x5a: {  	s22 =	sadd.s32 $0x0, s22;
	s31 =	rddreg [dreg:$0x16]  }
0x5b: {  	[hbm4b:s22+s2] =	stream.linear.scatter [tilespmem:s31], [sflag:$0x3], $0x640, $0x38;
	[tilespmem:$0x7D00] =	vst v63  }
0x5c: {  	s21 =	sadd.s32 $0x0, s21;
	s0 =	rddreg [dreg:$0x17];
	s22 =	simm.s32 @!p0 $0x4  }
0x5d: {  	[hbm4b:s21+s2] =	stream.linear.scatter [tilespmem:s0], [sflag:$0x3], $0x640, $0x38;
	[tilespmem:$0x7D00] =	vst v63  }
0x5e: {  	_ =	swait.ge @!p0 [sflag:s22], $0x640  }
0x5f: {  	[sflag:s22] =	ssyncset.done @!p0 $0x0  }
0x60: {  	[sflag:s22] =	ssyncadd.s32 @!p0 $0xFFFFF9C0  }
0x61: {  	_ =	swait.ge @!p0 [sflag:s22], $0x640  }
0x62: {  	[sflag:s22] =	ssyncset.done @!p0 $0x0  }
0x63: {  	[sflag:s22] =	ssyncadd.s32 @!p0 $0xFFFFF9C0  }
0x64: {  	_ =	swait.ge @!p0 [sflag:s22], $0x640  }
0x65: {  	[sflag:s22] =	ssyncset.done @!p0 $0x0  }
0x66: {  	[sflag:s22] =	ssyncadd.s32 @!p0 $0xFFFFF9C0  }
0x67: {  	_ =	swait.ge @!p0 [sflag:s22], $0x640  }
0x68: {  	[sflag:s22] =	ssyncset.done @!p0 $0x0  }
0x69: {  	[sflag:s22] =	ssyncadd.s32 @!p0 $0xFFFFF9C0  }
0x6a: {  	_ =	swait.ge @!p0 [sflag:s22], $0x640  }
0x6b: {  	[sflag:s22] =	ssyncset.done @!p0 $0x0  }
0x6c: {  	[sflag:s22] =	ssyncadd.s32 @!p0 $0xFFFFF9C0  }
0x6d: {  	_ =	swait.ge @!p0 [sflag:s22], $0x640  }
0x6e: {  	[sflag:s22] =	ssyncset.done @!p0 $0x0  }
0x6f: {  	[sflag:s22] =	ssyncadd.s32 @!p0 $0xFFFFF9C0  }
0x70: {  	_ =	swait.ge @!p0 [sflag:s22], $0x640  }
0x71: {  	[sflag:s22] =	ssyncset.done @!p0 $0x0  }
0x72: {  	[sflag:s22] =	ssyncadd.s32 @!p0 $0xFFFFF9C0  }
0x73: {  	_ =	swait.ge @!p0 [sflag:s22], $0x640  }
0x74: {  	[sflag:s22] =	ssyncset.done @!p0 $0x0  }
0x75: {  	s1 =	simm.s32 $0x190;
	[sflag:s22] =	ssyncadd.s32 @!p0 $0xFFFFF9C0  }
0x76: {  	[tilespmem:s10], [sflag:$0x2] =	stream.indirect.gather [hbm4b:s3+s7], $0x20, s1, s7, $0xb8;
	[tilespmem:$0x7D00] =	vst v63  }
0x77: {  	_ =	swait.ge [sflag:s11], $0x3200  }
0x78: {  	s4 =	rddreg [dreg:$0x18]  }
0x79: {  	s25 =	rddreg [dreg:$0x8]  }
0x7a: {  	s24 =	sadd.s32 $0x640, s26;
	[sflag:s11] =	ssyncset.done $0x0;
	s26 =	rddreg [dreg:$0x7]  }
0x7b: {  	s28 =	rddreg [dreg:$0x6];
	[sflag:s11] =	ssyncadd.s32 $0xFFFFCE00  }
0x7c: {  	[hbm4b:s24+s2] =	stream.linear.scatter [tilespmem:s10], [sflag:$0x4], $0x640, $0x38;
	[tilespmem:$0x7D00] =	vst v63  }
0x7d: {  	s21 =	simm.s32 $0x0;
	s30 =	rddreg [dreg:$0x5];
	s23 =	sadd.s32 $0x0, s25  }
0x7e: {  	[hbm4b:s23+s2] =	stream.linear.scatter [tilespmem:s4], [sflag:$0x4], $0x640, $0x38;
	[tilespmem:$0x7D00] =	vst v63  }
0x7f: {  	s22 =	simm.s32 $0xC80;
	s29 =	sadd.s32 $0x0, s26;
	s24 =	rddreg [dreg:$0x4]  }
0x80: {  	[hbm4b:s29+s2] =	stream.linear.scatter [tilespmem:s12], [sflag:$0x4], $0x640, $0x38;
	[tilespmem:$0x7D00] =	vst v63  }
0x81: {  	s31 =	sadd.s32 $0x0, s28;
	s25 =	sadd.s32 $0x0, s30;
	s23 =	rddreg [dreg:$0x3]  }
0x82: {  	[hbm4b:s31+s2] =	stream.linear.scatter [tilespmem:s13], [sflag:$0x4], $0x640, $0x38;
	[tilespmem:$0x7D00] =	vst v63  }
.LBB2_2:
0x83: {  	[hbm4b:s25+s2] =	stream.linear.scatter [tilespmem:s14], [sflag:$0x4], $0x640, $0x38;
	[tilespmem:$0x7D00] =	vst v63  }
0x84: {  	s0 =	smov.u32 s22;
	s24 =	sadd.s32 s21, s24  }
0x85: {  	[hbm4b:s24+s2] =	stream.linear.scatter [tilespmem:s15], [sflag:$0x4], $0x640, $0x38;
	[tilespmem:$0x7D00] =	vst v63  }
0x86: {  	s26 =	rddreg [dreg:$0x2];
	s23 =	sadd.s32 s21, s23;
	p1 =	seq.s32 s0, $0x0  }
0x87: {  	[hbm4b:s23+s2] =	stream.linear.scatter [tilespmem:s16], [sflag:$0x4], $0x640, $0x38;
	[tilespmem:$0x7D00] =	vst v63  }
0x88: {  	s1 =	sadd.s32 s21, s26;
	s23 =	simm.s32 @!p1 $0x3  }
0x89: {  	[hbm4b:s1+s2] =	stream.linear.scatter [tilespmem:s17], [sflag:$0x4], $0x640, $0x38;
	[tilespmem:$0x7D00] =	vst v63  }
0x8a: {  	_ =	swait.ge @!p1 [sflag:s23], $0x640  }
0x8b: {  	[sflag:s23] =	ssyncset.done @!p1 $0x0  }
0x8c: {  	[sflag:s23] =	ssyncadd.s32 @!p1 $0xFFFFF9C0  }
0x8d: {  	_ =	swait.ge @!p1 [sflag:s23], $0x640  }
0x8e: {  	[sflag:s23] =	ssyncset.done @!p1 $0x0  }
0x8f: {  	[sflag:s23] =	ssyncadd.s32 @!p1 $0xFFFFF9C0  }
0x90: {  	_ =	swait.ge @!p1 [sflag:s23], $0x640  }
0x91: {  	[sflag:s23] =	ssyncset.done @!p1 $0x0  }
0x92: {  	[sflag:s23] =	ssyncadd.s32 @!p1 $0xFFFFF9C0  }
0x93: {  	_ =	swait.ge @!p1 [sflag:s23], $0x640  }
0x94: {  	[sflag:s23] =	ssyncset.done @!p1 $0x0  }
0x95: {  	[sflag:s23] =	ssyncadd.s32 @!p1 $0xFFFFF9C0  }
0x96: {  	_ =	swait.ge @!p1 [sflag:s23], $0x640  }
0x97: {  	[sflag:s23] =	ssyncset.done @!p1 $0x0  }
0x98: {  	[sflag:s23] =	ssyncadd.s32 @!p1 $0xFFFFF9C0  }
0x99: {  	_ =	swait.ge @!p1 [sflag:s23], $0x640  }
0x9a: {  	[sflag:s23] =	ssyncset.done @!p1 $0x0  }
0x9b: {  	[sflag:s23] =	ssyncadd.s32 @!p1 $0xFFFFF9C0  }
0x9c: {  	_ =	swait.ge @!p1 [sflag:s23], $0x640  }
0x9d: {  	[sflag:s23] =	ssyncset.done @!p1 $0x0  }
0x9e: {  	[sflag:s23] =	ssyncadd.s32 @!p1 $0xFFFFF9C0  }
0x9f: {  	_ =	swait.ge @!p1 [sflag:s23], $0x640  }
0xa0: {  	s21 =	smov.u32 s0;
	[sflag:s23] =	ssyncset.done @!p1 $0x0  }
0xa1: {  	[sflag:s23] =	ssyncadd.s32 @!p1 $0xFFFFF9C0;
	s23 =	sshra.s32 s21, $0x2  }
0xa2: {  	[tilespmem:s8], [sflag:$0x1] =	stream.indirect.gather [hbm4b:s3+s7], $0x20, s23, s7, $0xb8;
	[tilespmem:$0x7D00] =	vst v63  }
0xa3: {  	_ =	swait.ge [sflag:s9], $0x3200  }
0xa4: {  	s25 =	rddreg [dreg:$0xa]  }
0xa5: {  	s26 =	rddreg [dreg:$0xb]  }
0xa6: {  	s28 =	rddreg [dreg:$0xc]  }
0xa7: {  	s29 =	rddreg [dreg:$0x10]  }
0xa8: {  	s30 =	rddreg [dreg:$0xf]  }
0xa9: {  	s4 =	rddreg [dreg:$0x9]  }
0xaa: {  	[sflag:s9] =	ssyncset.done $0x0;
	s31 =	rddreg [dreg:$0x11]  }
0xab: {  	s1 =	rddreg [dreg:$0xe];
	[sflag:s9] =	ssyncadd.s32 $0xFFFFCE00;
	s24 =	sadd.s32 s21, s4  }
0xac: {  	[hbm4b:s24+s2] =	stream.linear.scatter [tilespmem:s8], [sflag:$0x3], $0x640, $0x38;
	[tilespmem:$0x7D00] =	vst v63  }
0xad: {  	s0 =	rddreg [dreg:$0xd];
	s29 =	sadd.s32 s21, s29  }
0xae: {  	[hbm4b:s29+s2] =	stream.linear.scatter [tilespmem:s31], [sflag:$0x3], $0x640, $0x38;
	[tilespmem:$0x7D00] =	vst v63  }
0xaf: {  	s4 =	rddreg [dreg:$0x12];
	s29 =	sadd.s32 s21, s30  }
0xb0: {  	[hbm4b:s29+s2] =	stream.linear.scatter [tilespmem:s4], [sflag:$0x3], $0x640, $0x38;
	[tilespmem:$0x7D00] =	vst v63  }
0xb1: {  	s1 =	sadd.s32 s21, s1;
	s31 =	rddreg [dreg:$0x13]  }
0xb2: {  	[hbm4b:s1+s2] =	stream.linear.scatter [tilespmem:s31], [sflag:$0x3], $0x640, $0x38;
	[tilespmem:$0x7D00] =	vst v63  }
0xb3: {  	s0 =	sadd.s32 s21, s0;
	s29 =	rddreg [dreg:$0x14]  }
0xb4: {  	[hbm4b:s0+s2] =	stream.linear.scatter [tilespmem:s29], [sflag:$0x3], $0x640, $0x38;
	[tilespmem:$0x7D00] =	vst v63  }
0xb5: {  	s4 =	sadd.s32 s21, s28;
	s31 =	rddreg [dreg:$0x15]  }
0xb6: {  	[hbm4b:s4+s2] =	stream.linear.scatter [tilespmem:s31], [sflag:$0x3], $0x640, $0x38;
	[tilespmem:$0x7D00] =	vst v63  }
0xb7: {  	s28 =	rddreg [dreg:$0x16];
	s29 =	sadd.s32 s21, s26  }
0xb8: {  	[hbm4b:s29+s2] =	stream.linear.scatter [tilespmem:s28], [sflag:$0x3], $0x640, $0x38;
	[tilespmem:$0x7D00] =	vst v63  }
0xb9: {  	s30 =	rddreg [dreg:$0x17];
	s31 =	sadd.s32 s21, s25;
	s4 =	simm.s32 @!p1 $0x4  }
0xba: {  	[hbm4b:s31+s2] =	stream.linear.scatter [tilespmem:s30], [sflag:$0x3], $0x640, $0x38;
	[tilespmem:$0x7D00] =	vst v63  }
0xbb: {  	_ =	swait.ge @!p1 [sflag:s4], $0x640  }
0xbc: {  	[sflag:s4] =	ssyncset.done @!p1 $0x0  }
0xbd: {  	[sflag:s4] =	ssyncadd.s32 @!p1 $0xFFFFF9C0  }
0xbe: {  	_ =	swait.ge @!p1 [sflag:s4], $0x640  }
0xbf: {  	[sflag:s4] =	ssyncset.done @!p1 $0x0  }
0xc0: {  	[sflag:s4] =	ssyncadd.s32 @!p1 $0xFFFFF9C0  }
0xc1: {  	_ =	swait.ge @!p1 [sflag:s4], $0x640  }
0xc2: {  	[sflag:s4] =	ssyncset.done @!p1 $0x0  }
0xc3: {  	[sflag:s4] =	ssyncadd.s32 @!p1 $0xFFFFF9C0  }
0xc4: {  	_ =	swait.ge @!p1 [sflag:s4], $0x640  }
0xc5: {  	[sflag:s4] =	ssyncset.done @!p1 $0x0  }
0xc6: {  	[sflag:s4] =	ssyncadd.s32 @!p1 $0xFFFFF9C0  }
0xc7: {  	_ =	swait.ge @!p1 [sflag:s4], $0x640  }
0xc8: {  	[sflag:s4] =	ssyncset.done @!p1 $0x0  }
0xc9: {  	[sflag:s4] =	ssyncadd.s32 @!p1 $0xFFFFF9C0  }
0xca: {  	_ =	swait.ge @!p1 [sflag:s4], $0x640  }
0xcb: {  	[sflag:s4] =	ssyncset.done @!p1 $0x0  }
0xcc: {  	[sflag:s4] =	ssyncadd.s32 @!p1 $0xFFFFF9C0  }
0xcd: {  	_ =	swait.ge @!p1 [sflag:s4], $0x640  }
0xce: {  	[sflag:s4] =	ssyncset.done @!p1 $0x0  }
0xcf: {  	[sflag:s4] =	ssyncadd.s32 @!p1 $0xFFFFF9C0  }
0xd0: {  	_ =	swait.ge @!p1 [sflag:s4], $0x640  }
0xd1: {  	[sflag:s4] =	ssyncset.done @!p1 $0x0  }
0xd2: {  	[sflag:s4] =	ssyncadd.s32 @!p1 $0xFFFFF9C0;
	s4 =	sadd.s32 $0x190, s23  }
0xd3: {  	[tilespmem:s10], [sflag:$0x2] =	stream.indirect.gather [hbm4b:s3+s7], $0x20, s4, s7, $0xb8;
	[tilespmem:$0x7D00] =	vst v63  }
0xd4: {  	_ =	swait.ge [sflag:s11], $0x3200  }
0xd5: {  	s23 =	rddreg [dreg:$0x18]  }
0xd6: {  	s22 =	sadd.s32 $0xC80, s22;
	[sflag:s11] =	ssyncset.done $0x0;
	s25 =	rddreg [dreg:$0x8]  }
0xd7: {  	s24 =	sadd.s32 $0x640, s24;
	s26 =	rddreg [dreg:$0x7];
	[sflag:s11] =	ssyncadd.s32 $0xFFFFCE00  }
0xd8: {  	[hbm4b:s24+s2] =	stream.linear.scatter [tilespmem:s10], [sflag:$0x4], $0x640, $0x38;
	[tilespmem:$0x7D00] =	vst v63  }
0xd9: {  	p0 =	sne.s32 s22, $0x6400;
	s28 =	rddreg [dreg:$0x6];
	s4 =	sadd.s32 s21, s25  }
0xda: {  	[hbm4b:s4+s2] =	stream.linear.scatter [tilespmem:s23], [sflag:$0x4], $0x640, $0x38;
	[tilespmem:$0x7D00] =	vst v63  }
.Ltmp0:
0xdb: {  	s30 =	rddreg [dreg:$0x5];
	(pc) =	sbr.rel @p0 .LBB2_2-.Ltmp0, $4  }
0xdc: {  	s29 =	sadd.s32 s21, s26;
	s24 =	rddreg [dreg:$0x4]  }
0xdd: {  	[hbm4b:s29+s2] =	stream.linear.scatter [tilespmem:s12], [sflag:$0x4], $0x640, $0x38;
	[tilespmem:$0x7D00] =	vst v63  }
0xde: {  	s31 =	sadd.s32 s21, s28;
	s25 =	sadd.s32 s21, s30;
	s23 =	rddreg [dreg:$0x3]  }
0xdf: {  	[hbm4b:s31+s2] =	stream.linear.scatter [tilespmem:s13], [sflag:$0x4], $0x640, $0x38;
	[tilespmem:$0x7D00] =	vst v63  }
0xe0: {  	[hbm4b:s25+s2] =	stream.linear.scatter [tilespmem:s14], [sflag:$0x4], $0x640, $0x38;
	[tilespmem:$0x7D00] =	vst v63  }
0xe1: {  	s0 =	sadd.s32 s21, s24  }
0xe2: {  	[hbm4b:s0+s2] =	stream.linear.scatter [tilespmem:s15], [sflag:$0x4], $0x640, $0x38;
	[tilespmem:$0x7D00] =	vst v63  }
0xe3: {  	s1 =	rddreg [dreg:$0x2];
	s30 =	sadd.s32 s21, s23  }
0xe4: {  	[hbm4b:s30+s2] =	stream.linear.scatter [tilespmem:s16], [sflag:$0x4], $0x640, $0x38;
	[tilespmem:$0x7D00] =	vst v63  }
0xe5: {  	s31 =	sadd.s32 s21, s1  }
0xe6: {  	[hbm4b:s31+s2] =	stream.linear.scatter [tilespmem:s17], [sflag:$0x4], $0x640, $0x38;
	[tilespmem:$0x7D00] =	vst v63  }
0xe7: {  	_ =	swait.ge [sflag:s18], $0x640  }
0xe8: {  	[sflag:s18] =	ssyncset.done $0x0  }
0xe9: {  	[sflag:s18] =	ssyncadd.s32 $0xFFFFF9C0  }
0xea: {  	_ =	swait.ge [sflag:s18], $0x640  }
0xeb: {  	[sflag:s18] =	ssyncset.done $0x0  }
0xec: {  	[sflag:s18] =	ssyncadd.s32 $0xFFFFF9C0  }
0xed: {  	_ =	swait.ge [sflag:s18], $0x640  }
0xee: {  	[sflag:s18] =	ssyncset.done $0x0  }
0xef: {  	[sflag:s18] =	ssyncadd.s32 $0xFFFFF9C0  }
0xf0: {  	_ =	swait.ge [sflag:s18], $0x640  }
0xf1: {  	[sflag:s18] =	ssyncset.done $0x0  }
0xf2: {  	[sflag:s18] =	ssyncadd.s32 $0xFFFFF9C0  }
0xf3: {  	_ =	swait.ge [sflag:s18], $0x640  }
0xf4: {  	[sflag:s18] =	ssyncset.done $0x0  }
0xf5: {  	[sflag:s18] =	ssyncadd.s32 $0xFFFFF9C0  }
0xf6: {  	_ =	swait.ge [sflag:s18], $0x640  }
0xf7: {  	[sflag:s18] =	ssyncset.done $0x0  }
0xf8: {  	[sflag:s18] =	ssyncadd.s32 $0xFFFFF9C0  }
0xf9: {  	_ =	swait.ge [sflag:s18], $0x640  }
0xfa: {  	[sflag:s18] =	ssyncset.done $0x0  }
0xfb: {  	[sflag:s18] =	ssyncadd.s32 $0xFFFFF9C0  }
0xfc: {  	_ =	swait.ge [sflag:s18], $0x640  }
0xfd: {  	[sflag:s18] =	ssyncset.done $0x0  }
0xfe: {  	[sflag:s18] =	ssyncadd.s32 $0xFFFFF9C0  }
0xff: {  	_ =	swait.ge [sflag:s19], $0x640  }
0x100: {  	[sflag:s19] =	ssyncset.done $0x0  }
0x101: {  	[sflag:s19] =	ssyncadd.s32 $0xFFFFF9C0  }
0x102: {  	_ =	swait.ge [sflag:s19], $0x640  }
0x103: {  	[sflag:s19] =	ssyncset.done $0x0  }
0x104: {  	[sflag:s19] =	ssyncadd.s32 $0xFFFFF9C0  }
0x105: {  	_ =	swait.ge [sflag:s19], $0x640  }
0x106: {  	[sflag:s19] =	ssyncset.done $0x0  }
0x107: {  	[sflag:s19] =	ssyncadd.s32 $0xFFFFF9C0  }
0x108: {  	_ =	swait.ge [sflag:s19], $0x640  }
0x109: {  	[sflag:s19] =	ssyncset.done $0x0  }
0x10a: {  	[sflag:s19] =	ssyncadd.s32 $0xFFFFF9C0  }
0x10b: {  	_ =	swait.ge [sflag:s19], $0x640  }
0x10c: {  	[sflag:s19] =	ssyncset.done $0x0  }
0x10d: {  	[sflag:s19] =	ssyncadd.s32 $0xFFFFF9C0  }
0x10e: {  	_ =	swait.ge [sflag:s19], $0x640  }
0x10f: {  	[sflag:s19] =	ssyncset.done $0x0  }
0x110: {  	s20 =	sadd.s32 $0x1, s20;
	[sflag:s19] =	ssyncadd.s32 $0xFFFFF9C0  }
0x111: {  	p0 =	sne.s32 s20, s5;
	_ =	swait.ge [sflag:s19], $0x640  }
.Ltmp1:
0x112: {  	[sflag:s19] =	ssyncset.done $0x0;
	(pc) =	sbr.rel @p0 .LBB2_1-.Ltmp1, $4  }
0x113: {  	[sflag:s19] =	ssyncadd.s32 $0xFFFFF9C0  }
0x114: {  	_ =	swait.ge [sflag:s19], $0x640  }
0x115: {  	[sflag:s19] =	ssyncset.done $0x0  }
0x116: {  	[sflag:s19] =	ssyncadd.s32 $0xFFFFF9C0  }
0x117: {  	_ =	sfence.sel $0x180000  }
0x118: {  	[bflag:$0x0] =	sbarrier.arrive $0xFFFF  }
0x119: {  	_ =	strace $0x9000004A  }
0x11a: {  	s0 =	stileid.u32;
	[bflag:$0x2] =	sbarrier.arrive $0xFFFF  }
0x11b: {  	p0 =	sne.s32 s0, $0x0;
	s0 =	rddreg [dreg:$0x1]  }
0x11c: {  	s0 =	sadd.s32 @!p0 $0x100000, s0  }
0x11d: {  	[sflag:s0] =	ssyncadd.tile.s32 @!p0 $0x1;
	_ =	shalt  }
.Lfunc_end2:
_tile_overlayer_lowered:
.L_overlay_start_2:
0x11e: {  	(tag) =	ssettag $0x2  }
0x11f: {  	s0 =	rddreg [dreg:$0x0];
	s2 =	stileid.u32  }
0x120: {  	s1 =	rddreg [dreg:$0x1];
	p0 =	sne.s32 s2, $0x0  }
0x121: {  	s3 =	rddreg [dreg:$0x2];
	[bflag:$0x3] =	sbarrier.arrive $0xFFFF;
	s2 =	simm.s32 @!p0 $0x1C05  }
0x122: {  	[timem:s3], [sflag:s2] =	dma.local @!p0 [hbm:s0], s1  }
0x123: {  	s0 =	simm.s32 @!p0 $0x5  }
0x124: {  	_ =	swait.ge @!p0 [sflag:s0], s1  }
0x125: {  	s1 =	ssub.s32 @!p0 $0x0, s1;
	[sflag:s0] =	ssyncset.done @!p0 $0x0  }
0x126: {  	[sflag:s0] =	ssyncadd.s32 @!p0 s1  }
0x127: {  	[bflag:$0x3] =	sbarrier.arrive $0xFFFF  }
0x128: {  	_ =	shalt  }

// kernel: _run.15.cloned.1.call-start
scs
__scs_entry_jumppad:
0x0: {  	(pc) =	sbr.rel $0x88, $3  }
0x1: {  	(tag) =	ssettag $0x0;
	lr =	simm.s32 $0x1  }
0x2: {  	[smem:$0x3F9F] =	sst lr;
	_ =	strace $0xD0000000  }
0x3: {  	_ = 	snop  }
0x4: {  	_ = 	snop  }
0x5: {  	_ = 	snop  }
0x6: {  	_ = 	snop  }
0x7: {  	_ = 	snop  }
__scs_overlays_trampoline_lowered:
0x8: {  	[smem:$0x3FAE] =	sst s0  }
0x9: {  	[smem:$0x3FAF] =	sst s1  }
0xa: {  	[smem:$0x3FB0] =	sst s2  }
0xb: {  	[smem:$0x3FB1] =	sst s3  }
0xc: {  	[smem:$0x3FB2] =	sst s4  }
0xd: {  	[smem:$0x3FB3] =	sst s5  }
0xe: {  	[smem:$0x3FB4] =	sst s6  }
0xf: {  	[smem:$0x3FB5] =	sst s7  }
0x10: {  	[smem:$0x3FB6] =	sst s8  }
0x11: {  	[smem:$0x3FB7] =	sst s9;
	s0 =	simm.s32 @!p0 $0x0  }
0x12: {  	s1 =	sld [smem:$0x3F9D];
	s0 =	simm.s32 @p0 $0x1  }
0x13: {  	[smem:$0x3FB8] =	sst s0;
	s0 =	simm.s32 @!p1 $0x0  }
0x14: {  	s2 =	sld [smem:$0x3F9C];
	s0 =	simm.s32 @p1 $0x1  }
0x15: {  	[smem:$0x3FB9] =	sst s0;
	s0 =	simm.s32 @!p2 $0x0  }
0x16: {  	s3 =	sld [smem:$0x3FDB];
	s0 =	simm.s32 @p2 $0x1  }
0x17: {  	s4 =	simm.s32 $0x1BF5;
	[smem:$0x3FBB] =	sst s0  }
0x18: {  	s0 =	sld [smem:$0x3F9E];
	_ =	swait.ge [sflag:s4], $0x0  }
0x19: {  	s7 =	sld [smem:$0x3F9F]  }
0x1a: {  	s8 =	sadd.s32 $0xFFFFE003, lr  }
0x1b: {  	s9 =	sadd.s32 $0xFFFFFEF7, lr;
	s5 =	simm.s32 $0xFFFFFFFF;
	p2 =	slt.u32 s8, $0xFFFFF086  }
0x1c: {  	p1 =	slt.u32 s9, $0xF7A;
	s5 =	simm.s32 @!p2 $0x0  }
0x1d: {  	s5 =	simm.s32 @p1 $0x1;
	p0 =	seq.s32 s7, s2  }
0x1e: {  	s7 =	smul.u32 @!p0 $0xF7A, s2;
	p2 =	seq.s32 @!p0 s5, $0x0  }
0x1f: {  	s9 =	smul.u32 $0xF7A, s1;
	s8 =	simm.s32 @!p0 $0x1BF5;
	p2 =	por !p2, p0  }
0x20: {  	[sflag:s8] =	ssyncset.s32 @!p0 $0xFFFFF086;
	s6 =	sadd.s32 @!p0 s3, s7;
	s7 =	simm.s32 @!p0 $0x108  }
0x21: {  	s3 =	sadd.s32 s3, s9;
	s6 =	sadd.s32 @!p0 $0x88, s6;
	s7 =	simm.s32 @p2 $0x1082  }
0x22: {  	[simem:s7], [sflag:s8] =	dma.local @!p0 [hbm:s6], $0xF7A  }
0x23: {  	s9 =	sor.u32 $0xD0000000, s2;
	s6 =	simm.s32 $0x108;
	_ =	swait.ge @!p0 [sflag:s8], $0x0  }
0x24: {  	s3 =	sadd.s32 $0x88, s3;
	s6 =	simm.s32 @!p1 $0x1082;
	[sflag:s4] =	ssyncset.s32 $0xFFFFF086  }
0x25: {  	[simem:s6], [sflag:s4] =	dma.local [hbm:s3], $0xF7A  }
0x26: {  	[smem:$0x3F9F] =	sst s1;
	(tag) =	ssettag s2;
	_ =	strace s9  }
0x27: {  	s1 =	sld [smem:$0x3FAF]  }
0x28: {  	s2 =	sld [smem:$0x3FB0]  }
0x29: {  	s4 =	sld [smem:$0x3FB2]  }
0x2a: {  	p0 =	seq.s32 s5, $0x0;
	s5 =	sld [smem:$0x3FB3]  }
0x2b: {  	s6 =	sld [smem:$0x3FB4]  }
0x2c: {  	s7 =	sld [smem:$0x3FB5]  }
0x2d: {  	s3 =	simm.s32 $0x108;
	s8 =	sld [smem:$0x3FB6]  }
0x2e: {  	s3 =	simm.s32 @!p0 $0x1082;
	s9 =	sld [smem:$0x3FB7]  }
0x2f: {  	lr =	sadd.s32 s0, s3;
	s0 =	sld [smem:$0x3FAE]  }
0x30: {  	s3 =	sld [smem:$0x3FB1]  }
0x31: {  	[smem:$0x3FBA] =	sst s10  }
0x32: {  	s10 =	sld [smem:$0x3FB8];
	_ =	sdelay $0x3  }
0x33: {  	p0 =	seq.s32 s10, $0x1;
	s10 =	sld [smem:$0x3FBA];
	_ =	sdelay $0x3  }
0x34: {  	[smem:$0x3FBA] =	sst s10  }
0x35: {  	s10 =	sld [smem:$0x3FB9];
	_ =	sdelay $0x3  }
0x36: {  	p1 =	seq.s32 s10, $0x1;
	s10 =	sld [smem:$0x3FBA];
	_ =	sdelay $0x3  }
0x37: {  	[smem:$0x3FBA] =	sst s10  }
0x38: {  	s10 =	sld [smem:$0x3FBB]  }
0x39: {  	_ = 	snop;
	(pc) =	sbr.ind lr, $3  }
0x3a: {  	_ = 	snop  }
0x3b: {  	_ = 	snop  }
0x3c: {  	p2 =	seq.s32 s10, $0x1;
	s10 =	sld [smem:$0x3FBA]  }
0x3d: {  	_ =	shalt  }
0x3e: {  	_ =	shalt  }
0x3f: {  	_ =	shalt  }
0x40: {  	_ =	shalt  }
0x41: {  	_ =	shalt  }
0x42: {  	_ =	shalt  }
0x43: {  	_ =	shalt  }
0x44: {  	_ =	shalt  }
0x45: {  	_ =	shalt  }
0x46: {  	_ =	shalt  }
0x47: {  	_ =	shalt  }
0x48: {  	_ =	shalt  }
0x49: {  	_ =	shalt  }
0x4a: {  	_ =	shalt  }
0x4b: {  	_ =	shalt  }
0x4c: {  	_ =	shalt  }
0x4d: {  	_ =	shalt  }
0x4e: {  	_ =	shalt  }
0x4f: {  	_ =	shalt  }
0x50: {  	_ =	shalt  }
0x51: {  	_ =	shalt  }
0x52: {  	_ =	shalt  }
0x53: {  	_ =	shalt  }
0x54: {  	_ =	shalt  }
0x55: {  	_ =	shalt  }
0x56: {  	_ =	shalt  }
0x57: {  	_ =	shalt  }
0x58: {  	_ =	shalt  }
0x59: {  	_ =	shalt  }
0x5a: {  	_ =	shalt  }
0x5b: {  	_ =	shalt  }
0x5c: {  	_ =	shalt  }
0x5d: {  	_ =	shalt  }
0x5e: {  	_ =	shalt  }
0x5f: {  	_ =	shalt  }
0x60: {  	_ =	shalt  }
0x61: {  	_ =	shalt  }
0x62: {  	_ =	shalt  }
0x63: {  	_ =	shalt  }
0x64: {  	_ =	shalt  }
0x65: {  	_ =	shalt  }
0x66: {  	_ =	shalt  }
0x67: {  	_ =	shalt  }
0x68: {  	_ =	shalt  }
0x69: {  	_ =	shalt  }
0x6a: {  	_ =	shalt  }
0x6b: {  	_ =	shalt  }
0x6c: {  	_ =	shalt  }
0x6d: {  	_ =	shalt  }
0x6e: {  	_ =	shalt  }
0x6f: {  	_ =	shalt  }
0x70: {  	_ =	shalt  }
0x71: {  	_ =	shalt  }
0x72: {  	_ =	shalt  }
0x73: {  	_ =	shalt  }
0x74: {  	_ =	shalt  }
0x75: {  	_ =	shalt  }
0x76: {  	_ =	shalt  }
0x77: {  	_ =	shalt  }
0x78: {  	_ =	shalt  }
0x79: {  	_ =	shalt  }
0x7a: {  	_ =	shalt  }
0x7b: {  	_ =	shalt  }
0x7c: {  	_ =	shalt  }
0x7d: {  	_ =	shalt  }
0x7e: {  	_ =	shalt  }
0x7f: {  	_ =	shalt  }
0x80: {  	_ =	shalt  }
0x81: {  	_ =	shalt  }
0x82: {  	_ =	shalt  }
0x83: {  	_ =	shalt  }
0x84: {  	_ =	shalt  }
0x85: {  	_ =	shalt  }
0x86: {  	_ =	shalt  }
0x87: {  	_ =	shalt  }
.Lfunc_end0:
.L_simem_size_0:
called_computation.3_lowered:
.L_overlay_start_0:
0x88: {  	s2 =	sld [smem:$0x3FD9]  }
0x89: {  	s3 =	sld [smem:$0x3FFE];
	_ =	sdelay $0x1  }
0x8a: {  	s1 =	srdreg.scid  }
0x8b: {  	s0 =	sand.u32 $0x1, s1  }
0x8c: {  	s17 =	sshll.u32 s0, $0xA;
	s2 =	sadd.s32 s3, s2  }
0x8d: {  	s2 =	sadd.s32 s2, s17  }
0x8e: {  	[smem:$0x3FC6] =	sst s2  }
0x8f: {  	_ = 	snop  }
0x90: {  	(tm) =	ssettm $0x1  }
0x91: {  	s18 =	sld [smem:$0x3FFB];
	_ =	sdelay $0x3  }
0x92: {  	_ =	strace s18  }
0x93: {  	s2 =	sld [smem:$0x3FFC];
	_ =	sdelay $0x3  }
0x94: {  	_ =	strace s2  }
0x95: {  	s2 =	sld [smem:$0x3FFD];
	_ =	sdelay $0x3  }
0x96: {  	_ =	strace s2  }
0x97: {  	_ =	strace $0x8FFFFFFF  }
0x98: {  	s19 =	sld [smem:$0x3FDB];
	_ =	sdelay $0x1  }
0x99: {  	s20 =	simm.s32 $_scs_section_size  }
0x9a: {  	s4 =	simm.s32 $_size__tile_overlayer_lowered;
	s5 =	simm.s32 $_tile_overlayer_lowered  }
0x9b: {  	s6 =	simm.s32 $0x1BFF;
	s21 =	sshll.u32 s5, $0x1;
	s3 =	sadd.s32 s20, s19  }
0x9c: {  	s22 =	simm.s32 $0x0;
	s4 =	sshll.u32 s4, $0x1;
	s5 =	sadd.s32 s21, s3  }
0x9d: {  	[timem:s22], [sflag:s6] =	dma.local [hbm:s5], s4  }
0x9e: {  	_ =	swait.ge [sflag:s6], s4  }
0x9f: {  	s4 =	ssub.s32 $0x0, s4;
	[sflag:s6] =	ssyncset.done $0x0  }
0xa0: {  	[sflag:s6] =	ssyncadd.s32 s4;
	_ =	sdelay $0x1  }
0xa1: {  	s23 =	simm.s32 $0x1B8B  }
0xa2: {  	_ =	swait.ge [sflag:s23], $0x1  }
0xa3: {  	[sflag:s23] =	ssyncset.done $0x0  }
0xa4: {  	[sflag:s23] =	ssyncadd.s32 $0xFFFFFFFF  }
0xa5: {  	s4 =	sld [smem:$0x0]  }
0xa6: {  	s5 =	sand.u32 $0xFFFFFFFE, s1  }
0xa7: {  	p0 =	sne.s32 s1, s5  }
0xa8: {  	s5 =	sshll.u32 @p0 s5, $0xE  }
0xa9: {  	s5 =	sadd.s32 @p0 $0x11B8D, s5;
	s6 =	sshll.u32 @p0 s4, $0x11  }
0xaa: {  	s5 =	sor.u32 @p0 s6, s5  }
0xab: {  	[sflag:s5] =	ssyncadd.remote.s32 @p0 $0x1;
	_ =	sdelay $0x1  }
0xac: {  	s5 =	simm.s32 @p0 $0x1B8D  }
0xad: {  	_ =	swait.eq @p0 [sflag:s5], $0x1  }
0xae: {  	[sflag:s5] =	ssyncadd.s32 @p0 $0xFFFFFFFF  }
0xaf: {  	s6 =	sshll.u32 @!p0 s1, $0xE  }
0xb0: {  	s6 =	sor.u32 @!p0 $0x4000, s6;
	s5 =	simm.s32 @!p0 $0x1B8D  }
0xb1: {  	s4 =	sshll.u32 @!p0 s4, $0x11;
	s6 =	sadd.s32 @!p0 $0x11B8D, s6;
	_ =	swait.eq @!p0 [sflag:s5], $0x1  }
0xb2: {  	s4 =	sor.u32 @!p0 s4, s6;
	[sflag:s5] =	ssyncadd.s32 @!p0 $0xFFFFFFFF  }
0xb3: {  	s25 =	simm.s32 $0x1B8E;
	s24 =	sld [smem:$0x3FFE];
	[sflag:s4] =	ssyncadd.remote.s32 @!p0 $0x1  }
0xb4: {  	s26 =	simm.s32 $execute0_lowered;
	[smem:$0x3FD2] =	sst s25  }
0xb5: {  	s5 =	sshll.u32 s26, $0x1;
	_ =	strace $0x8000004C;
	[dreg:$0x1] =	wrdreg $0xFFFFFFFF  }
0xb6: {  	s28 =	simm.s32 $_size_execute0_lowered;
	s3 =	sadd.s32 s3, s5;
	[dreg:$0x0] =	wrdreg $0x0  }
0xb7: {  	s5 =	sshll.u32 s28, $0x1;
	[dreg:$0x2] =	wrdreg s3  }
0xb8: {  	[dreg:$0x3] =	wrdreg s5  }
0xb9: {  	[dreg:$0x4] =	wrdreg $0xC0  }
0xba: {  	_ =	task [dreg:s22], $0x5FFFF  }
0xbb: {  	[dreg:$0x1] =	wrdreg $0xFFFFFFFF  }
0xbc: {  	[dreg:$0x0] =	wrdreg $0x60  }
0xbd: {  	[dreg:$0x2] =	wrdreg s24  }
0xbe: {  	[dreg:$0x3] =	wrdreg $0xC  }
0xbf: {  	_ =	task.clear_ibuf [dreg:s22], $0x4FFFF;
	_ =	strace $0x9000004C  }
0xc0: {  	s29 =	simm.s32 $0xC;
	_ =	strace $0x8000004E  }
0xc1: {  	_ =	swait.ge [sflag:s29], $0x1  }
0xc2: {  	[sflag:s29] =	ssyncadd.s32 $0xFFFFFFFF  }
0xc3: {  	_ =	strace $0x9000004E  }
0xc4: {  	_ =	sfence  }
0xc5: {  	s30 =	sld [smem:$0x0];
	_ =	sdelay $0x2  }
0xc6: {  	s31 =	sshll.u32 s1, $0xD;
	s1 =	sshrl.u32 s1, $0x2  }
0xc7: {  	s4 =	sand.u32 $0x4000, s31;
	s1 =	sadd.s32 s1, s30  }
0xc8: {  	s0 =	sor.u32 s4, s0;
	s1 =	sshll.u32 s1, $0x11  }
0xc9: {  	s0 =	sor.u32 s1, s0  }
0xca: {  	s0 =	sadd.s32 $0x8F2B, s0  }
0xcb: {  	[sflag:s0] =	ssyncadd.remote.s32 $0x1  }
0xcc: {  	_ =	sfence.sel $0xFFFF  }
0xcd: {  	[dreg:$0x0] =	wrdreg $0xFFFFFFFF;
	(pc) =	sbr.abs _section_cstart, $3  }
0xce: {  	[dreg:$0x1] =	wrdreg $0xFFFFFFFF  }
0xcf: {  	_ =	task.clear_ibuf [dreg:s22], $0x2FFFF;
	_ =	strace $0x9FFFFFFF  }
0xd0: {  	(tm) =	ssettm $0x7FFFFFFF  }
0xd1: {  	_ =	shalt  }
tec
execute0_lowered:
.L_overlay_start_1:
0x0: {  	(tag) =	ssettag $0x1  }
0x1: {  	s1 =	srdreg.scid  }
0x2: {  	s0 =	stileid.u32;
	s6 =	rddreg [dreg:$0x0]  }
0x3: {  	s2 =	simm.s32 $0x0;
	s4 =	sand.u32 $0x1, s1;
	s3 =	smul.u32 $0x64000, s0  }
0x4: {  	s7 =	sshll.u32 s0, $0x1;
	[smem:$0x7FF] =	sst s2;
	s5 =	smul.u32 $0x32000, s4  }
0x5: {  	s29 =	smul.u32 $0xC800, s0;
	s7 =	sor.u32 s4, s7;
	_ =	strace $0x8000004D  }
0x6: {  	s31 =	smul.u32 $0x6400, s4;
	s4 =	ssub.s32 $0x2, s4;
	s8 =	sadd.s32 s5, s3  }
0x7: {  	s15 =	smul.u32 $0x320, s7;
	s7 =	sadd.s32 $0xE4000, s6;
	s5 =	sadd.s32 $0x5DC0, s8  }
0x8: {  	s10 =	sadd.s32 $0x5780, s8;
	s19 =	sadd.s32 $0x5140, s8;
	s21 =	sadd.s32 $0x4B00, s8  }
0x9: {  	s22 =	sadd.s32 $0x44C0, s8;
	s25 =	sadd.s32 $0x3E80, s8;
	s28 =	sadd.s32 $0x3840, s8  }
0xa: {  	s11 =	sadd.s32 $0x2BC0, s8;
	s12 =	sor.u32 $0x1F40, s8;
	s13 =	sor.u32 $0x1900, s8  }
0xb: {  	s9 =	sshrl.u32 s5, $0x3;
	s5 =	sadd.s32 s15, s6;
	s17 =	sshrl.u32 s10, $0x3  }
0xc: {  	s20 =	sshrl.u32 s19, $0x3;
	s24 =	sshrl.u32 s22, $0x3;
	s26 =	sshrl.u32 s25, $0x3  }
0xd: {  	s30 =	sshrl.u32 s28, $0x3;
	s10 =	sadd.s32 s29, s7;
	s28 =	simm.s32 $0x3200  }
0xe: {  	s1 =	sshrl.u32 s11, $0x3;
	s29 =	simm.s32 $0x3840;
	[dreg:$0x14] =	wrdreg s28  }
0xf: {  	s15 =	sshrl.u32 s13, $0x3;
	s16 =	sadd.s32 s9, s7;
	[dreg:$0x15] =	wrdreg s29  }
0x10: {  	s19 =	sor.u32 $0xC80, s8;
	s18 =	sadd.s32 s17, s7;
	[dreg:$0x2] =	wrdreg s16  }
0x11: {  	s22 =	sshrl.u32 s4, $0x1;
	s3 =	sadd.s32 s20, s7;
	[dreg:$0x3] =	wrdreg s18  }
0x12: {  	s13 =	simm.s32 $0x5DC0;
	s0 =	sadd.s32 s31, s10;
	[dreg:$0x4] =	wrdreg s3  }
0x13: {  	s9 =	sshrl.u32 s21, $0x3;
	s25 =	sadd.s32 $0xF800, s5;
	[dreg:$0x9] =	wrdreg s0  }
0x14: {  	s10 =	sadd.s32 $0x2580, s8;
	s31 =	simm.s32 $0x44C0;
	[dreg:$0x19] =	wrdreg s25  }
0x15: {  	s17 =	sor.u32 $0x12C0, s8;
	s23 =	sadd.s32 s9, s7;
	[dreg:$0x17] =	wrdreg s31  }
0x16: {  	s8 =	sor.u32 $0x640, s8;
	s9 =	sadd.s32 s24, s7;
	[dreg:$0x5] =	wrdreg s23  }
0x17: {  	s3 =	sadd.s32 $0xF45400, s6;
	s6 =	sadd.s32 s26, s7;
	[dreg:$0x6] =	wrdreg s9  }
0x18: {  	s11 =	sshrl.u32 s10, $0x3;
	s16 =	sadd.s32 s15, s7;
	[dreg:$0x7] =	wrdreg s6  }
0x19: {  	s18 =	sshrl.u32 s17, $0x3;
	s24 =	simm.s32 $0x2580;
	[dreg:$0xd] =	wrdreg s16  }
0x1a: {  	s8 =	sshrl.u32 s8, $0x3;
	s26 =	simm.s32 $0x2BC0;
	[dreg:$0x12] =	wrdreg s24  }
0x1b: {  	s10 =	simm.s32 $0x4B00;
	s6 =	sadd.s32 s30, s7;
	[dreg:$0x13] =	wrdreg s26  }
0x1c: {  	s15 =	simm.s32 $0x6A40;
	s9 =	sadd.s32 s1, s7;
	[dreg:$0x8] =	wrdreg s6  }
0x1d: {  	s17 =	simm.s32 $0x76C0;
	s21 =	sadd.s32 s8, s7;
	[dreg:$0xa] =	wrdreg s9  }
0x1e: {  	s23 =	simm.s32 $0x1F40;
	s30 =	simm.s32 $0x3E80;
	[dreg:$0x10] =	wrdreg s21  }
0x1f: {  	s8 =	simm.s32 $0x1900;
	s16 =	simm.s32 $0x7080;
	[dreg:$0x11] =	wrdreg s23  }
0x20: {  	s6 =	sadd.s32 s11, s7;
	s9 =	sshrl.u32 s12, $0x3;
	[dreg:$0x16] =	wrdreg s30  }
0x21: {  	s12 =	simm.s32 $0x5140;
	s11 =	simm.s32 $0x2;
	[dreg:$0xb] =	wrdreg s6  }
0x22: {  	s14 =	sadd.s32 s9, s7;
	s6 =	sadd.s32 s18, s7;
	[dreg:$0x18] =	wrdreg s12  }
0x23: {  	s9 =	sshrl.u32 s19, $0x3;
	s12 =	simm.s32 $0x5780;
	[dreg:$0xc] =	wrdreg s14  }
0x24: {  	s18 =	simm.s32 $0x3;
	s19 =	simm.s32 $0x4;
	[dreg:$0xe] =	wrdreg s6  }
0x25: {  	s20 =	sadd.s32 s9, s7;
	s7 =	ssub.s32 s4, s22;
	s6 =	simm.s32 $0x5  }
0x26: {  	s9 =	simm.s32 $0x1;
	s14 =	simm.s32 $0x6400;
	[dreg:$0xf] =	wrdreg s20  }
0x27: {  	s5 =	smax.u32 s7, $0x1;
	s7 =	simm.s32 $0x190;
	s20 =	simm.s32 $0x0  }
.LBB2_1:
0x28: {  	s0 =	rddreg [dreg:$0x19]  }
0x29: {  	[tilespmem:s2], [sflag:$0x5] =	stream.linear.gather [hbm4b:s0+s2], $0x1900, $0x38;
	[tilespmem:$0x7D00] =	vst v63  }
0x2a: {  	_ =	swait.ge [sflag:s6], $0x1900  }
0x2b: {  	p0 =	por $0x1, $0x1;
	[sflag:s6] =	ssyncset.done $0x0  }
0x2c: {  	s21 =	simm.s32 @!p0 $0x3;
	[sflag:s6] =	ssyncadd.s32 $0xFFFFE700  }
0x2d: {  	_ =	swait.ge @!p0 [sflag:s21], $0x640  }
0x2e: {  	[sflag:s21] =	ssyncset.done @!p0 $0x0  }
0x2f: {  	[sflag:s21] =	ssyncadd.s32 @!p0 $0xFFFFF9C0  }
0x30: {  	_ =	swait.ge @!p0 [sflag:s21], $0x640  }
0x31: {  	[sflag:s21] =	ssyncset.done @!p0 $0x0  }
0x32: {  	[sflag:s21] =	ssyncadd.s32 @!p0 $0xFFFFF9C0  }
0x33: {  	_ =	swait.ge @!p0 [sflag:s21], $0x640  }
0x34: {  	[sflag:s21] =	ssyncset.done @!p0 $0x0  }
0x35: {  	[sflag:s21] =	ssyncadd.s32 @!p0 $0xFFFFF9C0  }
0x36: {  	_ =	swait.ge @!p0 [sflag:s21], $0x640  }
0x37: {  	[sflag:s21] =	ssyncset.done @!p0 $0x0  }
0x38: {  	[sflag:s21] =	ssyncadd.s32 @!p0 $0xFFFFF9C0  }
0x39: {  	_ =	swait.ge @!p0 [sflag:s21], $0x640  }
0x3a: {  	[sflag:s21] =	ssyncset.done @!p0 $0x0  }
0x3b: {  	[sflag:s21] =	ssyncadd.s32 @!p0 $0xFFFFF9C0  }
0x3c: {  	_ =	swait.ge @!p0 [sflag:s21], $0x640  }
0x3d: {  	[sflag:s21] =	ssyncset.done @!p0 $0x0  }
0x3e: {  	[sflag:s21] =	ssyncadd.s32 @!p0 $0xFFFFF9C0  }
0x3f: {  	_ =	swait.ge @!p0 [sflag:s21], $0x640  }
0x40: {  	[sflag:s21] =	ssyncset.done @!p0 $0x0  }
0x41: {  	[sflag:s21] =	ssyncadd.s32 @!p0 $0xFFFFF9C0  }
0x42: {  	_ =	swait.ge @!p0 [sflag:s21], $0x640  }
0x43: {  	[sflag:s21] =	ssyncset.done @!p0 $0x0  }
0x44: {  	s26 =	simm.s32 $0x0;
	[sflag:s21] =	ssyncadd.s32 @!p0 $0xFFFFF9C0  }
0x45: {  	[tilespmem:s8], [sflag:$0x1] =	stream.indirect.gather [hbm4b:s3+s7], $0x20, s26, s7, $0xb8;
	[tilespmem:$0x7D00] =	vst v63  }
0x46: {  	_ =	swait.ge [sflag:s9], $0x3200  }
0x47: {  	s21 =	rddreg [dreg:$0xa]  }
0x48: {  	s22 =	rddreg [dreg:$0xb]  }
0x49: {  	s23 =	rddreg [dreg:$0xc]  }
0x4a: {  	s24 =	rddreg [dreg:$0x10]  }
0x4b: {  	s25 =	rddreg [dreg:$0xf]  }
0x4c: {  	s26 =	rddreg [dreg:$0x9]  }
0x4d: {  	s28 =	rddreg [dreg:$0x11];
	[sflag:s9] =	ssyncset.done $0x0  }
0x4e: {  	s29 =	rddreg [dreg:$0xe];
	[sflag:s9] =	ssyncadd.s32 $0xFFFFCE00;
	s26 =	sadd.s32 $0x0, s26  }
0x4f: {  	[hbm4b:s26+s2] =	stream.linear.scatter [tilespmem:s8], [sflag:$0x3], $0x640, $0x38;
	[tilespmem:$0x7D00] =	vst v63  }
0x50: {  	s30 =	rddreg [dreg:$0xd];
	s24 =	sadd.s32 $0x0, s24  }
0x51: {  	[hbm4b:s24+s2] =	stream.linear.scatter [tilespmem:s28], [sflag:$0x3], $0x640, $0x38;
	[tilespmem:$0x7D00] =	vst v63  }
0x52: {  	s31 =	rddreg [dreg:$0x12];
	s28 =	sadd.s32 $0x0, s25  }
0x53: {  	[hbm4b:s28+s2] =	stream.linear.scatter [tilespmem:s31], [sflag:$0x3], $0x640, $0x38;
	[tilespmem:$0x7D00] =	vst v63  }
0x54: {  	s0 =	rddreg [dreg:$0x13];
	s1 =	sadd.s32 $0x0, s29  }
0x55: {  	[hbm4b:s1+s2] =	stream.linear.scatter [tilespmem:s0], [sflag:$0x3], $0x640, $0x38;
	[tilespmem:$0x7D00] =	vst v63  }
0x56: {  	s4 =	rddreg [dreg:$0x14];
	s29 =	sadd.s32 $0x0, s30  }
0x57: {  	[hbm4b:s29+s2] =	stream.linear.scatter [tilespmem:s4], [sflag:$0x3], $0x640, $0x38;
	[tilespmem:$0x7D00] =	vst v63  }
0x58: {  	s30 =	rddreg [dreg:$0x15];
	s23 =	sadd.s32 $0x0, s23  }
0x59: {  	[hbm4b:s23+s2] =	stream.linear.scatter [tilespmem:s30], [sflag:$0x3], $0x640, $0x38;
	[tilespmem:$0x7D00] =	vst v63  }
0x5a: {  	s22 =	sadd.s32 $0x0, s22;
	s31 =	rddreg [dreg:$0x16]  }
0x5b: {  	[hbm4b:s22+s2] =	stream.linear.scatter [tilespmem:s31], [sflag:$0x3], $0x640, $0x38;
	[tilespmem:$0x7D00] =	vst v63  }
0x5c: {  	s21 =	sadd.s32 $0x0, s21;
	s0 =	rddreg [dreg:$0x17];
	s22 =	simm.s32 @!p0 $0x4  }
0x5d: {  	[hbm4b:s21+s2] =	stream.linear.scatter [tilespmem:s0], [sflag:$0x3], $0x640, $0x38;
	[tilespmem:$0x7D00] =	vst v63  }
0x5e: {  	_ =	swait.ge @!p0 [sflag:s22], $0x640  }
0x5f: {  	[sflag:s22] =	ssyncset.done @!p0 $0x0  }
0x60: {  	[sflag:s22] =	ssyncadd.s32 @!p0 $0xFFFFF9C0  }
0x61: {  	_ =	swait.ge @!p0 [sflag:s22], $0x640  }
0x62: {  	[sflag:s22] =	ssyncset.done @!p0 $0x0  }
0x63: {  	[sflag:s22] =	ssyncadd.s32 @!p0 $0xFFFFF9C0  }
0x64: {  	_ =	swait.ge @!p0 [sflag:s22], $0x640  }
0x65: {  	[sflag:s22] =	ssyncset.done @!p0 $0x0  }
0x66: {  	[sflag:s22] =	ssyncadd.s32 @!p0 $0xFFFFF9C0  }
0x67: {  	_ =	swait.ge @!p0 [sflag:s22], $0x640  }
0x68: {  	[sflag:s22] =	ssyncset.done @!p0 $0x0  }
0x69: {  	[sflag:s22] =	ssyncadd.s32 @!p0 $0xFFFFF9C0  }
0x6a: {  	_ =	swait.ge @!p0 [sflag:s22], $0x640  }
0x6b: {  	[sflag:s22] =	ssyncset.done @!p0 $0x0  }
0x6c: {  	[sflag:s22] =	ssyncadd.s32 @!p0 $0xFFFFF9C0  }
0x6d: {  	_ =	swait.ge @!p0 [sflag:s22], $0x640  }
0x6e: {  	[sflag:s22] =	ssyncset.done @!p0 $0x0  }
0x6f: {  	[sflag:s22] =	ssyncadd.s32 @!p0 $0xFFFFF9C0  }
0x70: {  	_ =	swait.ge @!p0 [sflag:s22], $0x640  }
0x71: {  	[sflag:s22] =	ssyncset.done @!p0 $0x0  }
0x72: {  	[sflag:s22] =	ssyncadd.s32 @!p0 $0xFFFFF9C0  }
0x73: {  	_ =	swait.ge @!p0 [sflag:s22], $0x640  }
0x74: {  	[sflag:s22] =	ssyncset.done @!p0 $0x0  }
0x75: {  	s1 =	simm.s32 $0x190;
	[sflag:s22] =	ssyncadd.s32 @!p0 $0xFFFFF9C0  }
0x76: {  	[tilespmem:s10], [sflag:$0x2] =	stream.indirect.gather [hbm4b:s3+s7], $0x20, s1, s7, $0xb8;
	[tilespmem:$0x7D00] =	vst v63  }
0x77: {  	_ =	swait.ge [sflag:s11], $0x3200  }
0x78: {  	s4 =	rddreg [dreg:$0x18]  }
0x79: {  	s25 =	rddreg [dreg:$0x8]  }
0x7a: {  	s24 =	sadd.s32 $0x640, s26;
	[sflag:s11] =	ssyncset.done $0x0;
	s26 =	rddreg [dreg:$0x7]  }
0x7b: {  	s28 =	rddreg [dreg:$0x6];
	[sflag:s11] =	ssyncadd.s32 $0xFFFFCE00  }
0x7c: {  	[hbm4b:s24+s2] =	stream.linear.scatter [tilespmem:s10], [sflag:$0x4], $0x640, $0x38;
	[tilespmem:$0x7D00] =	vst v63  }
0x7d: {  	s21 =	simm.s32 $0x0;
	s30 =	rddreg [dreg:$0x5];
	s23 =	sadd.s32 $0x0, s25  }
0x7e: {  	[hbm4b:s23+s2] =	stream.linear.scatter [tilespmem:s4], [sflag:$0x4], $0x640, $0x38;
	[tilespmem:$0x7D00] =	vst v63  }
0x7f: {  	s22 =	simm.s32 $0xC80;
	s29 =	sadd.s32 $0x0, s26;
	s24 =	rddreg [dreg:$0x4]  }
0x80: {  	[hbm4b:s29+s2] =	stream.linear.scatter [tilespmem:s12], [sflag:$0x4], $0x640, $0x38;
	[tilespmem:$0x7D00] =	vst v63  }
0x81: {  	s31 =	sadd.s32 $0x0, s28;
	s25 =	sadd.s32 $0x0, s30;
	s23 =	rddreg [dreg:$0x3]  }
0x82: {  	[hbm4b:s31+s2] =	stream.linear.scatter [tilespmem:s13], [sflag:$0x4], $0x640, $0x38;
	[tilespmem:$0x7D00] =	vst v63  }
.LBB2_2:
0x83: {  	[hbm4b:s25+s2] =	stream.linear.scatter [tilespmem:s14], [sflag:$0x4], $0x640, $0x38;
	[tilespmem:$0x7D00] =	vst v63  }
0x84: {  	s0 =	smov.u32 s22;
	s24 =	sadd.s32 s21, s24  }
0x85: {  	[hbm4b:s24+s2] =	stream.linear.scatter [tilespmem:s15], [sflag:$0x4], $0x640, $0x38;
	[tilespmem:$0x7D00] =	vst v63  }
0x86: {  	s26 =	rddreg [dreg:$0x2];
	s23 =	sadd.s32 s21, s23;
	p1 =	seq.s32 s0, $0x0  }
0x87: {  	[hbm4b:s23+s2] =	stream.linear.scatter [tilespmem:s16], [sflag:$0x4], $0x640, $0x38;
	[tilespmem:$0x7D00] =	vst v63  }
0x88: {  	s1 =	sadd.s32 s21, s26;
	s23 =	simm.s32 @!p1 $0x3  }
0x89: {  	[hbm4b:s1+s2] =	stream.linear.scatter [tilespmem:s17], [sflag:$0x4], $0x640, $0x38;
	[tilespmem:$0x7D00] =	vst v63  }
0x8a: {  	_ =	swait.ge @!p1 [sflag:s23], $0x640  }
0x8b: {  	[sflag:s23] =	ssyncset.done @!p1 $0x0  }
0x8c: {  	[sflag:s23] =	ssyncadd.s32 @!p1 $0xFFFFF9C0  }
0x8d: {  	_ =	swait.ge @!p1 [sflag:s23], $0x640  }
0x8e: {  	[sflag:s23] =	ssyncset.done @!p1 $0x0  }
0x8f: {  	[sflag:s23] =	ssyncadd.s32 @!p1 $0xFFFFF9C0  }
0x90: {  	_ =	swait.ge @!p1 [sflag:s23], $0x640  }
0x91: {  	[sflag:s23] =	ssyncset.done @!p1 $0x0  }
0x92: {  	[sflag:s23] =	ssyncadd.s32 @!p1 $0xFFFFF9C0  }
0x93: {  	_ =	swait.ge @!p1 [sflag:s23], $0x640  }
0x94: {  	[sflag:s23] =	ssyncset.done @!p1 $0x0  }
0x95: {  	[sflag:s23] =	ssyncadd.s32 @!p1 $0xFFFFF9C0  }
0x96: {  	_ =	swait.ge @!p1 [sflag:s23], $0x640  }
0x97: {  	[sflag:s23] =	ssyncset.done @!p1 $0x0  }
0x98: {  	[sflag:s23] =	ssyncadd.s32 @!p1 $0xFFFFF9C0  }
0x99: {  	_ =	swait.ge @!p1 [sflag:s23], $0x640  }
0x9a: {  	[sflag:s23] =	ssyncset.done @!p1 $0x0  }
0x9b: {  	[sflag:s23] =	ssyncadd.s32 @!p1 $0xFFFFF9C0  }
0x9c: {  	_ =	swait.ge @!p1 [sflag:s23], $0x640  }
0x9d: {  	[sflag:s23] =	ssyncset.done @!p1 $0x0  }
0x9e: {  	[sflag:s23] =	ssyncadd.s32 @!p1 $0xFFFFF9C0  }
0x9f: {  	_ =	swait.ge @!p1 [sflag:s23], $0x640  }
0xa0: {  	s21 =	smov.u32 s0;
	[sflag:s23] =	ssyncset.done @!p1 $0x0  }
0xa1: {  	[sflag:s23] =	ssyncadd.s32 @!p1 $0xFFFFF9C0;
	s23 =	sshra.s32 s21, $0x2  }
0xa2: {  	[tilespmem:s8], [sflag:$0x1] =	stream.indirect.gather [hbm4b:s3+s7], $0x20, s23, s7, $0xb8;
	[tilespmem:$0x7D00] =	vst v63  }
0xa3: {  	_ =	swait.ge [sflag:s9], $0x3200  }
0xa4: {  	s25 =	rddreg [dreg:$0xa]  }
0xa5: {  	s26 =	rddreg [dreg:$0xb]  }
0xa6: {  	s28 =	rddreg [dreg:$0xc]  }
0xa7: {  	s29 =	rddreg [dreg:$0x10]  }
0xa8: {  	s30 =	rddreg [dreg:$0xf]  }
0xa9: {  	s4 =	rddreg [dreg:$0x9]  }
0xaa: {  	[sflag:s9] =	ssyncset.done $0x0;
	s31 =	rddreg [dreg:$0x11]  }
0xab: {  	s1 =	rddreg [dreg:$0xe];
	[sflag:s9] =	ssyncadd.s32 $0xFFFFCE00;
	s24 =	sadd.s32 s21, s4  }
0xac: {  	[hbm4b:s24+s2] =	stream.linear.scatter [tilespmem:s8], [sflag:$0x3], $0x640, $0x38;
	[tilespmem:$0x7D00] =	vst v63  }
0xad: {  	s0 =	rddreg [dreg:$0xd];
	s29 =	sadd.s32 s21, s29  }
0xae: {  	[hbm4b:s29+s2] =	stream.linear.scatter [tilespmem:s31], [sflag:$0x3], $0x640, $0x38;
	[tilespmem:$0x7D00] =	vst v63  }
0xaf: {  	s4 =	rddreg [dreg:$0x12];
	s29 =	sadd.s32 s21, s30  }
0xb0: {  	[hbm4b:s29+s2] =	stream.linear.scatter [tilespmem:s4], [sflag:$0x3], $0x640, $0x38;
	[tilespmem:$0x7D00] =	vst v63  }
0xb1: {  	s1 =	sadd.s32 s21, s1;
	s31 =	rddreg [dreg:$0x13]  }
0xb2: {  	[hbm4b:s1+s2] =	stream.linear.scatter [tilespmem:s31], [sflag:$0x3], $0x640, $0x38;
	[tilespmem:$0x7D00] =	vst v63  }
0xb3: {  	s0 =	sadd.s32 s21, s0;
	s29 =	rddreg [dreg:$0x14]  }
0xb4: {  	[hbm4b:s0+s2] =	stream.linear.scatter [tilespmem:s29], [sflag:$0x3], $0x640, $0x38;
	[tilespmem:$0x7D00] =	vst v63  }
0xb5: {  	s4 =	sadd.s32 s21, s28;
	s31 =	rddreg [dreg:$0x15]  }
0xb6: {  	[hbm4b:s4+s2] =	stream.linear.scatter [tilespmem:s31], [sflag:$0x3], $0x640, $0x38;
	[tilespmem:$0x7D00] =	vst v63  }
0xb7: {  	s28 =	rddreg [dreg:$0x16];
	s29 =	sadd.s32 s21, s26  }
0xb8: {  	[hbm4b:s29+s2] =	stream.linear.scatter [tilespmem:s28], [sflag:$0x3], $0x640, $0x38;
	[tilespmem:$0x7D00] =	vst v63  }
0xb9: {  	s30 =	rddreg [dreg:$0x17];
	s31 =	sadd.s32 s21, s25;
	s4 =	simm.s32 @!p1 $0x4  }
0xba: {  	[hbm4b:s31+s2] =	stream.linear.scatter [tilespmem:s30], [sflag:$0x3], $0x640, $0x38;
	[tilespmem:$0x7D00] =	vst v63  }
0xbb: {  	_ =	swait.ge @!p1 [sflag:s4], $0x640  }
0xbc: {  	[sflag:s4] =	ssyncset.done @!p1 $0x0  }
0xbd: {  	[sflag:s4] =	ssyncadd.s32 @!p1 $0xFFFFF9C0  }
0xbe: {  	_ =	swait.ge @!p1 [sflag:s4], $0x640  }
0xbf: {  	[sflag:s4] =	ssyncset.done @!p1 $0x0  }
0xc0: {  	[sflag:s4] =	ssyncadd.s32 @!p1 $0xFFFFF9C0  }
0xc1: {  	_ =	swait.ge @!p1 [sflag:s4], $0x640  }
0xc2: {  	[sflag:s4] =	ssyncset.done @!p1 $0x0  }
0xc3: {  	[sflag:s4] =	ssyncadd.s32 @!p1 $0xFFFFF9C0  }
0xc4: {  	_ =	swait.ge @!p1 [sflag:s4], $0x640  }
0xc5: {  	[sflag:s4] =	ssyncset.done @!p1 $0x0  }
0xc6: {  	[sflag:s4] =	ssyncadd.s32 @!p1 $0xFFFFF9C0  }
0xc7: {  	_ =	swait.ge @!p1 [sflag:s4], $0x640  }
0xc8: {  	[sflag:s4] =	ssyncset.done @!p1 $0x0  }
0xc9: {  	[sflag:s4] =	ssyncadd.s32 @!p1 $0xFFFFF9C0  }
0xca: {  	_ =	swait.ge @!p1 [sflag:s4], $0x640  }
0xcb: {  	[sflag:s4] =	ssyncset.done @!p1 $0x0  }
0xcc: {  	[sflag:s4] =	ssyncadd.s32 @!p1 $0xFFFFF9C0  }
0xcd: {  	_ =	swait.ge @!p1 [sflag:s4], $0x640  }
0xce: {  	[sflag:s4] =	ssyncset.done @!p1 $0x0  }
0xcf: {  	[sflag:s4] =	ssyncadd.s32 @!p1 $0xFFFFF9C0  }
0xd0: {  	_ =	swait.ge @!p1 [sflag:s4], $0x640  }
0xd1: {  	[sflag:s4] =	ssyncset.done @!p1 $0x0  }
0xd2: {  	[sflag:s4] =	ssyncadd.s32 @!p1 $0xFFFFF9C0;
	s4 =	sadd.s32 $0x190, s23  }
0xd3: {  	[tilespmem:s10], [sflag:$0x2] =	stream.indirect.gather [hbm4b:s3+s7], $0x20, s4, s7, $0xb8;
	[tilespmem:$0x7D00] =	vst v63  }
0xd4: {  	_ =	swait.ge [sflag:s11], $0x3200  }
0xd5: {  	s23 =	rddreg [dreg:$0x18]  }
0xd6: {  	s22 =	sadd.s32 $0xC80, s22;
	[sflag:s11] =	ssyncset.done $0x0;
	s25 =	rddreg [dreg:$0x8]  }
0xd7: {  	s24 =	sadd.s32 $0x640, s24;
	s26 =	rddreg [dreg:$0x7];
	[sflag:s11] =	ssyncadd.s32 $0xFFFFCE00  }
0xd8: {  	[hbm4b:s24+s2] =	stream.linear.scatter [tilespmem:s10], [sflag:$0x4], $0x640, $0x38;
	[tilespmem:$0x7D00] =	vst v63  }
0xd9: {  	p0 =	sne.s32 s22, $0x6400;
	s28 =	rddreg [dreg:$0x6];
	s4 =	sadd.s32 s21, s25  }
0xda: {  	[hbm4b:s4+s2] =	stream.linear.scatter [tilespmem:s23], [sflag:$0x4], $0x640, $0x38;
	[tilespmem:$0x7D00] =	vst v63  }
.Ltmp0:
0xdb: {  	s30 =	rddreg [dreg:$0x5];
	(pc) =	sbr.rel @p0 .LBB2_2-.Ltmp0, $4  }
0xdc: {  	s29 =	sadd.s32 s21, s26;
	s24 =	rddreg [dreg:$0x4]  }
0xdd: {  	[hbm4b:s29+s2] =	stream.linear.scatter [tilespmem:s12], [sflag:$0x4], $0x640, $0x38;
	[tilespmem:$0x7D00] =	vst v63  }
0xde: {  	s31 =	sadd.s32 s21, s28;
	s25 =	sadd.s32 s21, s30;
	s23 =	rddreg [dreg:$0x3]  }
0xdf: {  	[hbm4b:s31+s2] =	stream.linear.scatter [tilespmem:s13], [sflag:$0x4], $0x640, $0x38;
	[tilespmem:$0x7D00] =	vst v63  }
0xe0: {  	[hbm4b:s25+s2] =	stream.linear.scatter [tilespmem:s14], [sflag:$0x4], $0x640, $0x38;
	[tilespmem:$0x7D00] =	vst v63  }
0xe1: {  	s0 =	sadd.s32 s21, s24  }
0xe2: {  	[hbm4b:s0+s2] =	stream.linear.scatter [tilespmem:s15], [sflag:$0x4], $0x640, $0x38;
	[tilespmem:$0x7D00] =	vst v63  }
0xe3: {  	s1 =	rddreg [dreg:$0x2];
	s30 =	sadd.s32 s21, s23  }
0xe4: {  	[hbm4b:s30+s2] =	stream.linear.scatter [tilespmem:s16], [sflag:$0x4], $0x640, $0x38;
	[tilespmem:$0x7D00] =	vst v63  }
0xe5: {  	s31 =	sadd.s32 s21, s1  }
0xe6: {  	[hbm4b:s31+s2] =	stream.linear.scatter [tilespmem:s17], [sflag:$0x4], $0x640, $0x38;
	[tilespmem:$0x7D00] =	vst v63  }
0xe7: {  	_ =	swait.ge [sflag:s18], $0x640  }
0xe8: {  	[sflag:s18] =	ssyncset.done $0x0  }
0xe9: {  	[sflag:s18] =	ssyncadd.s32 $0xFFFFF9C0  }
0xea: {  	_ =	swait.ge [sflag:s18], $0x640  }
0xeb: {  	[sflag:s18] =	ssyncset.done $0x0  }
0xec: {  	[sflag:s18] =	ssyncadd.s32 $0xFFFFF9C0  }
0xed: {  	_ =	swait.ge [sflag:s18], $0x640  }
0xee: {  	[sflag:s18] =	ssyncset.done $0x0  }
0xef: {  	[sflag:s18] =	ssyncadd.s32 $0xFFFFF9C0  }
0xf0: {  	_ =	swait.ge [sflag:s18], $0x640  }
0xf1: {  	[sflag:s18] =	ssyncset.done $0x0  }
0xf2: {  	[sflag:s18] =	ssyncadd.s32 $0xFFFFF9C0  }
0xf3: {  	_ =	swait.ge [sflag:s18], $0x640  }
0xf4: {  	[sflag:s18] =	ssyncset.done $0x0  }
0xf5: {  	[sflag:s18] =	ssyncadd.s32 $0xFFFFF9C0  }
0xf6: {  	_ =	swait.ge [sflag:s18], $0x640  }
0xf7: {  	[sflag:s18] =	ssyncset.done $0x0  }
0xf8: {  	[sflag:s18] =	ssyncadd.s32 $0xFFFFF9C0  }
0xf9: {  	_ =	swait.ge [sflag:s18], $0x640  }
0xfa: {  	[sflag:s18] =	ssyncset.done $0x0  }
0xfb: {  	[sflag:s18] =	ssyncadd.s32 $0xFFFFF9C0  }
0xfc: {  	_ =	swait.ge [sflag:s18], $0x640  }
0xfd: {  	[sflag:s18] =	ssyncset.done $0x0  }
0xfe: {  	[sflag:s18] =	ssyncadd.s32 $0xFFFFF9C0  }
0xff: {  	_ =	swait.ge [sflag:s19], $0x640  }
0x100: {  	[sflag:s19] =	ssyncset.done $0x0  }
0x101: {  	[sflag:s19] =	ssyncadd.s32 $0xFFFFF9C0  }
0x102: {  	_ =	swait.ge [sflag:s19], $0x640  }
0x103: {  	[sflag:s19] =	ssyncset.done $0x0  }
0x104: {  	[sflag:s19] =	ssyncadd.s32 $0xFFFFF9C0  }
0x105: {  	_ =	swait.ge [sflag:s19], $0x640  }
0x106: {  	[sflag:s19] =	ssyncset.done $0x0  }
0x107: {  	[sflag:s19] =	ssyncadd.s32 $0xFFFFF9C0  }
0x108: {  	_ =	swait.ge [sflag:s19], $0x640  }
0x109: {  	[sflag:s19] =	ssyncset.done $0x0  }
0x10a: {  	[sflag:s19] =	ssyncadd.s32 $0xFFFFF9C0  }
0x10b: {  	_ =	swait.ge [sflag:s19], $0x640  }
0x10c: {  	[sflag:s19] =	ssyncset.done $0x0  }
0x10d: {  	[sflag:s19] =	ssyncadd.s32 $0xFFFFF9C0  }
0x10e: {  	_ =	swait.ge [sflag:s19], $0x640  }
0x10f: {  	[sflag:s19] =	ssyncset.done $0x0  }
0x110: {  	s20 =	sadd.s32 $0x1, s20;
	[sflag:s19] =	ssyncadd.s32 $0xFFFFF9C0  }
0x111: {  	p0 =	sne.s32 s20, s5;
	_ =	swait.ge [sflag:s19], $0x640  }
.Ltmp1:
0x112: {  	[sflag:s19] =	ssyncset.done $0x0;
	(pc) =	sbr.rel @p0 .LBB2_1-.Ltmp1, $4  }
0x113: {  	[sflag:s19] =	ssyncadd.s32 $0xFFFFF9C0  }
0x114: {  	_ =	swait.ge [sflag:s19], $0x640  }
0x115: {  	[sflag:s19] =	ssyncset.done $0x0  }
0x116: {  	[sflag:s19] =	ssyncadd.s32 $0xFFFFF9C0  }
0x117: {  	_ =	sfence.sel $0x180000  }
0x118: {  	[bflag:$0x0] =	sbarrier.arrive $0xFFFF  }
0x119: {  	_ =	strace $0x9000004D  }
0x11a: {  	s0 =	stileid.u32;
	[bflag:$0x2] =	sbarrier.arrive $0xFFFF  }
0x11b: {  	p0 =	sne.s32 s0, $0x0;
	s0 =	rddreg [dreg:$0x1]  }
0x11c: {  	s0 =	sadd.s32 @!p0 $0x100000, s0  }
0x11d: {  	[sflag:s0] =	ssyncadd.tile.s32 @!p0 $0x1;
	_ =	shalt  }
.Lfunc_end2:
_tile_overlayer_lowered:
.L_overlay_start_2:
0x11e: {  	(tag) =	ssettag $0x2  }
0x11f: {  	s0 =	rddreg [dreg:$0x0];
	s2 =	stileid.u32  }
0x120: {  	s1 =	rddreg [dreg:$0x1];
	p0 =	sne.s32 s2, $0x0  }
0x121: {  	s3 =	rddreg [dreg:$0x2];
	[bflag:$0x3] =	sbarrier.arrive $0xFFFF;
	s2 =	simm.s32 @!p0 $0x1C05  }
0x122: {  	[timem:s3], [sflag:s2] =	dma.local @!p0 [hbm:s0], s1  }
0x123: {  	s0 =	simm.s32 @!p0 $0x5  }
0x124: {  	_ =	swait.ge @!p0 [sflag:s0], s1  }
0x125: {  	s1 =	ssub.s32 @!p0 $0x0, s1;
	[sflag:s0] =	ssyncset.done @!p0 $0x0  }
0x126: {  	[sflag:s0] =	ssyncadd.s32 @!p0 s1  }
0x127: {  	[bflag:$0x3] =	sbarrier.arrive $0xFFFF  }
0x128: {  	_ =	shalt  }

// kernel: _run.6.cloned.1.call-start
scs
__scs_entry_jumppad:
0x0: {  	(pc) =	sbr.rel $0x88, $3  }
0x1: {  	(tag) =	ssettag $0x0;
	lr =	simm.s32 $0x1  }
0x2: {  	[smem:$0x3F9F] =	sst lr;
	_ =	strace $0xD0000000  }
0x3: {  	_ = 	snop  }
0x4: {  	_ = 	snop  }
0x5: {  	_ = 	snop  }
0x6: {  	_ = 	snop  }
0x7: {  	_ = 	snop  }
__scs_overlays_trampoline_lowered:
0x8: {  	[smem:$0x3FAE] =	sst s0  }
0x9: {  	[smem:$0x3FAF] =	sst s1  }
0xa: {  	[smem:$0x3FB0] =	sst s2  }
0xb: {  	[smem:$0x3FB1] =	sst s3  }
0xc: {  	[smem:$0x3FB2] =	sst s4  }
0xd: {  	[smem:$0x3FB3] =	sst s5  }
0xe: {  	[smem:$0x3FB4] =	sst s6  }
0xf: {  	[smem:$0x3FB5] =	sst s7  }
0x10: {  	[smem:$0x3FB6] =	sst s8  }
0x11: {  	[smem:$0x3FB7] =	sst s9;
	s0 =	simm.s32 @!p0 $0x0  }
0x12: {  	s1 =	sld [smem:$0x3F9D];
	s0 =	simm.s32 @p0 $0x1  }
0x13: {  	[smem:$0x3FB8] =	sst s0;
	s0 =	simm.s32 @!p1 $0x0  }
0x14: {  	s2 =	sld [smem:$0x3F9C];
	s0 =	simm.s32 @p1 $0x1  }
0x15: {  	[smem:$0x3FB9] =	sst s0;
	s0 =	simm.s32 @!p2 $0x0  }
0x16: {  	s3 =	sld [smem:$0x3FDB];
	s0 =	simm.s32 @p2 $0x1  }
0x17: {  	s4 =	simm.s32 $0x1BF5;
	[smem:$0x3FBB] =	sst s0  }
0x18: {  	s0 =	sld [smem:$0x3F9E];
	_ =	swait.ge [sflag:s4], $0x0  }
0x19: {  	s7 =	sld [smem:$0x3F9F]  }
0x1a: {  	s8 =	sadd.s32 $0xFFFFE003, lr  }
0x1b: {  	s9 =	sadd.s32 $0xFFFFFEF7, lr;
	s5 =	simm.s32 $0xFFFFFFFF;
	p2 =	slt.u32 s8, $0xFFFFF086  }
0x1c: {  	p1 =	slt.u32 s9, $0xF7A;
	s5 =	simm.s32 @!p2 $0x0  }
0x1d: {  	s5 =	simm.s32 @p1 $0x1;
	p0 =	seq.s32 s7, s2  }
0x1e: {  	s7 =	smul.u32 @!p0 $0xF7A, s2;
	p2 =	seq.s32 @!p0 s5, $0x0  }
0x1f: {  	s9 =	smul.u32 $0xF7A, s1;
	s8 =	simm.s32 @!p0 $0x1BF5;
	p2 =	por !p2, p0  }
0x20: {  	[sflag:s8] =	ssyncset.s32 @!p0 $0xFFFFF086;
	s6 =	sadd.s32 @!p0 s3, s7;
	s7 =	simm.s32 @!p0 $0x108  }
0x21: {  	s3 =	sadd.s32 s3, s9;
	s6 =	sadd.s32 @!p0 $0x88, s6;
	s7 =	simm.s32 @p2 $0x1082  }
0x22: {  	[simem:s7], [sflag:s8] =	dma.local @!p0 [hbm:s6], $0xF7A  }
0x23: {  	s9 =	sor.u32 $0xD0000000, s2;
	s6 =	simm.s32 $0x108;
	_ =	swait.ge @!p0 [sflag:s8], $0x0  }
0x24: {  	s3 =	sadd.s32 $0x88, s3;
	s6 =	simm.s32 @!p1 $0x1082;
	[sflag:s4] =	ssyncset.s32 $0xFFFFF086  }
0x25: {  	[simem:s6], [sflag:s4] =	dma.local [hbm:s3], $0xF7A  }
0x26: {  	[smem:$0x3F9F] =	sst s1;
	(tag) =	ssettag s2;
	_ =	strace s9  }
0x27: {  	s1 =	sld [smem:$0x3FAF]  }
0x28: {  	s2 =	sld [smem:$0x3FB0]  }
0x29: {  	s4 =	sld [smem:$0x3FB2]  }
0x2a: {  	p0 =	seq.s32 s5, $0x0;
	s5 =	sld [smem:$0x3FB3]  }
0x2b: {  	s6 =	sld [smem:$0x3FB4]  }
0x2c: {  	s7 =	sld [smem:$0x3FB5]  }
0x2d: {  	s3 =	simm.s32 $0x108;
	s8 =	sld [smem:$0x3FB6]  }
0x2e: {  	s3 =	simm.s32 @!p0 $0x1082;
	s9 =	sld [smem:$0x3FB7]  }
0x2f: {  	lr =	sadd.s32 s0, s3;
	s0 =	sld [smem:$0x3FAE]  }
0x30: {  	s3 =	sld [smem:$0x3FB1]  }
0x31: {  	[smem:$0x3FBA] =	sst s10  }
0x32: {  	s10 =	sld [smem:$0x3FB8];
	_ =	sdelay $0x3  }
0x33: {  	p0 =	seq.s32 s10, $0x1;
	s10 =	sld [smem:$0x3FBA];
	_ =	sdelay $0x3  }
0x34: {  	[smem:$0x3FBA] =	sst s10  }
0x35: {  	s10 =	sld [smem:$0x3FB9];
	_ =	sdelay $0x3  }
0x36: {  	p1 =	seq.s32 s10, $0x1;
	s10 =	sld [smem:$0x3FBA];
	_ =	sdelay $0x3  }
0x37: {  	[smem:$0x3FBA] =	sst s10  }
0x38: {  	s10 =	sld [smem:$0x3FBB]  }
0x39: {  	_ = 	snop;
	(pc) =	sbr.ind lr, $3  }
0x3a: {  	_ = 	snop  }
0x3b: {  	_ = 	snop  }
0x3c: {  	p2 =	seq.s32 s10, $0x1;
	s10 =	sld [smem:$0x3FBA]  }
0x3d: {  	_ =	shalt  }
0x3e: {  	_ =	shalt  }
0x3f: {  	_ =	shalt  }
0x40: {  	_ =	shalt  }
0x41: {  	_ =	shalt  }
0x42: {  	_ =	shalt  }
0x43: {  	_ =	shalt  }
0x44: {  	_ =	shalt  }
0x45: {  	_ =	shalt  }
0x46: {  	_ =	shalt  }
0x47: {  	_ =	shalt  }
0x48: {  	_ =	shalt  }
0x49: {  	_ =	shalt  }
0x4a: {  	_ =	shalt  }
0x4b: {  	_ =	shalt  }
0x4c: {  	_ =	shalt  }
0x4d: {  	_ =	shalt  }
0x4e: {  	_ =	shalt  }
0x4f: {  	_ =	shalt  }
0x50: {  	_ =	shalt  }
0x51: {  	_ =	shalt  }
0x52: {  	_ =	shalt  }
0x53: {  	_ =	shalt  }
0x54: {  	_ =	shalt  }
0x55: {  	_ =	shalt  }
0x56: {  	_ =	shalt  }
0x57: {  	_ =	shalt  }
0x58: {  	_ =	shalt  }
0x59: {  	_ =	shalt  }
0x5a: {  	_ =	shalt  }
0x5b: {  	_ =	shalt  }
0x5c: {  	_ =	shalt  }
0x5d: {  	_ =	shalt  }
0x5e: {  	_ =	shalt  }
0x5f: {  	_ =	shalt  }
0x60: {  	_ =	shalt  }
0x61: {  	_ =	shalt  }
0x62: {  	_ =	shalt  }
0x63: {  	_ =	shalt  }
0x64: {  	_ =	shalt  }
0x65: {  	_ =	shalt  }
0x66: {  	_ =	shalt  }
0x67: {  	_ =	shalt  }
0x68: {  	_ =	shalt  }
0x69: {  	_ =	shalt  }
0x6a: {  	_ =	shalt  }
0x6b: {  	_ =	shalt  }
0x6c: {  	_ =	shalt  }
0x6d: {  	_ =	shalt  }
0x6e: {  	_ =	shalt  }
0x6f: {  	_ =	shalt  }
0x70: {  	_ =	shalt  }
0x71: {  	_ =	shalt  }
0x72: {  	_ =	shalt  }
0x73: {  	_ =	shalt  }
0x74: {  	_ =	shalt  }
0x75: {  	_ =	shalt  }
0x76: {  	_ =	shalt  }
0x77: {  	_ =	shalt  }
0x78: {  	_ =	shalt  }
0x79: {  	_ =	shalt  }
0x7a: {  	_ =	shalt  }
0x7b: {  	_ =	shalt  }
0x7c: {  	_ =	shalt  }
0x7d: {  	_ =	shalt  }
0x7e: {  	_ =	shalt  }
0x7f: {  	_ =	shalt  }
0x80: {  	_ =	shalt  }
0x81: {  	_ =	shalt  }
0x82: {  	_ =	shalt  }
0x83: {  	_ =	shalt  }
0x84: {  	_ =	shalt  }
0x85: {  	_ =	shalt  }
0x86: {  	_ =	shalt  }
0x87: {  	_ =	shalt  }
.Lfunc_end0:
.L_simem_size_0:
called_computation_lowered:
.L_overlay_start_0:
0x88: {  	s2 =	sld [smem:$0x3FD9]  }
0x89: {  	s3 =	sld [smem:$0x3FFE];
	_ =	sdelay $0x1  }
0x8a: {  	s1 =	srdreg.scid  }
0x8b: {  	s0 =	sand.u32 $0x1, s1  }
0x8c: {  	s17 =	sshll.u32 s0, $0xA;
	s2 =	sadd.s32 s3, s2  }
0x8d: {  	s2 =	sadd.s32 s2, s17  }
0x8e: {  	[smem:$0x3FC6] =	sst s2  }
0x8f: {  	_ = 	snop  }
0x90: {  	(tm) =	ssettm $0x1  }
0x91: {  	s18 =	sld [smem:$0x3FFB];
	_ =	sdelay $0x3  }
0x92: {  	_ =	strace s18  }
0x93: {  	s2 =	sld [smem:$0x3FFC];
	_ =	sdelay $0x3  }
0x94: {  	_ =	strace s2  }
0x95: {  	s2 =	sld [smem:$0x3FFD];
	_ =	sdelay $0x3  }
0x96: {  	_ =	strace s2  }
0x97: {  	_ =	strace $0x8FFFFFFF  }
0x98: {  	s19 =	sld [smem:$0x3FDB];
	_ =	sdelay $0x1  }
0x99: {  	s20 =	simm.s32 $_scs_section_size  }
0x9a: {  	s4 =	simm.s32 $_size__tile_overlayer_lowered;
	s5 =	simm.s32 $_tile_overlayer_lowered  }
0x9b: {  	s6 =	simm.s32 $0x1BFF;
	s21 =	sshll.u32 s5, $0x1;
	s3 =	sadd.s32 s20, s19  }
0x9c: {  	s22 =	simm.s32 $0x0;
	s4 =	sshll.u32 s4, $0x1;
	s5 =	sadd.s32 s21, s3  }
0x9d: {  	[timem:s22], [sflag:s6] =	dma.local [hbm:s5], s4  }
0x9e: {  	_ =	swait.ge [sflag:s6], s4  }
0x9f: {  	s4 =	ssub.s32 $0x0, s4;
	[sflag:s6] =	ssyncset.done $0x0  }
0xa0: {  	[sflag:s6] =	ssyncadd.s32 s4;
	_ =	sdelay $0x1  }
0xa1: {  	s23 =	simm.s32 $0x1B8B  }
0xa2: {  	_ =	swait.ge [sflag:s23], $0x1  }
0xa3: {  	[sflag:s23] =	ssyncset.done $0x0  }
0xa4: {  	[sflag:s23] =	ssyncadd.s32 $0xFFFFFFFF  }
0xa5: {  	s4 =	sld [smem:$0x0]  }
0xa6: {  	s5 =	sand.u32 $0xFFFFFFFE, s1  }
0xa7: {  	p0 =	sne.s32 s1, s5  }
0xa8: {  	s5 =	sshll.u32 @p0 s5, $0xE  }
0xa9: {  	s5 =	sadd.s32 @p0 $0x11B8D, s5;
	s6 =	sshll.u32 @p0 s4, $0x11  }
0xaa: {  	s5 =	sor.u32 @p0 s6, s5  }
0xab: {  	[sflag:s5] =	ssyncadd.remote.s32 @p0 $0x1;
	_ =	sdelay $0x1  }
0xac: {  	s5 =	simm.s32 @p0 $0x1B8D  }
0xad: {  	_ =	swait.eq @p0 [sflag:s5], $0x1  }
0xae: {  	[sflag:s5] =	ssyncadd.s32 @p0 $0xFFFFFFFF  }
0xaf: {  	s6 =	sshll.u32 @!p0 s1, $0xE  }
0xb0: {  	s6 =	sor.u32 @!p0 $0x4000, s6;
	s5 =	simm.s32 @!p0 $0x1B8D  }
0xb1: {  	s4 =	sshll.u32 @!p0 s4, $0x11;
	s6 =	sadd.s32 @!p0 $0x11B8D, s6;
	_ =	swait.eq @!p0 [sflag:s5], $0x1  }
0xb2: {  	s4 =	sor.u32 @!p0 s4, s6;
	[sflag:s5] =	ssyncadd.s32 @!p0 $0xFFFFFFFF  }
0xb3: {  	s25 =	simm.s32 $0x1B8E;
	s24 =	sld [smem:$0x3FFE];
	[sflag:s4] =	ssyncadd.remote.s32 @!p0 $0x1  }
0xb4: {  	s26 =	simm.s32 $execute0_lowered;
	[smem:$0x3FD2] =	sst s25  }
0xb5: {  	s5 =	sshll.u32 s26, $0x1;
	_ =	strace $0x8000004F;
	[dreg:$0x1] =	wrdreg $0xFFFFFFFF  }
0xb6: {  	s28 =	simm.s32 $_size_execute0_lowered;
	s3 =	sadd.s32 s3, s5;
	[dreg:$0x0] =	wrdreg $0x0  }
0xb7: {  	s5 =	sshll.u32 s28, $0x1;
	[dreg:$0x2] =	wrdreg s3  }
0xb8: {  	[dreg:$0x3] =	wrdreg s5  }
0xb9: {  	[dreg:$0x4] =	wrdreg $0xC0  }
0xba: {  	_ =	task [dreg:s22], $0x5FFFF  }
0xbb: {  	[dreg:$0x1] =	wrdreg $0xFFFFFFFF  }
0xbc: {  	[dreg:$0x0] =	wrdreg $0x60  }
0xbd: {  	[dreg:$0x2] =	wrdreg s24  }
0xbe: {  	[dreg:$0x3] =	wrdreg $0x9  }
0xbf: {  	_ =	task.clear_ibuf [dreg:s22], $0x4FFFF;
	_ =	strace $0x9000004F  }
0xc0: {  	s29 =	simm.s32 $0x9;
	_ =	strace $0x80000051  }
0xc1: {  	_ =	swait.ge [sflag:s29], $0x1  }
0xc2: {  	[sflag:s29] =	ssyncadd.s32 $0xFFFFFFFF  }
0xc3: {  	_ =	strace $0x90000051  }
0xc4: {  	_ =	sfence  }
0xc5: {  	s30 =	sld [smem:$0x0];
	_ =	sdelay $0x2  }
0xc6: {  	s31 =	sshll.u32 s1, $0xD;
	s1 =	sshrl.u32 s1, $0x2  }
0xc7: {  	s4 =	sand.u32 $0x4000, s31;
	s1 =	sadd.s32 s1, s30  }
0xc8: {  	s0 =	sor.u32 s4, s0;
	s1 =	sshll.u32 s1, $0x11  }
0xc9: {  	s0 =	sor.u32 s1, s0  }
0xca: {  	s0 =	sadd.s32 $0x8F2B, s0  }
0xcb: {  	[sflag:s0] =	ssyncadd.remote.s32 $0x1  }
0xcc: {  	_ =	sfence.sel $0xFFFF  }
0xcd: {  	[dreg:$0x0] =	wrdreg $0xFFFFFFFF;
	(pc) =	sbr.abs _section_cstart, $3  }
0xce: {  	[dreg:$0x1] =	wrdreg $0xFFFFFFFF  }
0xcf: {  	_ =	task.clear_ibuf [dreg:s22], $0x2FFFF;
	_ =	strace $0x9FFFFFFF  }
0xd0: {  	(tm) =	ssettm $0x7FFFFFFF  }
0xd1: {  	_ =	shalt  }
tec
execute0_lowered:
.L_overlay_start_1:
0x0: {  	(tag) =	ssettag $0x1  }
0x1: {  	s1 =	srdreg.scid  }
0x2: {  	s0 =	stileid.u32;
	s6 =	rddreg [dreg:$0x0]  }
0x3: {  	s2 =	simm.s32 $0x0;
	s4 =	sand.u32 $0x1, s1;
	s3 =	smul.u32 $0x64000, s0  }
0x4: {  	s7 =	sshll.u32 s0, $0x1;
	[smem:$0x7FF] =	sst s2;
	s5 =	smul.u32 $0x32000, s4  }
0x5: {  	s29 =	smul.u32 $0xC800, s0;
	s7 =	sor.u32 s4, s7;
	_ =	strace $0x80000050  }
0x6: {  	s31 =	smul.u32 $0x6400, s4;
	s4 =	ssub.s32 $0x2, s4;
	s8 =	sadd.s32 s5, s3  }
0x7: {  	s15 =	smul.u32 $0x320, s7;
	s7 =	sadd.s32 $0x1AC000, s6;
	s5 =	sadd.s32 $0x5DC0, s8  }
0x8: {  	s10 =	sadd.s32 $0x5780, s8;
	s19 =	sadd.s32 $0x5140, s8;
	s21 =	sadd.s32 $0x4B00, s8  }
0x9: {  	s22 =	sadd.s32 $0x44C0, s8;
	s25 =	sadd.s32 $0x3E80, s8;
	s28 =	sadd.s32 $0x3840, s8  }
0xa: {  	s11 =	sadd.s32 $0x2BC0, s8;
	s12 =	sor.u32 $0x1F40, s8;
	s13 =	sor.u32 $0x1900, s8  }
0xb: {  	s9 =	sshrl.u32 s5, $0x3;
	s5 =	sadd.s32 s15, s6;
	s17 =	sshrl.u32 s10, $0x3  }
0xc: {  	s20 =	sshrl.u32 s19, $0x3;
	s24 =	sshrl.u32 s22, $0x3;
	s26 =	sshrl.u32 s25, $0x3  }
0xd: {  	s30 =	sshrl.u32 s28, $0x3;
	s10 =	sadd.s32 s29, s7;
	s28 =	simm.s32 $0x3200  }
0xe: {  	s1 =	sshrl.u32 s11, $0x3;
	s29 =	simm.s32 $0x3840;
	[dreg:$0x14] =	wrdreg s28  }
0xf: {  	s15 =	sshrl.u32 s13, $0x3;
	s16 =	sadd.s32 s9, s7;
	[dreg:$0x15] =	wrdreg s29  }
0x10: {  	s19 =	sor.u32 $0xC80, s8;
	s18 =	sadd.s32 s17, s7;
	[dreg:$0x2] =	wrdreg s16  }
0x11: {  	s22 =	sshrl.u32 s4, $0x1;
	s3 =	sadd.s32 s20, s7;
	[dreg:$0x3] =	wrdreg s18  }
0x12: {  	s13 =	simm.s32 $0x5DC0;
	s0 =	sadd.s32 s31, s10;
	[dreg:$0x4] =	wrdreg s3  }
0x13: {  	s9 =	sshrl.u32 s21, $0x3;
	s25 =	sadd.s32 $0x15C00, s5;
	[dreg:$0x9] =	wrdreg s0  }
0x14: {  	s10 =	sadd.s32 $0x2580, s8;
	s31 =	simm.s32 $0x44C0;
	[dreg:$0x19] =	wrdreg s25  }
0x15: {  	s17 =	sor.u32 $0x12C0, s8;
	s23 =	sadd.s32 s9, s7;
	[dreg:$0x17] =	wrdreg s31  }
0x16: {  	s8 =	sor.u32 $0x640, s8;
	s9 =	sadd.s32 s24, s7;
	[dreg:$0x5] =	wrdreg s23  }
0x17: {  	s3 =	sadd.s32 $0xF45400, s6;
	s6 =	sadd.s32 s26, s7;
	[dreg:$0x6] =	wrdreg s9  }
0x18: {  	s11 =	sshrl.u32 s10, $0x3;
	s16 =	sadd.s32 s15, s7;
	[dreg:$0x7] =	wrdreg s6  }
0x19: {  	s18 =	sshrl.u32 s17, $0x3;
	s24 =	simm.s32 $0x2580;
	[dreg:$0xd] =	wrdreg s16  }
0x1a: {  	s8 =	sshrl.u32 s8, $0x3;
	s26 =	simm.s32 $0x2BC0;
	[dreg:$0x12] =	wrdreg s24  }
0x1b: {  	s10 =	simm.s32 $0x4B00;
	s6 =	sadd.s32 s30, s7;
	[dreg:$0x13] =	wrdreg s26  }
0x1c: {  	s15 =	simm.s32 $0x6A40;
	s9 =	sadd.s32 s1, s7;
	[dreg:$0x8] =	wrdreg s6  }
0x1d: {  	s17 =	simm.s32 $0x76C0;
	s21 =	sadd.s32 s8, s7;
	[dreg:$0xa] =	wrdreg s9  }
0x1e: {  	s23 =	simm.s32 $0x1F40;
	s30 =	simm.s32 $0x3E80;
	[dreg:$0x10] =	wrdreg s21  }
0x1f: {  	s8 =	simm.s32 $0x1900;
	s16 =	simm.s32 $0x7080;
	[dreg:$0x11] =	wrdreg s23  }
0x20: {  	s6 =	sadd.s32 s11, s7;
	s9 =	sshrl.u32 s12, $0x3;
	[dreg:$0x16] =	wrdreg s30  }
0x21: {  	s12 =	simm.s32 $0x5140;
	s11 =	simm.s32 $0x2;
	[dreg:$0xb] =	wrdreg s6  }
0x22: {  	s14 =	sadd.s32 s9, s7;
	s6 =	sadd.s32 s18, s7;
	[dreg:$0x18] =	wrdreg s12  }
0x23: {  	s9 =	sshrl.u32 s19, $0x3;
	s12 =	simm.s32 $0x5780;
	[dreg:$0xc] =	wrdreg s14  }
0x24: {  	s18 =	simm.s32 $0x3;
	s19 =	simm.s32 $0x4;
	[dreg:$0xe] =	wrdreg s6  }
0x25: {  	s20 =	sadd.s32 s9, s7;
	s7 =	ssub.s32 s4, s22;
	s6 =	simm.s32 $0x5  }
0x26: {  	s9 =	simm.s32 $0x1;
	s14 =	simm.s32 $0x6400;
	[dreg:$0xf] =	wrdreg s20  }
0x27: {  	s5 =	smax.u32 s7, $0x1;
	s7 =	simm.s32 $0x190;
	s20 =	simm.s32 $0x0  }
.LBB2_1:
0x28: {  	s0 =	rddreg [dreg:$0x19]  }
0x29: {  	[tilespmem:s2], [sflag:$0x5] =	stream.linear.gather [hbm4b:s0+s2], $0x1900, $0x38;
	[tilespmem:$0x7D00] =	vst v63  }
0x2a: {  	_ =	swait.ge [sflag:s6], $0x1900  }
0x2b: {  	p0 =	por $0x1, $0x1;
	[sflag:s6] =	ssyncset.done $0x0  }
0x2c: {  	s21 =	simm.s32 @!p0 $0x3;
	[sflag:s6] =	ssyncadd.s32 $0xFFFFE700  }
0x2d: {  	_ =	swait.ge @!p0 [sflag:s21], $0x640  }
0x2e: {  	[sflag:s21] =	ssyncset.done @!p0 $0x0  }
0x2f: {  	[sflag:s21] =	ssyncadd.s32 @!p0 $0xFFFFF9C0  }
0x30: {  	_ =	swait.ge @!p0 [sflag:s21], $0x640  }
0x31: {  	[sflag:s21] =	ssyncset.done @!p0 $0x0  }
0x32: {  	[sflag:s21] =	ssyncadd.s32 @!p0 $0xFFFFF9C0  }
0x33: {  	_ =	swait.ge @!p0 [sflag:s21], $0x640  }
0x34: {  	[sflag:s21] =	ssyncset.done @!p0 $0x0  }
0x35: {  	[sflag:s21] =	ssyncadd.s32 @!p0 $0xFFFFF9C0  }
0x36: {  	_ =	swait.ge @!p0 [sflag:s21], $0x640  }
0x37: {  	[sflag:s21] =	ssyncset.done @!p0 $0x0  }
0x38: {  	[sflag:s21] =	ssyncadd.s32 @!p0 $0xFFFFF9C0  }
0x39: {  	_ =	swait.ge @!p0 [sflag:s21], $0x640  }
0x3a: {  	[sflag:s21] =	ssyncset.done @!p0 $0x0  }
0x3b: {  	[sflag:s21] =	ssyncadd.s32 @!p0 $0xFFFFF9C0  }
0x3c: {  	_ =	swait.ge @!p0 [sflag:s21], $0x640  }
0x3d: {  	[sflag:s21] =	ssyncset.done @!p0 $0x0  }
0x3e: {  	[sflag:s21] =	ssyncadd.s32 @!p0 $0xFFFFF9C0  }
0x3f: {  	_ =	swait.ge @!p0 [sflag:s21], $0x640  }
0x40: {  	[sflag:s21] =	ssyncset.done @!p0 $0x0  }
0x41: {  	[sflag:s21] =	ssyncadd.s32 @!p0 $0xFFFFF9C0  }
0x42: {  	_ =	swait.ge @!p0 [sflag:s21], $0x640  }
0x43: {  	[sflag:s21] =	ssyncset.done @!p0 $0x0  }
0x44: {  	s26 =	simm.s32 $0x0;
	[sflag:s21] =	ssyncadd.s32 @!p0 $0xFFFFF9C0  }
0x45: {  	[tilespmem:s8], [sflag:$0x1] =	stream.indirect.gather [hbm4b:s3+s7], $0x20, s26, s7, $0xb8;
	[tilespmem:$0x7D00] =	vst v63  }
0x46: {  	_ =	swait.ge [sflag:s9], $0x3200  }
0x47: {  	s21 =	rddreg [dreg:$0xa]  }
0x48: {  	s22 =	rddreg [dreg:$0xb]  }
0x49: {  	s23 =	rddreg [dreg:$0xc]  }
0x4a: {  	s24 =	rddreg [dreg:$0x10]  }
0x4b: {  	s25 =	rddreg [dreg:$0xf]  }
0x4c: {  	s26 =	rddreg [dreg:$0x9]  }
0x4d: {  	s28 =	rddreg [dreg:$0x11];
	[sflag:s9] =	ssyncset.done $0x0  }
0x4e: {  	s29 =	rddreg [dreg:$0xe];
	[sflag:s9] =	ssyncadd.s32 $0xFFFFCE00;
	s26 =	sadd.s32 $0x0, s26  }
0x4f: {  	[hbm4b:s26+s2] =	stream.linear.scatter [tilespmem:s8], [sflag:$0x3], $0x640, $0x38;
	[tilespmem:$0x7D00] =	vst v63  }
0x50: {  	s30 =	rddreg [dreg:$0xd];
	s24 =	sadd.s32 $0x0, s24  }
0x51: {  	[hbm4b:s24+s2] =	stream.linear.scatter [tilespmem:s28], [sflag:$0x3], $0x640, $0x38;
	[tilespmem:$0x7D00] =	vst v63  }
0x52: {  	s31 =	rddreg [dreg:$0x12];
	s28 =	sadd.s32 $0x0, s25  }
0x53: {  	[hbm4b:s28+s2] =	stream.linear.scatter [tilespmem:s31], [sflag:$0x3], $0x640, $0x38;
	[tilespmem:$0x7D00] =	vst v63  }
0x54: {  	s0 =	rddreg [dreg:$0x13];
	s1 =	sadd.s32 $0x0, s29  }
0x55: {  	[hbm4b:s1+s2] =	stream.linear.scatter [tilespmem:s0], [sflag:$0x3], $0x640, $0x38;
	[tilespmem:$0x7D00] =	vst v63  }
0x56: {  	s4 =	rddreg [dreg:$0x14];
	s29 =	sadd.s32 $0x0, s30  }
0x57: {  	[hbm4b:s29+s2] =	stream.linear.scatter [tilespmem:s4], [sflag:$0x3], $0x640, $0x38;
	[tilespmem:$0x7D00] =	vst v63  }
0x58: {  	s30 =	rddreg [dreg:$0x15];
	s23 =	sadd.s32 $0x0, s23  }
0x59: {  	[hbm4b:s23+s2] =	stream.linear.scatter [tilespmem:s30], [sflag:$0x3], $0x640, $0x38;
	[tilespmem:$0x7D00] =	vst v63  }
0x5a: {  	s22 =	sadd.s32 $0x0, s22;
	s31 =	rddreg [dreg:$0x16]  }
0x5b: {  	[hbm4b:s22+s2] =	stream.linear.scatter [tilespmem:s31], [sflag:$0x3], $0x640, $0x38;
	[tilespmem:$0x7D00] =	vst v63  }
0x5c: {  	s21 =	sadd.s32 $0x0, s21;
	s0 =	rddreg [dreg:$0x17];
	s22 =	simm.s32 @!p0 $0x4  }
0x5d: {  	[hbm4b:s21+s2] =	stream.linear.scatter [tilespmem:s0], [sflag:$0x3], $0x640, $0x38;
	[tilespmem:$0x7D00] =	vst v63  }
0x5e: {  	_ =	swait.ge @!p0 [sflag:s22], $0x640  }
0x5f: {  	[sflag:s22] =	ssyncset.done @!p0 $0x0  }
0x60: {  	[sflag:s22] =	ssyncadd.s32 @!p0 $0xFFFFF9C0  }
0x61: {  	_ =	swait.ge @!p0 [sflag:s22], $0x640  }
0x62: {  	[sflag:s22] =	ssyncset.done @!p0 $0x0  }
0x63: {  	[sflag:s22] =	ssyncadd.s32 @!p0 $0xFFFFF9C0  }
0x64: {  	_ =	swait.ge @!p0 [sflag:s22], $0x640  }
0x65: {  	[sflag:s22] =	ssyncset.done @!p0 $0x0  }
0x66: {  	[sflag:s22] =	ssyncadd.s32 @!p0 $0xFFFFF9C0  }
0x67: {  	_ =	swait.ge @!p0 [sflag:s22], $0x640  }
0x68: {  	[sflag:s22] =	ssyncset.done @!p0 $0x0  }
0x69: {  	[sflag:s22] =	ssyncadd.s32 @!p0 $0xFFFFF9C0  }
0x6a: {  	_ =	swait.ge @!p0 [sflag:s22], $0x640  }
0x6b: {  	[sflag:s22] =	ssyncset.done @!p0 $0x0  }
0x6c: {  	[sflag:s22] =	ssyncadd.s32 @!p0 $0xFFFFF9C0  }
0x6d: {  	_ =	swait.ge @!p0 [sflag:s22], $0x640  }
0x6e: {  	[sflag:s22] =	ssyncset.done @!p0 $0x0  }
0x6f: {  	[sflag:s22] =	ssyncadd.s32 @!p0 $0xFFFFF9C0  }
0x70: {  	_ =	swait.ge @!p0 [sflag:s22], $0x640  }
0x71: {  	[sflag:s22] =	ssyncset.done @!p0 $0x0  }
0x72: {  	[sflag:s22] =	ssyncadd.s32 @!p0 $0xFFFFF9C0  }
0x73: {  	_ =	swait.ge @!p0 [sflag:s22], $0x640  }
0x74: {  	[sflag:s22] =	ssyncset.done @!p0 $0x0  }
0x75: {  	s1 =	simm.s32 $0x190;
	[sflag:s22] =	ssyncadd.s32 @!p0 $0xFFFFF9C0  }
0x76: {  	[tilespmem:s10], [sflag:$0x2] =	stream.indirect.gather [hbm4b:s3+s7], $0x20, s1, s7, $0xb8;
	[tilespmem:$0x7D00] =	vst v63  }
0x77: {  	_ =	swait.ge [sflag:s11], $0x3200  }
0x78: {  	s4 =	rddreg [dreg:$0x18]  }
0x79: {  	s25 =	rddreg [dreg:$0x8]  }
0x7a: {  	s24 =	sadd.s32 $0x640, s26;
	[sflag:s11] =	ssyncset.done $0x0;
	s26 =	rddreg [dreg:$0x7]  }
0x7b: {  	s28 =	rddreg [dreg:$0x6];
	[sflag:s11] =	ssyncadd.s32 $0xFFFFCE00  }
0x7c: {  	[hbm4b:s24+s2] =	stream.linear.scatter [tilespmem:s10], [sflag:$0x4], $0x640, $0x38;
	[tilespmem:$0x7D00] =	vst v63  }
0x7d: {  	s21 =	simm.s32 $0x0;
	s30 =	rddreg [dreg:$0x5];
	s23 =	sadd.s32 $0x0, s25  }
0x7e: {  	[hbm4b:s23+s2] =	stream.linear.scatter [tilespmem:s4], [sflag:$0x4], $0x640, $0x38;
	[tilespmem:$0x7D00] =	vst v63  }
0x7f: {  	s22 =	simm.s32 $0xC80;
	s29 =	sadd.s32 $0x0, s26;
	s24 =	rddreg [dreg:$0x4]  }
0x80: {  	[hbm4b:s29+s2] =	stream.linear.scatter [tilespmem:s12], [sflag:$0x4], $0x640, $0x38;
	[tilespmem:$0x7D00] =	vst v63  }
0x81: {  	s31 =	sadd.s32 $0x0, s28;
	s25 =	sadd.s32 $0x0, s30;
	s23 =	rddreg [dreg:$0x3]  }
0x82: {  	[hbm4b:s31+s2] =	stream.linear.scatter [tilespmem:s13], [sflag:$0x4], $0x640, $0x38;
	[tilespmem:$0x7D00] =	vst v63  }
.LBB2_2:
0x83: {  	[hbm4b:s25+s2] =	stream.linear.scatter [tilespmem:s14], [sflag:$0x4], $0x640, $0x38;
	[tilespmem:$0x7D00] =	vst v63  }
0x84: {  	s0 =	smov.u32 s22;
	s24 =	sadd.s32 s21, s24  }
0x85: {  	[hbm4b:s24+s2] =	stream.linear.scatter [tilespmem:s15], [sflag:$0x4], $0x640, $0x38;
	[tilespmem:$0x7D00] =	vst v63  }
0x86: {  	s26 =	rddreg [dreg:$0x2];
	s23 =	sadd.s32 s21, s23;
	p1 =	seq.s32 s0, $0x0  }
0x87: {  	[hbm4b:s23+s2] =	stream.linear.scatter [tilespmem:s16], [sflag:$0x4], $0x640, $0x38;
	[tilespmem:$0x7D00] =	vst v63  }
0x88: {  	s1 =	sadd.s32 s21, s26;
	s23 =	simm.s32 @!p1 $0x3  }
0x89: {  	[hbm4b:s1+s2] =	stream.linear.scatter [tilespmem:s17], [sflag:$0x4], $0x640, $0x38;
	[tilespmem:$0x7D00] =	vst v63  }
0x8a: {  	_ =	swait.ge @!p1 [sflag:s23], $0x640  }
0x8b: {  	[sflag:s23] =	ssyncset.done @!p1 $0x0  }
0x8c: {  	[sflag:s23] =	ssyncadd.s32 @!p1 $0xFFFFF9C0  }
0x8d: {  	_ =	swait.ge @!p1 [sflag:s23], $0x640  }
0x8e: {  	[sflag:s23] =	ssyncset.done @!p1 $0x0  }
0x8f: {  	[sflag:s23] =	ssyncadd.s32 @!p1 $0xFFFFF9C0  }
0x90: {  	_ =	swait.ge @!p1 [sflag:s23], $0x640  }
0x91: {  	[sflag:s23] =	ssyncset.done @!p1 $0x0  }
0x92: {  	[sflag:s23] =	ssyncadd.s32 @!p1 $0xFFFFF9C0  }
0x93: {  	_ =	swait.ge @!p1 [sflag:s23], $0x640  }
0x94: {  	[sflag:s23] =	ssyncset.done @!p1 $0x0  }
0x95: {  	[sflag:s23] =	ssyncadd.s32 @!p1 $0xFFFFF9C0  }
0x96: {  	_ =	swait.ge @!p1 [sflag:s23], $0x640  }
0x97: {  	[sflag:s23] =	ssyncset.done @!p1 $0x0  }
0x98: {  	[sflag:s23] =	ssyncadd.s32 @!p1 $0xFFFFF9C0  }
0x99: {  	_ =	swait.ge @!p1 [sflag:s23], $0x640  }
0x9a: {  	[sflag:s23] =	ssyncset.done @!p1 $0x0  }
0x9b: {  	[sflag:s23] =	ssyncadd.s32 @!p1 $0xFFFFF9C0  }
0x9c: {  	_ =	swait.ge @!p1 [sflag:s23], $0x640  }
0x9d: {  	[sflag:s23] =	ssyncset.done @!p1 $0x0  }
0x9e: {  	[sflag:s23] =	ssyncadd.s32 @!p1 $0xFFFFF9C0  }
0x9f: {  	_ =	swait.ge @!p1 [sflag:s23], $0x640  }
0xa0: {  	s21 =	smov.u32 s0;
	[sflag:s23] =	ssyncset.done @!p1 $0x0  }
0xa1: {  	[sflag:s23] =	ssyncadd.s32 @!p1 $0xFFFFF9C0;
	s23 =	sshra.s32 s21, $0x2  }
0xa2: {  	[tilespmem:s8], [sflag:$0x1] =	stream.indirect.gather [hbm4b:s3+s7], $0x20, s23, s7, $0xb8;
	[tilespmem:$0x7D00] =	vst v63  }
0xa3: {  	_ =	swait.ge [sflag:s9], $0x3200  }
0xa4: {  	s25 =	rddreg [dreg:$0xa]  }
0xa5: {  	s26 =	rddreg [dreg:$0xb]  }
0xa6: {  	s28 =	rddreg [dreg:$0xc]  }
0xa7: {  	s29 =	rddreg [dreg:$0x10]  }
0xa8: {  	s30 =	rddreg [dreg:$0xf]  }
0xa9: {  	s4 =	rddreg [dreg:$0x9]  }
0xaa: {  	[sflag:s9] =	ssyncset.done $0x0;
	s31 =	rddreg [dreg:$0x11]  }
0xab: {  	s1 =	rddreg [dreg:$0xe];
	[sflag:s9] =	ssyncadd.s32 $0xFFFFCE00;
	s24 =	sadd.s32 s21, s4  }
0xac: {  	[hbm4b:s24+s2] =	stream.linear.scatter [tilespmem:s8], [sflag:$0x3], $0x640, $0x38;
	[tilespmem:$0x7D00] =	vst v63  }
0xad: {  	s0 =	rddreg [dreg:$0xd];
	s29 =	sadd.s32 s21, s29  }
0xae: {  	[hbm4b:s29+s2] =	stream.linear.scatter [tilespmem:s31], [sflag:$0x3], $0x640, $0x38;
	[tilespmem:$0x7D00] =	vst v63  }
0xaf: {  	s4 =	rddreg [dreg:$0x12];
	s29 =	sadd.s32 s21, s30  }
0xb0: {  	[hbm4b:s29+s2] =	stream.linear.scatter [tilespmem:s4], [sflag:$0x3], $0x640, $0x38;
	[tilespmem:$0x7D00] =	vst v63  }
0xb1: {  	s1 =	sadd.s32 s21, s1;
	s31 =	rddreg [dreg:$0x13]  }
0xb2: {  	[hbm4b:s1+s2] =	stream.linear.scatter [tilespmem:s31], [sflag:$0x3], $0x640, $0x38;
	[tilespmem:$0x7D00] =	vst v63  }
0xb3: {  	s0 =	sadd.s32 s21, s0;
	s29 =	rddreg [dreg:$0x14]  }
0xb4: {  	[hbm4b:s0+s2] =	stream.linear.scatter [tilespmem:s29], [sflag:$0x3], $0x640, $0x38;
	[tilespmem:$0x7D00] =	vst v63  }
0xb5: {  	s4 =	sadd.s32 s21, s28;
	s31 =	rddreg [dreg:$0x15]  }
0xb6: {  	[hbm4b:s4+s2] =	stream.linear.scatter [tilespmem:s31], [sflag:$0x3], $0x640, $0x38;
	[tilespmem:$0x7D00] =	vst v63  }
0xb7: {  	s28 =	rddreg [dreg:$0x16];
	s29 =	sadd.s32 s21, s26  }
0xb8: {  	[hbm4b:s29+s2] =	stream.linear.scatter [tilespmem:s28], [sflag:$0x3], $0x640, $0x38;
	[tilespmem:$0x7D00] =	vst v63  }
0xb9: {  	s30 =	rddreg [dreg:$0x17];
	s31 =	sadd.s32 s21, s25;
	s4 =	simm.s32 @!p1 $0x4  }
0xba: {  	[hbm4b:s31+s2] =	stream.linear.scatter [tilespmem:s30], [sflag:$0x3], $0x640, $0x38;
	[tilespmem:$0x7D00] =	vst v63  }
0xbb: {  	_ =	swait.ge @!p1 [sflag:s4], $0x640  }
0xbc: {  	[sflag:s4] =	ssyncset.done @!p1 $0x0  }
0xbd: {  	[sflag:s4] =	ssyncadd.s32 @!p1 $0xFFFFF9C0  }
0xbe: {  	_ =	swait.ge @!p1 [sflag:s4], $0x640  }
0xbf: {  	[sflag:s4] =	ssyncset.done @!p1 $0x0  }
0xc0: {  	[sflag:s4] =	ssyncadd.s32 @!p1 $0xFFFFF9C0  }
0xc1: {  	_ =	swait.ge @!p1 [sflag:s4], $0x640  }
0xc2: {  	[sflag:s4] =	ssyncset.done @!p1 $0x0  }
0xc3: {  	[sflag:s4] =	ssyncadd.s32 @!p1 $0xFFFFF9C0  }
0xc4: {  	_ =	swait.ge @!p1 [sflag:s4], $0x640  }
0xc5: {  	[sflag:s4] =	ssyncset.done @!p1 $0x0  }
0xc6: {  	[sflag:s4] =	ssyncadd.s32 @!p1 $0xFFFFF9C0  }
0xc7: {  	_ =	swait.ge @!p1 [sflag:s4], $0x640  }
0xc8: {  	[sflag:s4] =	ssyncset.done @!p1 $0x0  }
0xc9: {  	[sflag:s4] =	ssyncadd.s32 @!p1 $0xFFFFF9C0  }
0xca: {  	_ =	swait.ge @!p1 [sflag:s4], $0x640  }
0xcb: {  	[sflag:s4] =	ssyncset.done @!p1 $0x0  }
0xcc: {  	[sflag:s4] =	ssyncadd.s32 @!p1 $0xFFFFF9C0  }
0xcd: {  	_ =	swait.ge @!p1 [sflag:s4], $0x640  }
0xce: {  	[sflag:s4] =	ssyncset.done @!p1 $0x0  }
0xcf: {  	[sflag:s4] =	ssyncadd.s32 @!p1 $0xFFFFF9C0  }
0xd0: {  	_ =	swait.ge @!p1 [sflag:s4], $0x640  }
0xd1: {  	[sflag:s4] =	ssyncset.done @!p1 $0x0  }
0xd2: {  	[sflag:s4] =	ssyncadd.s32 @!p1 $0xFFFFF9C0;
	s4 =	sadd.s32 $0x190, s23  }
0xd3: {  	[tilespmem:s10], [sflag:$0x2] =	stream.indirect.gather [hbm4b:s3+s7], $0x20, s4, s7, $0xb8;
	[tilespmem:$0x7D00] =	vst v63  }
0xd4: {  	_ =	swait.ge [sflag:s11], $0x3200  }
0xd5: {  	s23 =	rddreg [dreg:$0x18]  }
0xd6: {  	s22 =	sadd.s32 $0xC80, s22;
	[sflag:s11] =	ssyncset.done $0x0;
	s25 =	rddreg [dreg:$0x8]  }
0xd7: {  	s24 =	sadd.s32 $0x640, s24;
	s26 =	rddreg [dreg:$0x7];
	[sflag:s11] =	ssyncadd.s32 $0xFFFFCE00  }
0xd8: {  	[hbm4b:s24+s2] =	stream.linear.scatter [tilespmem:s10], [sflag:$0x4], $0x640, $0x38;
	[tilespmem:$0x7D00] =	vst v63  }
0xd9: {  	p0 =	sne.s32 s22, $0x6400;
	s28 =	rddreg [dreg:$0x6];
	s4 =	sadd.s32 s21, s25  }
0xda: {  	[hbm4b:s4+s2] =	stream.linear.scatter [tilespmem:s23], [sflag:$0x4], $0x640, $0x38;
	[tilespmem:$0x7D00] =	vst v63  }
.Ltmp0:
0xdb: {  	s30 =	rddreg [dreg:$0x5];
	(pc) =	sbr.rel @p0 .LBB2_2-.Ltmp0, $4  }
0xdc: {  	s29 =	sadd.s32 s21, s26;
	s24 =	rddreg [dreg:$0x4]  }
0xdd: {  	[hbm4b:s29+s2] =	stream.linear.scatter [tilespmem:s12], [sflag:$0x4], $0x640, $0x38;
	[tilespmem:$0x7D00] =	vst v63  }
0xde: {  	s31 =	sadd.s32 s21, s28;
	s25 =	sadd.s32 s21, s30;
	s23 =	rddreg [dreg:$0x3]  }
0xdf: {  	[hbm4b:s31+s2] =	stream.linear.scatter [tilespmem:s13], [sflag:$0x4], $0x640, $0x38;
	[tilespmem:$0x7D00] =	vst v63  }
0xe0: {  	[hbm4b:s25+s2] =	stream.linear.scatter [tilespmem:s14], [sflag:$0x4], $0x640, $0x38;
	[tilespmem:$0x7D00] =	vst v63  }
0xe1: {  	s0 =	sadd.s32 s21, s24  }
0xe2: {  	[hbm4b:s0+s2] =	stream.linear.scatter [tilespmem:s15], [sflag:$0x4], $0x640, $0x38;
	[tilespmem:$0x7D00] =	vst v63  }
0xe3: {  	s1 =	rddreg [dreg:$0x2];
	s30 =	sadd.s32 s21, s23  }
0xe4: {  	[hbm4b:s30+s2] =	stream.linear.scatter [tilespmem:s16], [sflag:$0x4], $0x640, $0x38;
	[tilespmem:$0x7D00] =	vst v63  }
0xe5: {  	s31 =	sadd.s32 s21, s1  }
0xe6: {  	[hbm4b:s31+s2] =	stream.linear.scatter [tilespmem:s17], [sflag:$0x4], $0x640, $0x38;
	[tilespmem:$0x7D00] =	vst v63  }
0xe7: {  	_ =	swait.ge [sflag:s18], $0x640  }
0xe8: {  	[sflag:s18] =	ssyncset.done $0x0  }
0xe9: {  	[sflag:s18] =	ssyncadd.s32 $0xFFFFF9C0  }
0xea: {  	_ =	swait.ge [sflag:s18], $0x640  }
0xeb: {  	[sflag:s18] =	ssyncset.done $0x0  }
0xec: {  	[sflag:s18] =	ssyncadd.s32 $0xFFFFF9C0  }
0xed: {  	_ =	swait.ge [sflag:s18], $0x640  }
0xee: {  	[sflag:s18] =	ssyncset.done $0x0  }
0xef: {  	[sflag:s18] =	ssyncadd.s32 $0xFFFFF9C0  }
0xf0: {  	_ =	swait.ge [sflag:s18], $0x640  }
0xf1: {  	[sflag:s18] =	ssyncset.done $0x0  }
0xf2: {  	[sflag:s18] =	ssyncadd.s32 $0xFFFFF9C0  }
0xf3: {  	_ =	swait.ge [sflag:s18], $0x640  }
0xf4: {  	[sflag:s18] =	ssyncset.done $0x0  }
0xf5: {  	[sflag:s18] =	ssyncadd.s32 $0xFFFFF9C0  }
0xf6: {  	_ =	swait.ge [sflag:s18], $0x640  }
0xf7: {  	[sflag:s18] =	ssyncset.done $0x0  }
0xf8: {  	[sflag:s18] =	ssyncadd.s32 $0xFFFFF9C0  }
0xf9: {  	_ =	swait.ge [sflag:s18], $0x640  }
0xfa: {  	[sflag:s18] =	ssyncset.done $0x0  }
0xfb: {  	[sflag:s18] =	ssyncadd.s32 $0xFFFFF9C0  }
0xfc: {  	_ =	swait.ge [sflag:s18], $0x640  }
0xfd: {  	[sflag:s18] =	ssyncset.done $0x0  }
0xfe: {  	[sflag:s18] =	ssyncadd.s32 $0xFFFFF9C0  }
0xff: {  	_ =	swait.ge [sflag:s19], $0x640  }
0x100: {  	[sflag:s19] =	ssyncset.done $0x0  }
0x101: {  	[sflag:s19] =	ssyncadd.s32 $0xFFFFF9C0  }
0x102: {  	_ =	swait.ge [sflag:s19], $0x640  }
0x103: {  	[sflag:s19] =	ssyncset.done $0x0  }
0x104: {  	[sflag:s19] =	ssyncadd.s32 $0xFFFFF9C0  }
0x105: {  	_ =	swait.ge [sflag:s19], $0x640  }
0x106: {  	[sflag:s19] =	ssyncset.done $0x0  }
0x107: {  	[sflag:s19] =	ssyncadd.s32 $0xFFFFF9C0  }
0x108: {  	_ =	swait.ge [sflag:s19], $0x640  }
0x109: {  	[sflag:s19] =	ssyncset.done $0x0  }
0x10a: {  	[sflag:s19] =	ssyncadd.s32 $0xFFFFF9C0  }
0x10b: {  	_ =	swait.ge [sflag:s19], $0x640  }
0x10c: {  	[sflag:s19] =	ssyncset.done $0x0  }
0x10d: {  	[sflag:s19] =	ssyncadd.s32 $0xFFFFF9C0  }
0x10e: {  	_ =	swait.ge [sflag:s19], $0x640  }
0x10f: {  	[sflag:s19] =	ssyncset.done $0x0  }
0x110: {  	s20 =	sadd.s32 $0x1, s20;
	[sflag:s19] =	ssyncadd.s32 $0xFFFFF9C0  }
0x111: {  	p0 =	sne.s32 s20, s5;
	_ =	swait.ge [sflag:s19], $0x640  }
.Ltmp1:
0x112: {  	[sflag:s19] =	ssyncset.done $0x0;
	(pc) =	sbr.rel @p0 .LBB2_1-.Ltmp1, $4  }
0x113: {  	[sflag:s19] =	ssyncadd.s32 $0xFFFFF9C0  }
0x114: {  	_ =	swait.ge [sflag:s19], $0x640  }
0x115: {  	[sflag:s19] =	ssyncset.done $0x0  }
0x116: {  	[sflag:s19] =	ssyncadd.s32 $0xFFFFF9C0  }
0x117: {  	_ =	sfence.sel $0x180000  }
0x118: {  	[bflag:$0x0] =	sbarrier.arrive $0xFFFF  }
0x119: {  	_ =	strace $0x90000050  }
0x11a: {  	s0 =	stileid.u32;
	[bflag:$0x2] =	sbarrier.arrive $0xFFFF  }
0x11b: {  	p0 =	sne.s32 s0, $0x0;
	s0 =	rddreg [dreg:$0x1]  }
0x11c: {  	s0 =	sadd.s32 @!p0 $0x100000, s0  }
0x11d: {  	[sflag:s0] =	ssyncadd.tile.s32 @!p0 $0x1;
	_ =	shalt  }
.Lfunc_end2:
_tile_overlayer_lowered:
.L_overlay_start_2:
0x11e: {  	(tag) =	ssettag $0x2  }
0x11f: {  	s0 =	rddreg [dreg:$0x0];
	s2 =	stileid.u32  }
0x120: {  	s1 =	rddreg [dreg:$0x1];
	p0 =	sne.s32 s2, $0x0  }
0x121: {  	s3 =	rddreg [dreg:$0x2];
	[bflag:$0x3] =	sbarrier.arrive $0xFFFF;
	s2 =	simm.s32 @!p0 $0x1C05  }
0x122: {  	[timem:s3], [sflag:s2] =	dma.local @!p0 [hbm:s0], s1  }
0x123: {  	s0 =	simm.s32 @!p0 $0x5  }
0x124: {  	_ =	swait.ge @!p0 [sflag:s0], s1  }
0x125: {  	s1 =	ssub.s32 @!p0 $0x0, s1;
	[sflag:s0] =	ssyncset.done @!p0 $0x0  }
0x126: {  	[sflag:s0] =	ssyncadd.s32 @!p0 s1  }
0x127: {  	[bflag:$0x3] =	sbarrier.arrive $0xFFFF  }
0x128: {  	_ =	shalt  }

// kernel: _run.9.cloned.1.call-start
scs
__scs_entry_jumppad:
0x0: {  	(pc) =	sbr.rel $0x88, $3  }
0x1: {  	(tag) =	ssettag $0x0;
	lr =	simm.s32 $0x1  }
0x2: {  	[smem:$0x3F9F] =	sst lr;
	_ =	strace $0xD0000000  }
0x3: {  	_ = 	snop  }
0x4: {  	_ = 	snop  }
0x5: {  	_ = 	snop  }
0x6: {  	_ = 	snop  }
0x7: {  	_ = 	snop  }
__scs_overlays_trampoline_lowered:
0x8: {  	[smem:$0x3FAE] =	sst s0  }
0x9: {  	[smem:$0x3FAF] =	sst s1  }
0xa: {  	[smem:$0x3FB0] =	sst s2  }
0xb: {  	[smem:$0x3FB1] =	sst s3  }
0xc: {  	[smem:$0x3FB2] =	sst s4  }
0xd: {  	[smem:$0x3FB3] =	sst s5  }
0xe: {  	[smem:$0x3FB4] =	sst s6  }
0xf: {  	[smem:$0x3FB5] =	sst s7  }
0x10: {  	[smem:$0x3FB6] =	sst s8  }
0x11: {  	[smem:$0x3FB7] =	sst s9;
	s0 =	simm.s32 @!p0 $0x0  }
0x12: {  	s1 =	sld [smem:$0x3F9D];
	s0 =	simm.s32 @p0 $0x1  }
0x13: {  	[smem:$0x3FB8] =	sst s0;
	s0 =	simm.s32 @!p1 $0x0  }
0x14: {  	s2 =	sld [smem:$0x3F9C];
	s0 =	simm.s32 @p1 $0x1  }
0x15: {  	[smem:$0x3FB9] =	sst s0;
	s0 =	simm.s32 @!p2 $0x0  }
0x16: {  	s3 =	sld [smem:$0x3FDB];
	s0 =	simm.s32 @p2 $0x1  }
0x17: {  	s4 =	simm.s32 $0x1BF5;
	[smem:$0x3FBB] =	sst s0  }
0x18: {  	s0 =	sld [smem:$0x3F9E];
	_ =	swait.ge [sflag:s4], $0x0  }
0x19: {  	s7 =	sld [smem:$0x3F9F]  }
0x1a: {  	s8 =	sadd.s32 $0xFFFFE003, lr  }
0x1b: {  	s9 =	sadd.s32 $0xFFFFFEF7, lr;
	s5 =	simm.s32 $0xFFFFFFFF;
	p2 =	slt.u32 s8, $0xFFFFF086  }
0x1c: {  	p1 =	slt.u32 s9, $0xF7A;
	s5 =	simm.s32 @!p2 $0x0  }
0x1d: {  	s5 =	simm.s32 @p1 $0x1;
	p0 =	seq.s32 s7, s2  }
0x1e: {  	s7 =	smul.u32 @!p0 $0xF7A, s2;
	p2 =	seq.s32 @!p0 s5, $0x0  }
0x1f: {  	s9 =	smul.u32 $0xF7A, s1;
	s8 =	simm.s32 @!p0 $0x1BF5;
	p2 =	por !p2, p0  }
0x20: {  	[sflag:s8] =	ssyncset.s32 @!p0 $0xFFFFF086;
	s6 =	sadd.s32 @!p0 s3, s7;
	s7 =	simm.s32 @!p0 $0x108  }
0x21: {  	s3 =	sadd.s32 s3, s9;
	s6 =	sadd.s32 @!p0 $0x88, s6;
	s7 =	simm.s32 @p2 $0x1082  }
0x22: {  	[simem:s7], [sflag:s8] =	dma.local @!p0 [hbm:s6], $0xF7A  }
0x23: {  	s9 =	sor.u32 $0xD0000000, s2;
	s6 =	simm.s32 $0x108;
	_ =	swait.ge @!p0 [sflag:s8], $0x0  }
0x24: {  	s3 =	sadd.s32 $0x88, s3;
	s6 =	simm.s32 @!p1 $0x1082;
	[sflag:s4] =	ssyncset.s32 $0xFFFFF086  }
0x25: {  	[simem:s6], [sflag:s4] =	dma.local [hbm:s3], $0xF7A  }
0x26: {  	[smem:$0x3F9F] =	sst s1;
	(tag) =	ssettag s2;
	_ =	strace s9  }
0x27: {  	s1 =	sld [smem:$0x3FAF]  }
0x28: {  	s2 =	sld [smem:$0x3FB0]  }
0x29: {  	s4 =	sld [smem:$0x3FB2]  }
0x2a: {  	p0 =	seq.s32 s5, $0x0;
	s5 =	sld [smem:$0x3FB3]  }
0x2b: {  	s6 =	sld [smem:$0x3FB4]  }
0x2c: {  	s7 =	sld [smem:$0x3FB5]  }
0x2d: {  	s3 =	simm.s32 $0x108;
	s8 =	sld [smem:$0x3FB6]  }
0x2e: {  	s3 =	simm.s32 @!p0 $0x1082;
	s9 =	sld [smem:$0x3FB7]  }
0x2f: {  	lr =	sadd.s32 s0, s3;
	s0 =	sld [smem:$0x3FAE]  }
0x30: {  	s3 =	sld [smem:$0x3FB1]  }
0x31: {  	[smem:$0x3FBA] =	sst s10  }
0x32: {  	s10 =	sld [smem:$0x3FB8];
	_ =	sdelay $0x3  }
0x33: {  	p0 =	seq.s32 s10, $0x1;
	s10 =	sld [smem:$0x3FBA];
	_ =	sdelay $0x3  }
0x34: {  	[smem:$0x3FBA] =	sst s10  }
0x35: {  	s10 =	sld [smem:$0x3FB9];
	_ =	sdelay $0x3  }
0x36: {  	p1 =	seq.s32 s10, $0x1;
	s10 =	sld [smem:$0x3FBA];
	_ =	sdelay $0x3  }
0x37: {  	[smem:$0x3FBA] =	sst s10  }
0x38: {  	s10 =	sld [smem:$0x3FBB]  }
0x39: {  	_ = 	snop;
	(pc) =	sbr.ind lr, $3  }
0x3a: {  	_ = 	snop  }
0x3b: {  	_ = 	snop  }
0x3c: {  	p2 =	seq.s32 s10, $0x1;
	s10 =	sld [smem:$0x3FBA]  }
0x3d: {  	_ =	shalt  }
0x3e: {  	_ =	shalt  }
0x3f: {  	_ =	shalt  }
0x40: {  	_ =	shalt  }
0x41: {  	_ =	shalt  }
0x42: {  	_ =	shalt  }
0x43: {  	_ =	shalt  }
0x44: {  	_ =	shalt  }
0x45: {  	_ =	shalt  }
0x46: {  	_ =	shalt  }
0x47: {  	_ =	shalt  }
0x48: {  	_ =	shalt  }
0x49: {  	_ =	shalt  }
0x4a: {  	_ =	shalt  }
0x4b: {  	_ =	shalt  }
0x4c: {  	_ =	shalt  }
0x4d: {  	_ =	shalt  }
0x4e: {  	_ =	shalt  }
0x4f: {  	_ =	shalt  }
0x50: {  	_ =	shalt  }
0x51: {  	_ =	shalt  }
0x52: {  	_ =	shalt  }
0x53: {  	_ =	shalt  }
0x54: {  	_ =	shalt  }
0x55: {  	_ =	shalt  }
0x56: {  	_ =	shalt  }
0x57: {  	_ =	shalt  }
0x58: {  	_ =	shalt  }
0x59: {  	_ =	shalt  }
0x5a: {  	_ =	shalt  }
0x5b: {  	_ =	shalt  }
0x5c: {  	_ =	shalt  }
0x5d: {  	_ =	shalt  }
0x5e: {  	_ =	shalt  }
0x5f: {  	_ =	shalt  }
0x60: {  	_ =	shalt  }
0x61: {  	_ =	shalt  }
0x62: {  	_ =	shalt  }
0x63: {  	_ =	shalt  }
0x64: {  	_ =	shalt  }
0x65: {  	_ =	shalt  }
0x66: {  	_ =	shalt  }
0x67: {  	_ =	shalt  }
0x68: {  	_ =	shalt  }
0x69: {  	_ =	shalt  }
0x6a: {  	_ =	shalt  }
0x6b: {  	_ =	shalt  }
0x6c: {  	_ =	shalt  }
0x6d: {  	_ =	shalt  }
0x6e: {  	_ =	shalt  }
0x6f: {  	_ =	shalt  }
0x70: {  	_ =	shalt  }
0x71: {  	_ =	shalt  }
0x72: {  	_ =	shalt  }
0x73: {  	_ =	shalt  }
0x74: {  	_ =	shalt  }
0x75: {  	_ =	shalt  }
0x76: {  	_ =	shalt  }
0x77: {  	_ =	shalt  }
0x78: {  	_ =	shalt  }
0x79: {  	_ =	shalt  }
0x7a: {  	_ =	shalt  }
0x7b: {  	_ =	shalt  }
0x7c: {  	_ =	shalt  }
0x7d: {  	_ =	shalt  }
0x7e: {  	_ =	shalt  }
0x7f: {  	_ =	shalt  }
0x80: {  	_ =	shalt  }
0x81: {  	_ =	shalt  }
0x82: {  	_ =	shalt  }
0x83: {  	_ =	shalt  }
0x84: {  	_ =	shalt  }
0x85: {  	_ =	shalt  }
0x86: {  	_ =	shalt  }
0x87: {  	_ =	shalt  }
.Lfunc_end0:
.L_simem_size_0:
called_computation.1_lowered:
.L_overlay_start_0:
0x88: {  	s2 =	sld [smem:$0x3FD9]  }
0x89: {  	s3 =	sld [smem:$0x3FFE];
	_ =	sdelay $0x1  }
0x8a: {  	s1 =	srdreg.scid  }
0x8b: {  	s0 =	sand.u32 $0x1, s1  }
0x8c: {  	s17 =	sshll.u32 s0, $0xA;
	s2 =	sadd.s32 s3, s2  }
0x8d: {  	s2 =	sadd.s32 s2, s17  }
0x8e: {  	[smem:$0x3FC6] =	sst s2  }
0x8f: {  	_ = 	snop  }
0x90: {  	s2 =	sld [smem:$0x3FD0];
	(tm) =	ssettm $0x1  }
0x91: {  	s18 =	sld [smem:$0x3FFB];
	_ =	sdelay $0x3  }
0x92: {  	_ =	strace s18  }
0x93: {  	s3 =	sld [smem:$0x3FFC];
	_ =	sdelay $0x3  }
0x94: {  	_ =	strace s3  }
0x95: {  	s3 =	sld [smem:$0x3FFD];
	_ =	sdelay $0x3  }
0x96: {  	_ =	strace s3  }
0x97: {  	_ =	strace $0x8FFFFFFF  }
0x98: {  	s19 =	sld [smem:$0x3FDB];
	_ =	sdelay $0x1  }
0x99: {  	s4 =	simm.s32 $_scs_section_size  }
0x9a: {  	s5 =	simm.s32 $_size__tile_overlayer_lowered;
	s6 =	simm.s32 $_tile_overlayer_lowered  }
0x9b: {  	s22 =	simm.s32 $0x1BFF;
	s21 =	sshll.u32 s6, $0x1;
	s3 =	sadd.s32 s4, s19  }
0x9c: {  	s7 =	simm.s32 $0x0;
	s20 =	sshll.u32 s5, $0x1;
	s5 =	sadd.s32 s21, s3  }
0x9d: {  	[timem:s7], [sflag:s22] =	dma.local [hbm:s5], s20  }
0x9e: {  	_ =	swait.ge [sflag:s22], s20  }
0x9f: {  	s4 =	ssub.s32 $0x0, s20;
	[sflag:s22] =	ssyncset.done $0x0  }
0xa0: {  	[sflag:s22] =	ssyncadd.s32 s4;
	_ =	sdelay $0x1  }
0xa1: {  	s23 =	simm.s32 $0x1B8B  }
0xa2: {  	_ =	swait.ge [sflag:s23], $0x1  }
0xa3: {  	[sflag:s23] =	ssyncset.done $0x0  }
0xa4: {  	s25 =	simm.s32 $0x1B8E;
	s24 =	sld [smem:$0x3FFE];
	[sflag:s23] =	ssyncadd.s32 $0xFFFFFFFF  }
0xa5: {  	s26 =	simm.s32 $execute0_lowered;
	[smem:$0x3FD2] =	sst s25  }
0xa6: {  	s5 =	sshll.u32 s26, $0x1;
	_ =	strace $0x80000046;
	[dreg:$0x1] =	wrdreg $0xFFFFFFFF  }
0xa7: {  	s28 =	simm.s32 $_size_execute0_lowered;
	s3 =	sadd.s32 s3, s5;
	[dreg:$0x0] =	wrdreg $0x0  }
0xa8: {  	s5 =	sshll.u32 s28, $0x1;
	[dreg:$0x2] =	wrdreg s3  }
0xa9: {  	[dreg:$0x3] =	wrdreg s5  }
0xaa: {  	[dreg:$0x4] =	wrdreg $0xC0  }
0xab: {  	_ =	task [dreg:s7], $0x5FFFF  }
0xac: {  	[dreg:$0x1] =	wrdreg $0xFFFFFFFF  }
0xad: {  	[dreg:$0x0] =	wrdreg $0x60  }
0xae: {  	[dreg:$0x2] =	wrdreg s24  }
0xaf: {  	[dreg:$0x3] =	wrdreg s2  }
0xb0: {  	[dreg:$0x4] =	wrdreg $0xA  }
0xb1: {  	_ =	task.clear_ibuf [dreg:s7], $0x5FFFF;
	_ =	strace $0x90000046  }
0xb2: {  	s29 =	simm.s32 $0xA;
	_ =	strace $0x80000048  }
0xb3: {  	_ =	swait.ge [sflag:s29], $0x1  }
0xb4: {  	[sflag:s29] =	ssyncadd.s32 $0xFFFFFFFF  }
0xb5: {  	_ =	strace $0x90000048  }
0xb6: {  	_ =	sfence  }
0xb7: {  	s30 =	sld [smem:$0x0];
	_ =	sdelay $0x2  }
0xb8: {  	s31 =	sshll.u32 s1, $0xD;
	s1 =	sshrl.u32 s1, $0x2  }
0xb9: {  	s3 =	sand.u32 $0x4000, s31;
	s1 =	sadd.s32 s1, s30  }
0xba: {  	s0 =	sor.u32 s3, s0;
	s1 =	sshll.u32 s1, $0x11  }
0xbb: {  	s0 =	sor.u32 s1, s0  }
0xbc: {  	s0 =	sadd.s32 $0x8F2B, s0  }
0xbd: {  	[sflag:s0] =	ssyncadd.remote.s32 $0x1  }
0xbe: {  	_ =	sfence.sel $0xFFFF  }
0xbf: {  	[dreg:$0x0] =	wrdreg $0xFFFFFFFF;
	(pc) =	sbr.abs _section_cstart, $3  }
0xc0: {  	[dreg:$0x1] =	wrdreg $0xFFFFFFFF  }
0xc1: {  	_ =	task.clear_ibuf [dreg:s7], $0x2FFFF;
	_ =	strace $0x9FFFFFFF  }
0xc2: {  	(tm) =	ssettm $0x7FFFFFFF  }
0xc3: {  	_ =	shalt  }
tec
execute0_lowered:
.L_overlay_start_1:
0x0: {  	(tag) =	ssettag $0x1  }
0x1: {  	s1 =	srdreg.scid  }
0x2: {  	s0 =	stileid.u32;
	s3 =	rddreg [dreg:$0x0]  }
0x3: {  	s4 =	rddreg [dreg:$0x1];
	s5 =	sand.u32 $0x1, s1;
	s6 =	smul.u32 $0x64000, s0  }
0x4: {  	s2 =	simm.s32 $0x0;
	s8 =	sshll.u32 s0, $0x1;
	s7 =	smul.u32 $0x32000, s5  }
0x5: {  	[smem:$0x7FF] =	sst s2;
	s29 =	smul.u32 $0xC800, s0;
	s8 =	sor.u32 s5, s8  }
0x6: {  	_ =	strace $0x80000047;
	s16 =	smul.u32 $0x320, s8;
	s7 =	sadd.s32 s7, s6  }
0x7: {  	s31 =	smul.u32 $0x6400, s5;
	s5 =	ssub.s32 $0x2, s5;
	s17 =	sadd.s32 $0x5DC0, s7  }
0x8: {  	s9 =	sadd.s32 $0x5780, s7;
	s6 =	sadd.s32 s16, s3;
	s19 =	sadd.s32 $0x5140, s7  }
0x9: {  	s21 =	sadd.s32 $0x4B00, s7;
	s10 =	sadd.s32 $0x44C0, s7;
	s25 =	sadd.s32 $0x3E80, s7  }
0xa: {  	s3 =	sadd.s32 $0xF45400, s3;
	s28 =	sadd.s32 $0x3840, s7;
	s11 =	sadd.s32 $0x2BC0, s7  }
0xb: {  	s13 =	sor.u32 $0x1F40, s7;
	s14 =	sor.u32 $0x1900, s7;
	s8 =	sshrl.u32 s17, $0x3  }
0xc: {  	s9 =	sshrl.u32 s9, $0x3;
	s20 =	sshrl.u32 s19, $0x3;
	s23 =	sshrl.u32 s10, $0x3  }
0xd: {  	s26 =	sshrl.u32 s25, $0x3;
	s30 =	sshrl.u32 s28, $0x3;
	s10 =	sadd.s32 s29, s4  }
0xe: {  	s1 =	sshrl.u32 s11, $0x3;
	s11 =	sadd.s32 $0x2580, s7;
	s16 =	sshrl.u32 s14, $0x3  }
0xf: {  	s25 =	sadd.s32 $0x3000, s6;
	s28 =	simm.s32 $0x3200;
	s6 =	simm.s32 $0x5  }
0x10: {  	s29 =	simm.s32 $0x3840;
	s14 =	simm.s32 $0x6400;
	[dreg:$0x1a] =	wrdreg s25  }
0x11: {  	s8 =	sadd.s32 s8, s4;
	s18 =	sadd.s32 s9, s4;
	[dreg:$0x15] =	wrdreg s28  }
0x12: {  	s9 =	sshrl.u32 s21, $0x3;
	s24 =	sadd.s32 s23, s4;
	[dreg:$0x16] =	wrdreg s29  }
0x13: {  	s0 =	sadd.s32 s31, s10;
	s10 =	sadd.s32 s1, s4;
	[dreg:$0x3] =	wrdreg s8  }
0x14: {  	s12 =	sshrl.u32 s11, $0x3;
	s17 =	sadd.s32 s16, s4;
	[dreg:$0x4] =	wrdreg s18  }
0x15: {  	s23 =	simm.s32 $0x1F40;
	s31 =	simm.s32 $0x44C0;
	[dreg:$0x7] =	wrdreg s24  }
0x16: {  	s11 =	simm.s32 $0x2;
	s16 =	simm.s32 $0x7080;
	[dreg:$0xa] =	wrdreg s0  }
0x17: {  	s8 =	sadd.s32 s20, s4;
	s22 =	sadd.s32 s9, s4;
	[dreg:$0xb] =	wrdreg s10  }
0x18: {  	s9 =	sshrl.u32 s13, $0x3;
	s18 =	sor.u32 $0x12C0, s7;
	[dreg:$0xe] =	wrdreg s17  }
0x19: {  	s20 =	sor.u32 $0xC80, s7;
	s7 =	sor.u32 $0x640, s7;
	[dreg:$0x12] =	wrdreg s23  }
0x1a: {  	s24 =	simm.s32 $0x2580;
	[dreg:$0x18] =	wrdreg s31;
	s10 =	simm.s32 $0x4B00  }
0x1b: {  	s13 =	simm.s32 $0x5DC0;
	s17 =	simm.s32 $0x76C0;
	[dreg:$0x5] =	wrdreg s8  }
0x1c: {  	[dreg:$0x6] =	wrdreg s22;
	s8 =	sadd.s32 s26, s4;
	s15 =	sadd.s32 s9, s4  }
0x1d: {  	s19 =	sshrl.u32 s18, $0x3;
	s9 =	sshrl.u32 s20, $0x3;
	[dreg:$0x13] =	wrdreg s24  }
0x1e: {  	s7 =	sshrl.u32 s7, $0x3;
	s22 =	sshrl.u32 s5, $0x1;
	[dreg:$0x8] =	wrdreg s8  }
0x1f: {  	s26 =	simm.s32 $0x2BC0;
	s18 =	simm.s32 $0x3;
	[dreg:$0xd] =	wrdreg s15  }
0x20: {  	s20 =	simm.s32 $0x0;
	s8 =	sadd.s32 s30, s4;
	[dreg:$0x14] =	wrdreg s26  }
0x21: {  	s21 =	sadd.s32 s9, s4;
	s5 =	ssub.s32 s5, s22;
	[dreg:$0x9] =	wrdreg s8  }
0x22: {  	s30 =	simm.s32 $0x3E80;
	s9 =	simm.s32 $0x1;
	[dreg:$0x10] =	wrdreg s21  }
0x23: {  	s15 =	simm.s32 $0x6A40;
	s8 =	sadd.s32 s12, s4;
	[dreg:$0x17] =	wrdreg s30  }
0x24: {  	s5 =	smax.u32 s5, $0x1;
	s12 =	simm.s32 $0x5140;
	[dreg:$0xc] =	wrdreg s8  }
0x25: {  	s8 =	sadd.s32 s19, s4;
	s4 =	sadd.s32 s7, s4;
	[dreg:$0x19] =	wrdreg s12  }
0x26: {  	s7 =	simm.s32 $0x190;
	s12 =	simm.s32 $0x5780;
	[dreg:$0xf] =	wrdreg s8  }
0x27: {  	s19 =	simm.s32 $0x4;
	[dreg:$0x11] =	wrdreg s4;
	s8 =	simm.s32 $0x1900  }
.LBB2_1:
0x28: {  	s0 =	rddreg [dreg:$0x1a]  }
0x29: {  	[tilespmem:s2], [sflag:$0x5] =	stream.linear.gather [hbm4b:s0+s2], $0x1900, $0x38;
	[tilespmem:$0x7D00] =	vst v63  }
0x2a: {  	_ =	swait.ge [sflag:s6], $0x1900  }
0x2b: {  	p0 =	por $0x1, $0x1;
	[sflag:s6] =	ssyncset.done $0x0  }
0x2c: {  	s21 =	simm.s32 @!p0 $0x3;
	[sflag:s6] =	ssyncadd.s32 $0xFFFFE700  }
0x2d: {  	_ =	swait.ge @!p0 [sflag:s21], $0x640  }
0x2e: {  	[sflag:s21] =	ssyncset.done @!p0 $0x0  }
0x2f: {  	[sflag:s21] =	ssyncadd.s32 @!p0 $0xFFFFF9C0  }
0x30: {  	_ =	swait.ge @!p0 [sflag:s21], $0x640  }
0x31: {  	[sflag:s21] =	ssyncset.done @!p0 $0x0  }
0x32: {  	[sflag:s21] =	ssyncadd.s32 @!p0 $0xFFFFF9C0  }
0x33: {  	_ =	swait.ge @!p0 [sflag:s21], $0x640  }
0x34: {  	[sflag:s21] =	ssyncset.done @!p0 $0x0  }
0x35: {  	[sflag:s21] =	ssyncadd.s32 @!p0 $0xFFFFF9C0  }
0x36: {  	_ =	swait.ge @!p0 [sflag:s21], $0x640  }
0x37: {  	[sflag:s21] =	ssyncset.done @!p0 $0x0  }
0x38: {  	[sflag:s21] =	ssyncadd.s32 @!p0 $0xFFFFF9C0  }
0x39: {  	_ =	swait.ge @!p0 [sflag:s21], $0x640  }
0x3a: {  	[sflag:s21] =	ssyncset.done @!p0 $0x0  }
0x3b: {  	[sflag:s21] =	ssyncadd.s32 @!p0 $0xFFFFF9C0  }
0x3c: {  	_ =	swait.ge @!p0 [sflag:s21], $0x640  }
0x3d: {  	[sflag:s21] =	ssyncset.done @!p0 $0x0  }
0x3e: {  	[sflag:s21] =	ssyncadd.s32 @!p0 $0xFFFFF9C0  }
0x3f: {  	_ =	swait.ge @!p0 [sflag:s21], $0x640  }
0x40: {  	[sflag:s21] =	ssyncset.done @!p0 $0x0  }
0x41: {  	[sflag:s21] =	ssyncadd.s32 @!p0 $0xFFFFF9C0  }
0x42: {  	_ =	swait.ge @!p0 [sflag:s21], $0x640  }
0x43: {  	[sflag:s21] =	ssyncset.done @!p0 $0x0  }
0x44: {  	s26 =	simm.s32 $0x0;
	[sflag:s21] =	ssyncadd.s32 @!p0 $0xFFFFF9C0  }
0x45: {  	[tilespmem:s8], [sflag:$0x1] =	stream.indirect.gather [hbm4b:s3+s7], $0x20, s26, s7, $0xb8;
	[tilespmem:$0x7D00] =	vst v63  }
0x46: {  	_ =	swait.ge [sflag:s9], $0x3200  }
0x47: {  	s21 =	rddreg [dreg:$0xb]  }
0x48: {  	s22 =	rddreg [dreg:$0xc]  }
0x49: {  	s23 =	rddreg [dreg:$0xd]  }
0x4a: {  	s24 =	rddreg [dreg:$0x11]  }
0x4b: {  	s25 =	rddreg [dreg:$0x10]  }
0x4c: {  	s26 =	rddreg [dreg:$0xa]  }
0x4d: {  	s28 =	rddreg [dreg:$0x12];
	[sflag:s9] =	ssyncset.done $0x0  }
0x4e: {  	s29 =	rddreg [dreg:$0xf];
	[sflag:s9] =	ssyncadd.s32 $0xFFFFCE00;
	s26 =	sadd.s32 $0x0, s26  }
0x4f: {  	[hbm4b:s26+s2] =	stream.linear.scatter [tilespmem:s8], [sflag:$0x3], $0x640, $0x38;
	[tilespmem:$0x7D00] =	vst v63  }
0x50: {  	s30 =	rddreg [dreg:$0xe];
	s24 =	sadd.s32 $0x0, s24  }
0x51: {  	[hbm4b:s24+s2] =	stream.linear.scatter [tilespmem:s28], [sflag:$0x3], $0x640, $0x38;
	[tilespmem:$0x7D00] =	vst v63  }
0x52: {  	s31 =	rddreg [dreg:$0x13];
	s28 =	sadd.s32 $0x0, s25  }
0x53: {  	[hbm4b:s28+s2] =	stream.linear.scatter [tilespmem:s31], [sflag:$0x3], $0x640, $0x38;
	[tilespmem:$0x7D00] =	vst v63  }
0x54: {  	s0 =	rddreg [dreg:$0x14];
	s1 =	sadd.s32 $0x0, s29  }
0x55: {  	[hbm4b:s1+s2] =	stream.linear.scatter [tilespmem:s0], [sflag:$0x3], $0x640, $0x38;
	[tilespmem:$0x7D00] =	vst v63  }
0x56: {  	s4 =	rddreg [dreg:$0x15];
	s29 =	sadd.s32 $0x0, s30  }
0x57: {  	[hbm4b:s29+s2] =	stream.linear.scatter [tilespmem:s4], [sflag:$0x3], $0x640, $0x38;
	[tilespmem:$0x7D00] =	vst v63  }
0x58: {  	s30 =	rddreg [dreg:$0x16];
	s23 =	sadd.s32 $0x0, s23  }
0x59: {  	[hbm4b:s23+s2] =	stream.linear.scatter [tilespmem:s30], [sflag:$0x3], $0x640, $0x38;
	[tilespmem:$0x7D00] =	vst v63  }
0x5a: {  	s22 =	sadd.s32 $0x0, s22;
	s31 =	rddreg [dreg:$0x17]  }
0x5b: {  	[hbm4b:s22+s2] =	stream.linear.scatter [tilespmem:s31], [sflag:$0x3], $0x640, $0x38;
	[tilespmem:$0x7D00] =	vst v63  }
0x5c: {  	s21 =	sadd.s32 $0x0, s21;
	s0 =	rddreg [dreg:$0x18];
	s22 =	simm.s32 @!p0 $0x4  }
0x5d: {  	[hbm4b:s21+s2] =	stream.linear.scatter [tilespmem:s0], [sflag:$0x3], $0x640, $0x38;
	[tilespmem:$0x7D00] =	vst v63  }
0x5e: {  	_ =	swait.ge @!p0 [sflag:s22], $0x640  }
0x5f: {  	[sflag:s22] =	ssyncset.done @!p0 $0x0  }
0x60: {  	[sflag:s22] =	ssyncadd.s32 @!p0 $0xFFFFF9C0  }
0x61: {  	_ =	swait.ge @!p0 [sflag:s22], $0x640  }
0x62: {  	[sflag:s22] =	ssyncset.done @!p0 $0x0  }
0x63: {  	[sflag:s22] =	ssyncadd.s32 @!p0 $0xFFFFF9C0  }
0x64: {  	_ =	swait.ge @!p0 [sflag:s22], $0x640  }
0x65: {  	[sflag:s22] =	ssyncset.done @!p0 $0x0  }
0x66: {  	[sflag:s22] =	ssyncadd.s32 @!p0 $0xFFFFF9C0  }
0x67: {  	_ =	swait.ge @!p0 [sflag:s22], $0x640  }
0x68: {  	[sflag:s22] =	ssyncset.done @!p0 $0x0  }
0x69: {  	[sflag:s22] =	ssyncadd.s32 @!p0 $0xFFFFF9C0  }
0x6a: {  	_ =	swait.ge @!p0 [sflag:s22], $0x640  }
0x6b: {  	[sflag:s22] =	ssyncset.done @!p0 $0x0  }
0x6c: {  	[sflag:s22] =	ssyncadd.s32 @!p0 $0xFFFFF9C0  }
0x6d: {  	_ =	swait.ge @!p0 [sflag:s22], $0x640  }
0x6e: {  	[sflag:s22] =	ssyncset.done @!p0 $0x0  }
0x6f: {  	[sflag:s22] =	ssyncadd.s32 @!p0 $0xFFFFF9C0  }
0x70: {  	_ =	swait.ge @!p0 [sflag:s22], $0x640  }
0x71: {  	[sflag:s22] =	ssyncset.done @!p0 $0x0  }
0x72: {  	[sflag:s22] =	ssyncadd.s32 @!p0 $0xFFFFF9C0  }
0x73: {  	_ =	swait.ge @!p0 [sflag:s22], $0x640  }
0x74: {  	[sflag:s22] =	ssyncset.done @!p0 $0x0  }
0x75: {  	s1 =	simm.s32 $0x190;
	[sflag:s22] =	ssyncadd.s32 @!p0 $0xFFFFF9C0  }
0x76: {  	[tilespmem:s10], [sflag:$0x2] =	stream.indirect.gather [hbm4b:s3+s7], $0x20, s1, s7, $0xb8;
	[tilespmem:$0x7D00] =	vst v63  }
0x77: {  	_ =	swait.ge [sflag:s11], $0x3200  }
0x78: {  	s4 =	rddreg [dreg:$0x19]  }
0x79: {  	s25 =	rddreg [dreg:$0x9]  }
0x7a: {  	s24 =	sadd.s32 $0x640, s26;
	[sflag:s11] =	ssyncset.done $0x0;
	s26 =	rddreg [dreg:$0x8]  }
0x7b: {  	s28 =	rddreg [dreg:$0x7];
	[sflag:s11] =	ssyncadd.s32 $0xFFFFCE00  }
0x7c: {  	[hbm4b:s24+s2] =	stream.linear.scatter [tilespmem:s10], [sflag:$0x4], $0x640, $0x38;
	[tilespmem:$0x7D00] =	vst v63  }
0x7d: {  	s21 =	simm.s32 $0x0;
	s30 =	rddreg [dreg:$0x6];
	s23 =	sadd.s32 $0x0, s25  }
0x7e: {  	[hbm4b:s23+s2] =	stream.linear.scatter [tilespmem:s4], [sflag:$0x4], $0x640, $0x38;
	[tilespmem:$0x7D00] =	vst v63  }
0x7f: {  	s22 =	simm.s32 $0xC80;
	s29 =	sadd.s32 $0x0, s26;
	s24 =	rddreg [dreg:$0x5]  }
0x80: {  	[hbm4b:s29+s2] =	stream.linear.scatter [tilespmem:s12], [sflag:$0x4], $0x640, $0x38;
	[tilespmem:$0x7D00] =	vst v63  }
0x81: {  	s31 =	sadd.s32 $0x0, s28;
	s25 =	sadd.s32 $0x0, s30;
	s23 =	rddreg [dreg:$0x4]  }
0x82: {  	[hbm4b:s31+s2] =	stream.linear.scatter [tilespmem:s13], [sflag:$0x4], $0x640, $0x38;
	[tilespmem:$0x7D00] =	vst v63  }
.LBB2_2:
0x83: {  	[hbm4b:s25+s2] =	stream.linear.scatter [tilespmem:s14], [sflag:$0x4], $0x640, $0x38;
	[tilespmem:$0x7D00] =	vst v63  }
0x84: {  	s0 =	smov.u32 s22;
	s24 =	sadd.s32 s21, s24  }
0x85: {  	[hbm4b:s24+s2] =	stream.linear.scatter [tilespmem:s15], [sflag:$0x4], $0x640, $0x38;
	[tilespmem:$0x7D00] =	vst v63  }
0x86: {  	s26 =	rddreg [dreg:$0x3];
	s23 =	sadd.s32 s21, s23;
	p1 =	seq.s32 s0, $0x0  }
0x87: {  	[hbm4b:s23+s2] =	stream.linear.scatter [tilespmem:s16], [sflag:$0x4], $0x640, $0x38;
	[tilespmem:$0x7D00] =	vst v63  }
0x88: {  	s1 =	sadd.s32 s21, s26;
	s23 =	simm.s32 @!p1 $0x3  }
0x89: {  	[hbm4b:s1+s2] =	stream.linear.scatter [tilespmem:s17], [sflag:$0x4], $0x640, $0x38;
	[tilespmem:$0x7D00] =	vst v63  }
0x8a: {  	_ =	swait.ge @!p1 [sflag:s23], $0x640  }
0x8b: {  	[sflag:s23] =	ssyncset.done @!p1 $0x0  }
0x8c: {  	[sflag:s23] =	ssyncadd.s32 @!p1 $0xFFFFF9C0  }
0x8d: {  	_ =	swait.ge @!p1 [sflag:s23], $0x640  }
0x8e: {  	[sflag:s23] =	ssyncset.done @!p1 $0x0  }
0x8f: {  	[sflag:s23] =	ssyncadd.s32 @!p1 $0xFFFFF9C0  }
0x90: {  	_ =	swait.ge @!p1 [sflag:s23], $0x640  }
0x91: {  	[sflag:s23] =	ssyncset.done @!p1 $0x0  }
0x92: {  	[sflag:s23] =	ssyncadd.s32 @!p1 $0xFFFFF9C0  }
0x93: {  	_ =	swait.ge @!p1 [sflag:s23], $0x640  }
0x94: {  	[sflag:s23] =	ssyncset.done @!p1 $0x0  }
0x95: {  	[sflag:s23] =	ssyncadd.s32 @!p1 $0xFFFFF9C0  }
0x96: {  	_ =	swait.ge @!p1 [sflag:s23], $0x640  }
0x97: {  	[sflag:s23] =	ssyncset.done @!p1 $0x0  }
0x98: {  	[sflag:s23] =	ssyncadd.s32 @!p1 $0xFFFFF9C0  }
0x99: {  	_ =	swait.ge @!p1 [sflag:s23], $0x640  }
0x9a: {  	[sflag:s23] =	ssyncset.done @!p1 $0x0  }
0x9b: {  	[sflag:s23] =	ssyncadd.s32 @!p1 $0xFFFFF9C0  }
0x9c: {  	_ =	swait.ge @!p1 [sflag:s23], $0x640  }
0x9d: {  	[sflag:s23] =	ssyncset.done @!p1 $0x0  }
0x9e: {  	[sflag:s23] =	ssyncadd.s32 @!p1 $0xFFFFF9C0  }
0x9f: {  	_ =	swait.ge @!p1 [sflag:s23], $0x640  }
0xa0: {  	s21 =	smov.u32 s0;
	[sflag:s23] =	ssyncset.done @!p1 $0x0  }
0xa1: {  	[sflag:s23] =	ssyncadd.s32 @!p1 $0xFFFFF9C0;
	s23 =	sshra.s32 s21, $0x2  }
0xa2: {  	[tilespmem:s8], [sflag:$0x1] =	stream.indirect.gather [hbm4b:s3+s7], $0x20, s23, s7, $0xb8;
	[tilespmem:$0x7D00] =	vst v63  }
0xa3: {  	_ =	swait.ge [sflag:s9], $0x3200  }
0xa4: {  	s25 =	rddreg [dreg:$0xb]  }
0xa5: {  	s26 =	rddreg [dreg:$0xc]  }
0xa6: {  	s28 =	rddreg [dreg:$0xd]  }
0xa7: {  	s29 =	rddreg [dreg:$0x11]  }
0xa8: {  	s30 =	rddreg [dreg:$0x10]  }
0xa9: {  	s4 =	rddreg [dreg:$0xa]  }
0xaa: {  	[sflag:s9] =	ssyncset.done $0x0;
	s31 =	rddreg [dreg:$0x12]  }
0xab: {  	s1 =	rddreg [dreg:$0xf];
	[sflag:s9] =	ssyncadd.s32 $0xFFFFCE00;
	s24 =	sadd.s32 s21, s4  }
0xac: {  	[hbm4b:s24+s2] =	stream.linear.scatter [tilespmem:s8], [sflag:$0x3], $0x640, $0x38;
	[tilespmem:$0x7D00] =	vst v63  }
0xad: {  	s0 =	rddreg [dreg:$0xe];
	s29 =	sadd.s32 s21, s29  }
0xae: {  	[hbm4b:s29+s2] =	stream.linear.scatter [tilespmem:s31], [sflag:$0x3], $0x640, $0x38;
	[tilespmem:$0x7D00] =	vst v63  }
0xaf: {  	s4 =	rddreg [dreg:$0x13];
	s29 =	sadd.s32 s21, s30  }
0xb0: {  	[hbm4b:s29+s2] =	stream.linear.scatter [tilespmem:s4], [sflag:$0x3], $0x640, $0x38;
	[tilespmem:$0x7D00] =	vst v63  }
0xb1: {  	s1 =	sadd.s32 s21, s1;
	s31 =	rddreg [dreg:$0x14]  }
0xb2: {  	[hbm4b:s1+s2] =	stream.linear.scatter [tilespmem:s31], [sflag:$0x3], $0x640, $0x38;
	[tilespmem:$0x7D00] =	vst v63  }
0xb3: {  	s0 =	sadd.s32 s21, s0;
	s29 =	rddreg [dreg:$0x15]  }
0xb4: {  	[hbm4b:s0+s2] =	stream.linear.scatter [tilespmem:s29], [sflag:$0x3], $0x640, $0x38;
	[tilespmem:$0x7D00] =	vst v63  }
0xb5: {  	s4 =	sadd.s32 s21, s28;
	s31 =	rddreg [dreg:$0x16]  }
0xb6: {  	[hbm4b:s4+s2] =	stream.linear.scatter [tilespmem:s31], [sflag:$0x3], $0x640, $0x38;
	[tilespmem:$0x7D00] =	vst v63  }
0xb7: {  	s28 =	rddreg [dreg:$0x17];
	s29 =	sadd.s32 s21, s26  }
0xb8: {  	[hbm4b:s29+s2] =	stream.linear.scatter [tilespmem:s28], [sflag:$0x3], $0x640, $0x38;
	[tilespmem:$0x7D00] =	vst v63  }
0xb9: {  	s30 =	rddreg [dreg:$0x18];
	s31 =	sadd.s32 s21, s25;
	s4 =	simm.s32 @!p1 $0x4  }
0xba: {  	[hbm4b:s31+s2] =	stream.linear.scatter [tilespmem:s30], [sflag:$0x3], $0x640, $0x38;
	[tilespmem:$0x7D00] =	vst v63  }
0xbb: {  	_ =	swait.ge @!p1 [sflag:s4], $0x640  }
0xbc: {  	[sflag:s4] =	ssyncset.done @!p1 $0x0  }
0xbd: {  	[sflag:s4] =	ssyncadd.s32 @!p1 $0xFFFFF9C0  }
0xbe: {  	_ =	swait.ge @!p1 [sflag:s4], $0x640  }
0xbf: {  	[sflag:s4] =	ssyncset.done @!p1 $0x0  }
0xc0: {  	[sflag:s4] =	ssyncadd.s32 @!p1 $0xFFFFF9C0  }
0xc1: {  	_ =	swait.ge @!p1 [sflag:s4], $0x640  }
0xc2: {  	[sflag:s4] =	ssyncset.done @!p1 $0x0  }
0xc3: {  	[sflag:s4] =	ssyncadd.s32 @!p1 $0xFFFFF9C0  }
0xc4: {  	_ =	swait.ge @!p1 [sflag:s4], $0x640  }
0xc5: {  	[sflag:s4] =	ssyncset.done @!p1 $0x0  }
0xc6: {  	[sflag:s4] =	ssyncadd.s32 @!p1 $0xFFFFF9C0  }
0xc7: {  	_ =	swait.ge @!p1 [sflag:s4], $0x640  }
0xc8: {  	[sflag:s4] =	ssyncset.done @!p1 $0x0  }
0xc9: {  	[sflag:s4] =	ssyncadd.s32 @!p1 $0xFFFFF9C0  }
0xca: {  	_ =	swait.ge @!p1 [sflag:s4], $0x640  }
0xcb: {  	[sflag:s4] =	ssyncset.done @!p1 $0x0  }
0xcc: {  	[sflag:s4] =	ssyncadd.s32 @!p1 $0xFFFFF9C0  }
0xcd: {  	_ =	swait.ge @!p1 [sflag:s4], $0x640  }
0xce: {  	[sflag:s4] =	ssyncset.done @!p1 $0x0  }
0xcf: {  	[sflag:s4] =	ssyncadd.s32 @!p1 $0xFFFFF9C0  }
0xd0: {  	_ =	swait.ge @!p1 [sflag:s4], $0x640  }
0xd1: {  	[sflag:s4] =	ssyncset.done @!p1 $0x0  }
0xd2: {  	[sflag:s4] =	ssyncadd.s32 @!p1 $0xFFFFF9C0;
	s4 =	sadd.s32 $0x190, s23  }
0xd3: {  	[tilespmem:s10], [sflag:$0x2] =	stream.indirect.gather [hbm4b:s3+s7], $0x20, s4, s7, $0xb8;
	[tilespmem:$0x7D00] =	vst v63  }
0xd4: {  	_ =	swait.ge [sflag:s11], $0x3200  }
0xd5: {  	s23 =	rddreg [dreg:$0x19]  }
0xd6: {  	s22 =	sadd.s32 $0xC80, s22;
	[sflag:s11] =	ssyncset.done $0x0;
	s25 =	rddreg [dreg:$0x9]  }
0xd7: {  	s24 =	sadd.s32 $0x640, s24;
	s26 =	rddreg [dreg:$0x8];
	[sflag:s11] =	ssyncadd.s32 $0xFFFFCE00  }
0xd8: {  	[hbm4b:s24+s2] =	stream.linear.scatter [tilespmem:s10], [sflag:$0x4], $0x640, $0x38;
	[tilespmem:$0x7D00] =	vst v63  }
0xd9: {  	p0 =	sne.s32 s22, $0x6400;
	s28 =	rddreg [dreg:$0x7];
	s4 =	sadd.s32 s21, s25  }
0xda: {  	[hbm4b:s4+s2] =	stream.linear.scatter [tilespmem:s23], [sflag:$0x4], $0x640, $0x38;
	[tilespmem:$0x7D00] =	vst v63  }
.Ltmp0:
0xdb: {  	s30 =	rddreg [dreg:$0x6];
	(pc) =	sbr.rel @p0 .LBB2_2-.Ltmp0, $4  }
0xdc: {  	s29 =	sadd.s32 s21, s26;
	s24 =	rddreg [dreg:$0x5]  }
0xdd: {  	[hbm4b:s29+s2] =	stream.linear.scatter [tilespmem:s12], [sflag:$0x4], $0x640, $0x38;
	[tilespmem:$0x7D00] =	vst v63  }
0xde: {  	s31 =	sadd.s32 s21, s28;
	s25 =	sadd.s32 s21, s30;
	s23 =	rddreg [dreg:$0x4]  }
0xdf: {  	[hbm4b:s31+s2] =	stream.linear.scatter [tilespmem:s13], [sflag:$0x4], $0x640, $0x38;
	[tilespmem:$0x7D00] =	vst v63  }
0xe0: {  	[hbm4b:s25+s2] =	stream.linear.scatter [tilespmem:s14], [sflag:$0x4], $0x640, $0x38;
	[tilespmem:$0x7D00] =	vst v63  }
0xe1: {  	s0 =	sadd.s32 s21, s24  }
0xe2: {  	[hbm4b:s0+s2] =	stream.linear.scatter [tilespmem:s15], [sflag:$0x4], $0x640, $0x38;
	[tilespmem:$0x7D00] =	vst v63  }
0xe3: {  	s1 =	rddreg [dreg:$0x3];
	s30 =	sadd.s32 s21, s23  }
0xe4: {  	[hbm4b:s30+s2] =	stream.linear.scatter [tilespmem:s16], [sflag:$0x4], $0x640, $0x38;
	[tilespmem:$0x7D00] =	vst v63  }
0xe5: {  	s31 =	sadd.s32 s21, s1  }
0xe6: {  	[hbm4b:s31+s2] =	stream.linear.scatter [tilespmem:s17], [sflag:$0x4], $0x640, $0x38;
	[tilespmem:$0x7D00] =	vst v63  }
0xe7: {  	_ =	swait.ge [sflag:s18], $0x640  }
0xe8: {  	[sflag:s18] =	ssyncset.done $0x0  }
0xe9: {  	[sflag:s18] =	ssyncadd.s32 $0xFFFFF9C0  }
0xea: {  	_ =	swait.ge [sflag:s18], $0x640  }
0xeb: {  	[sflag:s18] =	ssyncset.done $0x0  }
0xec: {  	[sflag:s18] =	ssyncadd.s32 $0xFFFFF9C0  }
0xed: {  	_ =	swait.ge [sflag:s18], $0x640  }
0xee: {  	[sflag:s18] =	ssyncset.done $0x0  }
0xef: {  	[sflag:s18] =	ssyncadd.s32 $0xFFFFF9C0  }
0xf0: {  	_ =	swait.ge [sflag:s18], $0x640  }
0xf1: {  	[sflag:s18] =	ssyncset.done $0x0  }
0xf2: {  	[sflag:s18] =	ssyncadd.s32 $0xFFFFF9C0  }
0xf3: {  	_ =	swait.ge [sflag:s18], $0x640  }
0xf4: {  	[sflag:s18] =	ssyncset.done $0x0  }
0xf5: {  	[sflag:s18] =	ssyncadd.s32 $0xFFFFF9C0  }
0xf6: {  	_ =	swait.ge [sflag:s18], $0x640  }
0xf7: {  	[sflag:s18] =	ssyncset.done $0x0  }
0xf8: {  	[sflag:s18] =	ssyncadd.s32 $0xFFFFF9C0  }
0xf9: {  	_ =	swait.ge [sflag:s18], $0x640  }
0xfa: {  	[sflag:s18] =	ssyncset.done $0x0  }
0xfb: {  	[sflag:s18] =	ssyncadd.s32 $0xFFFFF9C0  }
0xfc: {  	_ =	swait.ge [sflag:s18], $0x640  }
0xfd: {  	[sflag:s18] =	ssyncset.done $0x0  }
0xfe: {  	[sflag:s18] =	ssyncadd.s32 $0xFFFFF9C0  }
0xff: {  	_ =	swait.ge [sflag:s19], $0x640  }
0x100: {  	[sflag:s19] =	ssyncset.done $0x0  }
0x101: {  	[sflag:s19] =	ssyncadd.s32 $0xFFFFF9C0  }
0x102: {  	_ =	swait.ge [sflag:s19], $0x640  }
0x103: {  	[sflag:s19] =	ssyncset.done $0x0  }
0x104: {  	[sflag:s19] =	ssyncadd.s32 $0xFFFFF9C0  }
0x105: {  	_ =	swait.ge [sflag:s19], $0x640  }
0x106: {  	[sflag:s19] =	ssyncset.done $0x0  }
0x107: {  	[sflag:s19] =	ssyncadd.s32 $0xFFFFF9C0  }
0x108: {  	_ =	swait.ge [sflag:s19], $0x640  }
0x109: {  	[sflag:s19] =	ssyncset.done $0x0  }
0x10a: {  	[sflag:s19] =	ssyncadd.s32 $0xFFFFF9C0  }
0x10b: {  	_ =	swait.ge [sflag:s19], $0x640  }
0x10c: {  	[sflag:s19] =	ssyncset.done $0x0  }
0x10d: {  	[sflag:s19] =	ssyncadd.s32 $0xFFFFF9C0  }
0x10e: {  	_ =	swait.ge [sflag:s19], $0x640  }
0x10f: {  	[sflag:s19] =	ssyncset.done $0x0  }
0x110: {  	s20 =	sadd.s32 $0x1, s20;
	[sflag:s19] =	ssyncadd.s32 $0xFFFFF9C0  }
0x111: {  	p0 =	sne.s32 s20, s5;
	_ =	swait.ge [sflag:s19], $0x640  }
.Ltmp1:
0x112: {  	[sflag:s19] =	ssyncset.done $0x0;
	(pc) =	sbr.rel @p0 .LBB2_1-.Ltmp1, $4  }
0x113: {  	[sflag:s19] =	ssyncadd.s32 $0xFFFFF9C0  }
0x114: {  	_ =	swait.ge [sflag:s19], $0x640  }
0x115: {  	[sflag:s19] =	ssyncset.done $0x0  }
0x116: {  	[sflag:s19] =	ssyncadd.s32 $0xFFFFF9C0  }
0x117: {  	_ =	sfence.sel $0x180000  }
0x118: {  	[bflag:$0x0] =	sbarrier.arrive $0xFFFF  }
0x119: {  	_ =	strace $0x90000047  }
0x11a: {  	s0 =	stileid.u32;
	[bflag:$0x2] =	sbarrier.arrive $0xFFFF  }
0x11b: {  	p0 =	sne.s32 s0, $0x0;
	s0 =	rddreg [dreg:$0x2]  }
0x11c: {  	s0 =	sadd.s32 @!p0 $0x100000, s0  }
0x11d: {  	[sflag:s0] =	ssyncadd.tile.s32 @!p0 $0x1;
	_ =	shalt  }
.Lfunc_end2:
_tile_overlayer_lowered:
.L_overlay_start_2:
0x11e: {  	(tag) =	ssettag $0x2  }
0x11f: {  	s0 =	rddreg [dreg:$0x0];
	s2 =	stileid.u32  }
0x120: {  	s1 =	rddreg [dreg:$0x1];
	p0 =	sne.s32 s2, $0x0  }
0x121: {  	s3 =	rddreg [dreg:$0x2];
	[bflag:$0x3] =	sbarrier.arrive $0xFFFF;
	s2 =	simm.s32 @!p0 $0x1C05  }
0x122: {  	[timem:s3], [sflag:s2] =	dma.local @!p0 [hbm:s0], s1  }
0x123: {  	s0 =	simm.s32 @!p0 $0x5  }
0x124: {  	_ =	swait.ge @!p0 [sflag:s0], s1  }
0x125: {  	s1 =	ssub.s32 @!p0 $0x0, s1;
	[sflag:s0] =	ssyncset.done @!p0 $0x0  }
0x126: {  	[sflag:s0] =	ssyncadd.s32 @!p0 s1  }
0x127: {  	[bflag:$0x3] =	sbarrier.arrive $0xFFFF  }
0x128: {  	_ =	shalt  }

</sc_bundles>
